<compile_context>
chip_gen: v7x
topology: tpu7x:2x2x1
jax: 0.10.2.dev20260603
libtpu: 0.0.44.dev20260713+nightly
codegen_flags: <defaults>
</compile_context>

<pallas_src>
import functools

import jax
import jax.numpy as jnp
from jax import lax
from jax.experimental import pallas as pl
from jax.experimental.pallas import tpu as pltpu
from jax.experimental.pallas import tpu_sc as plsc

N = 10000
E = 320000
D = 128
NC = 2
NS = 16
NW = NC * NS
EPT = E // NW
K = 80
NCHUNK = EPT // K
RPT = N // NS
DEGW = 16
L = 16

_mesh = plsc.VectorSubcoreMesh(core_axis_name="c", subcore_axis_name="s")


def _fill(ref, rows, width, value):
    def body(i, _):
        r = i // (width // L)
        j = i % (width // L)
        ref[r, pl.ds(j * L, L)] = jnp.full((L,), value, jnp.float32)
        return 0

    lax.fori_loop(0, rows * (width // L), body, 0)


PROW = N // L


def _deg_body(dst_hbm, out_hbm, dv, pdeg):
    c = lax.axis_index("c")
    s = lax.axis_index("s")
    wid = c * NS + s
    pltpu.sync_copy(dst_hbm.at[pl.ds(wid * EPT, EPT)], dv)

    def z(i, _):
        pdeg[pl.ds(i * L, L)] = jnp.zeros((L,), jnp.float32)
        return 0

    lax.fori_loop(0, N // L, z, 0)
    ones = jnp.ones((L,), jnp.float32)

    def acc(i, _):
        idx = dv[pl.ds(i * L, L)]
        plsc.addupdate_scatter(pdeg, [idx], ones)
        return 0

    lax.fori_loop(0, EPT // L, acc, 0)
    pltpu.sync_copy(pdeg, out_hbm.at[c, s])


_deg_call = functools.partial(
    pl.kernel,
    out_type=jax.ShapeDtypeStruct((NC, NS, N), jnp.float32),
    mesh=_mesh,
    compiler_params=pltpu.CompilerParams(needs_layout_passes=False),
    scratch_types=[
        pltpu.VMEM((EPT,), jnp.int32),
        pltpu.VMEM((N,), jnp.float32),
    ],
)(_deg_body)


NB = 3


def _agg_body(p_hbm, pk_hbm, out_hbm, pks, sidx3, didx3, buf0, buf1, buf2,
              acc_sh, g0, g1, g2, i0, i1, i2, s0, s1, s2):
    c = lax.axis_index("c")
    s = lax.axis_index("s")
    wid = c * NS + s
    ebase = wid * EPT
    bufs = [buf0, buf1, buf2]
    gsems = [g0, g1, g2]
    isems = [i0, i1, i2]
    ssems = [s0, s1, s2]

    def fire_idx(q, j):
        pltpu.async_copy(pk_hbm.at[pl.ds(ebase + q * K, K)], pks.at[j],
                         isems[j])

    def wait_idx(j):
        pltpu.make_async_copy(pk_hbm.at[pl.ds(ebase, K)], pks.at[j],
                              isems[j]).wait()

    def unpack_s(j):
        for t in range(K // L):
            v = pks[j, pl.ds(t * L, L)]
            sidx3[j, pl.ds(t * L, L)] = lax.shift_right_logical(v, 14)

    def unpack_d(j):
        for t in range(K // L):
            v = pks[j, pl.ds(t * L, L)]
            didx3[j, pl.ds(t * L, L)] = lax.bitwise_and(v, 16383)

    def fire_g(j):
        pltpu.async_copy(p_hbm.at[sidx3.at[j]], bufs[j], gsems[j])

    def wait_g(j):
        pltpu.make_async_copy(p_hbm.at[sidx3.at[j]], bufs[j],
                              gsems[j]).wait()

    def fire_scat(j):
        pltpu.async_copy(bufs[j], acc_sh.at[didx3.at[j]], ssems[j],
                         add=True)

    def wait_scat(j):
        pltpu.make_async_copy(bufs[j], acc_sh.at[didx3.at[j]],
                              ssems[j]).wait()

    fire_idx(0, 0)
    fire_idx(1, 1)
    fire_idx(2, 2)

    _fill(buf0, K, D, 0.0)
    row0 = s * RPT
    for t in range(RPT // K):
        pltpu.sync_copy(buf0, acc_sh.at[pl.ds(row0 + t * K, K)])
    rem = RPT % K
    if rem:
        pltpu.sync_copy(buf0.at[pl.ds(0, rem)],
                        acc_sh.at[pl.ds(row0 + (RPT // K) * K, rem)])
    plsc.subcore_barrier()

    wait_idx(0)
    unpack_s(0)
    unpack_d(0)
    fire_g(0)
    wait_idx(1)
    unpack_s(1)
    unpack_d(1)
    fire_g(1)

    def step(i, _):
        for jj in range(NB):
            q = NB * i + jj
            jn = (jj + 2) % NB
            wait_idx(jn)
            unpack_s(jn)
            if jj == 0:
                @pl.when(i > 0)
                def _():
                    wait_scat(jn)
            else:
                wait_scat(jn)
            unpack_d(jn)
            fire_g(jn)
            wait_g(jj)
            fire_scat(jj)

            @pl.when(q + NB <= NCHUNK - 1)
            def _():
                fire_idx(q + NB, jj)

        return 0

    lax.fori_loop(0, (NCHUNK - 2) // NB, step, 0)
    wait_g((NCHUNK - 2) % NB)
    fire_scat((NCHUNK - 2) % NB)
    wait_g((NCHUNK - 1) % NB)
    fire_scat((NCHUNK - 1) % NB)
    for j in range(NB):
        wait_scat(j)
    plsc.subcore_barrier()
    pltpu.sync_copy(acc_sh.at[pl.ds(row0, RPT)], out_hbm.at[c, s])


_agg_call = functools.partial(
    pl.kernel,
    out_type=jax.ShapeDtypeStruct((NC, NS, RPT, D), jnp.float32),
    mesh=_mesh,
    scratch_types=[
        pltpu.VMEM((NB, K), jnp.int32),
        pltpu.VMEM((NB, K), jnp.int32),
        pltpu.VMEM((NB, K), jnp.int32),
        pltpu.VMEM((K, D), jnp.float32),
        pltpu.VMEM((K, D), jnp.float32),
        pltpu.VMEM((K, D), jnp.float32),
        pltpu.VMEM_SHARED((N, D), jnp.float32),
        pltpu.SemaphoreType.DMA,
        pltpu.SemaphoreType.DMA,
        pltpu.SemaphoreType.DMA,
        pltpu.SemaphoreType.DMA,
        pltpu.SemaphoreType.DMA,
        pltpu.SemaphoreType.DMA,
        pltpu.SemaphoreType.DMA,
        pltpu.SemaphoreType.DMA,
        pltpu.SemaphoreType.DMA,
    ],
)(_agg_body)


BM = 2000


def _tc1_body(x_ref, w_ref, degp_ref, p_ref, dinv_ref):
    deg = jnp.sum(degp_ref[...], axis=1, keepdims=True) + 1.0
    dcol = lax.rsqrt(deg)
    dinv_ref[...] = jnp.broadcast_to(dcol, (BM, DEGW))
    p_ref[...] = jnp.dot(x_ref[...], w_ref[...],
                         preferred_element_type=jnp.float32) * dcol


_tc1_call = pl.pallas_call(
    _tc1_body,
    grid=(N // BM,),
    in_specs=[
        pl.BlockSpec((BM, D), lambda i: (i, 0)),
        pl.BlockSpec((D, D), lambda i: (0, 0)),
        pl.BlockSpec((BM, NW), lambda i: (i, 0)),
    ],
    out_specs=[
        pl.BlockSpec((BM, D), lambda i: (i, 0)),
        pl.BlockSpec((BM, DEGW), lambda i: (i, 0)),
    ],
    out_shape=[
        jax.ShapeDtypeStruct((N, D), jnp.float32),
        jax.ShapeDtypeStruct((N, DEGW), jnp.float32),
    ],
)


def _tcmid_body(sp_ref, p_ref, dinv_ref, b_ref, w_ref, out_ref):
    dcol = dinv_ref[:, 0:1]
    t = (sp_ref[0] + sp_ref[1] + p_ref[...]) * dcol + b_ref[...]
    t = jnp.maximum(t, 0.0)
    out_ref[...] = jnp.dot(t, w_ref[...],
                           preferred_element_type=jnp.float32) * dcol


_tcmid_call = pl.pallas_call(
    _tcmid_body,
    grid=(N // BM,),
    in_specs=[
        pl.BlockSpec((NC, BM, D), lambda i: (0, i, 0)),
        pl.BlockSpec((BM, D), lambda i: (i, 0)),
        pl.BlockSpec((BM, DEGW), lambda i: (i, 0)),
        pl.BlockSpec((1, D), lambda i: (0, 0)),
        pl.BlockSpec((D, D), lambda i: (0, 0)),
    ],
    out_specs=pl.BlockSpec((BM, D), lambda i: (i, 0)),
    out_shape=jax.ShapeDtypeStruct((N, D), jnp.float32),
)


def _tcfin_body(sp_ref, p_ref, dinv_ref, b_ref, out_ref):
    dcol = dinv_ref[:, 0:1]
    out_ref[...] = (sp_ref[0] + sp_ref[1] + p_ref[...]) * dcol + b_ref[...]


_tcfin_call = pl.pallas_call(
    _tcfin_body,
    grid=(N // BM,),
    in_specs=[
        pl.BlockSpec((NC, BM, D), lambda i: (0, i, 0)),
        pl.BlockSpec((BM, D), lambda i: (i, 0)),
        pl.BlockSpec((BM, DEGW), lambda i: (i, 0)),
        pl.BlockSpec((1, D), lambda i: (0, 0)),
    ],
    out_specs=pl.BlockSpec((BM, D), lambda i: (i, 0)),
    out_shape=jax.ShapeDtypeStruct((N, D), jnp.float32),
)


def kernel(x, edge_index, W1, b1, W2, b2, W3, b3):
    dst = edge_index[1]
    pk1 = (edge_index[0] << 14) | edge_index[1]
    degp = _deg_call(dst).reshape(NW, N).T
    p1, dinv16 = _tc1_call(x, W1, degp)
    sp1 = _agg_call(p1, pk1).reshape(NC, N, D)
    p2 = _tcmid_call(sp1, p1, dinv16, b1.reshape(1, D), W2)
    sp2 = _agg_call(p2, pk1).reshape(NC, N, D)
    p3 = _tcmid_call(sp2, p2, dinv16, b2.reshape(1, D), W3)
    sp3 = _agg_call(p3, pk1).reshape(NC, N, D)
    return _tcfin_call(sp3, p3, dinv16, b3.reshape(1, D))

# --- scband reference (transcript-rebuilt; emitter-appended) ---
"""Pipeline reference for scband-gnn-55585466744933 (READ-ONLY COPY).

The authoritative reference and input builder live on the scoring server;
editing this copy changes nothing except your own understanding.
"""

import jax, jax.numpy as jnp
import numpy as np

N = 10000
E = 320000
D = 128


def gcn_conv(x, edge_index, W, b):
    num_nodes = x.shape[0]
    # GCNConv: linear transform first, then symmetric-normalized propagation with self-loops
    x = x @ W
    src = edge_index[0]
    dst = edge_index[1]
    loop = jnp.arange(num_nodes, dtype=src.dtype)
    src = jnp.concatenate([src, loop])
    dst = jnp.concatenate([dst, loop])
    deg = jnp.zeros((num_nodes,), dtype=x.dtype).at[dst].add(1.0)
    dinv = jnp.where(deg > 0, jax.lax.rsqrt(deg), 0.0)
    norm = dinv[src] * dinv[dst]
    msg = x[src] * norm[:, None]
    out = jnp.zeros_like(x).at[dst].add(msg)
    return out + b


def setup_inputs(seed: int = 0) -> dict:
    key = jax.random.key(seed)
    ks = jax.random.split(key, 9)
    x = jax.random.normal(ks[0], (N, D), dtype=jnp.float32)
    edge_index = jax.random.randint(ks[1], (2, E), 0, N, dtype=jnp.int32)
    s = 1.0 / np.sqrt(D)
    W1 = jax.random.normal(ks[2], (D, D), dtype=jnp.float32) * s
    b1 = jnp.zeros((D,), dtype=jnp.float32)
    W2 = jax.random.normal(ks[3], (D, D), dtype=jnp.float32) * s
    b2 = jnp.zeros((D,), dtype=jnp.float32)
    W3 = jax.random.normal(ks[4], (D, D), dtype=jnp.float32) * s
    b3 = jnp.zeros((D,), dtype=jnp.float32)
    return {"x": x, "edge_index": edge_index, "W1": W1, "b1": b1, "W2": W2, "b2": b2, "W3": W3, "b3": b3}


def reference(x, edge_index, W1, b1, W2, b2, W3, b3):
    # layer_sizes = [128, 128, 128, 128] -> 3 GCNConv layers, ReLU between all but last
    h = gcn_conv(x, edge_index, W1, b1)
    h = jax.nn.relu(h)
    h = gcn_conv(h, edge_index, W2, b2)
    h = jax.nn.relu(h)
    h = gcn_conv(h, edge_index, W3, b3)
    return h

if __name__ == "__main__":
    import jax
    _d = setup_inputs()
    print(jax.jit(kernel)(*tuple(_d.values())))

</pallas_src>

<mosaic_0001>
#map = affine_map<(d0, d1) -> (0, 0)>
#map1 = affine_map<(d0, d1) -> (0)>
#map2 = affine_map<(d0, d1) -> (0, 0, 0, 0)>
module attributes {stable_mosaic.version = 14 : i64} {
  func.func @_agg_body(%arg0: i32, %arg1: i32, %arg2: memref<10000x128xf32, #tpu.memory_space<hbm>>, %arg3: memref<320000xi32, #tpu.memory_space<hbm>>, %arg4: memref<2x16x625x128xf32, #tpu.memory_space<hbm>>, %arg5: memref<3x80xi32, #tpu.memory_space<vmem>>, %arg6: memref<3x80xi32, #tpu.memory_space<vmem>>, %arg7: memref<3x80xi32, #tpu.memory_space<vmem>>, %arg8: memref<80x128xf32, #tpu.memory_space<vmem>>, %arg9: memref<80x128xf32, #tpu.memory_space<vmem>>, %arg10: memref<80x128xf32, #tpu.memory_space<vmem>>, %arg11: memref<10000x128xf32, #tpu.memory_space<vmem_shared>>, %arg12: memref<!tpu.dma_semaphore, #tpu.memory_space<semaphore_mem>>, %arg13: memref<!tpu.dma_semaphore, #tpu.memory_space<semaphore_mem>>, %arg14: memref<!tpu.dma_semaphore, #tpu.memory_space<semaphore_mem>>, %arg15: memref<!tpu.dma_semaphore, #tpu.memory_space<semaphore_mem>>, %arg16: memref<!tpu.dma_semaphore, #tpu.memory_space<semaphore_mem>>, %arg17: memref<!tpu.dma_semaphore, #tpu.memory_space<semaphore_mem>>, %arg18: memref<!tpu.dma_semaphore, #tpu.memory_space<semaphore_mem>>, %arg19: memref<!tpu.dma_semaphore, #tpu.memory_space<semaphore_mem>>, %arg20: memref<!tpu.dma_semaphore, #tpu.memory_space<semaphore_mem>>) attributes {dimension_semantics = [#tpu.dimension_semantics<core_parallel>, #tpu.dimension_semantics<subcore_parallel>], iteration_bounds = array<i64: 2, 16>, scalar_prefetch = 0 : i64, scratch_operands = 16 : i64, tpu.core_type = #tpu.core_type<sc_vector_subcore>, window_params = [{transform_indices = #map}, {transform_indices = #map1}, {transform_indices = #map2}]} {
    %mul3A = arith.constant 16 : i32
    %mul3A_0 = arith.muli %arg0, %mul3A : i32
    %add3A = arith.addi %mul3A_0, %arg1 : i32
    %mul3A_1 = arith.constant 10000 : i32
    %mul3A_2 = arith.muli %add3A, %mul3A_1 : i32
    %add3A_3 = arith.constant 0 : i32
    %add3A_4 = arith.addi %mul3A_2, %add3A_3 : i32
    %dma_start3A = arith.constant 0 : i32
    %dma_start3A_5 = arith.constant 0 : i32
    %dma_start3A_6 = tpu.memref_slice %arg5[%dma_start3A, %dma_start3A_5] : memref<3x80xi32, #tpu.memory_space<vmem>> -> memref<1x80xi32, #tpu.memory_space<vmem>>
    %dma_start3A_7 = tpu.memref_squeeze %dma_start3A_6 : memref<1x80xi32, #tpu.memory_space<vmem>> -> memref<80xi32, #tpu.memory_space<vmem>>
    %dma_start3A_8 = tpu.memref_slice %arg3[%add3A_4] : memref<320000xi32, #tpu.memory_space<hbm>> -> memref<80xi32, #tpu.memory_space<hbm>>
    %dma_start3A_9 = arith.constant 0 : i32
    %dma_start3A_10 = tpu.memref_slice %arg5[%dma_start3A, %dma_start3A_9] : memref<3x80xi32, #tpu.memory_space<vmem>> -> memref<1x80xi32, #tpu.memory_space<vmem>>
    %dma_start3A_11 = tpu.memref_squeeze %dma_start3A_10 : memref<1x80xi32, #tpu.memory_space<vmem>> -> memref<80xi32, #tpu.memory_space<vmem>>
    %dma_start3A_12 = tpu.memref_slice %arg3[%add3A_4] : memref<320000xi32, #tpu.memory_space<hbm>> -> memref<80xi32, #tpu.memory_space<hbm>>
    tpu.enqueue_dma source(%dma_start3A_12 : memref<80xi32, #tpu.memory_space<hbm>>) target(%dma_start3A_11 : memref<80xi32, #tpu.memory_space<vmem>>) target_semaphore(%arg15 : memref<!tpu.dma_semaphore, #tpu.memory_space<semaphore_mem>>)
    %add3A_13 = arith.constant 80 : i32
    %add3A_14 = arith.addi %mul3A_2, %add3A_13 : i32
    %dma_start3A_15 = arith.constant 1 : i32
    %dma_start3A_16 = arith.constant 0 : i32
    %dma_start3A_17 = tpu.memref_slice %arg5[%dma_start3A_15, %dma_start3A_16] : memref<3x80xi32, #tpu.memory_space<vmem>> -> memref<1x80xi32, #tpu.memory_space<vmem>>
    %dma_start3A_18 = tpu.memref_squeeze %dma_start3A_17 : memref<1x80xi32, #tpu.memory_space<vmem>> -> memref<80xi32, #tpu.memory_space<vmem>>
    %dma_start3A_19 = tpu.memref_slice %arg3[%add3A_14] : memref<320000xi32, #tpu.memory_space<hbm>> -> memref<80xi32, #tpu.memory_space<hbm>>
    %dma_start3A_20 = arith.constant 0 : i32
    %dma_start3A_21 = tpu.memref_slice %arg5[%dma_start3A_15, %dma_start3A_20] : memref<3x80xi32, #tpu.memory_space<vmem>> -> memref<1x80xi32, #tpu.memory_space<vmem>>
    %dma_start3A_22 = tpu.memref_squeeze %dma_start3A_21 : memref<1x80xi32, #tpu.memory_space<vmem>> -> memref<80xi32, #tpu.memory_space<vmem>>
    %dma_start3A_23 = tpu.memref_slice %arg3[%add3A_14] : memref<320000xi32, #tpu.memory_space<hbm>> -> memref<80xi32, #tpu.memory_space<hbm>>
    tpu.enqueue_dma source(%dma_start3A_23 : memref<80xi32, #tpu.memory_space<hbm>>) target(%dma_start3A_22 : memref<80xi32, #tpu.memory_space<vmem>>) target_semaphore(%arg16 : memref<!tpu.dma_semaphore, #tpu.memory_space<semaphore_mem>>)
    %add3A_24 = arith.constant 160 : i32
    %add3A_25 = arith.addi %mul3A_2, %add3A_24 : i32
    %dma_start3A_26 = arith.constant 2 : i32
    %dma_start3A_27 = arith.constant 0 : i32
    %dma_start3A_28 = tpu.memref_slice %arg5[%dma_start3A_26, %dma_start3A_27] : memref<3x80xi32, #tpu.memory_space<vmem>> -> memref<1x80xi32, #tpu.memory_space<vmem>>
    %dma_start3A_29 = tpu.memref_squeeze %dma_start3A_28 : memref<1x80xi32, #tpu.memory_space<vmem>> -> memref<80xi32, #tpu.memory_space<vmem>>
    %dma_start3A_30 = tpu.memref_slice %arg3[%add3A_25] : memref<320000xi32, #tpu.memory_space<hbm>> -> memref<80xi32, #tpu.memory_space<hbm>>
    %dma_start3A_31 = arith.constant 0 : i32
    %dma_start3A_32 = tpu.memref_slice %arg5[%dma_start3A_26, %dma_start3A_31] : memref<3x80xi32, #tpu.memory_space<vmem>> -> memref<1x80xi32, #tpu.memory_space<vmem>>
    %dma_start3A_33 = tpu.memref_squeeze %dma_start3A_32 : memref<1x80xi32, #tpu.memory_space<vmem>> -> memref<80xi32, #tpu.memory_space<vmem>>
    %dma_start3A_34 = tpu.memref_slice %arg3[%add3A_25] : memref<320000xi32, #tpu.memory_space<hbm>> -> memref<80xi32, #tpu.memory_space<hbm>>
    tpu.enqueue_dma source(%dma_start3A_34 : memref<80xi32, #tpu.memory_space<hbm>>) target(%dma_start3A_33 : memref<80xi32, #tpu.memory_space<vmem>>) target_semaphore(%arg17 : memref<!tpu.dma_semaphore, #tpu.memory_space<semaphore_mem>>)
    %scan3A = arith.constant 0 : i32
    %scan3A_35 = arith.constant 0 : i32
    %scan3A_36 = arith.constant 640 : i32
    %scan3A_37 = arith.addi %scan3A_35, %scan3A_36 : i32
    %scan3A_38 = arith.constant 1 : i32
    %scan3A_39 = scf.for %scan3A_423 = %scan3A_35 to %scan3A_37 step %scan3A_38 iter_args(%scan3A_424 = %scan3A) -> (i32)  : i32 {
      %jit3A = arith.constant 8 : i32
      %div3A = arith.divsi %scan3A_423, %jit3A : i32
      %sign3A = arith.constant 0 : i32
      %sign3A_425 = arith.cmpi sgt, %scan3A_423, %sign3A : i32
      %sign3A_426 = arith.extui %sign3A_425 : i1 to i32
      %sign3A_427 = arith.constant 0 : i32
      %sign3A_428 = arith.cmpi slt, %scan3A_423, %sign3A_427 : i32
      %sign3A_429 = arith.extui %sign3A_428 : i1 to i32
      %sign3A_430 = arith.subi %sign3A_426, %sign3A_429 : i32
      %sign3A_431 = arith.constant 0 : i32
      %sign3A_432 = arith.cmpi sgt, %jit3A, %sign3A_431 : i32
      %sign3A_433 = arith.extui %sign3A_432 : i1 to i32
      %sign3A_434 = arith.constant 0 : i32
      %sign3A_435 = arith.cmpi slt, %jit3A, %sign3A_434 : i32
      %sign3A_436 = arith.extui %sign3A_435 : i1 to i32
      %sign3A_437 = arith.subi %sign3A_433, %sign3A_436 : i32
      %ne3A = arith.cmpi ne, %sign3A_430, %sign3A_437 : i32
      %rem3A = arith.remsi %scan3A_423, %jit3A : i32
      %ne3A_438 = arith.constant 0 : i32
      %ne3A_439 = arith.cmpi ne, %rem3A, %ne3A_438 : i32
      %and3A_440 = arith.andi %ne3A, %ne3A_439 : i1
      %sub3A = arith.constant 1 : i32
      %sub3A_441 = arith.subi %div3A, %sub3A : i32
      %select_n3A = arith.select %and3A_440, %sub3A_441, %div3A : i32
      %jit3A_442 = arith.constant 8 : i32
      %eq3A = arith.constant 0 : i32
      %eq3A_443 = arith.cmpi eq, %jit3A_442, %eq3A : i32
      %jit3A_444 = arith.constant 1 : i32
      %select_n3A_445 = arith.select %eq3A_443, %jit3A_444, %jit3A_442 : i32
      %rem3A_446 = arith.remsi %scan3A_423, %select_n3A_445 : i32
      %ne3A_447 = arith.constant 0 : i32
      %ne3A_448 = arith.cmpi ne, %rem3A_446, %ne3A_447 : i32
      %lt3A = arith.constant 0 : i32
      %lt3A_449 = arith.cmpi slt, %rem3A_446, %lt3A : i32
      %lt3A_450 = arith.constant 0 : i32
      %lt3A_451 = arith.cmpi slt, %select_n3A_445, %lt3A_450 : i32
      %ne3A_452 = arith.xori %lt3A_449, %lt3A_451 : i1
      %and3A_453 = arith.andi %ne3A_452, %ne3A_448 : i1
      %add3A_454 = arith.addi %rem3A_446, %select_n3A_445 : i32
      %select_n3A_455 = arith.select %and3A_453, %add3A_454, %rem3A_446 : i32
      %broadcast_in_dim3A = arith.constant 0.000000e+00 : f32
      %broadcast_in_dim3A_456 = vector.broadcast %broadcast_in_dim3A : f32 to vector<16xf32>
      %mul3A_457 = arith.constant 16 : i32
      %mul3A_458 = arith.muli %select_n3A_455, %mul3A_457 : i32
      %swap3A_459 = arith.index_cast %select_n3A : i32 to index
      %swap3A_460 = arith.index_cast %mul3A_458 : i32 to index
      %swap3A_461 = tpu.vector_load %arg8[%swap3A_459, %swap3A_460] {strides = array<i32>} : memref<80x128xf32, #tpu.memory_space<vmem>>, vector<1x16xf32>,
      %swap3A_462 = vector.shape_cast %swap3A_461 : vector<1x16xf32> to vector<16xf32>
      %swap3A_463 = vector.shape_cast %broadcast_in_dim3A_456 : vector<16xf32> to vector<1x16xf32>
      tpu.vector_store %arg8[%swap3A_459, %swap3A_460], %swap3A_463 {strides = array<i32>} : memref<80x128xf32, #tpu.memory_space<vmem>>, vector<1x16xf32>,
      %scan3A_464 = arith.constant 0 : i32
      scf.yield %scan3A_464 : i32
    }
    %scan3A_40 = arith.constant 640 : i32
    %mul3A_41 = arith.constant 625 : i32
    %mul3A_42 = arith.muli %arg1, %mul3A_41 : i32
    %add3A_43 = arith.constant 0 : i32
    %add3A_44 = arith.addi %mul3A_42, %add3A_43 : i32
    "tpu.region"() ({
      %run_scoped3A = tpu.sem_alloc : memref<!tpu.dma_semaphore, #tpu.memory_space<semaphore_mem>>
      %dma_start3A_423 = arith.constant 0 : i32
      %dma_start3A_424 = tpu.memref_slice %arg11[%add3A_44, %dma_start3A_423] : memref<10000x128xf32, #tpu.memory_space<vmem_shared>> -> memref<80x128xf32, #tpu.memory_space<vmem_shared>>
      %dma_start3A_425 = arith.constant 0 : i32
      %dma_start3A_426 = tpu.memref_slice %arg11[%add3A_44, %dma_start3A_425] : memref<10000x128xf32, #tpu.memory_space<vmem_shared>> -> memref<80x128xf32, #tpu.memory_space<vmem_shared>>
      tpu.enqueue_dma source(%arg8 : memref<80x128xf32, #tpu.memory_space<vmem>>) target(%dma_start3A_426 : memref<80x128xf32, #tpu.memory_space<vmem_shared>>) target_semaphore(%run_scoped3A : memref<!tpu.dma_semaphore, #tpu.memory_space<semaphore_mem>>)
      %dma_wait3A_427 = arith.constant 0 : i32
      %dma_wait3A_428 = tpu.memref_slice %arg11[%add3A_44, %dma_wait3A_427] : memref<10000x128xf32, #tpu.memory_space<vmem_shared>> -> memref<80x128xf32, #tpu.memory_space<vmem_shared>>
      %dma_wait3A_429 = arith.constant 0 : i32
      %dma_wait3A_430 = tpu.memref_slice %arg11[%add3A_44, %dma_wait3A_429] : memref<10000x128xf32, #tpu.memory_space<vmem_shared>> -> memref<80x128xf32, #tpu.memory_space<vmem_shared>>
      tpu.wait_dma2 semaphore(%run_scoped3A : memref<!tpu.dma_semaphore, #tpu.memory_space<semaphore_mem>>) src(%arg8 : memref<80x128xf32, #tpu.memory_space<vmem>>) dst(%dma_wait3A_430 : memref<80x128xf32, #tpu.memory_space<vmem_shared>>)
      tpu.yield
    }) : () -> ()
    %add3A_45 = arith.constant 80 : i32
    %add3A_46 = arith.addi %mul3A_42, %add3A_45 : i32
    "tpu.region"() ({
      %run_scoped3A = tpu.sem_alloc : memref<!tpu.dma_semaphore, #tpu.memory_space<semaphore_mem>>
      %dma_start3A_423 = arith.constant 0 : i32
      %dma_start3A_424 = tpu.memref_slice %arg11[%add3A_46, %dma_start3A_423] : memref<10000x128xf32, #tpu.memory_space<vmem_shared>> -> memref<80x128xf32, #tpu.memory_space<vmem_shared>>
      %dma_start3A_425 = arith.constant 0 : i32
      %dma_start3A_426 = tpu.memref_slice %arg11[%add3A_46, %dma_start3A_425] : memref<10000x128xf32, #tpu.memory_space<vmem_shared>> -> memref<80x128xf32, #tpu.memory_space<vmem_shared>>
      tpu.enqueue_dma source(%arg8 : memref<80x128xf32, #tpu.memory_space<vmem>>) target(%dma_start3A_426 : memref<80x128xf32, #tpu.memory_space<vmem_shared>>) target_semaphore(%run_scoped3A : memref<!tpu.dma_semaphore, #tpu.memory_space<semaphore_mem>>)
      %dma_wait3A_427 = arith.constant 0 : i32
      %dma_wait3A_428 = tpu.memref_slice %arg11[%add3A_46, %dma_wait3A_427] : memref<10000x128xf32, #tpu.memory_space<vmem_shared>> -> memref<80x128xf32, #tpu.memory_space<vmem_shared>>
      %dma_wait3A_429 = arith.constant 0 : i32
      %dma_wait3A_430 = tpu.memref_slice %arg11[%add3A_46, %dma_wait3A_429] : memref<10000x128xf32, #tpu.memory_space<vmem_shared>> -> memref<80x128xf32, #tpu.memory_space<vmem_shared>>
      tpu.wait_dma2 semaphore(%run_scoped3A : memref<!tpu.dma_semaphore, #tpu.memory_space<semaphore_mem>>) src(%arg8 : memref<80x128xf32, #tpu.memory_space<vmem>>) dst(%dma_wait3A_430 : memref<80x128xf32, #tpu.memory_space<vmem_shared>>)
      tpu.yield
    }) : () -> ()
    %add3A_47 = arith.constant 160 : i32
    %add3A_48 = arith.addi %mul3A_42, %add3A_47 : i32
    "tpu.region"() ({
      %run_scoped3A = tpu.sem_alloc : memref<!tpu.dma_semaphore, #tpu.memory_space<semaphore_mem>>
      %dma_start3A_423 = arith.constant 0 : i32
      %dma_start3A_424 = tpu.memref_slice %arg11[%add3A_48, %dma_start3A_423] : memref<10000x128xf32, #tpu.memory_space<vmem_shared>> -> memref<80x128xf32, #tpu.memory_space<vmem_shared>>
      %dma_start3A_425 = arith.constant 0 : i32
      %dma_start3A_426 = tpu.memref_slice %arg11[%add3A_48, %dma_start3A_425] : memref<10000x128xf32, #tpu.memory_space<vmem_shared>> -> memref<80x128xf32, #tpu.memory_space<vmem_shared>>
      tpu.enqueue_dma source(%arg8 : memref<80x128xf32, #tpu.memory_space<vmem>>) target(%dma_start3A_426 : memref<80x128xf32, #tpu.memory_space<vmem_shared>>) target_semaphore(%run_scoped3A : memref<!tpu.dma_semaphore, #tpu.memory_space<semaphore_mem>>)
      %dma_wait3A_427 = arith.constant 0 : i32
      %dma_wait3A_428 = tpu.memref_slice %arg11[%add3A_48, %dma_wait3A_427] : memref<10000x128xf32, #tpu.memory_space<vmem_shared>> -> memref<80x128xf32, #tpu.memory_space<vmem_shared>>
      %dma_wait3A_429 = arith.constant 0 : i32
      %dma_wait3A_430 = tpu.memref_slice %arg11[%add3A_48, %dma_wait3A_429] : memref<10000x128xf32, #tpu.memory_space<vmem_shared>> -> memref<80x128xf32, #tpu.memory_space<vmem_shared>>
      tpu.wait_dma2 semaphore(%run_scoped3A : memref<!tpu.dma_semaphore, #tpu.memory_space<semaphore_mem>>) src(%arg8 : memref<80x128xf32, #tpu.memory_space<vmem>>) dst(%dma_wait3A_430 : memref<80x128xf32, #tpu.memory_space<vmem_shared>>)
      tpu.yield
    }) : () -> ()
    %add3A_49 = arith.constant 240 : i32
    %add3A_50 = arith.addi %mul3A_42, %add3A_49 : i32
    "tpu.region"() ({
      %run_scoped3A = tpu.sem_alloc : memref<!tpu.dma_semaphore, #tpu.memory_space<semaphore_mem>>
      %dma_start3A_423 = arith.constant 0 : i32
      %dma_start3A_424 = tpu.memref_slice %arg11[%add3A_50, %dma_start3A_423] : memref<10000x128xf32, #tpu.memory_space<vmem_shared>> -> memref<80x128xf32, #tpu.memory_space<vmem_shared>>
      %dma_start3A_425 = arith.constant 0 : i32
      %dma_start3A_426 = tpu.memref_slice %arg11[%add3A_50, %dma_start3A_425] : memref<10000x128xf32, #tpu.memory_space<vmem_shared>> -> memref<80x128xf32, #tpu.memory_space<vmem_shared>>
      tpu.enqueue_dma source(%arg8 : memref<80x128xf32, #tpu.memory_space<vmem>>) target(%dma_start3A_426 : memref<80x128xf32, #tpu.memory_space<vmem_shared>>) target_semaphore(%run_scoped3A : memref<!tpu.dma_semaphore, #tpu.memory_space<semaphore_mem>>)
      %dma_wait3A_427 = arith.constant 0 : i32
      %dma_wait3A_428 = tpu.memref_slice %arg11[%add3A_50, %dma_wait3A_427] : memref<10000x128xf32, #tpu.memory_space<vmem_shared>> -> memref<80x128xf32, #tpu.memory_space<vmem_shared>>
      %dma_wait3A_429 = arith.constant 0 : i32
      %dma_wait3A_430 = tpu.memref_slice %arg11[%add3A_50, %dma_wait3A_429] : memref<10000x128xf32, #tpu.memory_space<vmem_shared>> -> memref<80x128xf32, #tpu.memory_space<vmem_shared>>
      tpu.wait_dma2 semaphore(%run_scoped3A : memref<!tpu.dma_semaphore, #tpu.memory_space<semaphore_mem>>) src(%arg8 : memref<80x128xf32, #tpu.memory_space<vmem>>) dst(%dma_wait3A_430 : memref<80x128xf32, #tpu.memory_space<vmem_shared>>)
      tpu.yield
    }) : () -> ()
    %add3A_51 = arith.constant 320 : i32
    %add3A_52 = arith.addi %mul3A_42, %add3A_51 : i32
    "tpu.region"() ({
      %run_scoped3A = tpu.sem_alloc : memref<!tpu.dma_semaphore, #tpu.memory_space<semaphore_mem>>
      %dma_start3A_423 = arith.constant 0 : i32
      %dma_start3A_424 = tpu.memref_slice %arg11[%add3A_52, %dma_start3A_423] : memref<10000x128xf32, #tpu.memory_space<vmem_shared>> -> memref<80x128xf32, #tpu.memory_space<vmem_shared>>
      %dma_start3A_425 = arith.constant 0 : i32
      %dma_start3A_426 = tpu.memref_slice %arg11[%add3A_52, %dma_start3A_425] : memref<10000x128xf32, #tpu.memory_space<vmem_shared>> -> memref<80x128xf32, #tpu.memory_space<vmem_shared>>
      tpu.enqueue_dma source(%arg8 : memref<80x128xf32, #tpu.memory_space<vmem>>) target(%dma_start3A_426 : memref<80x128xf32, #tpu.memory_space<vmem_shared>>) target_semaphore(%run_scoped3A : memref<!tpu.dma_semaphore, #tpu.memory_space<semaphore_mem>>)
      %dma_wait3A_427 = arith.constant 0 : i32
      %dma_wait3A_428 = tpu.memref_slice %arg11[%add3A_52, %dma_wait3A_427] : memref<10000x128xf32, #tpu.memory_space<vmem_shared>> -> memref<80x128xf32, #tpu.memory_space<vmem_shared>>
      %dma_wait3A_429 = arith.constant 0 : i32
      %dma_wait3A_430 = tpu.memref_slice %arg11[%add3A_52, %dma_wait3A_429] : memref<10000x128xf32, #tpu.memory_space<vmem_shared>> -> memref<80x128xf32, #tpu.memory_space<vmem_shared>>
      tpu.wait_dma2 semaphore(%run_scoped3A : memref<!tpu.dma_semaphore, #tpu.memory_space<semaphore_mem>>) src(%arg8 : memref<80x128xf32, #tpu.memory_space<vmem>>) dst(%dma_wait3A_430 : memref<80x128xf32, #tpu.memory_space<vmem_shared>>)
      tpu.yield
    }) : () -> ()
    %add3A_53 = arith.constant 400 : i32
    %add3A_54 = arith.addi %mul3A_42, %add3A_53 : i32
    "tpu.region"() ({
      %run_scoped3A = tpu.sem_alloc : memref<!tpu.dma_semaphore, #tpu.memory_space<semaphore_mem>>
      %dma_start3A_423 = arith.constant 0 : i32
      %dma_start3A_424 = tpu.memref_slice %arg11[%add3A_54, %dma_start3A_423] : memref<10000x128xf32, #tpu.memory_space<vmem_shared>> -> memref<80x128xf32, #tpu.memory_space<vmem_shared>>
      %dma_start3A_425 = arith.constant 0 : i32
      %dma_start3A_426 = tpu.memref_slice %arg11[%add3A_54, %dma_start3A_425] : memref<10000x128xf32, #tpu.memory_space<vmem_shared>> -> memref<80x128xf32, #tpu.memory_space<vmem_shared>>
      tpu.enqueue_dma source(%arg8 : memref<80x128xf32, #tpu.memory_space<vmem>>) target(%dma_start3A_426 : memref<80x128xf32, #tpu.memory_space<vmem_shared>>) target_semaphore(%run_scoped3A : memref<!tpu.dma_semaphore, #tpu.memory_space<semaphore_mem>>)
      %dma_wait3A_427 = arith.constant 0 : i32
      %dma_wait3A_428 = tpu.memref_slice %arg11[%add3A_54, %dma_wait3A_427] : memref<10000x128xf32, #tpu.memory_space<vmem_shared>> -> memref<80x128xf32, #tpu.memory_space<vmem_shared>>
      %dma_wait3A_429 = arith.constant 0 : i32
      %dma_wait3A_430 = tpu.memref_slice %arg11[%add3A_54, %dma_wait3A_429] : memref<10000x128xf32, #tpu.memory_space<vmem_shared>> -> memref<80x128xf32, #tpu.memory_space<vmem_shared>>
      tpu.wait_dma2 semaphore(%run_scoped3A : memref<!tpu.dma_semaphore, #tpu.memory_space<semaphore_mem>>) src(%arg8 : memref<80x128xf32, #tpu.memory_space<vmem>>) dst(%dma_wait3A_430 : memref<80x128xf32, #tpu.memory_space<vmem_shared>>)
      tpu.yield
    }) : () -> ()
    %add3A_55 = arith.constant 480 : i32
    %add3A_56 = arith.addi %mul3A_42, %add3A_55 : i32
    "tpu.region"() ({
      %run_scoped3A = tpu.sem_alloc : memref<!tpu.dma_semaphore, #tpu.memory_space<semaphore_mem>>
      %dma_start3A_423 = arith.constant 0 : i32
      %dma_start3A_424 = tpu.memref_slice %arg11[%add3A_56, %dma_start3A_423] : memref<10000x128xf32, #tpu.memory_space<vmem_shared>> -> memref<80x128xf32, #tpu.memory_space<vmem_shared>>
      %dma_start3A_425 = arith.constant 0 : i32
      %dma_start3A_426 = tpu.memref_slice %arg11[%add3A_56, %dma_start3A_425] : memref<10000x128xf32, #tpu.memory_space<vmem_shared>> -> memref<80x128xf32, #tpu.memory_space<vmem_shared>>
      tpu.enqueue_dma source(%arg8 : memref<80x128xf32, #tpu.memory_space<vmem>>) target(%dma_start3A_426 : memref<80x128xf32, #tpu.memory_space<vmem_shared>>) target_semaphore(%run_scoped3A : memref<!tpu.dma_semaphore, #tpu.memory_space<semaphore_mem>>)
      %dma_wait3A_427 = arith.constant 0 : i32
      %dma_wait3A_428 = tpu.memref_slice %arg11[%add3A_56, %dma_wait3A_427] : memref<10000x128xf32, #tpu.memory_space<vmem_shared>> -> memref<80x128xf32, #tpu.memory_space<vmem_shared>>
      %dma_wait3A_429 = arith.constant 0 : i32
      %dma_wait3A_430 = tpu.memref_slice %arg11[%add3A_56, %dma_wait3A_429] : memref<10000x128xf32, #tpu.memory_space<vmem_shared>> -> memref<80x128xf32, #tpu.memory_space<vmem_shared>>
      tpu.wait_dma2 semaphore(%run_scoped3A : memref<!tpu.dma_semaphore, #tpu.memory_space<semaphore_mem>>) src(%arg8 : memref<80x128xf32, #tpu.memory_space<vmem>>) dst(%dma_wait3A_430 : memref<80x128xf32, #tpu.memory_space<vmem_shared>>)
      tpu.yield
    }) : () -> ()
    %add3A_57 = arith.constant 560 : i32
    %add3A_58 = arith.addi %mul3A_42, %add3A_57 : i32
    "tpu.region"() ({
      %run_scoped3A = tpu.sem_alloc : memref<!tpu.dma_semaphore, #tpu.memory_space<semaphore_mem>>
      %dma_start3A_423 = arith.constant 0 : i32
      %dma_start3A_424 = arith.constant 0 : i32
      %dma_start3A_425 = tpu.memref_slice %arg8[%dma_start3A_423, %dma_start3A_424] : memref<80x128xf32, #tpu.memory_space<vmem>> -> memref<65x128xf32, #tpu.memory_space<vmem>>
      %dma_start3A_426 = arith.constant 0 : i32
      %dma_start3A_427 = tpu.memref_slice %arg11[%add3A_58, %dma_start3A_426] : memref<10000x128xf32, #tpu.memory_space<vmem_shared>> -> memref<65x128xf32, #tpu.memory_space<vmem_shared>>
      %dma_start3A_428 = arith.constant 0 : i32
      %dma_start3A_429 = tpu.memref_slice %arg11[%add3A_58, %dma_start3A_428] : memref<10000x128xf32, #tpu.memory_space<vmem_shared>> -> memref<65x128xf32, #tpu.memory_space<vmem_shared>>
      %dma_start3A_430 = arith.constant 0 : i32
      %dma_start3A_431 = arith.constant 0 : i32
      %dma_start3A_432 = tpu.memref_slice %arg8[%dma_start3A_430, %dma_start3A_431] : memref<80x128xf32, #tpu.memory_space<vmem>> -> memref<65x128xf32, #tpu.memory_space<vmem>>
      tpu.enqueue_dma source(%dma_start3A_432 : memref<65x128xf32, #tpu.memory_space<vmem>>) target(%dma_start3A_429 : memref<65x128xf32, #tpu.memory_space<vmem_shared>>) target_semaphore(%run_scoped3A : memref<!tpu.dma_semaphore, #tpu.memory_space<semaphore_mem>>)
      %dma_wait3A_433 = arith.constant 0 : i32
      %dma_wait3A_434 = arith.constant 0 : i32
      %dma_wait3A_435 = tpu.memref_slice %arg8[%dma_wait3A_433, %dma_wait3A_434] : memref<80x128xf32, #tpu.memory_space<vmem>> -> memref<65x128xf32, #tpu.memory_space<vmem>>
      %dma_wait3A_436 = arith.constant 0 : i32
      %dma_wait3A_437 = tpu.memref_slice %arg11[%add3A_58, %dma_wait3A_436] : memref<10000x128xf32, #tpu.memory_space<vmem_shared>> -> memref<65x128xf32, #tpu.memory_space<vmem_shared>>
      %dma_wait3A_438 = arith.constant 0 : i32
      %dma_wait3A_439 = tpu.memref_slice %arg11[%add3A_58, %dma_wait3A_438] : memref<10000x128xf32, #tpu.memory_space<vmem_shared>> -> memref<65x128xf32, #tpu.memory_space<vmem_shared>>
      %dma_wait3A_440 = arith.constant 0 : i32
      %dma_wait3A_441 = arith.constant 0 : i32
      %dma_wait3A_442 = tpu.memref_slice %arg8[%dma_wait3A_440, %dma_wait3A_441] : memref<80x128xf32, #tpu.memory_space<vmem>> -> memref<65x128xf32, #tpu.memory_space<vmem>>
      tpu.wait_dma2 semaphore(%run_scoped3A : memref<!tpu.dma_semaphore, #tpu.memory_space<semaphore_mem>>) src(%dma_wait3A_442 : memref<65x128xf32, #tpu.memory_space<vmem>>) dst(%dma_wait3A_439 : memref<65x128xf32, #tpu.memory_space<vmem_shared>>)
      tpu.yield
    }) : () -> ()
    %barrier3A = arith.constant 0 : index
    tpu.barrier barrier_id(%barrier3A)
    %dma_wait3A = arith.constant 0 : i32
    %dma_wait3A_59 = arith.constant 0 : i32
    %dma_wait3A_60 = tpu.memref_slice %arg5[%dma_wait3A, %dma_wait3A_59] : memref<3x80xi32, #tpu.memory_space<vmem>> -> memref<1x80xi32, #tpu.memory_space<vmem>>
    %dma_wait3A_61 = tpu.memref_squeeze %dma_wait3A_60 : memref<1x80xi32, #tpu.memory_space<vmem>> -> memref<80xi32, #tpu.memory_space<vmem>>
    %dma_wait3A_62 = tpu.memref_slice %arg3[%mul3A_2] : memref<320000xi32, #tpu.memory_space<hbm>> -> memref<80xi32, #tpu.memory_space<hbm>>
    %dma_wait3A_63 = arith.constant 0 : i32
    %dma_wait3A_64 = tpu.memref_slice %arg5[%dma_wait3A, %dma_wait3A_63] : memref<3x80xi32, #tpu.memory_space<vmem>> -> memref<1x80xi32, #tpu.memory_space<vmem>>
    %dma_wait3A_65 = tpu.memref_squeeze %dma_wait3A_64 : memref<1x80xi32, #tpu.memory_space<vmem>> -> memref<80xi32, #tpu.memory_space<vmem>>
    %dma_wait3A_66 = tpu.memref_slice %arg3[%mul3A_2] : memref<320000xi32, #tpu.memory_space<hbm>> -> memref<80xi32, #tpu.memory_space<hbm>>
    tpu.wait_dma2 semaphore(%arg15 : memref<!tpu.dma_semaphore, #tpu.memory_space<semaphore_mem>>) src(%dma_wait3A_66 : memref<80xi32, #tpu.memory_space<hbm>>) dst(%dma_wait3A_65 : memref<80xi32, #tpu.memory_space<vmem>>)
    %get3A = arith.constant 0 : i32
    %get3A_67 = arith.index_cast %get3A : i32 to index
    %get3A_68 = arith.constant 0 : index
    %get3A_69 = tpu.vector_load %arg5[%get3A_67, %get3A_68] {strides = array<i32>} : memref<3x80xi32, #tpu.memory_space<vmem>>, vector<1x16xi32>,
    %get3A_70 = vector.shape_cast %get3A_69 : vector<1x16xi32> to vector<16xi32>
    %shift_right_logical3A = arith.constant 14 : i32
    %shift_right_logical3A_71 = vector.broadcast %shift_right_logical3A : i32 to vector<16xi32>
    %shift_right_logical3A_72 = arith.shrui %get3A_70, %shift_right_logical3A_71 : vector<16xi32>
    %swap3A = arith.constant 0 : i32
    %swap3A_73 = arith.index_cast %swap3A : i32 to index
    %swap3A_74 = arith.constant 0 : index
    %swap3A_75 = tpu.vector_load %arg6[%swap3A_73, %swap3A_74] {strides = array<i32>} : memref<3x80xi32, #tpu.memory_space<vmem>>, vector<1x16xi32>,
    %swap3A_76 = vector.shape_cast %swap3A_75 : vector<1x16xi32> to vector<16xi32>
    %swap3A_77 = vector.shape_cast %shift_right_logical3A_72 : vector<16xi32> to vector<1x16xi32>
    tpu.vector_store %arg6[%swap3A_73, %swap3A_74], %swap3A_77 {strides = array<i32>} : memref<3x80xi32, #tpu.memory_space<vmem>>, vector<1x16xi32>,
    %get3A_78 = arith.constant 0 : i32
    %get3A_79 = arith.index_cast %get3A_78 : i32 to index
    %get3A_80 = arith.constant 16 : index
    %get3A_81 = tpu.vector_load %arg5[%get3A_79, %get3A_80] {strides = array<i32>} : memref<3x80xi32, #tpu.memory_space<vmem>>, vector<1x16xi32>,
    %get3A_82 = vector.shape_cast %get3A_81 : vector<1x16xi32> to vector<16xi32>
    %shift_right_logical3A_83 = arith.constant 14 : i32
    %shift_right_logical3A_84 = vector.broadcast %shift_right_logical3A_83 : i32 to vector<16xi32>
    %shift_right_logical3A_85 = arith.shrui %get3A_82, %shift_right_logical3A_84 : vector<16xi32>
    %swap3A_86 = arith.constant 0 : i32
    %swap3A_87 = arith.index_cast %swap3A_86 : i32 to index
    %swap3A_88 = arith.constant 16 : index
    %swap3A_89 = tpu.vector_load %arg6[%swap3A_87, %swap3A_88] {strides = array<i32>} : memref<3x80xi32, #tpu.memory_space<vmem>>, vector<1x16xi32>,
    %swap3A_90 = vector.shape_cast %swap3A_89 : vector<1x16xi32> to vector<16xi32>
    %swap3A_91 = vector.shape_cast %shift_right_logical3A_85 : vector<16xi32> to vector<1x16xi32>
    tpu.vector_store %arg6[%swap3A_87, %swap3A_88], %swap3A_91 {strides = array<i32>} : memref<3x80xi32, #tpu.memory_space<vmem>>, vector<1x16xi32>,
    %get3A_92 = arith.constant 0 : i32
    %get3A_93 = arith.index_cast %get3A_92 : i32 to index
    %get3A_94 = arith.constant 32 : index
    %get3A_95 = tpu.vector_load %arg5[%get3A_93, %get3A_94] {strides = array<i32>} : memref<3x80xi32, #tpu.memory_space<vmem>>, vector<1x16xi32>,
    %get3A_96 = vector.shape_cast %get3A_95 : vector<1x16xi32> to vector<16xi32>
    %shift_right_logical3A_97 = arith.constant 14 : i32
    %shift_right_logical3A_98 = vector.broadcast %shift_right_logical3A_97 : i32 to vector<16xi32>
    %shift_right_logical3A_99 = arith.shrui %get3A_96, %shift_right_logical3A_98 : vector<16xi32>
    %swap3A_100 = arith.constant 0 : i32
    %swap3A_101 = arith.index_cast %swap3A_100 : i32 to index
    %swap3A_102 = arith.constant 32 : index
    %swap3A_103 = tpu.vector_load %arg6[%swap3A_101, %swap3A_102] {strides = array<i32>} : memref<3x80xi32, #tpu.memory_space<vmem>>, vector<1x16xi32>,
    %swap3A_104 = vector.shape_cast %swap3A_103 : vector<1x16xi32> to vector<16xi32>
    %swap3A_105 = vector.shape_cast %shift_right_logical3A_99 : vector<16xi32> to vector<1x16xi32>
    tpu.vector_store %arg6[%swap3A_101, %swap3A_102], %swap3A_105 {strides = array<i32>} : memref<3x80xi32, #tpu.memory_space<vmem>>, vector<1x16xi32>,
    %get3A_106 = arith.constant 0 : i32
    %get3A_107 = arith.index_cast %get3A_106 : i32 to index
    %get3A_108 = arith.constant 48 : index
    %get3A_109 = tpu.vector_load %arg5[%get3A_107, %get3A_108] {strides = array<i32>} : memref<3x80xi32, #tpu.memory_space<vmem>>, vector<1x16xi32>,
    %get3A_110 = vector.shape_cast %get3A_109 : vector<1x16xi32> to vector<16xi32>
    %shift_right_logical3A_111 = arith.constant 14 : i32
    %shift_right_logical3A_112 = vector.broadcast %shift_right_logical3A_111 : i32 to vector<16xi32>
    %shift_right_logical3A_113 = arith.shrui %get3A_110, %shift_right_logical3A_112 : vector<16xi32>
    %swap3A_114 = arith.constant 0 : i32
    %swap3A_115 = arith.index_cast %swap3A_114 : i32 to index
    %swap3A_116 = arith.constant 48 : index
    %swap3A_117 = tpu.vector_load %arg6[%swap3A_115, %swap3A_116] {strides = array<i32>} : memref<3x80xi32, #tpu.memory_space<vmem>>, vector<1x16xi32>,
    %swap3A_118 = vector.shape_cast %swap3A_117 : vector<1x16xi32> to vector<16xi32>
    %swap3A_119 = vector.shape_cast %shift_right_logical3A_113 : vector<16xi32> to vector<1x16xi32>
    tpu.vector_store %arg6[%swap3A_115, %swap3A_116], %swap3A_119 {strides = array<i32>} : memref<3x80xi32, #tpu.memory_space<vmem>>, vector<1x16xi32>,
    %get3A_120 = arith.constant 0 : i32
    %get3A_121 = arith.index_cast %get3A_120 : i32 to index
    %get3A_122 = arith.constant 64 : index
    %get3A_123 = tpu.vector_load %arg5[%get3A_121, %get3A_122] {strides = array<i32>} : memref<3x80xi32, #tpu.memory_space<vmem>>, vector<1x16xi32>,
    %get3A_124 = vector.shape_cast %get3A_123 : vector<1x16xi32> to vector<16xi32>
    %shift_right_logical3A_125 = arith.constant 14 : i32
    %shift_right_logical3A_126 = vector.broadcast %shift_right_logical3A_125 : i32 to vector<16xi32>
    %shift_right_logical3A_127 = arith.shrui %get3A_124, %shift_right_logical3A_126 : vector<16xi32>
    %swap3A_128 = arith.constant 0 : i32
    %swap3A_129 = arith.index_cast %swap3A_128 : i32 to index
    %swap3A_130 = arith.constant 64 : index
    %swap3A_131 = tpu.vector_load %arg6[%swap3A_129, %swap3A_130] {strides = array<i32>} : memref<3x80xi32, #tpu.memory_space<vmem>>, vector<1x16xi32>,
    %swap3A_132 = vector.shape_cast %swap3A_131 : vector<1x16xi32> to vector<16xi32>
    %swap3A_133 = vector.shape_cast %shift_right_logical3A_127 : vector<16xi32> to vector<1x16xi32>
    tpu.vector_store %arg6[%swap3A_129, %swap3A_130], %swap3A_133 {strides = array<i32>} : memref<3x80xi32, #tpu.memory_space<vmem>>, vector<1x16xi32>,
    %get3A_134 = arith.constant 0 : i32
    %get3A_135 = arith.index_cast %get3A_134 : i32 to index
    %get3A_136 = arith.constant 0 : index
    %get3A_137 = tpu.vector_load %arg5[%get3A_135, %get3A_136] {strides = array<i32>} : memref<3x80xi32, #tpu.memory_space<vmem>>, vector<1x16xi32>,
    %get3A_138 = vector.shape_cast %get3A_137 : vector<1x16xi32> to vector<16xi32>
    %and3A = arith.constant 16383 : i32
    %and3A_139 = vector.broadcast %and3A : i32 to vector<16xi32>
    %and3A_140 = arith.andi %get3A_138, %and3A_139 : vector<16xi32>
    %swap3A_141 = arith.constant 0 : i32
    %swap3A_142 = arith.index_cast %swap3A_141 : i32 to index
    %swap3A_143 = arith.constant 0 : index
    %swap3A_144 = tpu.vector_load %arg7[%swap3A_142, %swap3A_143] {strides = array<i32>} : memref<3x80xi32, #tpu.memory_space<vmem>>, vector<1x16xi32>,
    %swap3A_145 = vector.shape_cast %swap3A_144 : vector<1x16xi32> to vector<16xi32>
    %swap3A_146 = vector.shape_cast %and3A_140 : vector<16xi32> to vector<1x16xi32>
    tpu.vector_store %arg7[%swap3A_142, %swap3A_143], %swap3A_146 {strides = array<i32>} : memref<3x80xi32, #tpu.memory_space<vmem>>, vector<1x16xi32>,
    %get3A_147 = arith.constant 0 : i32
    %get3A_148 = arith.index_cast %get3A_147 : i32 to index
    %get3A_149 = arith.constant 16 : index
    %get3A_150 = tpu.vector_load %arg5[%get3A_148, %get3A_149] {strides = array<i32>} : memref<3x80xi32, #tpu.memory_space<vmem>>, vector<1x16xi32>,
    %get3A_151 = vector.shape_cast %get3A_150 : vector<1x16xi32> to vector<16xi32>
    %and3A_152 = arith.constant 16383 : i32
    %and3A_153 = vector.broadcast %and3A_152 : i32 to vector<16xi32>
    %and3A_154 = arith.andi %get3A_151, %and3A_153 : vector<16xi32>
    %swap3A_155 = arith.constant 0 : i32
    %swap3A_156 = arith.index_cast %swap3A_155 : i32 to index
    %swap3A_157 = arith.constant 16 : index
    %swap3A_158 = tpu.vector_load %arg7[%swap3A_156, %swap3A_157] {strides = array<i32>} : memref<3x80xi32, #tpu.memory_space<vmem>>, vector<1x16xi32>,
    %swap3A_159 = vector.shape_cast %swap3A_158 : vector<1x16xi32> to vector<16xi32>
    %swap3A_160 = vector.shape_cast %and3A_154 : vector<16xi32> to vector<1x16xi32>
    tpu.vector_store %arg7[%swap3A_156, %swap3A_157], %swap3A_160 {strides = array<i32>} : memref<3x80xi32, #tpu.memory_space<vmem>>, vector<1x16xi32>,
    %get3A_161 = arith.constant 0 : i32
    %get3A_162 = arith.index_cast %get3A_161 : i32 to index
    %get3A_163 = arith.constant 32 : index
    %get3A_164 = tpu.vector_load %arg5[%get3A_162, %get3A_163] {strides = array<i32>} : memref<3x80xi32, #tpu.memory_space<vmem>>, vector<1x16xi32>,
    %get3A_165 = vector.shape_cast %get3A_164 : vector<1x16xi32> to vector<16xi32>
    %and3A_166 = arith.constant 16383 : i32
    %and3A_167 = vector.broadcast %and3A_166 : i32 to vector<16xi32>
    %and3A_168 = arith.andi %get3A_165, %and3A_167 : vector<16xi32>
    %swap3A_169 = arith.constant 0 : i32
    %swap3A_170 = arith.index_cast %swap3A_169 : i32 to index
    %swap3A_171 = arith.constant 32 : index
    %swap3A_172 = tpu.vector_load %arg7[%swap3A_170, %swap3A_171] {strides = array<i32>} : memref<3x80xi32, #tpu.memory_space<vmem>>, vector<1x16xi32>,
    %swap3A_173 = vector.shape_cast %swap3A_172 : vector<1x16xi32> to vector<16xi32>
    %swap3A_174 = vector.shape_cast %and3A_168 : vector<16xi32> to vector<1x16xi32>
    tpu.vector_store %arg7[%swap3A_170, %swap3A_171], %swap3A_174 {strides = array<i32>} : memref<3x80xi32, #tpu.memory_space<vmem>>, vector<1x16xi32>,
    %get3A_175 = arith.constant 0 : i32
    %get3A_176 = arith.index_cast %get3A_175 : i32 to index
    %get3A_177 = arith.constant 48 : index
    %get3A_178 = tpu.vector_load %arg5[%get3A_176, %get3A_177] {strides = array<i32>} : memref<3x80xi32, #tpu.memory_space<vmem>>, vector<1x16xi32>,
    %get3A_179 = vector.shape_cast %get3A_178 : vector<1x16xi32> to vector<16xi32>
    %and3A_180 = arith.constant 16383 : i32
    %and3A_181 = vector.broadcast %and3A_180 : i32 to vector<16xi32>
    %and3A_182 = arith.andi %get3A_179, %and3A_181 : vector<16xi32>
    %swap3A_183 = arith.constant 0 : i32
    %swap3A_184 = arith.index_cast %swap3A_183 : i32 to index
    %swap3A_185 = arith.constant 48 : index
    %swap3A_186 = tpu.vector_load %arg7[%swap3A_184, %swap3A_185] {strides = array<i32>} : memref<3x80xi32, #tpu.memory_space<vmem>>, vector<1x16xi32>,
    %swap3A_187 = vector.shape_cast %swap3A_186 : vector<1x16xi32> to vector<16xi32>
    %swap3A_188 = vector.shape_cast %and3A_182 : vector<16xi32> to vector<1x16xi32>
    tpu.vector_store %arg7[%swap3A_184, %swap3A_185], %swap3A_188 {strides = array<i32>} : memref<3x80xi32, #tpu.memory_space<vmem>>, vector<1x16xi32>,
    %get3A_189 = arith.constant 0 : i32
    %get3A_190 = arith.index_cast %get3A_189 : i32 to index
    %get3A_191 = arith.constant 64 : index
    %get3A_192 = tpu.vector_load %arg5[%get3A_190, %get3A_191] {strides = array<i32>} : memref<3x80xi32, #tpu.memory_space<vmem>>, vector<1x16xi32>,
    %get3A_193 = vector.shape_cast %get3A_192 : vector<1x16xi32> to vector<16xi32>
    %and3A_194 = arith.constant 16383 : i32
    %and3A_195 = vector.broadcast %and3A_194 : i32 to vector<16xi32>
    %and3A_196 = arith.andi %get3A_193, %and3A_195 : vector<16xi32>
    %swap3A_197 = arith.constant 0 : i32
    %swap3A_198 = arith.index_cast %swap3A_197 : i32 to index
    %swap3A_199 = arith.constant 64 : index
    %swap3A_200 = tpu.vector_load %arg7[%swap3A_198, %swap3A_199] {strides = array<i32>} : memref<3x80xi32, #tpu.memory_space<vmem>>, vector<1x16xi32>,
    %swap3A_201 = vector.shape_cast %swap3A_200 : vector<1x16xi32> to vector<16xi32>
    %swap3A_202 = vector.shape_cast %and3A_196 : vector<16xi32> to vector<1x16xi32>
    tpu.vector_store %arg7[%swap3A_198, %swap3A_199], %swap3A_202 {strides = array<i32>} : memref<3x80xi32, #tpu.memory_space<vmem>>, vector<1x16xi32>,
    %dma_start3A_203 = arith.constant 0 : i32
    %dma_start3A_204 = arith.constant 0 : i32
    %dma_start3A_205 = tpu.memref_slice %arg6[%dma_start3A_203, %dma_start3A_204] : memref<3x80xi32, #tpu.memory_space<vmem>> -> memref<1x80xi32, #tpu.memory_space<vmem>>
    %dma_start3A_206 = tpu.memref_squeeze %dma_start3A_205 : memref<1x80xi32, #tpu.memory_space<vmem>> -> memref<80xi32, #tpu.memory_space<vmem>>
    %dma_start3A_207 = arith.constant 0 : i32
    %dma_start3A_208 = arith.constant 0 : i32
    %dma_start3A_209 = tpu.memref_slice %arg2[%dma_start3A_207, %dma_start3A_208] : memref<10000x128xf32, #tpu.memory_space<hbm>> -> memref<10000x128xf32, #tpu.memory_space<hbm>>
    tpu.enqueue_indirect_dma source(%dma_start3A_209 : memref<10000x128xf32, #tpu.memory_space<hbm>>) target(%arg8 : memref<80x128xf32, #tpu.memory_space<vmem>>) offsets(%dma_start3A_206 : memref<80xi32, #tpu.memory_space<vmem>>) semaphore(%arg12 : memref<!tpu.dma_semaphore, #tpu.memory_space<semaphore_mem>>)
    %dma_wait3A_210 = arith.constant 1 : i32
    %dma_wait3A_211 = arith.constant 0 : i32
    %dma_wait3A_212 = tpu.memref_slice %arg5[%dma_wait3A_210, %dma_wait3A_211] : memref<3x80xi32, #tpu.memory_space<vmem>> -> memref<1x80xi32, #tpu.memory_space<vmem>>
    %dma_wait3A_213 = tpu.memref_squeeze %dma_wait3A_212 : memref<1x80xi32, #tpu.memory_space<vmem>> -> memref<80xi32, #tpu.memory_space<vmem>>
    %dma_wait3A_214 = tpu.memref_slice %arg3[%mul3A_2] : memref<320000xi32, #tpu.memory_space<hbm>> -> memref<80xi32, #tpu.memory_space<hbm>>
    %dma_wait3A_215 = arith.constant 0 : i32
    %dma_wait3A_216 = tpu.memref_slice %arg5[%dma_wait3A_210, %dma_wait3A_215] : memref<3x80xi32, #tpu.memory_space<vmem>> -> memref<1x80xi32, #tpu.memory_space<vmem>>
    %dma_wait3A_217 = tpu.memref_squeeze %dma_wait3A_216 : memref<1x80xi32, #tpu.memory_space<vmem>> -> memref<80xi32, #tpu.memory_space<vmem>>
    %dma_wait3A_218 = tpu.memref_slice %arg3[%mul3A_2] : memref<320000xi32, #tpu.memory_space<hbm>> -> memref<80xi32, #tpu.memory_space<hbm>>
    tpu.wait_dma2 semaphore(%arg16 : memref<!tpu.dma_semaphore, #tpu.memory_space<semaphore_mem>>) src(%dma_wait3A_218 : memref<80xi32, #tpu.memory_space<hbm>>) dst(%dma_wait3A_217 : memref<80xi32, #tpu.memory_space<vmem>>)
    %get3A_219 = arith.constant 1 : i32
    %get3A_220 = arith.index_cast %get3A_219 : i32 to index
    %get3A_221 = arith.constant 0 : index
    %get3A_222 = tpu.vector_load %arg5[%get3A_220, %get3A_221] {strides = array<i32>} : memref<3x80xi32, #tpu.memory_space<vmem>>, vector<1x16xi32>,
    %get3A_223 = vector.shape_cast %get3A_222 : vector<1x16xi32> to vector<16xi32>
    %shift_right_logical3A_224 = arith.constant 14 : i32
    %shift_right_logical3A_225 = vector.broadcast %shift_right_logical3A_224 : i32 to vector<16xi32>
    %shift_right_logical3A_226 = arith.shrui %get3A_223, %shift_right_logical3A_225 : vector<16xi32>
    %swap3A_227 = arith.constant 1 : i32
    %swap3A_228 = arith.index_cast %swap3A_227 : i32 to index
    %swap3A_229 = arith.constant 0 : index
    %swap3A_230 = tpu.vector_load %arg6[%swap3A_228, %swap3A_229] {strides = array<i32>} : memref<3x80xi32, #tpu.memory_space<vmem>>, vector<1x16xi32>,
    %swap3A_231 = vector.shape_cast %swap3A_230 : vector<1x16xi32> to vector<16xi32>
    %swap3A_232 = vector.shape_cast %shift_right_logical3A_226 : vector<16xi32> to vector<1x16xi32>
    tpu.vector_store %arg6[%swap3A_228, %swap3A_229], %swap3A_232 {strides = array<i32>} : memref<3x80xi32, #tpu.memory_space<vmem>>, vector<1x16xi32>,
    %get3A_233 = arith.constant 1 : i32
    %get3A_234 = arith.index_cast %get3A_233 : i32 to index
    %get3A_235 = arith.constant 16 : index
    %get3A_236 = tpu.vector_load %arg5[%get3A_234, %get3A_235] {strides = array<i32>} : memref<3x80xi32, #tpu.memory_space<vmem>>, vector<1x16xi32>,
    %get3A_237 = vector.shape_cast %get3A_236 : vector<1x16xi32> to vector<16xi32>
    %shift_right_logical3A_238 = arith.constant 14 : i32
    %shift_right_logical3A_239 = vector.broadcast %shift_right_logical3A_238 : i32 to vector<16xi32>
    %shift_right_logical3A_240 = arith.shrui %get3A_237, %shift_right_logical3A_239 : vector<16xi32>
    %swap3A_241 = arith.constant 1 : i32
    %swap3A_242 = arith.index_cast %swap3A_241 : i32 to index
    %swap3A_243 = arith.constant 16 : index
    %swap3A_244 = tpu.vector_load %arg6[%swap3A_242, %swap3A_243] {strides = array<i32>} : memref<3x80xi32, #tpu.memory_space<vmem>>, vector<1x16xi32>,
    %swap3A_245 = vector.shape_cast %swap3A_244 : vector<1x16xi32> to vector<16xi32>
    %swap3A_246 = vector.shape_cast %shift_right_logical3A_240 : vector<16xi32> to vector<1x16xi32>
    tpu.vector_store %arg6[%swap3A_242, %swap3A_243], %swap3A_246 {strides = array<i32>} : memref<3x80xi32, #tpu.memory_space<vmem>>, vector<1x16xi32>,
    %get3A_247 = arith.constant 1 : i32
    %get3A_248 = arith.index_cast %get3A_247 : i32 to index
    %get3A_249 = arith.constant 32 : index
    %get3A_250 = tpu.vector_load %arg5[%get3A_248, %get3A_249] {strides = array<i32>} : memref<3x80xi32, #tpu.memory_space<vmem>>, vector<1x16xi32>,
    %get3A_251 = vector.shape_cast %get3A_250 : vector<1x16xi32> to vector<16xi32>
    %shift_right_logical3A_252 = arith.constant 14 : i32
    %shift_right_logical3A_253 = vector.broadcast %shift_right_logical3A_252 : i32 to vector<16xi32>
    %shift_right_logical3A_254 = arith.shrui %get3A_251, %shift_right_logical3A_253 : vector<16xi32>
    %swap3A_255 = arith.constant 1 : i32
    %swap3A_256 = arith.index_cast %swap3A_255 : i32 to index
    %swap3A_257 = arith.constant 32 : index
    %swap3A_258 = tpu.vector_load %arg6[%swap3A_256, %swap3A_257] {strides = array<i32>} : memref<3x80xi32, #tpu.memory_space<vmem>>, vector<1x16xi32>,
    %swap3A_259 = vector.shape_cast %swap3A_258 : vector<1x16xi32> to vector<16xi32>
    %swap3A_260 = vector.shape_cast %shift_right_logical3A_254 : vector<16xi32> to vector<1x16xi32>
    tpu.vector_store %arg6[%swap3A_256, %swap3A_257], %swap3A_260 {strides = array<i32>} : memref<3x80xi32, #tpu.memory_space<vmem>>, vector<1x16xi32>,
    %get3A_261 = arith.constant 1 : i32
    %get3A_262 = arith.index_cast %get3A_261 : i32 to index
    %get3A_263 = arith.constant 48 : index
    %get3A_264 = tpu.vector_load %arg5[%get3A_262, %get3A_263] {strides = array<i32>} : memref<3x80xi32, #tpu.memory_space<vmem>>, vector<1x16xi32>,
    %get3A_265 = vector.shape_cast %get3A_264 : vector<1x16xi32> to vector<16xi32>
    %shift_right_logical3A_266 = arith.constant 14 : i32
    %shift_right_logical3A_267 = vector.broadcast %shift_right_logical3A_266 : i32 to vector<16xi32>
    %shift_right_logical3A_268 = arith.shrui %get3A_265, %shift_right_logical3A_267 : vector<16xi32>
    %swap3A_269 = arith.constant 1 : i32
    %swap3A_270 = arith.index_cast %swap3A_269 : i32 to index
    %swap3A_271 = arith.constant 48 : index
    %swap3A_272 = tpu.vector_load %arg6[%swap3A_270, %swap3A_271] {strides = array<i32>} : memref<3x80xi32, #tpu.memory_space<vmem>>, vector<1x16xi32>,
    %swap3A_273 = vector.shape_cast %swap3A_272 : vector<1x16xi32> to vector<16xi32>
    %swap3A_274 = vector.shape_cast %shift_right_logical3A_268 : vector<16xi32> to vector<1x16xi32>
    tpu.vector_store %arg6[%swap3A_270, %swap3A_271], %swap3A_274 {strides = array<i32>} : memref<3x80xi32, #tpu.memory_space<vmem>>, vector<1x16xi32>,
    %get3A_275 = arith.constant 1 : i32
    %get3A_276 = arith.index_cast %get3A_275 : i32 to index
    %get3A_277 = arith.constant 64 : index
    %get3A_278 = tpu.vector_load %arg5[%get3A_276, %get3A_277] {strides = array<i32>} : memref<3x80xi32, #tpu.memory_space<vmem>>, vector<1x16xi32>,
    %get3A_279 = vector.shape_cast %get3A_278 : vector<1x16xi32> to vector<16xi32>
    %shift_right_logical3A_280 = arith.constant 14 : i32
    %shift_right_logical3A_281 = vector.broadcast %shift_right_logical3A_280 : i32 to vector<16xi32>
    %shift_right_logical3A_282 = arith.shrui %get3A_279, %shift_right_logical3A_281 : vector<16xi32>
    %swap3A_283 = arith.constant 1 : i32
    %swap3A_284 = arith.index_cast %swap3A_283 : i32 to index
    %swap3A_285 = arith.constant 64 : index
    %swap3A_286 = tpu.vector_load %arg6[%swap3A_284, %swap3A_285] {strides = array<i32>} : memref<3x80xi32, #tpu.memory_space<vmem>>, vector<1x16xi32>,
    %swap3A_287 = vector.shape_cast %swap3A_286 : vector<1x16xi32> to vector<16xi32>
    %swap3A_288 = vector.shape_cast %shift_right_logical3A_282 : vector<16xi32> to vector<1x16xi32>
    tpu.vector_store %arg6[%swap3A_284, %swap3A_285], %swap3A_288 {strides = array<i32>} : memref<3x80xi32, #tpu.memory_space<vmem>>, vector<1x16xi32>,
    %get3A_289 = arith.constant 1 : i32
    %get3A_290 = arith.index_cast %get3A_289 : i32 to index
    %get3A_291 = arith.constant 0 : index
    %get3A_292 = tpu.vector_load %arg5[%get3A_290, %get3A_291] {strides = array<i32>} : memref<3x80xi32, #tpu.memory_space<vmem>>, vector<1x16xi32>,
    %get3A_293 = vector.shape_cast %get3A_292 : vector<1x16xi32> to vector<16xi32>
    %and3A_294 = arith.constant 16383 : i32
    %and3A_295 = vector.broadcast %and3A_294 : i32 to vector<16xi32>
    %and3A_296 = arith.andi %get3A_293, %and3A_295 : vector<16xi32>
    %swap3A_297 = arith.constant 1 : i32
    %swap3A_298 = arith.index_cast %swap3A_297 : i32 to index
    %swap3A_299 = arith.constant 0 : index
    %swap3A_300 = tpu.vector_load %arg7[%swap3A_298, %swap3A_299] {strides = array<i32>} : memref<3x80xi32, #tpu.memory_space<vmem>>, vector<1x16xi32>,
    %swap3A_301 = vector.shape_cast %swap3A_300 : vector<1x16xi32> to vector<16xi32>
    %swap3A_302 = vector.shape_cast %and3A_296 : vector<16xi32> to vector<1x16xi32>
    tpu.vector_store %arg7[%swap3A_298, %swap3A_299], %swap3A_302 {strides = array<i32>} : memref<3x80xi32, #tpu.memory_space<vmem>>, vector<1x16xi32>,
    %get3A_303 = arith.constant 1 : i32
    %get3A_304 = arith.index_cast %get3A_303 : i32 to index
    %get3A_305 = arith.constant 16 : index
    %get3A_306 = tpu.vector_load %arg5[%get3A_304, %get3A_305] {strides = array<i32>} : memref<3x80xi32, #tpu.memory_space<vmem>>, vector<1x16xi32>,
    %get3A_307 = vector.shape_cast %get3A_306 : vector<1x16xi32> to vector<16xi32>
    %and3A_308 = arith.constant 16383 : i32
    %and3A_309 = vector.broadcast %and3A_308 : i32 to vector<16xi32>
    %and3A_310 = arith.andi %get3A_307, %and3A_309 : vector<16xi32>
    %swap3A_311 = arith.constant 1 : i32
    %swap3A_312 = arith.index_cast %swap3A_311 : i32 to index
    %swap3A_313 = arith.constant 16 : index
    %swap3A_314 = tpu.vector_load %arg7[%swap3A_312, %swap3A_313] {strides = array<i32>} : memref<3x80xi32, #tpu.memory_space<vmem>>, vector<1x16xi32>,
    %swap3A_315 = vector.shape_cast %swap3A_314 : vector<1x16xi32> to vector<16xi32>
    %swap3A_316 = vector.shape_cast %and3A_310 : vector<16xi32> to vector<1x16xi32>
    tpu.vector_store %arg7[%swap3A_312, %swap3A_313], %swap3A_316 {strides = array<i32>} : memref<3x80xi32, #tpu.memory_space<vmem>>, vector<1x16xi32>,
    %get3A_317 = arith.constant 1 : i32
    %get3A_318 = arith.index_cast %get3A_317 : i32 to index
    %get3A_319 = arith.constant 32 : index
    %get3A_320 = tpu.vector_load %arg5[%get3A_318, %get3A_319] {strides = array<i32>} : memref<3x80xi32, #tpu.memory_space<vmem>>, vector<1x16xi32>,
    %get3A_321 = vector.shape_cast %get3A_320 : vector<1x16xi32> to vector<16xi32>
    %and3A_322 = arith.constant 16383 : i32
    %and3A_323 = vector.broadcast %and3A_322 : i32 to vector<16xi32>
    %and3A_324 = arith.andi %get3A_321, %and3A_323 : vector<16xi32>
    %swap3A_325 = arith.constant 1 : i32
    %swap3A_326 = arith.index_cast %swap3A_325 : i32 to index
    %swap3A_327 = arith.constant 32 : index
    %swap3A_328 = tpu.vector_load %arg7[%swap3A_326, %swap3A_327] {strides = array<i32>} : memref<3x80xi32, #tpu.memory_space<vmem>>, vector<1x16xi32>,
    %swap3A_329 = vector.shape_cast %swap3A_328 : vector<1x16xi32> to vector<16xi32>
    %swap3A_330 = vector.shape_cast %and3A_324 : vector<16xi32> to vector<1x16xi32>
    tpu.vector_store %arg7[%swap3A_326, %swap3A_327], %swap3A_330 {strides = array<i32>} : memref<3x80xi32, #tpu.memory_space<vmem>>, vector<1x16xi32>,
    %get3A_331 = arith.constant 1 : i32
    %get3A_332 = arith.index_cast %get3A_331 : i32 to index
    %get3A_333 = arith.constant 48 : index
    %get3A_334 = tpu.vector_load %arg5[%get3A_332, %get3A_333] {strides = array<i32>} : memref<3x80xi32, #tpu.memory_space<vmem>>, vector<1x16xi32>,
    %get3A_335 = vector.shape_cast %get3A_334 : vector<1x16xi32> to vector<16xi32>
    %and3A_336 = arith.constant 16383 : i32
    %and3A_337 = vector.broadcast %and3A_336 : i32 to vector<16xi32>
    %and3A_338 = arith.andi %get3A_335, %and3A_337 : vector<16xi32>
    %swap3A_339 = arith.constant 1 : i32
    %swap3A_340 = arith.index_cast %swap3A_339 : i32 to index
    %swap3A_341 = arith.constant 48 : index
    %swap3A_342 = tpu.vector_load %arg7[%swap3A_340, %swap3A_341] {strides = array<i32>} : memref<3x80xi32, #tpu.memory_space<vmem>>, vector<1x16xi32>,
    %swap3A_343 = vector.shape_cast %swap3A_342 : vector<1x16xi32> to vector<16xi32>
    %swap3A_344 = vector.shape_cast %and3A_338 : vector<16xi32> to vector<1x16xi32>
    tpu.vector_store %arg7[%swap3A_340, %swap3A_341], %swap3A_344 {strides = array<i32>} : memref<3x80xi32, #tpu.memory_space<vmem>>, vector<1x16xi32>,
    %get3A_345 = arith.constant 1 : i32
    %get3A_346 = arith.index_cast %get3A_345 : i32 to index
    %get3A_347 = arith.constant 64 : index
    %get3A_348 = tpu.vector_load %arg5[%get3A_346, %get3A_347] {strides = array<i32>} : memref<3x80xi32, #tpu.memory_space<vmem>>, vector<1x16xi32>,
    %get3A_349 = vector.shape_cast %get3A_348 : vector<1x16xi32> to vector<16xi32>
    %and3A_350 = arith.constant 16383 : i32
    %and3A_351 = vector.broadcast %and3A_350 : i32 to vector<16xi32>
    %and3A_352 = arith.andi %get3A_349, %and3A_351 : vector<16xi32>
    %swap3A_353 = arith.constant 1 : i32
    %swap3A_354 = arith.index_cast %swap3A_353 : i32 to index
    %swap3A_355 = arith.constant 64 : index
    %swap3A_356 = tpu.vector_load %arg7[%swap3A_354, %swap3A_355] {strides = array<i32>} : memref<3x80xi32, #tpu.memory_space<vmem>>, vector<1x16xi32>,
    %swap3A_357 = vector.shape_cast %swap3A_356 : vector<1x16xi32> to vector<16xi32>
    %swap3A_358 = vector.shape_cast %and3A_352 : vector<16xi32> to vector<1x16xi32>
    tpu.vector_store %arg7[%swap3A_354, %swap3A_355], %swap3A_358 {strides = array<i32>} : memref<3x80xi32, #tpu.memory_space<vmem>>, vector<1x16xi32>,
    %dma_start3A_359 = arith.constant 1 : i32
    %dma_start3A_360 = arith.constant 0 : i32
    %dma_start3A_361 = tpu.memref_slice %arg6[%dma_start3A_359, %dma_start3A_360] : memref<3x80xi32, #tpu.memory_space<vmem>> -> memref<1x80xi32, #tpu.memory_space<vmem>>
    %dma_start3A_362 = tpu.memref_squeeze %dma_start3A_361 : memref<1x80xi32, #tpu.memory_space<vmem>> -> memref<80xi32, #tpu.memory_space<vmem>>
    %dma_start3A_363 = arith.constant 0 : i32
    %dma_start3A_364 = arith.constant 0 : i32
    %dma_start3A_365 = tpu.memref_slice %arg2[%dma_start3A_363, %dma_start3A_364] : memref<10000x128xf32, #tpu.memory_space<hbm>> -> memref<10000x128xf32, #tpu.memory_space<hbm>>
    tpu.enqueue_indirect_dma source(%dma_start3A_365 : memref<10000x128xf32, #tpu.memory_space<hbm>>) target(%arg9 : memref<80x128xf32, #tpu.memory_space<vmem>>) offsets(%dma_start3A_362 : memref<80xi32, #tpu.memory_space<vmem>>) semaphore(%arg13 : memref<!tpu.dma_semaphore, #tpu.memory_space<semaphore_mem>>)
    %scan3A_366 = arith.constant 0 : i32
    %scan3A_367 = arith.constant 0 : i32
    %scan3A_368 = arith.constant 41 : i32
    %scan3A_369 = arith.addi %scan3A_367, %scan3A_368 : i32
    %scan3A_370 = arith.constant 1 : i32
    %scan3A_371 = scf.for %scan3A_423 = %scan3A_367 to %scan3A_369 step %scan3A_370 iter_args(%scan3A_424 = %scan3A_366) -> (i32)  : i32 {
      %mul3A_425 = arith.constant 3 : i32
      %mul3A_426 = arith.muli %mul3A_425, %scan3A_423 : i32
      %add3A_427 = arith.constant 0 : i32
      %add3A_428 = arith.addi %mul3A_426, %add3A_427 : i32
      %dma_wait3A_429 = arith.constant 2 : i32
      %dma_wait3A_430 = arith.constant 0 : i32
      %dma_wait3A_431 = tpu.memref_slice %arg5[%dma_wait3A_429, %dma_wait3A_430] : memref<3x80xi32, #tpu.memory_space<vmem>> -> memref<1x80xi32, #tpu.memory_space<vmem>>
      %dma_wait3A_432 = tpu.memref_squeeze %dma_wait3A_431 : memref<1x80xi32, #tpu.memory_space<vmem>> -> memref<80xi32, #tpu.memory_space<vmem>>
      %dma_wait3A_433 = tpu.memref_slice %arg3[%mul3A_2] : memref<320000xi32, #tpu.memory_space<hbm>> -> memref<80xi32, #tpu.memory_space<hbm>>
      %dma_wait3A_434 = arith.constant 0 : i32
      %dma_wait3A_435 = tpu.memref_slice %arg5[%dma_wait3A_429, %dma_wait3A_434] : memref<3x80xi32, #tpu.memory_space<vmem>> -> memref<1x80xi32, #tpu.memory_space<vmem>>
      %dma_wait3A_436 = tpu.memref_squeeze %dma_wait3A_435 : memref<1x80xi32, #tpu.memory_space<vmem>> -> memref<80xi32, #tpu.memory_space<vmem>>
      %dma_wait3A_437 = tpu.memref_slice %arg3[%mul3A_2] : memref<320000xi32, #tpu.memory_space<hbm>> -> memref<80xi32, #tpu.memory_space<hbm>>
      tpu.wait_dma2 semaphore(%arg17 : memref<!tpu.dma_semaphore, #tpu.memory_space<semaphore_mem>>) src(%dma_wait3A_437 : memref<80xi32, #tpu.memory_space<hbm>>) dst(%dma_wait3A_436 : memref<80xi32, #tpu.memory_space<vmem>>)
      %get3A_438 = arith.constant 2 : i32
      %get3A_439 = arith.index_cast %get3A_438 : i32 to index
      %get3A_440 = arith.constant 0 : index
      %get3A_441 = tpu.vector_load %arg5[%get3A_439, %get3A_440] {strides = array<i32>} : memref<3x80xi32, #tpu.memory_space<vmem>>, vector<1x16xi32>,
      %get3A_442 = vector.shape_cast %get3A_441 : vector<1x16xi32> to vector<16xi32>
      %shift_right_logical3A_443 = arith.constant 14 : i32
      %shift_right_logical3A_444 = vector.broadcast %shift_right_logical3A_443 : i32 to vector<16xi32>
      %shift_right_logical3A_445 = arith.shrui %get3A_442, %shift_right_logical3A_444 : vector<16xi32>
      %swap3A_446 = arith.constant 2 : i32
      %swap3A_447 = arith.index_cast %swap3A_446 : i32 to index
      %swap3A_448 = arith.constant 0 : index
      %swap3A_449 = tpu.vector_load %arg6[%swap3A_447, %swap3A_448] {strides = array<i32>} : memref<3x80xi32, #tpu.memory_space<vmem>>, vector<1x16xi32>,
      %swap3A_450 = vector.shape_cast %swap3A_449 : vector<1x16xi32> to vector<16xi32>
      %swap3A_451 = vector.shape_cast %shift_right_logical3A_445 : vector<16xi32> to vector<1x16xi32>
      tpu.vector_store %arg6[%swap3A_447, %swap3A_448], %swap3A_451 {strides = array<i32>} : memref<3x80xi32, #tpu.memory_space<vmem>>, vector<1x16xi32>,
      %get3A_452 = arith.constant 2 : i32
      %get3A_453 = arith.index_cast %get3A_452 : i32 to index
      %get3A_454 = arith.constant 16 : index
      %get3A_455 = tpu.vector_load %arg5[%get3A_453, %get3A_454] {strides = array<i32>} : memref<3x80xi32, #tpu.memory_space<vmem>>, vector<1x16xi32>,
      %get3A_456 = vector.shape_cast %get3A_455 : vector<1x16xi32> to vector<16xi32>
      %shift_right_logical3A_457 = arith.constant 14 : i32
      %shift_right_logical3A_458 = vector.broadcast %shift_right_logical3A_457 : i32 to vector<16xi32>
      %shift_right_logical3A_459 = arith.shrui %get3A_456, %shift_right_logical3A_458 : vector<16xi32>
      %swap3A_460 = arith.constant 2 : i32
      %swap3A_461 = arith.index_cast %swap3A_460 : i32 to index
      %swap3A_462 = arith.constant 16 : index
      %swap3A_463 = tpu.vector_load %arg6[%swap3A_461, %swap3A_462] {strides = array<i32>} : memref<3x80xi32, #tpu.memory_space<vmem>>, vector<1x16xi32>,
      %swap3A_464 = vector.shape_cast %swap3A_463 : vector<1x16xi32> to vector<16xi32>
      %swap3A_465 = vector.shape_cast %shift_right_logical3A_459 : vector<16xi32> to vector<1x16xi32>
      tpu.vector_store %arg6[%swap3A_461, %swap3A_462], %swap3A_465 {strides = array<i32>} : memref<3x80xi32, #tpu.memory_space<vmem>>, vector<1x16xi32>,
      %get3A_466 = arith.constant 2 : i32
      %get3A_467 = arith.index_cast %get3A_466 : i32 to index
      %get3A_468 = arith.constant 32 : index
      %get3A_469 = tpu.vector_load %arg5[%get3A_467, %get3A_468] {strides = array<i32>} : memref<3x80xi32, #tpu.memory_space<vmem>>, vector<1x16xi32>,
      %get3A_470 = vector.shape_cast %get3A_469 : vector<1x16xi32> to vector<16xi32>
      %shift_right_logical3A_471 = arith.constant 14 : i32
      %shift_right_logical3A_472 = vector.broadcast %shift_right_logical3A_471 : i32 to vector<16xi32>
      %shift_right_logical3A_473 = arith.shrui %get3A_470, %shift_right_logical3A_472 : vector<16xi32>
      %swap3A_474 = arith.constant 2 : i32
      %swap3A_475 = arith.index_cast %swap3A_474 : i32 to index
      %swap3A_476 = arith.constant 32 : index
      %swap3A_477 = tpu.vector_load %arg6[%swap3A_475, %swap3A_476] {strides = array<i32>} : memref<3x80xi32, #tpu.memory_space<vmem>>, vector<1x16xi32>,
      %swap3A_478 = vector.shape_cast %swap3A_477 : vector<1x16xi32> to vector<16xi32>
      %swap3A_479 = vector.shape_cast %shift_right_logical3A_473 : vector<16xi32> to vector<1x16xi32>
      tpu.vector_store %arg6[%swap3A_475, %swap3A_476], %swap3A_479 {strides = array<i32>} : memref<3x80xi32, #tpu.memory_space<vmem>>, vector<1x16xi32>,
      %get3A_480 = arith.constant 2 : i32
      %get3A_481 = arith.index_cast %get3A_480 : i32 to index
      %get3A_482 = arith.constant 48 : index
      %get3A_483 = tpu.vector_load %arg5[%get3A_481, %get3A_482] {strides = array<i32>} : memref<3x80xi32, #tpu.memory_space<vmem>>, vector<1x16xi32>,
      %get3A_484 = vector.shape_cast %get3A_483 : vector<1x16xi32> to vector<16xi32>
      %shift_right_logical3A_485 = arith.constant 14 : i32
      %shift_right_logical3A_486 = vector.broadcast %shift_right_logical3A_485 : i32 to vector<16xi32>
      %shift_right_logical3A_487 = arith.shrui %get3A_484, %shift_right_logical3A_486 : vector<16xi32>
      %swap3A_488 = arith.constant 2 : i32
      %swap3A_489 = arith.index_cast %swap3A_488 : i32 to index
      %swap3A_490 = arith.constant 48 : index
      %swap3A_491 = tpu.vector_load %arg6[%swap3A_489, %swap3A_490] {strides = array<i32>} : memref<3x80xi32, #tpu.memory_space<vmem>>, vector<1x16xi32>,
      %swap3A_492 = vector.shape_cast %swap3A_491 : vector<1x16xi32> to vector<16xi32>
      %swap3A_493 = vector.shape_cast %shift_right_logical3A_487 : vector<16xi32> to vector<1x16xi32>
      tpu.vector_store %arg6[%swap3A_489, %swap3A_490], %swap3A_493 {strides = array<i32>} : memref<3x80xi32, #tpu.memory_space<vmem>>, vector<1x16xi32>,
      %get3A_494 = arith.constant 2 : i32
      %get3A_495 = arith.index_cast %get3A_494 : i32 to index
      %get3A_496 = arith.constant 64 : index
      %get3A_497 = tpu.vector_load %arg5[%get3A_495, %get3A_496] {strides = array<i32>} : memref<3x80xi32, #tpu.memory_space<vmem>>, vector<1x16xi32>,
      %get3A_498 = vector.shape_cast %get3A_497 : vector<1x16xi32> to vector<16xi32>
      %shift_right_logical3A_499 = arith.constant 14 : i32
      %shift_right_logical3A_500 = vector.broadcast %shift_right_logical3A_499 : i32 to vector<16xi32>
      %shift_right_logical3A_501 = arith.shrui %get3A_498, %shift_right_logical3A_500 : vector<16xi32>
      %swap3A_502 = arith.constant 2 : i32
      %swap3A_503 = arith.index_cast %swap3A_502 : i32 to index
      %swap3A_504 = arith.constant 64 : index
      %swap3A_505 = tpu.vector_load %arg6[%swap3A_503, %swap3A_504] {strides = array<i32>} : memref<3x80xi32, #tpu.memory_space<vmem>>, vector<1x16xi32>,
      %swap3A_506 = vector.shape_cast %swap3A_505 : vector<1x16xi32> to vector<16xi32>
      %swap3A_507 = vector.shape_cast %shift_right_logical3A_501 : vector<16xi32> to vector<1x16xi32>
      tpu.vector_store %arg6[%swap3A_503, %swap3A_504], %swap3A_507 {strides = array<i32>} : memref<3x80xi32, #tpu.memory_space<vmem>>, vector<1x16xi32>,
      %gt3A = arith.constant 0 : i32
      %gt3A_508 = arith.cmpi sgt, %scan3A_423, %gt3A : i32
      %convert_element_type3A = arith.extui %gt3A_508 : i1 to i32
      %cond3A = arith.constant 0 : i32
      %cond3A_509 = arith.cmpi ne, %convert_element_type3A, %cond3A : i32
      scf.if %cond3A_509 {
        %dma_wait3A_984 = arith.constant 2 : i32
        %dma_wait3A_985 = arith.constant 0 : i32
        %dma_wait3A_986 = tpu.memref_slice %arg7[%dma_wait3A_984, %dma_wait3A_985] : memref<3x80xi32, #tpu.memory_space<vmem>> -> memref<1x80xi32, #tpu.memory_space<vmem>>
        %dma_wait3A_987 = tpu.memref_squeeze %dma_wait3A_986 : memref<1x80xi32, #tpu.memory_space<vmem>> -> memref<80xi32, #tpu.memory_space<vmem>>
        %dma_wait3A_988 = arith.constant 0 : i32
        %dma_wait3A_989 = arith.constant 0 : i32
        %dma_wait3A_990 = tpu.memref_slice %arg11[%dma_wait3A_988, %dma_wait3A_989] : memref<10000x128xf32, #tpu.memory_space<vmem_shared>> -> memref<10000x128xf32, #tpu.memory_space<vmem_shared>>
        tpu.wait_indirect_dma semaphore(%arg20 : memref<!tpu.dma_semaphore, #tpu.memory_space<semaphore_mem>>) src(%arg10 : memref<80x128xf32, #tpu.memory_space<vmem>>) dst(%dma_wait3A_990 : memref<10000x128xf32, #tpu.memory_space<vmem_shared>>)
      } else {
      }
      %get3A_510 = arith.constant 2 : i32
      %get3A_511 = arith.index_cast %get3A_510 : i32 to index
      %get3A_512 = arith.constant 0 : index
      %get3A_513 = tpu.vector_load %arg5[%get3A_511, %get3A_512] {strides = array<i32>} : memref<3x80xi32, #tpu.memory_space<vmem>>, vector<1x16xi32>,
      %get3A_514 = vector.shape_cast %get3A_513 : vector<1x16xi32> to vector<16xi32>
      %and3A_515 = arith.constant 16383 : i32
      %and3A_516 = vector.broadcast %and3A_515 : i32 to vector<16xi32>
      %and3A_517 = arith.andi %get3A_514, %and3A_516 : vector<16xi32>
      %swap3A_518 = arith.constant 2 : i32
      %swap3A_519 = arith.index_cast %swap3A_518 : i32 to index
      %swap3A_520 = arith.constant 0 : index
      %swap3A_521 = tpu.vector_load %arg7[%swap3A_519, %swap3A_520] {strides = array<i32>} : memref<3x80xi32, #tpu.memory_space<vmem>>, vector<1x16xi32>,
      %swap3A_522 = vector.shape_cast %swap3A_521 : vector<1x16xi32> to vector<16xi32>
      %swap3A_523 = vector.shape_cast %and3A_517 : vector<16xi32> to vector<1x16xi32>
      tpu.vector_store %arg7[%swap3A_519, %swap3A_520], %swap3A_523 {strides = array<i32>} : memref<3x80xi32, #tpu.memory_space<vmem>>, vector<1x16xi32>,
      %get3A_524 = arith.constant 2 : i32
      %get3A_525 = arith.index_cast %get3A_524 : i32 to index
      %get3A_526 = arith.constant 16 : index
      %get3A_527 = tpu.vector_load %arg5[%get3A_525, %get3A_526] {strides = array<i32>} : memref<3x80xi32, #tpu.memory_space<vmem>>, vector<1x16xi32>,
      %get3A_528 = vector.shape_cast %get3A_527 : vector<1x16xi32> to vector<16xi32>
      %and3A_529 = arith.constant 16383 : i32
      %and3A_530 = vector.broadcast %and3A_529 : i32 to vector<16xi32>
      %and3A_531 = arith.andi %get3A_528, %and3A_530 : vector<16xi32>
      %swap3A_532 = arith.constant 2 : i32
      %swap3A_533 = arith.index_cast %swap3A_532 : i32 to index
      %swap3A_534 = arith.constant 16 : index
      %swap3A_535 = tpu.vector_load %arg7[%swap3A_533, %swap3A_534] {strides = array<i32>} : memref<3x80xi32, #tpu.memory_space<vmem>>, vector<1x16xi32>,
      %swap3A_536 = vector.shape_cast %swap3A_535 : vector<1x16xi32> to vector<16xi32>
      %swap3A_537 = vector.shape_cast %and3A_531 : vector<16xi32> to vector<1x16xi32>
      tpu.vector_store %arg7[%swap3A_533, %swap3A_534], %swap3A_537 {strides = array<i32>} : memref<3x80xi32, #tpu.memory_space<vmem>>, vector<1x16xi32>,
      %get3A_538 = arith.constant 2 : i32
      %get3A_539 = arith.index_cast %get3A_538 : i32 to index
      %get3A_540 = arith.constant 32 : index
      %get3A_541 = tpu.vector_load %arg5[%get3A_539, %get3A_540] {strides = array<i32>} : memref<3x80xi32, #tpu.memory_space<vmem>>, vector<1x16xi32>,
      %get3A_542 = vector.shape_cast %get3A_541 : vector<1x16xi32> to vector<16xi32>
      %and3A_543 = arith.constant 16383 : i32
      %and3A_544 = vector.broadcast %and3A_543 : i32 to vector<16xi32>
      %and3A_545 = arith.andi %get3A_542, %and3A_544 : vector<16xi32>
      %swap3A_546 = arith.constant 2 : i32
      %swap3A_547 = arith.index_cast %swap3A_546 : i32 to index
      %swap3A_548 = arith.constant 32 : index
      %swap3A_549 = tpu.vector_load %arg7[%swap3A_547, %swap3A_548] {strides = array<i32>} : memref<3x80xi32, #tpu.memory_space<vmem>>, vector<1x16xi32>,
      %swap3A_550 = vector.shape_cast %swap3A_549 : vector<1x16xi32> to vector<16xi32>
      %swap3A_551 = vector.shape_cast %and3A_545 : vector<16xi32> to vector<1x16xi32>
      tpu.vector_store %arg7[%swap3A_547, %swap3A_548], %swap3A_551 {strides = array<i32>} : memref<3x80xi32, #tpu.memory_space<vmem>>, vector<1x16xi32>,
      %get3A_552 = arith.constant 2 : i32
      %get3A_553 = arith.index_cast %get3A_552 : i32 to index
      %get3A_554 = arith.constant 48 : index
      %get3A_555 = tpu.vector_load %arg5[%get3A_553, %get3A_554] {strides = array<i32>} : memref<3x80xi32, #tpu.memory_space<vmem>>, vector<1x16xi32>,
      %get3A_556 = vector.shape_cast %get3A_555 : vector<1x16xi32> to vector<16xi32>
      %and3A_557 = arith.constant 16383 : i32
      %and3A_558 = vector.broadcast %and3A_557 : i32 to vector<16xi32>
      %and3A_559 = arith.andi %get3A_556, %and3A_558 : vector<16xi32>
      %swap3A_560 = arith.constant 2 : i32
      %swap3A_561 = arith.index_cast %swap3A_560 : i32 to index
      %swap3A_562 = arith.constant 48 : index
      %swap3A_563 = tpu.vector_load %arg7[%swap3A_561, %swap3A_562] {strides = array<i32>} : memref<3x80xi32, #tpu.memory_space<vmem>>, vector<1x16xi32>,
      %swap3A_564 = vector.shape_cast %swap3A_563 : vector<1x16xi32> to vector<16xi32>
      %swap3A_565 = vector.shape_cast %and3A_559 : vector<16xi32> to vector<1x16xi32>
      tpu.vector_store %arg7[%swap3A_561, %swap3A_562], %swap3A_565 {strides = array<i32>} : memref<3x80xi32, #tpu.memory_space<vmem>>, vector<1x16xi32>,
      %get3A_566 = arith.constant 2 : i32
      %get3A_567 = arith.index_cast %get3A_566 : i32 to index
      %get3A_568 = arith.constant 64 : index
      %get3A_569 = tpu.vector_load %arg5[%get3A_567, %get3A_568] {strides = array<i32>} : memref<3x80xi32, #tpu.memory_space<vmem>>, vector<1x16xi32>,
      %get3A_570 = vector.shape_cast %get3A_569 : vector<1x16xi32> to vector<16xi32>
      %and3A_571 = arith.constant 16383 : i32
      %and3A_572 = vector.broadcast %and3A_571 : i32 to vector<16xi32>
      %and3A_573 = arith.andi %get3A_570, %and3A_572 : vector<16xi32>
      %swap3A_574 = arith.constant 2 : i32
      %swap3A_575 = arith.index_cast %swap3A_574 : i32 to index
      %swap3A_576 = arith.constant 64 : index
      %swap3A_577 = tpu.vector_load %arg7[%swap3A_575, %swap3A_576] {strides = array<i32>} : memref<3x80xi32, #tpu.memory_space<vmem>>, vector<1x16xi32>,
      %swap3A_578 = vector.shape_cast %swap3A_577 : vector<1x16xi32> to vector<16xi32>
      %swap3A_579 = vector.shape_cast %and3A_573 : vector<16xi32> to vector<1x16xi32>
      tpu.vector_store %arg7[%swap3A_575, %swap3A_576], %swap3A_579 {strides = array<i32>} : memref<3x80xi32, #tpu.memory_space<vmem>>, vector<1x16xi32>,
      %dma_start3A_580 = arith.constant 2 : i32
      %dma_start3A_581 = arith.constant 0 : i32
      %dma_start3A_582 = tpu.memref_slice %arg6[%dma_start3A_580, %dma_start3A_581] : memref<3x80xi32, #tpu.memory_space<vmem>> -> memref<1x80xi32, #tpu.memory_space<vmem>>
      %dma_start3A_583 = tpu.memref_squeeze %dma_start3A_582 : memref<1x80xi32, #tpu.memory_space<vmem>> -> memref<80xi32, #tpu.memory_space<vmem>>
      %dma_start3A_584 = arith.constant 0 : i32
      %dma_start3A_585 = arith.constant 0 : i32
      %dma_start3A_586 = tpu.memref_slice %arg2[%dma_start3A_584, %dma_start3A_585] : memref<10000x128xf32, #tpu.memory_space<hbm>> -> memref<10000x128xf32, #tpu.memory_space<hbm>>
      tpu.enqueue_indirect_dma source(%dma_start3A_586 : memref<10000x128xf32, #tpu.memory_space<hbm>>) target(%arg10 : memref<80x128xf32, #tpu.memory_space<vmem>>) offsets(%dma_start3A_583 : memref<80xi32, #tpu.memory_space<vmem>>) semaphore(%arg14 : memref<!tpu.dma_semaphore, #tpu.memory_space<semaphore_mem>>)
      %dma_wait3A_587 = arith.constant 0 : i32
      %dma_wait3A_588 = arith.constant 0 : i32
      %dma_wait3A_589 = tpu.memref_slice %arg6[%dma_wait3A_587, %dma_wait3A_588] : memref<3x80xi32, #tpu.memory_space<vmem>> -> memref<1x80xi32, #tpu.memory_space<vmem>>
      %dma_wait3A_590 = tpu.memref_squeeze %dma_wait3A_589 : memref<1x80xi32, #tpu.memory_space<vmem>> -> memref<80xi32, #tpu.memory_space<vmem>>
      %dma_wait3A_591 = arith.constant 0 : i32
      %dma_wait3A_592 = arith.constant 0 : i32
      %dma_wait3A_593 = tpu.memref_slice %arg2[%dma_wait3A_591, %dma_wait3A_592] : memref<10000x128xf32, #tpu.memory_space<hbm>> -> memref<10000x128xf32, #tpu.memory_space<hbm>>
      tpu.wait_indirect_dma semaphore(%arg12 : memref<!tpu.dma_semaphore, #tpu.memory_space<semaphore_mem>>) src(%dma_wait3A_593 : memref<10000x128xf32, #tpu.memory_space<hbm>>) dst(%arg8 : memref<80x128xf32, #tpu.memory_space<vmem>>)
      %dma_start3A_594 = arith.constant 0 : i32
      %dma_start3A_595 = arith.constant 0 : i32
      %dma_start3A_596 = tpu.memref_slice %arg7[%dma_start3A_594, %dma_start3A_595] : memref<3x80xi32, #tpu.memory_space<vmem>> -> memref<1x80xi32, #tpu.memory_space<vmem>>
      %dma_start3A_597 = tpu.memref_squeeze %dma_start3A_596 : memref<1x80xi32, #tpu.memory_space<vmem>> -> memref<80xi32, #tpu.memory_space<vmem>>
      %dma_start3A_598 = arith.constant 0 : i32
      %dma_start3A_599 = arith.constant 0 : i32
      %dma_start3A_600 = tpu.memref_slice %arg11[%dma_start3A_598, %dma_start3A_599] : memref<10000x128xf32, #tpu.memory_space<vmem_shared>> -> memref<10000x128xf32, #tpu.memory_space<vmem_shared>>
      tpu.enqueue_indirect_dma source(%arg8 : memref<80x128xf32, #tpu.memory_space<vmem>>) target(%dma_start3A_600 : memref<10000x128xf32, #tpu.memory_space<vmem_shared>>) offsets(%dma_start3A_597 : memref<80xi32, #tpu.memory_space<vmem>>) semaphore(%arg18 : memref<!tpu.dma_semaphore, #tpu.memory_space<semaphore_mem>>) {add = true}
      %add3A_601 = arith.constant 3 : i32
      %add3A_602 = arith.addi %add3A_428, %add3A_601 : i32
      %le3A = arith.constant 124 : i32
      %le3A_603 = arith.cmpi sle, %add3A_602, %le3A : i32
      %convert_element_type3A_604 = arith.extui %le3A_603 : i1 to i32
      %cond3A_605 = arith.constant 0 : i32
      %cond3A_606 = arith.cmpi ne, %convert_element_type3A_604, %cond3A_605 : i32
      scf.if %cond3A_606 {
        %add3A_984 = arith.constant 3 : i32
        %add3A_985 = arith.addi %add3A_428, %add3A_984 : i32
        %mul3A_986 = arith.constant 80 : i32
        %mul3A_987 = arith.muli %add3A_985, %mul3A_986 : i32
        %add3A_988 = arith.addi %mul3A_2, %mul3A_987 : i32
        %dma_start3A_989 = arith.constant 0 : i32
        %dma_start3A_990 = arith.constant 0 : i32
        %dma_start3A_991 = tpu.memref_slice %arg5[%dma_start3A_989, %dma_start3A_990] : memref<3x80xi32, #tpu.memory_space<vmem>> -> memref<1x80xi32, #tpu.memory_space<vmem>>
        %dma_start3A_992 = tpu.memref_squeeze %dma_start3A_991 : memref<1x80xi32, #tpu.memory_space<vmem>> -> memref<80xi32, #tpu.memory_space<vmem>>
        %dma_start3A_993 = tpu.memref_slice %arg3[%add3A_988] : memref<320000xi32, #tpu.memory_space<hbm>> -> memref<80xi32, #tpu.memory_space<hbm>>
        %dma_start3A_994 = arith.constant 0 : i32
        %dma_start3A_995 = tpu.memref_slice %arg5[%dma_start3A_989, %dma_start3A_994] : memref<3x80xi32, #tpu.memory_space<vmem>> -> memref<1x80xi32, #tpu.memory_space<vmem>>
        %dma_start3A_996 = tpu.memref_squeeze %dma_start3A_995 : memref<1x80xi32, #tpu.memory_space<vmem>> -> memref<80xi32, #tpu.memory_space<vmem>>
        %dma_start3A_997 = tpu.memref_slice %arg3[%add3A_988] : memref<320000xi32, #tpu.memory_space<hbm>> -> memref<80xi32, #tpu.memory_space<hbm>>
        tpu.enqueue_dma source(%dma_start3A_997 : memref<80xi32, #tpu.memory_space<hbm>>) target(%dma_start3A_996 : memref<80xi32, #tpu.memory_space<vmem>>) target_semaphore(%arg15 : memref<!tpu.dma_semaphore, #tpu.memory_space<semaphore_mem>>)
      } else {
      }
      %mul3A_607 = arith.constant 3 : i32
      %mul3A_608 = arith.muli %mul3A_607, %scan3A_423 : i32
      %add3A_609 = arith.constant 1 : i32
      %add3A_610 = arith.addi %mul3A_608, %add3A_609 : i32
      %dma_wait3A_611 = arith.constant 0 : i32
      %dma_wait3A_612 = arith.constant 0 : i32
      %dma_wait3A_613 = tpu.memref_slice %arg5[%dma_wait3A_611, %dma_wait3A_612] : memref<3x80xi32, #tpu.memory_space<vmem>> -> memref<1x80xi32, #tpu.memory_space<vmem>>
      %dma_wait3A_614 = tpu.memref_squeeze %dma_wait3A_613 : memref<1x80xi32, #tpu.memory_space<vmem>> -> memref<80xi32, #tpu.memory_space<vmem>>
      %dma_wait3A_615 = tpu.memref_slice %arg3[%mul3A_2] : memref<320000xi32, #tpu.memory_space<hbm>> -> memref<80xi32, #tpu.memory_space<hbm>>
      %dma_wait3A_616 = arith.constant 0 : i32
      %dma_wait3A_617 = tpu.memref_slice %arg5[%dma_wait3A_611, %dma_wait3A_616] : memref<3x80xi32, #tpu.memory_space<vmem>> -> memref<1x80xi32, #tpu.memory_space<vmem>>
      %dma_wait3A_618 = tpu.memref_squeeze %dma_wait3A_617 : memref<1x80xi32, #tpu.memory_space<vmem>> -> memref<80xi32, #tpu.memory_space<vmem>>
      %dma_wait3A_619 = tpu.memref_slice %arg3[%mul3A_2] : memref<320000xi32, #tpu.memory_space<hbm>> -> memref<80xi32, #tpu.memory_space<hbm>>
      tpu.wait_dma2 semaphore(%arg15 : memref<!tpu.dma_semaphore, #tpu.memory_space<semaphore_mem>>) src(%dma_wait3A_619 : memref<80xi32, #tpu.memory_space<hbm>>) dst(%dma_wait3A_618 : memref<80xi32, #tpu.memory_space<vmem>>)
      %get3A_620 = arith.constant 0 : i32
      %get3A_621 = arith.index_cast %get3A_620 : i32 to index
      %get3A_622 = arith.constant 0 : index
      %get3A_623 = tpu.vector_load %arg5[%get3A_621, %get3A_622] {strides = array<i32>} : memref<3x80xi32, #tpu.memory_space<vmem>>, vector<1x16xi32>,
      %get3A_624 = vector.shape_cast %get3A_623 : vector<1x16xi32> to vector<16xi32>
      %shift_right_logical3A_625 = arith.constant 14 : i32
      %shift_right_logical3A_626 = vector.broadcast %shift_right_logical3A_625 : i32 to vector<16xi32>
      %shift_right_logical3A_627 = arith.shrui %get3A_624, %shift_right_logical3A_626 : vector<16xi32>
      %swap3A_628 = arith.constant 0 : i32
      %swap3A_629 = arith.index_cast %swap3A_628 : i32 to index
      %swap3A_630 = arith.constant 0 : index
      %swap3A_631 = tpu.vector_load %arg6[%swap3A_629, %swap3A_630] {strides = array<i32>} : memref<3x80xi32, #tpu.memory_space<vmem>>, vector<1x16xi32>,
      %swap3A_632 = vector.shape_cast %swap3A_631 : vector<1x16xi32> to vector<16xi32>
      %swap3A_633 = vector.shape_cast %shift_right_logical3A_627 : vector<16xi32> to vector<1x16xi32>
      tpu.vector_store %arg6[%swap3A_629, %swap3A_630], %swap3A_633 {strides = array<i32>} : memref<3x80xi32, #tpu.memory_space<vmem>>, vector<1x16xi32>,
      %get3A_634 = arith.constant 0 : i32
      %get3A_635 = arith.index_cast %get3A_634 : i32 to index
      %get3A_636 = arith.constant 16 : index
      %get3A_637 = tpu.vector_load %arg5[%get3A_635, %get3A_636] {strides = array<i32>} : memref<3x80xi32, #tpu.memory_space<vmem>>, vector<1x16xi32>,
      %get3A_638 = vector.shape_cast %get3A_637 : vector<1x16xi32> to vector<16xi32>
      %shift_right_logical3A_639 = arith.constant 14 : i32
      %shift_right_logical3A_640 = vector.broadcast %shift_right_logical3A_639 : i32 to vector<16xi32>
      %shift_right_logical3A_641 = arith.shrui %get3A_638, %shift_right_logical3A_640 : vector<16xi32>
      %swap3A_642 = arith.constant 0 : i32
      %swap3A_643 = arith.index_cast %swap3A_642 : i32 to index
      %swap3A_644 = arith.constant 16 : index
      %swap3A_645 = tpu.vector_load %arg6[%swap3A_643, %swap3A_644] {strides = array<i32>} : memref<3x80xi32, #tpu.memory_space<vmem>>, vector<1x16xi32>,
      %swap3A_646 = vector.shape_cast %swap3A_645 : vector<1x16xi32> to vector<16xi32>
      %swap3A_647 = vector.shape_cast %shift_right_logical3A_641 : vector<16xi32> to vector<1x16xi32>
      tpu.vector_store %arg6[%swap3A_643, %swap3A_644], %swap3A_647 {strides = array<i32>} : memref<3x80xi32, #tpu.memory_space<vmem>>, vector<1x16xi32>,
      %get3A_648 = arith.constant 0 : i32
      %get3A_649 = arith.index_cast %get3A_648 : i32 to index
      %get3A_650 = arith.constant 32 : index
      %get3A_651 = tpu.vector_load %arg5[%get3A_649, %get3A_650] {strides = array<i32>} : memref<3x80xi32, #tpu.memory_space<vmem>>, vector<1x16xi32>,
      %get3A_652 = vector.shape_cast %get3A_651 : vector<1x16xi32> to vector<16xi32>
      %shift_right_logical3A_653 = arith.constant 14 : i32
      %shift_right_logical3A_654 = vector.broadcast %shift_right_logical3A_653 : i32 to vector<16xi32>
      %shift_right_logical3A_655 = arith.shrui %get3A_652, %shift_right_logical3A_654 : vector<16xi32>
      %swap3A_656 = arith.constant 0 : i32
      %swap3A_657 = arith.index_cast %swap3A_656 : i32 to index
      %swap3A_658 = arith.constant 32 : index
      %swap3A_659 = tpu.vector_load %arg6[%swap3A_657, %swap3A_658] {strides = array<i32>} : memref<3x80xi32, #tpu.memory_space<vmem>>, vector<1x16xi32>,
      %swap3A_660 = vector.shape_cast %swap3A_659 : vector<1x16xi32> to vector<16xi32>
      %swap3A_661 = vector.shape_cast %shift_right_logical3A_655 : vector<16xi32> to vector<1x16xi32>
      tpu.vector_store %arg6[%swap3A_657, %swap3A_658], %swap3A_661 {strides = array<i32>} : memref<3x80xi32, #tpu.memory_space<vmem>>, vector<1x16xi32>,
      %get3A_662 = arith.constant 0 : i32
      %get3A_663 = arith.index_cast %get3A_662 : i32 to index
      %get3A_664 = arith.constant 48 : index
      %get3A_665 = tpu.vector_load %arg5[%get3A_663, %get3A_664] {strides = array<i32>} : memref<3x80xi32, #tpu.memory_space<vmem>>, vector<1x16xi32>,
      %get3A_666 = vector.shape_cast %get3A_665 : vector<1x16xi32> to vector<16xi32>
      %shift_right_logical3A_667 = arith.constant 14 : i32
      %shift_right_logical3A_668 = vector.broadcast %shift_right_logical3A_667 : i32 to vector<16xi32>
      %shift_right_logical3A_669 = arith.shrui %get3A_666, %shift_right_logical3A_668 : vector<16xi32>
      %swap3A_670 = arith.constant 0 : i32
      %swap3A_671 = arith.index_cast %swap3A_670 : i32 to index
      %swap3A_672 = arith.constant 48 : index
      %swap3A_673 = tpu.vector_load %arg6[%swap3A_671, %swap3A_672] {strides = array<i32>} : memref<3x80xi32, #tpu.memory_space<vmem>>, vector<1x16xi32>,
      %swap3A_674 = vector.shape_cast %swap3A_673 : vector<1x16xi32> to vector<16xi32>
      %swap3A_675 = vector.shape_cast %shift_right_logical3A_669 : vector<16xi32> to vector<1x16xi32>
      tpu.vector_store %arg6[%swap3A_671, %swap3A_672], %swap3A_675 {strides = array<i32>} : memref<3x80xi32, #tpu.memory_space<vmem>>, vector<1x16xi32>,
      %get3A_676 = arith.constant 0 : i32
      %get3A_677 = arith.index_cast %get3A_676 : i32 to index
      %get3A_678 = arith.constant 64 : index
      %get3A_679 = tpu.vector_load %arg5[%get3A_677, %get3A_678] {strides = array<i32>} : memref<3x80xi32, #tpu.memory_space<vmem>>, vector<1x16xi32>,
      %get3A_680 = vector.shape_cast %get3A_679 : vector<1x16xi32> to vector<16xi32>
      %shift_right_logical3A_681 = arith.constant 14 : i32
      %shift_right_logical3A_682 = vector.broadcast %shift_right_logical3A_681 : i32 to vector<16xi32>
      %shift_right_logical3A_683 = arith.shrui %get3A_680, %shift_right_logical3A_682 : vector<16xi32>
      %swap3A_684 = arith.constant 0 : i32
      %swap3A_685 = arith.index_cast %swap3A_684 : i32 to index
      %swap3A_686 = arith.constant 64 : index
      %swap3A_687 = tpu.vector_load %arg6[%swap3A_685, %swap3A_686] {strides = array<i32>} : memref<3x80xi32, #tpu.memory_space<vmem>>, vector<1x16xi32>,
      %swap3A_688 = vector.shape_cast %swap3A_687 : vector<1x16xi32> to vector<16xi32>
      %swap3A_689 = vector.shape_cast %shift_right_logical3A_683 : vector<16xi32> to vector<1x16xi32>
      tpu.vector_store %arg6[%swap3A_685, %swap3A_686], %swap3A_689 {strides = array<i32>} : memref<3x80xi32, #tpu.memory_space<vmem>>, vector<1x16xi32>,
      %dma_wait3A_690 = arith.constant 0 : i32
      %dma_wait3A_691 = arith.constant 0 : i32
      %dma_wait3A_692 = tpu.memref_slice %arg7[%dma_wait3A_690, %dma_wait3A_691] : memref<3x80xi32, #tpu.memory_space<vmem>> -> memref<1x80xi32, #tpu.memory_space<vmem>>
      %dma_wait3A_693 = tpu.memref_squeeze %dma_wait3A_692 : memref<1x80xi32, #tpu.memory_space<vmem>> -> memref<80xi32, #tpu.memory_space<vmem>>
      %dma_wait3A_694 = arith.constant 0 : i32
      %dma_wait3A_695 = arith.constant 0 : i32
      %dma_wait3A_696 = tpu.memref_slice %arg11[%dma_wait3A_694, %dma_wait3A_695] : memref<10000x128xf32, #tpu.memory_space<vmem_shared>> -> memref<10000x128xf32, #tpu.memory_space<vmem_shared>>
      tpu.wait_indirect_dma semaphore(%arg18 : memref<!tpu.dma_semaphore, #tpu.memory_space<semaphore_mem>>) src(%arg8 : memref<80x128xf32, #tpu.memory_space<vmem>>) dst(%dma_wait3A_696 : memref<10000x128xf32, #tpu.memory_space<vmem_shared>>)
      %get3A_697 = arith.constant 0 : i32
      %get3A_698 = arith.index_cast %get3A_697 : i32 to index
      %get3A_699 = arith.constant 0 : index
      %get3A_700 = tpu.vector_load %arg5[%get3A_698, %get3A_699] {strides = array<i32>} : memref<3x80xi32, #tpu.memory_space<vmem>>, vector<1x16xi32>,
      %get3A_701 = vector.shape_cast %get3A_700 : vector<1x16xi32> to vector<16xi32>
      %and3A_702 = arith.constant 16383 : i32
      %and3A_703 = vector.broadcast %and3A_702 : i32 to vector<16xi32>
      %and3A_704 = arith.andi %get3A_701, %and3A_703 : vector<16xi32>
      %swap3A_705 = arith.constant 0 : i32
      %swap3A_706 = arith.index_cast %swap3A_705 : i32 to index
      %swap3A_707 = arith.constant 0 : index
      %swap3A_708 = tpu.vector_load %arg7[%swap3A_706, %swap3A_707] {strides = array<i32>} : memref<3x80xi32, #tpu.memory_space<vmem>>, vector<1x16xi32>,
      %swap3A_709 = vector.shape_cast %swap3A_708 : vector<1x16xi32> to vector<16xi32>
      %swap3A_710 = vector.shape_cast %and3A_704 : vector<16xi32> to vector<1x16xi32>
      tpu.vector_store %arg7[%swap3A_706, %swap3A_707], %swap3A_710 {strides = array<i32>} : memref<3x80xi32, #tpu.memory_space<vmem>>, vector<1x16xi32>,
      %get3A_711 = arith.constant 0 : i32
      %get3A_712 = arith.index_cast %get3A_711 : i32 to index
      %get3A_713 = arith.constant 16 : index
      %get3A_714 = tpu.vector_load %arg5[%get3A_712, %get3A_713] {strides = array<i32>} : memref<3x80xi32, #tpu.memory_space<vmem>>, vector<1x16xi32>,
      %get3A_715 = vector.shape_cast %get3A_714 : vector<1x16xi32> to vector<16xi32>
      %and3A_716 = arith.constant 16383 : i32
      %and3A_717 = vector.broadcast %and3A_716 : i32 to vector<16xi32>
      %and3A_718 = arith.andi %get3A_715, %and3A_717 : vector<16xi32>
      %swap3A_719 = arith.constant 0 : i32
      %swap3A_720 = arith.index_cast %swap3A_719 : i32 to index
      %swap3A_721 = arith.constant 16 : index
      %swap3A_722 = tpu.vector_load %arg7[%swap3A_720, %swap3A_721] {strides = array<i32>} : memref<3x80xi32, #tpu.memory_space<vmem>>, vector<1x16xi32>,
      %swap3A_723 = vector.shape_cast %swap3A_722 : vector<1x16xi32> to vector<16xi32>
      %swap3A_724 = vector.shape_cast %and3A_718 : vector<16xi32> to vector<1x16xi32>
      tpu.vector_store %arg7[%swap3A_720, %swap3A_721], %swap3A_724 {strides = array<i32>} : memref<3x80xi32, #tpu.memory_space<vmem>>, vector<1x16xi32>,
      %get3A_725 = arith.constant 0 : i32
      %get3A_726 = arith.index_cast %get3A_725 : i32 to index
      %get3A_727 = arith.constant 32 : index
      %get3A_728 = tpu.vector_load %arg5[%get3A_726, %get3A_727] {strides = array<i32>} : memref<3x80xi32, #tpu.memory_space<vmem>>, vector<1x16xi32>,
      %get3A_729 = vector.shape_cast %get3A_728 : vector<1x16xi32> to vector<16xi32>
      %and3A_730 = arith.constant 16383 : i32
      %and3A_731 = vector.broadcast %and3A_730 : i32 to vector<16xi32>
      %and3A_732 = arith.andi %get3A_729, %and3A_731 : vector<16xi32>
      %swap3A_733 = arith.constant 0 : i32
      %swap3A_734 = arith.index_cast %swap3A_733 : i32 to index
      %swap3A_735 = arith.constant 32 : index
      %swap3A_736 = tpu.vector_load %arg7[%swap3A_734, %swap3A_735] {strides = array<i32>} : memref<3x80xi32, #tpu.memory_space<vmem>>, vector<1x16xi32>,
      %swap3A_737 = vector.shape_cast %swap3A_736 : vector<1x16xi32> to vector<16xi32>
      %swap3A_738 = vector.shape_cast %and3A_732 : vector<16xi32> to vector<1x16xi32>
      tpu.vector_store %arg7[%swap3A_734, %swap3A_735], %swap3A_738 {strides = array<i32>} : memref<3x80xi32, #tpu.memory_space<vmem>>, vector<1x16xi32>,
      %get3A_739 = arith.constant 0 : i32
      %get3A_740 = arith.index_cast %get3A_739 : i32 to index
      %get3A_741 = arith.constant 48 : index
      %get3A_742 = tpu.vector_load %arg5[%get3A_740, %get3A_741] {strides = array<i32>} : memref<3x80xi32, #tpu.memory_space<vmem>>, vector<1x16xi32>,
      %get3A_743 = vector.shape_cast %get3A_742 : vector<1x16xi32> to vector<16xi32>
      %and3A_744 = arith.constant 16383 : i32
      %and3A_745 = vector.broadcast %and3A_744 : i32 to vector<16xi32>
      %and3A_746 = arith.andi %get3A_743, %and3A_745 : vector<16xi32>
      %swap3A_747 = arith.constant 0 : i32
      %swap3A_748 = arith.index_cast %swap3A_747 : i32 to index
      %swap3A_749 = arith.constant 48 : index
      %swap3A_750 = tpu.vector_load %arg7[%swap3A_748, %swap3A_749] {strides = array<i32>} : memref<3x80xi32, #tpu.memory_space<vmem>>, vector<1x16xi32>,
      %swap3A_751 = vector.shape_cast %swap3A_750 : vector<1x16xi32> to vector<16xi32>
      %swap3A_752 = vector.shape_cast %and3A_746 : vector<16xi32> to vector<1x16xi32>
      tpu.vector_store %arg7[%swap3A_748, %swap3A_749], %swap3A_752 {strides = array<i32>} : memref<3x80xi32, #tpu.memory_space<vmem>>, vector<1x16xi32>,
      %get3A_753 = arith.constant 0 : i32
      %get3A_754 = arith.index_cast %get3A_753 : i32 to index
      %get3A_755 = arith.constant 64 : index
      %get3A_756 = tpu.vector_load %arg5[%get3A_754, %get3A_755] {strides = array<i32>} : memref<3x80xi32, #tpu.memory_space<vmem>>, vector<1x16xi32>,
      %get3A_757 = vector.shape_cast %get3A_756 : vector<1x16xi32> to vector<16xi32>
      %and3A_758 = arith.constant 16383 : i32
      %and3A_759 = vector.broadcast %and3A_758 : i32 to vector<16xi32>
      %and3A_760 = arith.andi %get3A_757, %and3A_759 : vector<16xi32>
      %swap3A_761 = arith.constant 0 : i32
      %swap3A_762 = arith.index_cast %swap3A_761 : i32 to index
      %swap3A_763 = arith.constant 64 : index
      %swap3A_764 = tpu.vector_load %arg7[%swap3A_762, %swap3A_763] {strides = array<i32>} : memref<3x80xi32, #tpu.memory_space<vmem>>, vector<1x16xi32>,
      %swap3A_765 = vector.shape_cast %swap3A_764 : vector<1x16xi32> to vector<16xi32>
      %swap3A_766 = vector.shape_cast %and3A_760 : vector<16xi32> to vector<1x16xi32>
      tpu.vector_store %arg7[%swap3A_762, %swap3A_763], %swap3A_766 {strides = array<i32>} : memref<3x80xi32, #tpu.memory_space<vmem>>, vector<1x16xi32>,
      %dma_start3A_767 = arith.constant 0 : i32
      %dma_start3A_768 = arith.constant 0 : i32
      %dma_start3A_769 = tpu.memref_slice %arg6[%dma_start3A_767, %dma_start3A_768] : memref<3x80xi32, #tpu.memory_space<vmem>> -> memref<1x80xi32, #tpu.memory_space<vmem>>
      %dma_start3A_770 = tpu.memref_squeeze %dma_start3A_769 : memref<1x80xi32, #tpu.memory_space<vmem>> -> memref<80xi32, #tpu.memory_space<vmem>>
      %dma_start3A_771 = arith.constant 0 : i32
      %dma_start3A_772 = arith.constant 0 : i32
      %dma_start3A_773 = tpu.memref_slice %arg2[%dma_start3A_771, %dma_start3A_772] : memref<10000x128xf32, #tpu.memory_space<hbm>> -> memref<10000x128xf32, #tpu.memory_space<hbm>>
      tpu.enqueue_indirect_dma source(%dma_start3A_773 : memref<10000x128xf32, #tpu.memory_space<hbm>>) target(%arg8 : memref<80x128xf32, #tpu.memory_space<vmem>>) offsets(%dma_start3A_770 : memref<80xi32, #tpu.memory_space<vmem>>) semaphore(%arg12 : memref<!tpu.dma_semaphore, #tpu.memory_space<semaphore_mem>>)
      %dma_wait3A_774 = arith.constant 1 : i32
      %dma_wait3A_775 = arith.constant 0 : i32
      %dma_wait3A_776 = tpu.memref_slice %arg6[%dma_wait3A_774, %dma_wait3A_775] : memref<3x80xi32, #tpu.memory_space<vmem>> -> memref<1x80xi32, #tpu.memory_space<vmem>>
      %dma_wait3A_777 = tpu.memref_squeeze %dma_wait3A_776 : memref<1x80xi32, #tpu.memory_space<vmem>> -> memref<80xi32, #tpu.memory_space<vmem>>
      %dma_wait3A_778 = arith.constant 0 : i32
      %dma_wait3A_779 = arith.constant 0 : i32
      %dma_wait3A_780 = tpu.memref_slice %arg2[%dma_wait3A_778, %dma_wait3A_779] : memref<10000x128xf32, #tpu.memory_space<hbm>> -> memref<10000x128xf32, #tpu.memory_space<hbm>>
      tpu.wait_indirect_dma semaphore(%arg13 : memref<!tpu.dma_semaphore, #tpu.memory_space<semaphore_mem>>) src(%dma_wait3A_780 : memref<10000x128xf32, #tpu.memory_space<hbm>>) dst(%arg9 : memref<80x128xf32, #tpu.memory_space<vmem>>)
      %dma_start3A_781 = arith.constant 1 : i32
      %dma_start3A_782 = arith.constant 0 : i32
      %dma_start3A_783 = tpu.memref_slice %arg7[%dma_start3A_781, %dma_start3A_782] : memref<3x80xi32, #tpu.memory_space<vmem>> -> memref<1x80xi32, #tpu.memory_space<vmem>>
      %dma_start3A_784 = tpu.memref_squeeze %dma_start3A_783 : memref<1x80xi32, #tpu.memory_space<vmem>> -> memref<80xi32, #tpu.memory_space<vmem>>
      %dma_start3A_785 = arith.constant 0 : i32
      %dma_start3A_786 = arith.constant 0 : i32
      %dma_start3A_787 = tpu.memref_slice %arg11[%dma_start3A_785, %dma_start3A_786] : memref<10000x128xf32, #tpu.memory_space<vmem_shared>> -> memref<10000x128xf32, #tpu.memory_space<vmem_shared>>
      tpu.enqueue_indirect_dma source(%arg9 : memref<80x128xf32, #tpu.memory_space<vmem>>) target(%dma_start3A_787 : memref<10000x128xf32, #tpu.memory_space<vmem_shared>>) offsets(%dma_start3A_784 : memref<80xi32, #tpu.memory_space<vmem>>) semaphore(%arg19 : memref<!tpu.dma_semaphore, #tpu.memory_space<semaphore_mem>>) {add = true}
      %add3A_788 = arith.constant 3 : i32
      %add3A_789 = arith.addi %add3A_610, %add3A_788 : i32
      %le3A_790 = arith.constant 124 : i32
      %le3A_791 = arith.cmpi sle, %add3A_789, %le3A_790 : i32
      %convert_element_type3A_792 = arith.extui %le3A_791 : i1 to i32
      %cond3A_793 = arith.constant 0 : i32
      %cond3A_794 = arith.cmpi ne, %convert_element_type3A_792, %cond3A_793 : i32
      scf.if %cond3A_794 {
        %add3A_984 = arith.constant 3 : i32
        %add3A_985 = arith.addi %add3A_610, %add3A_984 : i32
        %mul3A_986 = arith.constant 80 : i32
        %mul3A_987 = arith.muli %add3A_985, %mul3A_986 : i32
        %add3A_988 = arith.addi %mul3A_2, %mul3A_987 : i32
        %dma_start3A_989 = arith.constant 1 : i32
        %dma_start3A_990 = arith.constant 0 : i32
        %dma_start3A_991 = tpu.memref_slice %arg5[%dma_start3A_989, %dma_start3A_990] : memref<3x80xi32, #tpu.memory_space<vmem>> -> memref<1x80xi32, #tpu.memory_space<vmem>>
        %dma_start3A_992 = tpu.memref_squeeze %dma_start3A_991 : memref<1x80xi32, #tpu.memory_space<vmem>> -> memref<80xi32, #tpu.memory_space<vmem>>
        %dma_start3A_993 = tpu.memref_slice %arg3[%add3A_988] : memref<320000xi32, #tpu.memory_space<hbm>> -> memref<80xi32, #tpu.memory_space<hbm>>
        %dma_start3A_994 = arith.constant 0 : i32
        %dma_start3A_995 = tpu.memref_slice %arg5[%dma_start3A_989, %dma_start3A_994] : memref<3x80xi32, #tpu.memory_space<vmem>> -> memref<1x80xi32, #tpu.memory_space<vmem>>
        %dma_start3A_996 = tpu.memref_squeeze %dma_start3A_995 : memref<1x80xi32, #tpu.memory_space<vmem>> -> memref<80xi32, #tpu.memory_space<vmem>>
        %dma_start3A_997 = tpu.memref_slice %arg3[%add3A_988] : memref<320000xi32, #tpu.memory_space<hbm>> -> memref<80xi32, #tpu.memory_space<hbm>>
        tpu.enqueue_dma source(%dma_start3A_997 : memref<80xi32, #tpu.memory_space<hbm>>) target(%dma_start3A_996 : memref<80xi32, #tpu.memory_space<vmem>>) target_semaphore(%arg16 : memref<!tpu.dma_semaphore, #tpu.memory_space<semaphore_mem>>)
      } else {
      }
      %mul3A_795 = arith.constant 3 : i32
      %mul3A_796 = arith.muli %mul3A_795, %scan3A_423 : i32
      %add3A_797 = arith.constant 2 : i32
      %add3A_798 = arith.addi %mul3A_796, %add3A_797 : i32
      %dma_wait3A_799 = arith.constant 1 : i32
      %dma_wait3A_800 = arith.constant 0 : i32
      %dma_wait3A_801 = tpu.memref_slice %arg5[%dma_wait3A_799, %dma_wait3A_800] : memref<3x80xi32, #tpu.memory_space<vmem>> -> memref<1x80xi32, #tpu.memory_space<vmem>>
      %dma_wait3A_802 = tpu.memref_squeeze %dma_wait3A_801 : memref<1x80xi32, #tpu.memory_space<vmem>> -> memref<80xi32, #tpu.memory_space<vmem>>
      %dma_wait3A_803 = tpu.memref_slice %arg3[%mul3A_2] : memref<320000xi32, #tpu.memory_space<hbm>> -> memref<80xi32, #tpu.memory_space<hbm>>
      %dma_wait3A_804 = arith.constant 0 : i32
      %dma_wait3A_805 = tpu.memref_slice %arg5[%dma_wait3A_799, %dma_wait3A_804] : memref<3x80xi32, #tpu.memory_space<vmem>> -> memref<1x80xi32, #tpu.memory_space<vmem>>
      %dma_wait3A_806 = tpu.memref_squeeze %dma_wait3A_805 : memref<1x80xi32, #tpu.memory_space<vmem>> -> memref<80xi32, #tpu.memory_space<vmem>>
      %dma_wait3A_807 = tpu.memref_slice %arg3[%mul3A_2] : memref<320000xi32, #tpu.memory_space<hbm>> -> memref<80xi32, #tpu.memory_space<hbm>>
      tpu.wait_dma2 semaphore(%arg16 : memref<!tpu.dma_semaphore, #tpu.memory_space<semaphore_mem>>) src(%dma_wait3A_807 : memref<80xi32, #tpu.memory_space<hbm>>) dst(%dma_wait3A_806 : memref<80xi32, #tpu.memory_space<vmem>>)
      %get3A_808 = arith.constant 1 : i32
      %get3A_809 = arith.index_cast %get3A_808 : i32 to index
      %get3A_810 = arith.constant 0 : index
      %get3A_811 = tpu.vector_load %arg5[%get3A_809, %get3A_810] {strides = array<i32>} : memref<3x80xi32, #tpu.memory_space<vmem>>, vector<1x16xi32>,
      %get3A_812 = vector.shape_cast %get3A_811 : vector<1x16xi32> to vector<16xi32>
      %shift_right_logical3A_813 = arith.constant 14 : i32
      %shift_right_logical3A_814 = vector.broadcast %shift_right_logical3A_813 : i32 to vector<16xi32>
      %shift_right_logical3A_815 = arith.shrui %get3A_812, %shift_right_logical3A_814 : vector<16xi32>
      %swap3A_816 = arith.constant 1 : i32
      %swap3A_817 = arith.index_cast %swap3A_816 : i32 to index
      %swap3A_818 = arith.constant 0 : index
      %swap3A_819 = tpu.vector_load %arg6[%swap3A_817, %swap3A_818] {strides = array<i32>} : memref<3x80xi32, #tpu.memory_space<vmem>>, vector<1x16xi32>,
      %swap3A_820 = vector.shape_cast %swap3A_819 : vector<1x16xi32> to vector<16xi32>
      %swap3A_821 = vector.shape_cast %shift_right_logical3A_815 : vector<16xi32> to vector<1x16xi32>
      tpu.vector_store %arg6[%swap3A_817, %swap3A_818], %swap3A_821 {strides = array<i32>} : memref<3x80xi32, #tpu.memory_space<vmem>>, vector<1x16xi32>,
      %get3A_822 = arith.constant 1 : i32
      %get3A_823 = arith.index_cast %get3A_822 : i32 to index
      %get3A_824 = arith.constant 16 : index
      %get3A_825 = tpu.vector_load %arg5[%get3A_823, %get3A_824] {strides = array<i32>} : memref<3x80xi32, #tpu.memory_space<vmem>>, vector<1x16xi32>,
      %get3A_826 = vector.shape_cast %get3A_825 : vector<1x16xi32> to vector<16xi32>
      %shift_right_logical3A_827 = arith.constant 14 : i32
      %shift_right_logical3A_828 = vector.broadcast %shift_right_logical3A_827 : i32 to vector<16xi32>
      %shift_right_logical3A_829 = arith.shrui %get3A_826, %shift_right_logical3A_828 : vector<16xi32>
      %swap3A_830 = arith.constant 1 : i32
      %swap3A_831 = arith.index_cast %swap3A_830 : i32 to index
      %swap3A_832 = arith.constant 16 : index
      %swap3A_833 = tpu.vector_load %arg6[%swap3A_831, %swap3A_832] {strides = array<i32>} : memref<3x80xi32, #tpu.memory_space<vmem>>, vector<1x16xi32>,
      %swap3A_834 = vector.shape_cast %swap3A_833 : vector<1x16xi32> to vector<16xi32>
      %swap3A_835 = vector.shape_cast %shift_right_logical3A_829 : vector<16xi32> to vector<1x16xi32>
      tpu.vector_store %arg6[%swap3A_831, %swap3A_832], %swap3A_835 {strides = array<i32>} : memref<3x80xi32, #tpu.memory_space<vmem>>, vector<1x16xi32>,
      %get3A_836 = arith.constant 1 : i32
      %get3A_837 = arith.index_cast %get3A_836 : i32 to index
      %get3A_838 = arith.constant 32 : index
      %get3A_839 = tpu.vector_load %arg5[%get3A_837, %get3A_838] {strides = array<i32>} : memref<3x80xi32, #tpu.memory_space<vmem>>, vector<1x16xi32>,
      %get3A_840 = vector.shape_cast %get3A_839 : vector<1x16xi32> to vector<16xi32>
      %shift_right_logical3A_841 = arith.constant 14 : i32
      %shift_right_logical3A_842 = vector.broadcast %shift_right_logical3A_841 : i32 to vector<16xi32>
      %shift_right_logical3A_843 = arith.shrui %get3A_840, %shift_right_logical3A_842 : vector<16xi32>
      %swap3A_844 = arith.constant 1 : i32
      %swap3A_845 = arith.index_cast %swap3A_844 : i32 to index
      %swap3A_846 = arith.constant 32 : index
      %swap3A_847 = tpu.vector_load %arg6[%swap3A_845, %swap3A_846] {strides = array<i32>} : memref<3x80xi32, #tpu.memory_space<vmem>>, vector<1x16xi32>,
      %swap3A_848 = vector.shape_cast %swap3A_847 : vector<1x16xi32> to vector<16xi32>
      %swap3A_849 = vector.shape_cast %shift_right_logical3A_843 : vector<16xi32> to vector<1x16xi32>
      tpu.vector_store %arg6[%swap3A_845, %swap3A_846], %swap3A_849 {strides = array<i32>} : memref<3x80xi32, #tpu.memory_space<vmem>>, vector<1x16xi32>,
      %get3A_850 = arith.constant 1 : i32
      %get3A_851 = arith.index_cast %get3A_850 : i32 to index
      %get3A_852 = arith.constant 48 : index
      %get3A_853 = tpu.vector_load %arg5[%get3A_851, %get3A_852] {strides = array<i32>} : memref<3x80xi32, #tpu.memory_space<vmem>>, vector<1x16xi32>,
      %get3A_854 = vector.shape_cast %get3A_853 : vector<1x16xi32> to vector<16xi32>
      %shift_right_logical3A_855 = arith.constant 14 : i32
      %shift_right_logical3A_856 = vector.broadcast %shift_right_logical3A_855 : i32 to vector<16xi32>
      %shift_right_logical3A_857 = arith.shrui %get3A_854, %shift_right_logical3A_856 : vector<16xi32>
      %swap3A_858 = arith.constant 1 : i32
      %swap3A_859 = arith.index_cast %swap3A_858 : i32 to index
      %swap3A_860 = arith.constant 48 : index
      %swap3A_861 = tpu.vector_load %arg6[%swap3A_859, %swap3A_860] {strides = array<i32>} : memref<3x80xi32, #tpu.memory_space<vmem>>, vector<1x16xi32>,
      %swap3A_862 = vector.shape_cast %swap3A_861 : vector<1x16xi32> to vector<16xi32>
      %swap3A_863 = vector.shape_cast %shift_right_logical3A_857 : vector<16xi32> to vector<1x16xi32>
      tpu.vector_store %arg6[%swap3A_859, %swap3A_860], %swap3A_863 {strides = array<i32>} : memref<3x80xi32, #tpu.memory_space<vmem>>, vector<1x16xi32>,
      %get3A_864 = arith.constant 1 : i32
      %get3A_865 = arith.index_cast %get3A_864 : i32 to index
      %get3A_866 = arith.constant 64 : index
      %get3A_867 = tpu.vector_load %arg5[%get3A_865, %get3A_866] {strides = array<i32>} : memref<3x80xi32, #tpu.memory_space<vmem>>, vector<1x16xi32>,
      %get3A_868 = vector.shape_cast %get3A_867 : vector<1x16xi32> to vector<16xi32>
      %shift_right_logical3A_869 = arith.constant 14 : i32
      %shift_right_logical3A_870 = vector.broadcast %shift_right_logical3A_869 : i32 to vector<16xi32>
      %shift_right_logical3A_871 = arith.shrui %get3A_868, %shift_right_logical3A_870 : vector<16xi32>
      %swap3A_872 = arith.constant 1 : i32
      %swap3A_873 = arith.index_cast %swap3A_872 : i32 to index
      %swap3A_874 = arith.constant 64 : index
      %swap3A_875 = tpu.vector_load %arg6[%swap3A_873, %swap3A_874] {strides = array<i32>} : memref<3x80xi32, #tpu.memory_space<vmem>>, vector<1x16xi32>,
      %swap3A_876 = vector.shape_cast %swap3A_875 : vector<1x16xi32> to vector<16xi32>
      %swap3A_877 = vector.shape_cast %shift_right_logical3A_871 : vector<16xi32> to vector<1x16xi32>
      tpu.vector_store %arg6[%swap3A_873, %swap3A_874], %swap3A_877 {strides = array<i32>} : memref<3x80xi32, #tpu.memory_space<vmem>>, vector<1x16xi32>,
      %dma_wait3A_878 = arith.constant 1 : i32
      %dma_wait3A_879 = arith.constant 0 : i32
      %dma_wait3A_880 = tpu.memref_slice %arg7[%dma_wait3A_878, %dma_wait3A_879] : memref<3x80xi32, #tpu.memory_space<vmem>> -> memref<1x80xi32, #tpu.memory_space<vmem>>
      %dma_wait3A_881 = tpu.memref_squeeze %dma_wait3A_880 : memref<1x80xi32, #tpu.memory_space<vmem>> -> memref<80xi32, #tpu.memory_space<vmem>>
      %dma_wait3A_882 = arith.constant 0 : i32
      %dma_wait3A_883 = arith.constant 0 : i32
      %dma_wait3A_884 = tpu.memref_slice %arg11[%dma_wait3A_882, %dma_wait3A_883] : memref<10000x128xf32, #tpu.memory_space<vmem_shared>> -> memref<10000x128xf32, #tpu.memory_space<vmem_shared>>
      tpu.wait_indirect_dma semaphore(%arg19 : memref<!tpu.dma_semaphore, #tpu.memory_space<semaphore_mem>>) src(%arg9 : memref<80x128xf32, #tpu.memory_space<vmem>>) dst(%dma_wait3A_884 : memref<10000x128xf32, #tpu.memory_space<vmem_shared>>)
      %get3A_885 = arith.constant 1 : i32
      %get3A_886 = arith.index_cast %get3A_885 : i32 to index
      %get3A_887 = arith.constant 0 : index
      %get3A_888 = tpu.vector_load %arg5[%get3A_886, %get3A_887] {strides = array<i32>} : memref<3x80xi32, #tpu.memory_space<vmem>>, vector<1x16xi32>,
      %get3A_889 = vector.shape_cast %get3A_888 : vector<1x16xi32> to vector<16xi32>
      %and3A_890 = arith.constant 16383 : i32
      %and3A_891 = vector.broadcast %and3A_890 : i32 to vector<16xi32>
      %and3A_892 = arith.andi %get3A_889, %and3A_891 : vector<16xi32>
      %swap3A_893 = arith.constant 1 : i32
      %swap3A_894 = arith.index_cast %swap3A_893 : i32 to index
      %swap3A_895 = arith.constant 0 : index
      %swap3A_896 = tpu.vector_load %arg7[%swap3A_894, %swap3A_895] {strides = array<i32>} : memref<3x80xi32, #tpu.memory_space<vmem>>, vector<1x16xi32>,
      %swap3A_897 = vector.shape_cast %swap3A_896 : vector<1x16xi32> to vector<16xi32>
      %swap3A_898 = vector.shape_cast %and3A_892 : vector<16xi32> to vector<1x16xi32>
      tpu.vector_store %arg7[%swap3A_894, %swap3A_895], %swap3A_898 {strides = array<i32>} : memref<3x80xi32, #tpu.memory_space<vmem>>, vector<1x16xi32>,
      %get3A_899 = arith.constant 1 : i32
      %get3A_900 = arith.index_cast %get3A_899 : i32 to index
      %get3A_901 = arith.constant 16 : index
      %get3A_902 = tpu.vector_load %arg5[%get3A_900, %get3A_901] {strides = array<i32>} : memref<3x80xi32, #tpu.memory_space<vmem>>, vector<1x16xi32>,
      %get3A_903 = vector.shape_cast %get3A_902 : vector<1x16xi32> to vector<16xi32>
      %and3A_904 = arith.constant 16383 : i32
      %and3A_905 = vector.broadcast %and3A_904 : i32 to vector<16xi32>
      %and3A_906 = arith.andi %get3A_903, %and3A_905 : vector<16xi32>
      %swap3A_907 = arith.constant 1 : i32
      %swap3A_908 = arith.index_cast %swap3A_907 : i32 to index
      %swap3A_909 = arith.constant 16 : index
      %swap3A_910 = tpu.vector_load %arg7[%swap3A_908, %swap3A_909] {strides = array<i32>} : memref<3x80xi32, #tpu.memory_space<vmem>>, vector<1x16xi32>,
      %swap3A_911 = vector.shape_cast %swap3A_910 : vector<1x16xi32> to vector<16xi32>
      %swap3A_912 = vector.shape_cast %and3A_906 : vector<16xi32> to vector<1x16xi32>
      tpu.vector_store %arg7[%swap3A_908, %swap3A_909], %swap3A_912 {strides = array<i32>} : memref<3x80xi32, #tpu.memory_space<vmem>>, vector<1x16xi32>,
      %get3A_913 = arith.constant 1 : i32
      %get3A_914 = arith.index_cast %get3A_913 : i32 to index
      %get3A_915 = arith.constant 32 : index
      %get3A_916 = tpu.vector_load %arg5[%get3A_914, %get3A_915] {strides = array<i32>} : memref<3x80xi32, #tpu.memory_space<vmem>>, vector<1x16xi32>,
      %get3A_917 = vector.shape_cast %get3A_916 : vector<1x16xi32> to vector<16xi32>
      %and3A_918 = arith.constant 16383 : i32
      %and3A_919 = vector.broadcast %and3A_918 : i32 to vector<16xi32>
      %and3A_920 = arith.andi %get3A_917, %and3A_919 : vector<16xi32>
      %swap3A_921 = arith.constant 1 : i32
      %swap3A_922 = arith.index_cast %swap3A_921 : i32 to index
      %swap3A_923 = arith.constant 32 : index
      %swap3A_924 = tpu.vector_load %arg7[%swap3A_922, %swap3A_923] {strides = array<i32>} : memref<3x80xi32, #tpu.memory_space<vmem>>, vector<1x16xi32>,
      %swap3A_925 = vector.shape_cast %swap3A_924 : vector<1x16xi32> to vector<16xi32>
      %swap3A_926 = vector.shape_cast %and3A_920 : vector<16xi32> to vector<1x16xi32>
      tpu.vector_store %arg7[%swap3A_922, %swap3A_923], %swap3A_926 {strides = array<i32>} : memref<3x80xi32, #tpu.memory_space<vmem>>, vector<1x16xi32>,
      %get3A_927 = arith.constant 1 : i32
      %get3A_928 = arith.index_cast %get3A_927 : i32 to index
      %get3A_929 = arith.constant 48 : index
      %get3A_930 = tpu.vector_load %arg5[%get3A_928, %get3A_929] {strides = array<i32>} : memref<3x80xi32, #tpu.memory_space<vmem>>, vector<1x16xi32>,
      %get3A_931 = vector.shape_cast %get3A_930 : vector<1x16xi32> to vector<16xi32>
      %and3A_932 = arith.constant 16383 : i32
      %and3A_933 = vector.broadcast %and3A_932 : i32 to vector<16xi32>
      %and3A_934 = arith.andi %get3A_931, %and3A_933 : vector<16xi32>
      %swap3A_935 = arith.constant 1 : i32
      %swap3A_936 = arith.index_cast %swap3A_935 : i32 to index
      %swap3A_937 = arith.constant 48 : index
      %swap3A_938 = tpu.vector_load %arg7[%swap3A_936, %swap3A_937] {strides = array<i32>} : memref<3x80xi32, #tpu.memory_space<vmem>>, vector<1x16xi32>,
      %swap3A_939 = vector.shape_cast %swap3A_938 : vector<1x16xi32> to vector<16xi32>
      %swap3A_940 = vector.shape_cast %and3A_934 : vector<16xi32> to vector<1x16xi32>
      tpu.vector_store %arg7[%swap3A_936, %swap3A_937], %swap3A_940 {strides = array<i32>} : memref<3x80xi32, #tpu.memory_space<vmem>>, vector<1x16xi32>,
      %get3A_941 = arith.constant 1 : i32
      %get3A_942 = arith.index_cast %get3A_941 : i32 to index
      %get3A_943 = arith.constant 64 : index
      %get3A_944 = tpu.vector_load %arg5[%get3A_942, %get3A_943] {strides = array<i32>} : memref<3x80xi32, #tpu.memory_space<vmem>>, vector<1x16xi32>,
      %get3A_945 = vector.shape_cast %get3A_944 : vector<1x16xi32> to vector<16xi32>
      %and3A_946 = arith.constant 16383 : i32
      %and3A_947 = vector.broadcast %and3A_946 : i32 to vector<16xi32>
      %and3A_948 = arith.andi %get3A_945, %and3A_947 : vector<16xi32>
      %swap3A_949 = arith.constant 1 : i32
      %swap3A_950 = arith.index_cast %swap3A_949 : i32 to index
      %swap3A_951 = arith.constant 64 : index
      %swap3A_952 = tpu.vector_load %arg7[%swap3A_950, %swap3A_951] {strides = array<i32>} : memref<3x80xi32, #tpu.memory_space<vmem>>, vector<1x16xi32>,
      %swap3A_953 = vector.shape_cast %swap3A_952 : vector<1x16xi32> to vector<16xi32>
      %swap3A_954 = vector.shape_cast %and3A_948 : vector<16xi32> to vector<1x16xi32>
      tpu.vector_store %arg7[%swap3A_950, %swap3A_951], %swap3A_954 {strides = array<i32>} : memref<3x80xi32, #tpu.memory_space<vmem>>, vector<1x16xi32>,
      %dma_start3A_955 = arith.constant 1 : i32
      %dma_start3A_956 = arith.constant 0 : i32
      %dma_start3A_957 = tpu.memref_slice %arg6[%dma_start3A_955, %dma_start3A_956] : memref<3x80xi32, #tpu.memory_space<vmem>> -> memref<1x80xi32, #tpu.memory_space<vmem>>
      %dma_start3A_958 = tpu.memref_squeeze %dma_start3A_957 : memref<1x80xi32, #tpu.memory_space<vmem>> -> memref<80xi32, #tpu.memory_space<vmem>>
      %dma_start3A_959 = arith.constant 0 : i32
      %dma_start3A_960 = arith.constant 0 : i32
      %dma_start3A_961 = tpu.memref_slice %arg2[%dma_start3A_959, %dma_start3A_960] : memref<10000x128xf32, #tpu.memory_space<hbm>> -> memref<10000x128xf32, #tpu.memory_space<hbm>>
      tpu.enqueue_indirect_dma source(%dma_start3A_961 : memref<10000x128xf32, #tpu.memory_space<hbm>>) target(%arg9 : memref<80x128xf32, #tpu.memory_space<vmem>>) offsets(%dma_start3A_958 : memref<80xi32, #tpu.memory_space<vmem>>) semaphore(%arg13 : memref<!tpu.dma_semaphore, #tpu.memory_space<semaphore_mem>>)
      %dma_wait3A_962 = arith.constant 2 : i32
      %dma_wait3A_963 = arith.constant 0 : i32
      %dma_wait3A_964 = tpu.memref_slice %arg6[%dma_wait3A_962, %dma_wait3A_963] : memref<3x80xi32, #tpu.memory_space<vmem>> -> memref<1x80xi32, #tpu.memory_space<vmem>>
      %dma_wait3A_965 = tpu.memref_squeeze %dma_wait3A_964 : memref<1x80xi32, #tpu.memory_space<vmem>> -> memref<80xi32, #tpu.memory_space<vmem>>
      %dma_wait3A_966 = arith.constant 0 : i32
      %dma_wait3A_967 = arith.constant 0 : i32
      %dma_wait3A_968 = tpu.memref_slice %arg2[%dma_wait3A_966, %dma_wait3A_967] : memref<10000x128xf32, #tpu.memory_space<hbm>> -> memref<10000x128xf32, #tpu.memory_space<hbm>>
      tpu.wait_indirect_dma semaphore(%arg14 : memref<!tpu.dma_semaphore, #tpu.memory_space<semaphore_mem>>) src(%dma_wait3A_968 : memref<10000x128xf32, #tpu.memory_space<hbm>>) dst(%arg10 : memref<80x128xf32, #tpu.memory_space<vmem>>)
      %dma_start3A_969 = arith.constant 2 : i32
      %dma_start3A_970 = arith.constant 0 : i32
      %dma_start3A_971 = tpu.memref_slice %arg7[%dma_start3A_969, %dma_start3A_970] : memref<3x80xi32, #tpu.memory_space<vmem>> -> memref<1x80xi32, #tpu.memory_space<vmem>>
      %dma_start3A_972 = tpu.memref_squeeze %dma_start3A_971 : memref<1x80xi32, #tpu.memory_space<vmem>> -> memref<80xi32, #tpu.memory_space<vmem>>
      %dma_start3A_973 = arith.constant 0 : i32
      %dma_start3A_974 = arith.constant 0 : i32
      %dma_start3A_975 = tpu.memref_slice %arg11[%dma_start3A_973, %dma_start3A_974] : memref<10000x128xf32, #tpu.memory_space<vmem_shared>> -> memref<10000x128xf32, #tpu.memory_space<vmem_shared>>
      tpu.enqueue_indirect_dma source(%arg10 : memref<80x128xf32, #tpu.memory_space<vmem>>) target(%dma_start3A_975 : memref<10000x128xf32, #tpu.memory_space<vmem_shared>>) offsets(%dma_start3A_972 : memref<80xi32, #tpu.memory_space<vmem>>) semaphore(%arg20 : memref<!tpu.dma_semaphore, #tpu.memory_space<semaphore_mem>>) {add = true}
      %add3A_976 = arith.constant 3 : i32
      %add3A_977 = arith.addi %add3A_798, %add3A_976 : i32
      %le3A_978 = arith.constant 124 : i32
      %le3A_979 = arith.cmpi sle, %add3A_977, %le3A_978 : i32
      %convert_element_type3A_980 = arith.extui %le3A_979 : i1 to i32
      %cond3A_981 = arith.constant 0 : i32
      %cond3A_982 = arith.cmpi ne, %convert_element_type3A_980, %cond3A_981 : i32
      scf.if %cond3A_982 {
        %add3A_984 = arith.constant 3 : i32
        %add3A_985 = arith.addi %add3A_798, %add3A_984 : i32
        %mul3A_986 = arith.constant 80 : i32
        %mul3A_987 = arith.muli %add3A_985, %mul3A_986 : i32
        %add3A_988 = arith.addi %mul3A_2, %mul3A_987 : i32
        %dma_start3A_989 = arith.constant 2 : i32
        %dma_start3A_990 = arith.constant 0 : i32
        %dma_start3A_991 = tpu.memref_slice %arg5[%dma_start3A_989, %dma_start3A_990] : memref<3x80xi32, #tpu.memory_space<vmem>> -> memref<1x80xi32, #tpu.memory_space<vmem>>
        %dma_start3A_992 = tpu.memref_squeeze %dma_start3A_991 : memref<1x80xi32, #tpu.memory_space<vmem>> -> memref<80xi32, #tpu.memory_space<vmem>>
        %dma_start3A_993 = tpu.memref_slice %arg3[%add3A_988] : memref<320000xi32, #tpu.memory_space<hbm>> -> memref<80xi32, #tpu.memory_space<hbm>>
        %dma_start3A_994 = arith.constant 0 : i32
        %dma_start3A_995 = tpu.memref_slice %arg5[%dma_start3A_989, %dma_start3A_994] : memref<3x80xi32, #tpu.memory_space<vmem>> -> memref<1x80xi32, #tpu.memory_space<vmem>>
        %dma_start3A_996 = tpu.memref_squeeze %dma_start3A_995 : memref<1x80xi32, #tpu.memory_space<vmem>> -> memref<80xi32, #tpu.memory_space<vmem>>
        %dma_start3A_997 = tpu.memref_slice %arg3[%add3A_988] : memref<320000xi32, #tpu.memory_space<hbm>> -> memref<80xi32, #tpu.memory_space<hbm>>
        tpu.enqueue_dma source(%dma_start3A_997 : memref<80xi32, #tpu.memory_space<hbm>>) target(%dma_start3A_996 : memref<80xi32, #tpu.memory_space<vmem>>) target_semaphore(%arg17 : memref<!tpu.dma_semaphore, #tpu.memory_space<semaphore_mem>>)
      } else {
      }
      %scan3A_983 = arith.constant 0 : i32
      scf.yield %scan3A_983 : i32
    }
    %scan3A_372 = arith.constant 41 : i32
    %dma_wait3A_373 = arith.constant 0 : i32
    %dma_wait3A_374 = arith.constant 0 : i32
    %dma_wait3A_375 = tpu.memref_slice %arg6[%dma_wait3A_373, %dma_wait3A_374] : memref<3x80xi32, #tpu.memory_space<vmem>> -> memref<1x80xi32, #tpu.memory_space<vmem>>
    %dma_wait3A_376 = tpu.memref_squeeze %dma_wait3A_375 : memref<1x80xi32, #tpu.memory_space<vmem>> -> memref<80xi32, #tpu.memory_space<vmem>>
    %dma_wait3A_377 = arith.constant 0 : i32
    %dma_wait3A_378 = arith.constant 0 : i32
    %dma_wait3A_379 = tpu.memref_slice %arg2[%dma_wait3A_377, %dma_wait3A_378] : memref<10000x128xf32, #tpu.memory_space<hbm>> -> memref<10000x128xf32, #tpu.memory_space<hbm>>
    tpu.wait_indirect_dma semaphore(%arg12 : memref<!tpu.dma_semaphore, #tpu.memory_space<semaphore_mem>>) src(%dma_wait3A_379 : memref<10000x128xf32, #tpu.memory_space<hbm>>) dst(%arg8 : memref<80x128xf32, #tpu.memory_space<vmem>>)
    %dma_start3A_380 = arith.constant 0 : i32
    %dma_start3A_381 = arith.constant 0 : i32
    %dma_start3A_382 = tpu.memref_slice %arg7[%dma_start3A_380, %dma_start3A_381] : memref<3x80xi32, #tpu.memory_space<vmem>> -> memref<1x80xi32, #tpu.memory_space<vmem>>
    %dma_start3A_383 = tpu.memref_squeeze %dma_start3A_382 : memref<1x80xi32, #tpu.memory_space<vmem>> -> memref<80xi32, #tpu.memory_space<vmem>>
    %dma_start3A_384 = arith.constant 0 : i32
    %dma_start3A_385 = arith.constant 0 : i32
    %dma_start3A_386 = tpu.memref_slice %arg11[%dma_start3A_384, %dma_start3A_385] : memref<10000x128xf32, #tpu.memory_space<vmem_shared>> -> memref<10000x128xf32, #tpu.memory_space<vmem_shared>>
    tpu.enqueue_indirect_dma source(%arg8 : memref<80x128xf32, #tpu.memory_space<vmem>>) target(%dma_start3A_386 : memref<10000x128xf32, #tpu.memory_space<vmem_shared>>) offsets(%dma_start3A_383 : memref<80xi32, #tpu.memory_space<vmem>>) semaphore(%arg18 : memref<!tpu.dma_semaphore, #tpu.memory_space<semaphore_mem>>) {add = true}
    %dma_wait3A_387 = arith.constant 1 : i32
    %dma_wait3A_388 = arith.constant 0 : i32
    %dma_wait3A_389 = tpu.memref_slice %arg6[%dma_wait3A_387, %dma_wait3A_388] : memref<3x80xi32, #tpu.memory_space<vmem>> -> memref<1x80xi32, #tpu.memory_space<vmem>>
    %dma_wait3A_390 = tpu.memref_squeeze %dma_wait3A_389 : memref<1x80xi32, #tpu.memory_space<vmem>> -> memref<80xi32, #tpu.memory_space<vmem>>
    %dma_wait3A_391 = arith.constant 0 : i32
    %dma_wait3A_392 = arith.constant 0 : i32
    %dma_wait3A_393 = tpu.memref_slice %arg2[%dma_wait3A_391, %dma_wait3A_392] : memref<10000x128xf32, #tpu.memory_space<hbm>> -> memref<10000x128xf32, #tpu.memory_space<hbm>>
    tpu.wait_indirect_dma semaphore(%arg13 : memref<!tpu.dma_semaphore, #tpu.memory_space<semaphore_mem>>) src(%dma_wait3A_393 : memref<10000x128xf32, #tpu.memory_space<hbm>>) dst(%arg9 : memref<80x128xf32, #tpu.memory_space<vmem>>)
    %dma_start3A_394 = arith.constant 1 : i32
    %dma_start3A_395 = arith.constant 0 : i32
    %dma_start3A_396 = tpu.memref_slice %arg7[%dma_start3A_394, %dma_start3A_395] : memref<3x80xi32, #tpu.memory_space<vmem>> -> memref<1x80xi32, #tpu.memory_space<vmem>>
    %dma_start3A_397 = tpu.memref_squeeze %dma_start3A_396 : memref<1x80xi32, #tpu.memory_space<vmem>> -> memref<80xi32, #tpu.memory_space<vmem>>
    %dma_start3A_398 = arith.constant 0 : i32
    %dma_start3A_399 = arith.constant 0 : i32
    %dma_start3A_400 = tpu.memref_slice %arg11[%dma_start3A_398, %dma_start3A_399] : memref<10000x128xf32, #tpu.memory_space<vmem_shared>> -> memref<10000x128xf32, #tpu.memory_space<vmem_shared>>
    tpu.enqueue_indirect_dma source(%arg9 : memref<80x128xf32, #tpu.memory_space<vmem>>) target(%dma_start3A_400 : memref<10000x128xf32, #tpu.memory_space<vmem_shared>>) offsets(%dma_start3A_397 : memref<80xi32, #tpu.memory_space<vmem>>) semaphore(%arg19 : memref<!tpu.dma_semaphore, #tpu.memory_space<semaphore_mem>>) {add = true}
    %dma_wait3A_401 = arith.constant 0 : i32
    %dma_wait3A_402 = arith.constant 0 : i32
    %dma_wait3A_403 = tpu.memref_slice %arg7[%dma_wait3A_401, %dma_wait3A_402] : memref<3x80xi32, #tpu.memory_space<vmem>> -> memref<1x80xi32, #tpu.memory_space<vmem>>
    %dma_wait3A_404 = tpu.memref_squeeze %dma_wait3A_403 : memref<1x80xi32, #tpu.memory_space<vmem>> -> memref<80xi32, #tpu.memory_space<vmem>>
    %dma_wait3A_405 = arith.constant 0 : i32
    %dma_wait3A_406 = arith.constant 0 : i32
    %dma_wait3A_407 = tpu.memref_slice %arg11[%dma_wait3A_405, %dma_wait3A_406] : memref<10000x128xf32, #tpu.memory_space<vmem_shared>> -> memref<10000x128xf32, #tpu.memory_space<vmem_shared>>
    tpu.wait_indirect_dma semaphore(%arg18 : memref<!tpu.dma_semaphore, #tpu.memory_space<semaphore_mem>>) src(%arg8 : memref<80x128xf32, #tpu.memory_space<vmem>>) dst(%dma_wait3A_407 : memref<10000x128xf32, #tpu.memory_space<vmem_shared>>)
    %dma_wait3A_408 = arith.constant 1 : i32
    %dma_wait3A_409 = arith.constant 0 : i32
    %dma_wait3A_410 = tpu.memref_slice %arg7[%dma_wait3A_408, %dma_wait3A_409] : memref<3x80xi32, #tpu.memory_space<vmem>> -> memref<1x80xi32, #tpu.memory_space<vmem>>
    %dma_wait3A_411 = tpu.memref_squeeze %dma_wait3A_410 : memref<1x80xi32, #tpu.memory_space<vmem>> -> memref<80xi32, #tpu.memory_space<vmem>>
    %dma_wait3A_412 = arith.constant 0 : i32
    %dma_wait3A_413 = arith.constant 0 : i32
    %dma_wait3A_414 = tpu.memref_slice %arg11[%dma_wait3A_412, %dma_wait3A_413] : memref<10000x128xf32, #tpu.memory_space<vmem_shared>> -> memref<10000x128xf32, #tpu.memory_space<vmem_shared>>
    tpu.wait_indirect_dma semaphore(%arg19 : memref<!tpu.dma_semaphore, #tpu.memory_space<semaphore_mem>>) src(%arg9 : memref<80x128xf32, #tpu.memory_space<vmem>>) dst(%dma_wait3A_414 : memref<10000x128xf32, #tpu.memory_space<vmem_shared>>)
    %dma_wait3A_415 = arith.constant 2 : i32
    %dma_wait3A_416 = arith.constant 0 : i32
    %dma_wait3A_417 = tpu.memref_slice %arg7[%dma_wait3A_415, %dma_wait3A_416] : memref<3x80xi32, #tpu.memory_space<vmem>> -> memref<1x80xi32, #tpu.memory_space<vmem>>
    %dma_wait3A_418 = tpu.memref_squeeze %dma_wait3A_417 : memref<1x80xi32, #tpu.memory_space<vmem>> -> memref<80xi32, #tpu.memory_space<vmem>>
    %dma_wait3A_419 = arith.constant 0 : i32
    %dma_wait3A_420 = arith.constant 0 : i32
    %dma_wait3A_421 = tpu.memref_slice %arg11[%dma_wait3A_419, %dma_wait3A_420] : memref<10000x128xf32, #tpu.memory_space<vmem_shared>> -> memref<10000x128xf32, #tpu.memory_space<vmem_shared>>
    tpu.wait_indirect_dma semaphore(%arg20 : memref<!tpu.dma_semaphore, #tpu.memory_space<semaphore_mem>>) src(%arg10 : memref<80x128xf32, #tpu.memory_space<vmem>>) dst(%dma_wait3A_421 : memref<10000x128xf32, #tpu.memory_space<vmem_shared>>)
    %barrier3A_422 = arith.constant 0 : index
    tpu.barrier barrier_id(%barrier3A_422)
    "tpu.region"() ({
      %run_scoped3A = tpu.sem_alloc : memref<!tpu.dma_semaphore, #tpu.memory_space<semaphore_mem>>
      %dma_start3A_423 = arith.constant 0 : i32
      %dma_start3A_424 = arith.constant 0 : i32
      %dma_start3A_425 = tpu.memref_slice %arg4[%arg0, %arg1, %dma_start3A_423, %dma_start3A_424] : memref<2x16x625x128xf32, #tpu.memory_space<hbm>> -> memref<1x1x625x128xf32, #tpu.memory_space<hbm>>
      %dma_start3A_426 = tpu.memref_squeeze %dma_start3A_425 : memref<1x1x625x128xf32, #tpu.memory_space<hbm>> -> memref<625x128xf32, #tpu.memory_space<hbm>>
      %dma_start3A_427 = arith.constant 0 : i32
      %dma_start3A_428 = tpu.memref_slice %arg11[%mul3A_42, %dma_start3A_427] : memref<10000x128xf32, #tpu.memory_space<vmem_shared>> -> memref<625x128xf32, #tpu.memory_space<vmem_shared>>
      tpu.enqueue_dma source(%dma_start3A_428 : memref<625x128xf32, #tpu.memory_space<vmem_shared>>) target(%dma_start3A_426 : memref<625x128xf32, #tpu.memory_space<hbm>>) target_semaphore(%run_scoped3A : memref<!tpu.dma_semaphore, #tpu.memory_space<semaphore_mem>>)
      %dma_wait3A_429 = arith.constant 0 : i32
      %dma_wait3A_430 = arith.constant 0 : i32
      %dma_wait3A_431 = tpu.memref_slice %arg4[%arg0, %arg1, %dma_wait3A_429, %dma_wait3A_430] : memref<2x16x625x128xf32, #tpu.memory_space<hbm>> -> memref<1x1x625x128xf32, #tpu.memory_space<hbm>>
      %dma_wait3A_432 = tpu.memref_squeeze %dma_wait3A_431 : memref<1x1x625x128xf32, #tpu.memory_space<hbm>> -> memref<625x128xf32, #tpu.memory_space<hbm>>
      %dma_wait3A_433 = arith.constant 0 : i32
      %dma_wait3A_434 = tpu.memref_slice %arg11[%mul3A_42, %dma_wait3A_433] : memref<10000x128xf32, #tpu.memory_space<vmem_shared>> -> memref<625x128xf32, #tpu.memory_space<vmem_shared>>
      tpu.wait_dma2 semaphore(%run_scoped3A : memref<!tpu.dma_semaphore, #tpu.memory_space<semaphore_mem>>) src(%dma_wait3A_434 : memref<625x128xf32, #tpu.memory_space<vmem_shared>>) dst(%dma_wait3A_432 : memref<625x128xf32, #tpu.memory_space<hbm>>)
      tpu.yield
    }) : () -> ()
    return
  }
}

#map = affine_map<(d0, d1) -> (0)>
#map1 = affine_map<(d0, d1) -> (0, 0, 0)>
module attributes {stable_mosaic.version = 14 : i64} {
  func.func @_deg_body(%arg0: i32, %arg1: i32, %arg2: memref<320000xi32, #tpu.memory_space<hbm>>, %arg3: memref<2x16x10000xf32, #tpu.memory_space<hbm>>, %arg4: memref<10000xi32, #tpu.memory_space<vmem>>, %arg5: memref<10000xf32, #tpu.memory_space<vmem>>) attributes {dimension_semantics = [#tpu.dimension_semantics<core_parallel>, #tpu.dimension_semantics<subcore_parallel>], iteration_bounds = array<i64: 2, 16>, scalar_prefetch = 0 : i64, scratch_operands = 2 : i64, tpu.core_type = #tpu.core_type<sc_vector_subcore>, window_params = [{transform_indices = #map}, {transform_indices = #map1}]} {
    %mul3A = arith.constant 16 : i32
    %mul3A_0 = arith.muli %arg0, %mul3A : i32
    %add3A = arith.addi %mul3A_0, %arg1 : i32
    %mul3A_1 = arith.constant 10000 : i32
    %mul3A_2 = arith.muli %add3A, %mul3A_1 : i32
    "tpu.region"() ({
      %run_scoped3A = tpu.sem_alloc : memref<!tpu.dma_semaphore, #tpu.memory_space<semaphore_mem>>
      %dma_start3A = tpu.memref_slice %arg2[%mul3A_2] : memref<320000xi32, #tpu.memory_space<hbm>> -> memref<10000xi32, #tpu.memory_space<hbm>>
      %dma_start3A_17 = tpu.memref_slice %arg2[%mul3A_2] : memref<320000xi32, #tpu.memory_space<hbm>> -> memref<10000xi32, #tpu.memory_space<hbm>>
      tpu.enqueue_dma source(%dma_start3A_17 : memref<10000xi32, #tpu.memory_space<hbm>>) target(%arg4 : memref<10000xi32, #tpu.memory_space<vmem>>) target_semaphore(%run_scoped3A : memref<!tpu.dma_semaphore, #tpu.memory_space<semaphore_mem>>)
      %dma_wait3A = tpu.memref_slice %arg2[%mul3A_2] : memref<320000xi32, #tpu.memory_space<hbm>> -> memref<10000xi32, #tpu.memory_space<hbm>>
      %dma_wait3A_18 = tpu.memref_slice %arg2[%mul3A_2] : memref<320000xi32, #tpu.memory_space<hbm>> -> memref<10000xi32, #tpu.memory_space<hbm>>
      tpu.wait_dma2 semaphore(%run_scoped3A : memref<!tpu.dma_semaphore, #tpu.memory_space<semaphore_mem>>) src(%dma_wait3A_18 : memref<10000xi32, #tpu.memory_space<hbm>>) dst(%arg4 : memref<10000xi32, #tpu.memory_space<vmem>>)
      tpu.yield
    }) : () -> ()
    %scan3A = arith.constant 0 : i32
    %scan3A_3 = arith.constant 0 : i32
    %scan3A_4 = arith.constant 625 : i32
    %scan3A_5 = arith.addi %scan3A_3, %scan3A_4 : i32
    %scan3A_6 = arith.constant 1 : i32
    %scan3A_7 = scf.for %scan3A_17 = %scan3A_3 to %scan3A_5 step %scan3A_6 iter_args(%scan3A_18 = %scan3A) -> (i32)  : i32 {
      %broadcast_in_dim3A_19 = arith.constant 0.000000e+00 : f32
      %broadcast_in_dim3A_20 = vector.broadcast %broadcast_in_dim3A_19 : f32 to vector<16xf32>
      %mul3A_21 = arith.constant 16 : i32
      %mul3A_22 = arith.muli %scan3A_17, %mul3A_21 : i32
      %swap3A = arith.index_cast %mul3A_22 : i32 to index
      %swap3A_23 = tpu.vector_load %arg5[%swap3A] {strides = array<i32>} : memref<10000xf32, #tpu.memory_space<vmem>>, vector<16xf32>,
      tpu.vector_store %arg5[%swap3A], %broadcast_in_dim3A_20 {strides = array<i32>} : memref<10000xf32, #tpu.memory_space<vmem>>, vector<16xf32>,
      %scan3A_24 = arith.constant 0 : i32
      scf.yield %scan3A_24 : i32
    }
    %scan3A_8 = arith.constant 625 : i32
    %broadcast_in_dim3A = arith.constant 1.000000e+00 : f32
    %broadcast_in_dim3A_9 = vector.broadcast %broadcast_in_dim3A : f32 to vector<16xf32>
    %scan3A_10 = arith.constant 0 : i32
    %scan3A_11 = arith.constant 0 : i32
    %scan3A_12 = arith.constant 625 : i32
    %scan3A_13 = arith.addi %scan3A_11, %scan3A_12 : i32
    %scan3A_14 = arith.constant 1 : i32
    %scan3A_15 = scf.for %scan3A_17 = %scan3A_11 to %scan3A_13 step %scan3A_14 iter_args(%scan3A_18 = %scan3A_10) -> (i32)  : i32 {
      %mul3A_19 = arith.constant 16 : i32
      %mul3A_20 = arith.muli %scan3A_17, %mul3A_19 : i32
      %get3A = arith.index_cast %mul3A_20 : i32 to index
      %get3A_21 = tpu.vector_load %arg4[%get3A] {strides = array<i32>} : memref<10000xi32, #tpu.memory_space<vmem>>, vector<16xi32>,
      tpu.vector_store_idx %arg5[%get3A_21], %broadcast_in_dim3A_9 {add = true} : memref<10000xf32, #tpu.memory_space<vmem>>[vector<16xi32>], vector<16xf32>,
      %scan3A_22 = arith.constant 0 : i32
      scf.yield %scan3A_22 : i32
    }
    %scan3A_16 = arith.constant 625 : i32
    "tpu.region"() ({
      %run_scoped3A = tpu.sem_alloc : memref<!tpu.dma_semaphore, #tpu.memory_space<semaphore_mem>>
      %dma_start3A = arith.constant 0 : i32
      %dma_start3A_17 = tpu.memref_slice %arg3[%arg0, %arg1, %dma_start3A] : memref<2x16x10000xf32, #tpu.memory_space<hbm>> -> memref<1x1x10000xf32, #tpu.memory_space<hbm>>
      %dma_start3A_18 = tpu.memref_squeeze %dma_start3A_17 : memref<1x1x10000xf32, #tpu.memory_space<hbm>> -> memref<10000xf32, #tpu.memory_space<hbm>>
      %dma_start3A_19 = arith.constant 0 : i32
      %dma_start3A_20 = tpu.memref_slice %arg3[%arg0, %arg1, %dma_start3A_19] : memref<2x16x10000xf32, #tpu.memory_space<hbm>> -> memref<1x1x10000xf32, #tpu.memory_space<hbm>>
      %dma_start3A_21 = tpu.memref_squeeze %dma_start3A_20 : memref<1x1x10000xf32, #tpu.memory_space<hbm>> -> memref<10000xf32, #tpu.memory_space<hbm>>
      tpu.enqueue_dma source(%arg5 : memref<10000xf32, #tpu.memory_space<vmem>>) target(%dma_start3A_21 : memref<10000xf32, #tpu.memory_space<hbm>>) target_semaphore(%run_scoped3A : memref<!tpu.dma_semaphore, #tpu.memory_space<semaphore_mem>>)
      %dma_wait3A = arith.constant 0 : i32
      %dma_wait3A_22 = tpu.memref_slice %arg3[%arg0, %arg1, %dma_wait3A] : memref<2x16x10000xf32, #tpu.memory_space<hbm>> -> memref<1x1x10000xf32, #tpu.memory_space<hbm>>
      %dma_wait3A_23 = tpu.memref_squeeze %dma_wait3A_22 : memref<1x1x10000xf32, #tpu.memory_space<hbm>> -> memref<10000xf32, #tpu.memory_space<hbm>>
      %dma_wait3A_24 = arith.constant 0 : i32
      %dma_wait3A_25 = tpu.memref_slice %arg3[%arg0, %arg1, %dma_wait3A_24] : memref<2x16x10000xf32, #tpu.memory_space<hbm>> -> memref<1x1x10000xf32, #tpu.memory_space<hbm>>
      %dma_wait3A_26 = tpu.memref_squeeze %dma_wait3A_25 : memref<1x1x10000xf32, #tpu.memory_space<hbm>> -> memref<10000xf32, #tpu.memory_space<hbm>>
      tpu.wait_dma2 semaphore(%run_scoped3A : memref<!tpu.dma_semaphore, #tpu.memory_space<semaphore_mem>>) src(%arg5 : memref<10000xf32, #tpu.memory_space<vmem>>) dst(%dma_wait3A_26 : memref<10000xf32, #tpu.memory_space<hbm>>)
      tpu.yield
    }) : () -> ()
    return
  }
}

#map = affine_map<(d0, d1) -> (0, 0)>
#map1 = affine_map<(d0, d1) -> (0)>
#map2 = affine_map<(d0, d1) -> (0, 0, 0, 0)>
module attributes {stable_mosaic.version = 14 : i64} {
  func.func @_agg_body(%arg0: i32, %arg1: i32, %arg2: memref<10000x128xf32, #tpu.memory_space<hbm>>, %arg3: memref<320000xi32, #tpu.memory_space<hbm>>, %arg4: memref<2x16x625x128xf32, #tpu.memory_space<hbm>>, %arg5: memref<3x80xi32, #tpu.memory_space<vmem>>, %arg6: memref<3x80xi32, #tpu.memory_space<vmem>>, %arg7: memref<3x80xi32, #tpu.memory_space<vmem>>, %arg8: memref<80x128xf32, #tpu.memory_space<vmem>>, %arg9: memref<80x128xf32, #tpu.memory_space<vmem>>, %arg10: memref<80x128xf32, #tpu.memory_space<vmem>>, %arg11: memref<10000x128xf32, #tpu.memory_space<vmem_shared>>, %arg12: memref<!tpu.dma_semaphore, #tpu.memory_space<semaphore_mem>>, %arg13: memref<!tpu.dma_semaphore, #tpu.memory_space<semaphore_mem>>, %arg14: memref<!tpu.dma_semaphore, #tpu.memory_space<semaphore_mem>>, %arg15: memref<!tpu.dma_semaphore, #tpu.memory_space<semaphore_mem>>, %arg16: memref<!tpu.dma_semaphore, #tpu.memory_space<semaphore_mem>>, %arg17: memref<!tpu.dma_semaphore, #tpu.memory_space<semaphore_mem>>, %arg18: memref<!tpu.dma_semaphore, #tpu.memory_space<semaphore_mem>>, %arg19: memref<!tpu.dma_semaphore, #tpu.memory_space<semaphore_mem>>, %arg20: memref<!tpu.dma_semaphore, #tpu.memory_space<semaphore_mem>>) attributes {dimension_semantics = [#tpu.dimension_semantics<core_parallel>, #tpu.dimension_semantics<subcore_parallel>], iteration_bounds = array<i64: 2, 16>, scalar_prefetch = 0 : i64, scratch_operands = 16 : i64, tpu.core_type = #tpu.core_type<sc_vector_subcore>, window_params = [{transform_indices = #map}, {transform_indices = #map1}, {transform_indices = #map2}]} {
    %mul3A = arith.constant 16 : i32
    %mul3A_0 = arith.muli %arg0, %mul3A : i32
    %add3A = arith.addi %mul3A_0, %arg1 : i32
    %mul3A_1 = arith.constant 10000 : i32
    %mul3A_2 = arith.muli %add3A, %mul3A_1 : i32
    %add3A_3 = arith.constant 0 : i32
    %add3A_4 = arith.addi %mul3A_2, %add3A_3 : i32
    %dma_start3A = arith.constant 0 : i32
    %dma_start3A_5 = arith.constant 0 : i32
    %dma_start3A_6 = tpu.memref_slice %arg5[%dma_start3A, %dma_start3A_5] : memref<3x80xi32, #tpu.memory_space<vmem>> -> memref<1x80xi32, #tpu.memory_space<vmem>>
    %dma_start3A_7 = tpu.memref_squeeze %dma_start3A_6 : memref<1x80xi32, #tpu.memory_space<vmem>> -> memref<80xi32, #tpu.memory_space<vmem>>
    %dma_start3A_8 = tpu.memref_slice %arg3[%add3A_4] : memref<320000xi32, #tpu.memory_space<hbm>> -> memref<80xi32, #tpu.memory_space<hbm>>
    %dma_start3A_9 = arith.constant 0 : i32
    %dma_start3A_10 = tpu.memref_slice %arg5[%dma_start3A, %dma_start3A_9] : memref<3x80xi32, #tpu.memory_space<vmem>> -> memref<1x80xi32, #tpu.memory_space<vmem>>
    %dma_start3A_11 = tpu.memref_squeeze %dma_start3A_10 : memref<1x80xi32, #tpu.memory_space<vmem>> -> memref<80xi32, #tpu.memory_space<vmem>>
    %dma_start3A_12 = tpu.memref_slice %arg3[%add3A_4] : memref<320000xi32, #tpu.memory_space<hbm>> -> memref<80xi32, #tpu.memory_space<hbm>>
    tpu.enqueue_dma source(%dma_start3A_12 : memref<80xi32, #tpu.memory_space<hbm>>) target(%dma_start3A_11 : memref<80xi32, #tpu.memory_space<vmem>>) target_semaphore(%arg15 : memref<!tpu.dma_semaphore, #tpu.memory_space<semaphore_mem>>)
    %add3A_13 = arith.constant 80 : i32
    %add3A_14 = arith.addi %mul3A_2, %add3A_13 : i32
    %dma_start3A_15 = arith.constant 1 : i32
    %dma_start3A_16 = arith.constant 0 : i32
    %dma_start3A_17 = tpu.memref_slice %arg5[%dma_start3A_15, %dma_start3A_16] : memref<3x80xi32, #tpu.memory_space<vmem>> -> memref<1x80xi32, #tpu.memory_space<vmem>>
    %dma_start3A_18 = tpu.memref_squeeze %dma_start3A_17 : memref<1x80xi32, #tpu.memory_space<vmem>> -> memref<80xi32, #tpu.memory_space<vmem>>
    %dma_start3A_19 = tpu.memref_slice %arg3[%add3A_14] : memref<320000xi32, #tpu.memory_space<hbm>> -> memref<80xi32, #tpu.memory_space<hbm>>
    %dma_start3A_20 = arith.constant 0 : i32
    %dma_start3A_21 = tpu.memref_slice %arg5[%dma_start3A_15, %dma_start3A_20] : memref<3x80xi32, #tpu.memory_space<vmem>> -> memref<1x80xi32, #tpu.memory_space<vmem>>
    %dma_start3A_22 = tpu.memref_squeeze %dma_start3A_21 : memref<1x80xi32, #tpu.memory_space<vmem>> -> memref<80xi32, #tpu.memory_space<vmem>>
    %dma_start3A_23 = tpu.memref_slice %arg3[%add3A_14] : memref<320000xi32, #tpu.memory_space<hbm>> -> memref<80xi32, #tpu.memory_space<hbm>>
    tpu.enqueue_dma source(%dma_start3A_23 : memref<80xi32, #tpu.memory_space<hbm>>) target(%dma_start3A_22 : memref<80xi32, #tpu.memory_space<vmem>>) target_semaphore(%arg16 : memref<!tpu.dma_semaphore, #tpu.memory_space<semaphore_mem>>)
    %add3A_24 = arith.constant 160 : i32
    %add3A_25 = arith.addi %mul3A_2, %add3A_24 : i32
    %dma_start3A_26 = arith.constant 2 : i32
    %dma_start3A_27 = arith.constant 0 : i32
    %dma_start3A_28 = tpu.memref_slice %arg5[%dma_start3A_26, %dma_start3A_27] : memref<3x80xi32, #tpu.memory_space<vmem>> -> memref<1x80xi32, #tpu.memory_space<vmem>>
    %dma_start3A_29 = tpu.memref_squeeze %dma_start3A_28 : memref<1x80xi32, #tpu.memory_space<vmem>> -> memref<80xi32, #tpu.memory_space<vmem>>
    %dma_start3A_30 = tpu.memref_slice %arg3[%add3A_25] : memref<320000xi32, #tpu.memory_space<hbm>> -> memref<80xi32, #tpu.memory_space<hbm>>
    %dma_start3A_31 = arith.constant 0 : i32
    %dma_start3A_32 = tpu.memref_slice %arg5[%dma_start3A_26, %dma_start3A_31] : memref<3x80xi32, #tpu.memory_space<vmem>> -> memref<1x80xi32, #tpu.memory_space<vmem>>
    %dma_start3A_33 = tpu.memref_squeeze %dma_start3A_32 : memref<1x80xi32, #tpu.memory_space<vmem>> -> memref<80xi32, #tpu.memory_space<vmem>>
    %dma_start3A_34 = tpu.memref_slice %arg3[%add3A_25] : memref<320000xi32, #tpu.memory_space<hbm>> -> memref<80xi32, #tpu.memory_space<hbm>>
    tpu.enqueue_dma source(%dma_start3A_34 : memref<80xi32, #tpu.memory_space<hbm>>) target(%dma_start3A_33 : memref<80xi32, #tpu.memory_space<vmem>>) target_semaphore(%arg17 : memref<!tpu.dma_semaphore, #tpu.memory_space<semaphore_mem>>)
    %scan3A = arith.constant 0 : i32
    %scan3A_35 = arith.constant 0 : i32
    %scan3A_36 = arith.constant 640 : i32
    %scan3A_37 = arith.addi %scan3A_35, %scan3A_36 : i32
    %scan3A_38 = arith.constant 1 : i32
    %scan3A_39 = scf.for %scan3A_423 = %scan3A_35 to %scan3A_37 step %scan3A_38 iter_args(%scan3A_424 = %scan3A) -> (i32)  : i32 {
      %jit3A = arith.constant 8 : i32
      %div3A = arith.divsi %scan3A_423, %jit3A : i32
      %sign3A = arith.constant 0 : i32
      %sign3A_425 = arith.cmpi sgt, %scan3A_423, %sign3A : i32
      %sign3A_426 = arith.extui %sign3A_425 : i1 to i32
      %sign3A_427 = arith.constant 0 : i32
      %sign3A_428 = arith.cmpi slt, %scan3A_423, %sign3A_427 : i32
      %sign3A_429 = arith.extui %sign3A_428 : i1 to i32
      %sign3A_430 = arith.subi %sign3A_426, %sign3A_429 : i32
      %sign3A_431 = arith.constant 0 : i32
      %sign3A_432 = arith.cmpi sgt, %jit3A, %sign3A_431 : i32
      %sign3A_433 = arith.extui %sign3A_432 : i1 to i32
      %sign3A_434 = arith.constant 0 : i32
      %sign3A_435 = arith.cmpi slt, %jit3A, %sign3A_434 : i32
      %sign3A_436 = arith.extui %sign3A_435 : i1 to i32
      %sign3A_437 = arith.subi %sign3A_433, %sign3A_436 : i32
      %ne3A = arith.cmpi ne, %sign3A_430, %sign3A_437 : i32
      %rem3A = arith.remsi %scan3A_423, %jit3A : i32
      %ne3A_438 = arith.constant 0 : i32
      %ne3A_439 = arith.cmpi ne, %rem3A, %ne3A_438 : i32
      %and3A_440 = arith.andi %ne3A, %ne3A_439 : i1
      %sub3A = arith.constant 1 : i32
      %sub3A_441 = arith.subi %div3A, %sub3A : i32
      %select_n3A = arith.select %and3A_440, %sub3A_441, %div3A : i32
      %jit3A_442 = arith.constant 8 : i32
      %eq3A = arith.constant 0 : i32
      %eq3A_443 = arith.cmpi eq, %jit3A_442, %eq3A : i32
      %jit3A_444 = arith.constant 1 : i32
      %select_n3A_445 = arith.select %eq3A_443, %jit3A_444, %jit3A_442 : i32
      %rem3A_446 = arith.remsi %scan3A_423, %select_n3A_445 : i32
      %ne3A_447 = arith.constant 0 : i32
      %ne3A_448 = arith.cmpi ne, %rem3A_446, %ne3A_447 : i32
      %lt3A = arith.constant 0 : i32
      %lt3A_449 = arith.cmpi slt, %rem3A_446, %lt3A : i32
      %lt3A_450 = arith.constant 0 : i32
      %lt3A_451 = arith.cmpi slt, %select_n3A_445, %lt3A_450 : i32
      %ne3A_452 = arith.xori %lt3A_449, %lt3A_451 : i1
      %and3A_453 = arith.andi %ne3A_452, %ne3A_448 : i1
      %add3A_454 = arith.addi %rem3A_446, %select_n3A_445 : i32
      %select_n3A_455 = arith.select %and3A_453, %add3A_454, %rem3A_446 : i32
      %broadcast_in_dim3A = arith.constant 0.000000e+00 : f32
      %broadcast_in_dim3A_456 = vector.broadcast %broadcast_in_dim3A : f32 to vector<16xf32>
      %mul3A_457 = arith.constant 16 : i32
      %mul3A_458 = arith.muli %select_n3A_455, %mul3A_457 : i32
      %swap3A_459 = arith.index_cast %select_n3A : i32 to index
      %swap3A_460 = arith.index_cast %mul3A_458 : i32 to index
      %swap3A_461 = tpu.vector_load %arg8[%swap3A_459, %swap3A_460] {strides = array<i32>} : memref<80x128xf32, #tpu.memory_space<vmem>>, vector<1x16xf32>,
      %swap3A_462 = vector.shape_cast %swap3A_461 : vector<1x16xf32> to vector<16xf32>
      %swap3A_463 = vector.shape_cast %broadcast_in_dim3A_456 : vector<16xf32> to vector<1x16xf32>
      tpu.vector_store %arg8[%swap3A_459, %swap3A_460], %swap3A_463 {strides = array<i32>} : memref<80x128xf32, #tpu.memory_space<vmem>>, vector<1x16xf32>,
      %scan3A_464 = arith.constant 0 : i32
      scf.yield %scan3A_464 : i32
    }
    %scan3A_40 = arith.constant 640 : i32
    %mul3A_41 = arith.constant 625 : i32
    %mul3A_42 = arith.muli %arg1, %mul3A_41 : i32
    %add3A_43 = arith.constant 0 : i32
    %add3A_44 = arith.addi %mul3A_42, %add3A_43 : i32
    "tpu.region"() ({
      %run_scoped3A = tpu.sem_alloc : memref<!tpu.dma_semaphore, #tpu.memory_space<semaphore_mem>>
      %dma_start3A_423 = arith.constant 0 : i32
      %dma_start3A_424 = tpu.memref_slice %arg11[%add3A_44, %dma_start3A_423] : memref<10000x128xf32, #tpu.memory_space<vmem_shared>> -> memref<80x128xf32, #tpu.memory_space<vmem_shared>>
      %dma_start3A_425 = arith.constant 0 : i32
      %dma_start3A_426 = tpu.memref_slice %arg11[%add3A_44, %dma_start3A_425] : memref<10000x128xf32, #tpu.memory_space<vmem_shared>> -> memref<80x128xf32, #tpu.memory_space<vmem_shared>>
      tpu.enqueue_dma source(%arg8 : memref<80x128xf32, #tpu.memory_space<vmem>>) target(%dma_start3A_426 : memref<80x128xf32, #tpu.memory_space<vmem_shared>>) target_semaphore(%run_scoped3A : memref<!tpu.dma_semaphore, #tpu.memory_space<semaphore_mem>>)
      %dma_wait3A_427 = arith.constant 0 : i32
      %dma_wait3A_428 = tpu.memref_slice %arg11[%add3A_44, %dma_wait3A_427] : memref<10000x128xf32, #tpu.memory_space<vmem_shared>> -> memref<80x128xf32, #tpu.memory_space<vmem_shared>>
      %dma_wait3A_429 = arith.constant 0 : i32
      %dma_wait3A_430 = tpu.memref_slice %arg11[%add3A_44, %dma_wait3A_429] : memref<10000x128xf32, #tpu.memory_space<vmem_shared>> -> memref<80x128xf32, #tpu.memory_space<vmem_shared>>
      tpu.wait_dma2 semaphore(%run_scoped3A : memref<!tpu.dma_semaphore, #tpu.memory_space<semaphore_mem>>) src(%arg8 : memref<80x128xf32, #tpu.memory_space<vmem>>) dst(%dma_wait3A_430 : memref<80x128xf32, #tpu.memory_space<vmem_shared>>)
      tpu.yield
    }) : () -> ()
    %add3A_45 = arith.constant 80 : i32
    %add3A_46 = arith.addi %mul3A_42, %add3A_45 : i32
    "tpu.region"() ({
      %run_scoped3A = tpu.sem_alloc : memref<!tpu.dma_semaphore, #tpu.memory_space<semaphore_mem>>
      %dma_start3A_423 = arith.constant 0 : i32
      %dma_start3A_424 = tpu.memref_slice %arg11[%add3A_46, %dma_start3A_423] : memref<10000x128xf32, #tpu.memory_space<vmem_shared>> -> memref<80x128xf32, #tpu.memory_space<vmem_shared>>
      %dma_start3A_425 = arith.constant 0 : i32
      %dma_start3A_426 = tpu.memref_slice %arg11[%add3A_46, %dma_start3A_425] : memref<10000x128xf32, #tpu.memory_space<vmem_shared>> -> memref<80x128xf32, #tpu.memory_space<vmem_shared>>
      tpu.enqueue_dma source(%arg8 : memref<80x128xf32, #tpu.memory_space<vmem>>) target(%dma_start3A_426 : memref<80x128xf32, #tpu.memory_space<vmem_shared>>) target_semaphore(%run_scoped3A : memref<!tpu.dma_semaphore, #tpu.memory_space<semaphore_mem>>)
      %dma_wait3A_427 = arith.constant 0 : i32
      %dma_wait3A_428 = tpu.memref_slice %arg11[%add3A_46, %dma_wait3A_427] : memref<10000x128xf32, #tpu.memory_space<vmem_shared>> -> memref<80x128xf32, #tpu.memory_space<vmem_shared>>
      %dma_wait3A_429 = arith.constant 0 : i32
      %dma_wait3A_430 = tpu.memref_slice %arg11[%add3A_46, %dma_wait3A_429] : memref<10000x128xf32, #tpu.memory_space<vmem_shared>> -> memref<80x128xf32, #tpu.memory_space<vmem_shared>>
      tpu.wait_dma2 semaphore(%run_scoped3A : memref<!tpu.dma_semaphore, #tpu.memory_space<semaphore_mem>>) src(%arg8 : memref<80x128xf32, #tpu.memory_space<vmem>>) dst(%dma_wait3A_430 : memref<80x128xf32, #tpu.memory_space<vmem_shared>>)
      tpu.yield
    }) : () -> ()
    %add3A_47 = arith.constant 160 : i32
    %add3A_48 = arith.addi %mul3A_42, %add3A_47 : i32
    "tpu.region"() ({
      %run_scoped3A = tpu.sem_alloc : memref<!tpu.dma_semaphore, #tpu.memory_space<semaphore_mem>>
      %dma_start3A_423 = arith.constant 0 : i32
      %dma_start3A_424 = tpu.memref_slice %arg11[%add3A_48, %dma_start3A_423] : memref<10000x128xf32, #tpu.memory_space<vmem_shared>> -> memref<80x128xf32, #tpu.memory_space<vmem_shared>>
      %dma_start3A_425 = arith.constant 0 : i32
      %dma_start3A_426 = tpu.memref_slice %arg11[%add3A_48, %dma_start3A_425] : memref<10000x128xf32, #tpu.memory_space<vmem_shared>> -> memref<80x128xf32, #tpu.memory_space<vmem_shared>>
      tpu.enqueue_dma source(%arg8 : memref<80x128xf32, #tpu.memory_space<vmem>>) target(%dma_start3A_426 : memref<80x128xf32, #tpu.memory_space<vmem_shared>>) target_semaphore(%run_scoped3A : memref<!tpu.dma_semaphore, #tpu.memory_space<semaphore_mem>>)
      %dma_wait3A_427 = arith.constant 0 : i32
      %dma_wait3A_428 = tpu.memref_slice %arg11[%add3A_48, %dma_wait3A_427] : memref<10000x128xf32, #tpu.memory_space<vmem_shared>> -> memref<80x128xf32, #tpu.memory_space<vmem_shared>>
      %dma_wait3A_429 = arith.constant 0 : i32
      %dma_wait3A_430 = tpu.memref_slice %arg11[%add3A_48, %dma_wait3A_429] : memref<10000x128xf32, #tpu.memory_space<vmem_shared>> -> memref<80x128xf32, #tpu.memory_space<vmem_shared>>
      tpu.wait_dma2 semaphore(%run_scoped3A : memref<!tpu.dma_semaphore, #tpu.memory_space<semaphore_mem>>) src(%arg8 : memref<80x128xf32, #tpu.memory_space<vmem>>) dst(%dma_wait3A_430 : memref<80x128xf32, #tpu.memory_space<vmem_shared>>)
      tpu.yield
    }) : () -> ()
    %add3A_49 = arith.constant 240 : i32
    %add3A_50 = arith.addi %mul3A_42, %add3A_49 : i32
    "tpu.region"() ({
      %run_scoped3A = tpu.sem_alloc : memref<!tpu.dma_semaphore, #tpu.memory_space<semaphore_mem>>
      %dma_start3A_423 = arith.constant 0 : i32
      %dma_start3A_424 = tpu.memref_slice %arg11[%add3A_50, %dma_start3A_423] : memref<10000x128xf32, #tpu.memory_space<vmem_shared>> -> memref<80x128xf32, #tpu.memory_space<vmem_shared>>
      %dma_start3A_425 = arith.constant 0 : i32
      %dma_start3A_426 = tpu.memref_slice %arg11[%add3A_50, %dma_start3A_425] : memref<10000x128xf32, #tpu.memory_space<vmem_shared>> -> memref<80x128xf32, #tpu.memory_space<vmem_shared>>
      tpu.enqueue_dma source(%arg8 : memref<80x128xf32, #tpu.memory_space<vmem>>) target(%dma_start3A_426 : memref<80x128xf32, #tpu.memory_space<vmem_shared>>) target_semaphore(%run_scoped3A : memref<!tpu.dma_semaphore, #tpu.memory_space<semaphore_mem>>)
      %dma_wait3A_427 = arith.constant 0 : i32
      %dma_wait3A_428 = tpu.memref_slice %arg11[%add3A_50, %dma_wait3A_427] : memref<10000x128xf32, #tpu.memory_space<vmem_shared>> -> memref<80x128xf32, #tpu.memory_space<vmem_shared>>
      %dma_wait3A_429 = arith.constant 0 : i32
      %dma_wait3A_430 = tpu.memref_slice %arg11[%add3A_50, %dma_wait3A_429] : memref<10000x128xf32, #tpu.memory_space<vmem_shared>> -> memref<80x128xf32, #tpu.memory_space<vmem_shared>>
      tpu.wait_dma2 semaphore(%run_scoped3A : memref<!tpu.dma_semaphore, #tpu.memory_space<semaphore_mem>>) src(%arg8 : memref<80x128xf32, #tpu.memory_space<vmem>>) dst(%dma_wait3A_430 : memref<80x128xf32, #tpu.memory_space<vmem_shared>>)
      tpu.yield
    }) : () -> ()
    %add3A_51 = arith.constant 320 : i32
    %add3A_52 = arith.addi %mul3A_42, %add3A_51 : i32
    "tpu.region"() ({
      %run_scoped3A = tpu.sem_alloc : memref<!tpu.dma_semaphore, #tpu.memory_space<semaphore_mem>>
      %dma_start3A_423 = arith.constant 0 : i32
      %dma_start3A_424 = tpu.memref_slice %arg11[%add3A_52, %dma_start3A_423] : memref<10000x128xf32, #tpu.memory_space<vmem_shared>> -> memref<80x128xf32, #tpu.memory_space<vmem_shared>>
      %dma_start3A_425 = arith.constant 0 : i32
      %dma_start3A_426 = tpu.memref_slice %arg11[%add3A_52, %dma_start3A_425] : memref<10000x128xf32, #tpu.memory_space<vmem_shared>> -> memref<80x128xf32, #tpu.memory_space<vmem_shared>>
      tpu.enqueue_dma source(%arg8 : memref<80x128xf32, #tpu.memory_space<vmem>>) target(%dma_start3A_426 : memref<80x128xf32, #tpu.memory_space<vmem_shared>>) target_semaphore(%run_scoped3A : memref<!tpu.dma_semaphore, #tpu.memory_space<semaphore_mem>>)
      %dma_wait3A_427 = arith.constant 0 : i32
      %dma_wait3A_428 = tpu.memref_slice %arg11[%add3A_52, %dma_wait3A_427] : memref<10000x128xf32, #tpu.memory_space<vmem_shared>> -> memref<80x128xf32, #tpu.memory_space<vmem_shared>>
      %dma_wait3A_429 = arith.constant 0 : i32
      %dma_wait3A_430 = tpu.memref_slice %arg11[%add3A_52, %dma_wait3A_429] : memref<10000x128xf32, #tpu.memory_space<vmem_shared>> -> memref<80x128xf32, #tpu.memory_space<vmem_shared>>
      tpu.wait_dma2 semaphore(%run_scoped3A : memref<!tpu.dma_semaphore, #tpu.memory_space<semaphore_mem>>) src(%arg8 : memref<80x128xf32, #tpu.memory_space<vmem>>) dst(%dma_wait3A_430 : memref<80x128xf32, #tpu.memory_space<vmem_shared>>)
      tpu.yield
    }) : () -> ()
    %add3A_53 = arith.constant 400 : i32
    %add3A_54 = arith.addi %mul3A_42, %add3A_53 : i32
    "tpu.region"() ({
      %run_scoped3A = tpu.sem_alloc : memref<!tpu.dma_semaphore, #tpu.memory_space<semaphore_mem>>
      %dma_start3A_423 = arith.constant 0 : i32
      %dma_start3A_424 = tpu.memref_slice %arg11[%add3A_54, %dma_start3A_423] : memref<10000x128xf32, #tpu.memory_space<vmem_shared>> -> memref<80x128xf32, #tpu.memory_space<vmem_shared>>
      %dma_start3A_425 = arith.constant 0 : i32
      %dma_start3A_426 = tpu.memref_slice %arg11[%add3A_54, %dma_start3A_425] : memref<10000x128xf32, #tpu.memory_space<vmem_shared>> -> memref<80x128xf32, #tpu.memory_space<vmem_shared>>
      tpu.enqueue_dma source(%arg8 : memref<80x128xf32, #tpu.memory_space<vmem>>) target(%dma_start3A_426 : memref<80x128xf32, #tpu.memory_space<vmem_shared>>) target_semaphore(%run_scoped3A : memref<!tpu.dma_semaphore, #tpu.memory_space<semaphore_mem>>)
      %dma_wait3A_427 = arith.constant 0 : i32
      %dma_wait3A_428 = tpu.memref_slice %arg11[%add3A_54, %dma_wait3A_427] : memref<10000x128xf32, #tpu.memory_space<vmem_shared>> -> memref<80x128xf32, #tpu.memory_space<vmem_shared>>
      %dma_wait3A_429 = arith.constant 0 : i32
      %dma_wait3A_430 = tpu.memref_slice %arg11[%add3A_54, %dma_wait3A_429] : memref<10000x128xf32, #tpu.memory_space<vmem_shared>> -> memref<80x128xf32, #tpu.memory_space<vmem_shared>>
      tpu.wait_dma2 semaphore(%run_scoped3A : memref<!tpu.dma_semaphore, #tpu.memory_space<semaphore_mem>>) src(%arg8 : memref<80x128xf32, #tpu.memory_space<vmem>>) dst(%dma_wait3A_430 : memref<80x128xf32, #tpu.memory_space<vmem_shared>>)
      tpu.yield
    }) : () -> ()
    %add3A_55 = arith.constant 480 : i32
    %add3A_56 = arith.addi %mul3A_42, %add3A_55 : i32
    "tpu.region"() ({
      %run_scoped3A = tpu.sem_alloc : memref<!tpu.dma_semaphore, #tpu.memory_space<semaphore_mem>>
      %dma_start3A_423 = arith.constant 0 : i32
      %dma_start3A_424 = tpu.memref_slice %arg11[%add3A_56, %dma_start3A_423] : memref<10000x128xf32, #tpu.memory_space<vmem_shared>> -> memref<80x128xf32, #tpu.memory_space<vmem_shared>>
      %dma_start3A_425 = arith.constant 0 : i32
      %dma_start3A_426 = tpu.memref_slice %arg11[%add3A_56, %dma_start3A_425] : memref<10000x128xf32, #tpu.memory_space<vmem_shared>> -> memref<80x128xf32, #tpu.memory_space<vmem_shared>>
      tpu.enqueue_dma source(%arg8 : memref<80x128xf32, #tpu.memory_space<vmem>>) target(%dma_start3A_426 : memref<80x128xf32, #tpu.memory_space<vmem_shared>>) target_semaphore(%run_scoped3A : memref<!tpu.dma_semaphore, #tpu.memory_space<semaphore_mem>>)
      %dma_wait3A_427 = arith.constant 0 : i32
      %dma_wait3A_428 = tpu.memref_slice %arg11[%add3A_56, %dma_wait3A_427] : memref<10000x128xf32, #tpu.memory_space<vmem_shared>> -> memref<80x128xf32, #tpu.memory_space<vmem_shared>>
      %dma_wait3A_429 = arith.constant 0 : i32
      %dma_wait3A_430 = tpu.memref_slice %arg11[%add3A_56, %dma_wait3A_429] : memref<10000x128xf32, #tpu.memory_space<vmem_shared>> -> memref<80x128xf32, #tpu.memory_space<vmem_shared>>
      tpu.wait_dma2 semaphore(%run_scoped3A : memref<!tpu.dma_semaphore, #tpu.memory_space<semaphore_mem>>) src(%arg8 : memref<80x128xf32, #tpu.memory_space<vmem>>) dst(%dma_wait3A_430 : memref<80x128xf32, #tpu.memory_space<vmem_shared>>)
      tpu.yield
    }) : () -> ()
    %add3A_57 = arith.constant 560 : i32
    %add3A_58 = arith.addi %mul3A_42, %add3A_57 : i32
    "tpu.region"() ({
      %run_scoped3A = tpu.sem_alloc : memref<!tpu.dma_semaphore, #tpu.memory_space<semaphore_mem>>
      %dma_start3A_423 = arith.constant 0 : i32
      %dma_start3A_424 = arith.constant 0 : i32
      %dma_start3A_425 = tpu.memref_slice %arg8[%dma_start3A_423, %dma_start3A_424] : memref<80x128xf32, #tpu.memory_space<vmem>> -> memref<65x128xf32, #tpu.memory_space<vmem>>
      %dma_start3A_426 = arith.constant 0 : i32
      %dma_start3A_427 = tpu.memref_slice %arg11[%add3A_58, %dma_start3A_426] : memref<10000x128xf32, #tpu.memory_space<vmem_shared>> -> memref<65x128xf32, #tpu.memory_space<vmem_shared>>
      %dma_start3A_428 = arith.constant 0 : i32
      %dma_start3A_429 = tpu.memref_slice %arg11[%add3A_58, %dma_start3A_428] : memref<10000x128xf32, #tpu.memory_space<vmem_shared>> -> memref<65x128xf32, #tpu.memory_space<vmem_shared>>
      %dma_start3A_430 = arith.constant 0 : i32
      %dma_start3A_431 = arith.constant 0 : i32
      %dma_start3A_432 = tpu.memref_slice %arg8[%dma_start3A_430, %dma_start3A_431] : memref<80x128xf32, #tpu.memory_space<vmem>> -> memref<65x128xf32, #tpu.memory_space<vmem>>
      tpu.enqueue_dma source(%dma_start3A_432 : memref<65x128xf32, #tpu.memory_space<vmem>>) target(%dma_start3A_429 : memref<65x128xf32, #tpu.memory_space<vmem_shared>>) target_semaphore(%run_scoped3A : memref<!tpu.dma_semaphore, #tpu.memory_space<semaphore_mem>>)
      %dma_wait3A_433 = arith.constant 0 : i32
      %dma_wait3A_434 = arith.constant 0 : i32
      %dma_wait3A_435 = tpu.memref_slice %arg8[%dma_wait3A_433, %dma_wait3A_434] : memref<80x128xf32, #tpu.memory_space<vmem>> -> memref<65x128xf32, #tpu.memory_space<vmem>>
      %dma_wait3A_436 = arith.constant 0 : i32
      %dma_wait3A_437 = tpu.memref_slice %arg11[%add3A_58, %dma_wait3A_436] : memref<10000x128xf32, #tpu.memory_space<vmem_shared>> -> memref<65x128xf32, #tpu.memory_space<vmem_shared>>
      %dma_wait3A_438 = arith.constant 0 : i32
      %dma_wait3A_439 = tpu.memref_slice %arg11[%add3A_58, %dma_wait3A_438] : memref<10000x128xf32, #tpu.memory_space<vmem_shared>> -> memref<65x128xf32, #tpu.memory_space<vmem_shared>>
      %dma_wait3A_440 = arith.constant 0 : i32
      %dma_wait3A_441 = arith.constant 0 : i32
      %dma_wait3A_442 = tpu.memref_slice %arg8[%dma_wait3A_440, %dma_wait3A_441] : memref<80x128xf32, #tpu.memory_space<vmem>> -> memref<65x128xf32, #tpu.memory_space<vmem>>
      tpu.wait_dma2 semaphore(%run_scoped3A : memref<!tpu.dma_semaphore, #tpu.memory_space<semaphore_mem>>) src(%dma_wait3A_442 : memref<65x128xf32, #tpu.memory_space<vmem>>) dst(%dma_wait3A_439 : memref<65x128xf32, #tpu.memory_space<vmem_shared>>)
      tpu.yield
    }) : () -> ()
    %barrier3A = arith.constant 0 : index
    tpu.barrier barrier_id(%barrier3A)
    %dma_wait3A = arith.constant 0 : i32
    %dma_wait3A_59 = arith.constant 0 : i32
    %dma_wait3A_60 = tpu.memref_slice %arg5[%dma_wait3A, %dma_wait3A_59] : memref<3x80xi32, #tpu.memory_space<vmem>> -> memref<1x80xi32, #tpu.memory_space<vmem>>
    %dma_wait3A_61 = tpu.memref_squeeze %dma_wait3A_60 : memref<1x80xi32, #tpu.memory_space<vmem>> -> memref<80xi32, #tpu.memory_space<vmem>>
    %dma_wait3A_62 = tpu.memref_slice %arg3[%mul3A_2] : memref<320000xi32, #tpu.memory_space<hbm>> -> memref<80xi32, #tpu.memory_space<hbm>>
    %dma_wait3A_63 = arith.constant 0 : i32
    %dma_wait3A_64 = tpu.memref_slice %arg5[%dma_wait3A, %dma_wait3A_63] : memref<3x80xi32, #tpu.memory_space<vmem>> -> memref<1x80xi32, #tpu.memory_space<vmem>>
    %dma_wait3A_65 = tpu.memref_squeeze %dma_wait3A_64 : memref<1x80xi32, #tpu.memory_space<vmem>> -> memref<80xi32, #tpu.memory_space<vmem>>
    %dma_wait3A_66 = tpu.memref_slice %arg3[%mul3A_2] : memref<320000xi32, #tpu.memory_space<hbm>> -> memref<80xi32, #tpu.memory_space<hbm>>
    tpu.wait_dma2 semaphore(%arg15 : memref<!tpu.dma_semaphore, #tpu.memory_space<semaphore_mem>>) src(%dma_wait3A_66 : memref<80xi32, #tpu.memory_space<hbm>>) dst(%dma_wait3A_65 : memref<80xi32, #tpu.memory_space<vmem>>)
    %get3A = arith.constant 0 : i32
    %get3A_67 = arith.index_cast %get3A : i32 to index
    %get3A_68 = arith.constant 0 : index
    %get3A_69 = tpu.vector_load %arg5[%get3A_67, %get3A_68] {strides = array<i32>} : memref<3x80xi32, #tpu.memory_space<vmem>>, vector<1x16xi32>,
    %get3A_70 = vector.shape_cast %get3A_69 : vector<1x16xi32> to vector<16xi32>
    %shift_right_logical3A = arith.constant 14 : i32
    %shift_right_logical3A_71 = vector.broadcast %shift_right_logical3A : i32 to vector<16xi32>
    %shift_right_logical3A_72 = arith.shrui %get3A_70, %shift_right_logical3A_71 : vector<16xi32>
    %swap3A = arith.constant 0 : i32
    %swap3A_73 = arith.index_cast %swap3A : i32 to index
    %swap3A_74 = arith.constant 0 : index
    %swap3A_75 = tpu.vector_load %arg6[%swap3A_73, %swap3A_74] {strides = array<i32>} : memref<3x80xi32, #tpu.memory_space<vmem>>, vector<1x16xi32>,
    %swap3A_76 = vector.shape_cast %swap3A_75 : vector<1x16xi32> to vector<16xi32>
    %swap3A_77 = vector.shape_cast %shift_right_logical3A_72 : vector<16xi32> to vector<1x16xi32>
    tpu.vector_store %arg6[%swap3A_73, %swap3A_74], %swap3A_77 {strides = array<i32>} : memref<3x80xi32, #tpu.memory_space<vmem>>, vector<1x16xi32>,
    %get3A_78 = arith.constant 0 : i32
    %get3A_79 = arith.index_cast %get3A_78 : i32 to index
    %get3A_80 = arith.constant 16 : index
    %get3A_81 = tpu.vector_load %arg5[%get3A_79, %get3A_80] {strides = array<i32>} : memref<3x80xi32, #tpu.memory_space<vmem>>, vector<1x16xi32>,
    %get3A_82 = vector.shape_cast %get3A_81 : vector<1x16xi32> to vector<16xi32>
    %shift_right_logical3A_83 = arith.constant 14 : i32
    %shift_right_logical3A_84 = vector.broadcast %shift_right_logical3A_83 : i32 to vector<16xi32>
    %shift_right_logical3A_85 = arith.shrui %get3A_82, %shift_right_logical3A_84 : vector<16xi32>
    %swap3A_86 = arith.constant 0 : i32
    %swap3A_87 = arith.index_cast %swap3A_86 : i32 to index
    %swap3A_88 = arith.constant 16 : index
    %swap3A_89 = tpu.vector_load %arg6[%swap3A_87, %swap3A_88] {strides = array<i32>} : memref<3x80xi32, #tpu.memory_space<vmem>>, vector<1x16xi32>,
    %swap3A_90 = vector.shape_cast %swap3A_89 : vector<1x16xi32> to vector<16xi32>
    %swap3A_91 = vector.shape_cast %shift_right_logical3A_85 : vector<16xi32> to vector<1x16xi32>
    tpu.vector_store %arg6[%swap3A_87, %swap3A_88], %swap3A_91 {strides = array<i32>} : memref<3x80xi32, #tpu.memory_space<vmem>>, vector<1x16xi32>,
    %get3A_92 = arith.constant 0 : i32
    %get3A_93 = arith.index_cast %get3A_92 : i32 to index
    %get3A_94 = arith.constant 32 : index
    %get3A_95 = tpu.vector_load %arg5[%get3A_93, %get3A_94] {strides = array<i32>} : memref<3x80xi32, #tpu.memory_space<vmem>>, vector<1x16xi32>,
    %get3A_96 = vector.shape_cast %get3A_95 : vector<1x16xi32> to vector<16xi32>
    %shift_right_logical3A_97 = arith.constant 14 : i32
    %shift_right_logical3A_98 = vector.broadcast %shift_right_logical3A_97 : i32 to vector<16xi32>
    %shift_right_logical3A_99 = arith.shrui %get3A_96, %shift_right_logical3A_98 : vector<16xi32>
    %swap3A_100 = arith.constant 0 : i32
    %swap3A_101 = arith.index_cast %swap3A_100 : i32 to index
    %swap3A_102 = arith.constant 32 : index
    %swap3A_103 = tpu.vector_load %arg6[%swap3A_101, %swap3A_102] {strides = array<i32>} : memref<3x80xi32, #tpu.memory_space<vmem>>, vector<1x16xi32>,
    %swap3A_104 = vector.shape_cast %swap3A_103 : vector<1x16xi32> to vector<16xi32>
    %swap3A_105 = vector.shape_cast %shift_right_logical3A_99 : vector<16xi32> to vector<1x16xi32>
    tpu.vector_store %arg6[%swap3A_101, %swap3A_102], %swap3A_105 {strides = array<i32>} : memref<3x80xi32, #tpu.memory_space<vmem>>, vector<1x16xi32>,
    %get3A_106 = arith.constant 0 : i32
    %get3A_107 = arith.index_cast %get3A_106 : i32 to index
    %get3A_108 = arith.constant 48 : index
    %get3A_109 = tpu.vector_load %arg5[%get3A_107, %get3A_108] {strides = array<i32>} : memref<3x80xi32, #tpu.memory_space<vmem>>, vector<1x16xi32>,
    %get3A_110 = vector.shape_cast %get3A_109 : vector<1x16xi32> to vector<16xi32>
    %shift_right_logical3A_111 = arith.constant 14 : i32
    %shift_right_logical3A_112 = vector.broadcast %shift_right_logical3A_111 : i32 to vector<16xi32>
    %shift_right_logical3A_113 = arith.shrui %get3A_110, %shift_right_logical3A_112 : vector<16xi32>
    %swap3A_114 = arith.constant 0 : i32
    %swap3A_115 = arith.index_cast %swap3A_114 : i32 to index
    %swap3A_116 = arith.constant 48 : index
    %swap3A_117 = tpu.vector_load %arg6[%swap3A_115, %swap3A_116] {strides = array<i32>} : memref<3x80xi32, #tpu.memory_space<vmem>>, vector<1x16xi32>,
    %swap3A_118 = vector.shape_cast %swap3A_117 : vector<1x16xi32> to vector<16xi32>
    %swap3A_119 = vector.shape_cast %shift_right_logical3A_113 : vector<16xi32> to vector<1x16xi32>
    tpu.vector_store %arg6[%swap3A_115, %swap3A_116], %swap3A_119 {strides = array<i32>} : memref<3x80xi32, #tpu.memory_space<vmem>>, vector<1x16xi32>,
    %get3A_120 = arith.constant 0 : i32
    %get3A_121 = arith.index_cast %get3A_120 : i32 to index
    %get3A_122 = arith.constant 64 : index
    %get3A_123 = tpu.vector_load %arg5[%get3A_121, %get3A_122] {strides = array<i32>} : memref<3x80xi32, #tpu.memory_space<vmem>>, vector<1x16xi32>,
    %get3A_124 = vector.shape_cast %get3A_123 : vector<1x16xi32> to vector<16xi32>
    %shift_right_logical3A_125 = arith.constant 14 : i32
    %shift_right_logical3A_126 = vector.broadcast %shift_right_logical3A_125 : i32 to vector<16xi32>
    %shift_right_logical3A_127 = arith.shrui %get3A_124, %shift_right_logical3A_126 : vector<16xi32>
    %swap3A_128 = arith.constant 0 : i32
    %swap3A_129 = arith.index_cast %swap3A_128 : i32 to index
    %swap3A_130 = arith.constant 64 : index
    %swap3A_131 = tpu.vector_load %arg6[%swap3A_129, %swap3A_130] {strides = array<i32>} : memref<3x80xi32, #tpu.memory_space<vmem>>, vector<1x16xi32>,
    %swap3A_132 = vector.shape_cast %swap3A_131 : vector<1x16xi32> to vector<16xi32>
    %swap3A_133 = vector.shape_cast %shift_right_logical3A_127 : vector<16xi32> to vector<1x16xi32>
    tpu.vector_store %arg6[%swap3A_129, %swap3A_130], %swap3A_133 {strides = array<i32>} : memref<3x80xi32, #tpu.memory_space<vmem>>, vector<1x16xi32>,
    %get3A_134 = arith.constant 0 : i32
    %get3A_135 = arith.index_cast %get3A_134 : i32 to index
    %get3A_136 = arith.constant 0 : index
    %get3A_137 = tpu.vector_load %arg5[%get3A_135, %get3A_136] {strides = array<i32>} : memref<3x80xi32, #tpu.memory_space<vmem>>, vector<1x16xi32>,
    %get3A_138 = vector.shape_cast %get3A_137 : vector<1x16xi32> to vector<16xi32>
    %and3A = arith.constant 16383 : i32
    %and3A_139 = vector.broadcast %and3A : i32 to vector<16xi32>
    %and3A_140 = arith.andi %get3A_138, %and3A_139 : vector<16xi32>
    %swap3A_141 = arith.constant 0 : i32
    %swap3A_142 = arith.index_cast %swap3A_141 : i32 to index
    %swap3A_143 = arith.constant 0 : index
    %swap3A_144 = tpu.vector_load %arg7[%swap3A_142, %swap3A_143] {strides = array<i32>} : memref<3x80xi32, #tpu.memory_space<vmem>>, vector<1x16xi32>,
    %swap3A_145 = vector.shape_cast %swap3A_144 : vector<1x16xi32> to vector<16xi32>
    %swap3A_146 = vector.shape_cast %and3A_140 : vector<16xi32> to vector<1x16xi32>
    tpu.vector_store %arg7[%swap3A_142, %swap3A_143], %swap3A_146 {strides = array<i32>} : memref<3x80xi32, #tpu.memory_space<vmem>>, vector<1x16xi32>,
    %get3A_147 = arith.constant 0 : i32
    %get3A_148 = arith.index_cast %get3A_147 : i32 to index
    %get3A_149 = arith.constant 16 : index
    %get3A_150 = tpu.vector_load %arg5[%get3A_148, %get3A_149] {strides = array<i32>} : memref<3x80xi32, #tpu.memory_space<vmem>>, vector<1x16xi32>,
    %get3A_151 = vector.shape_cast %get3A_150 : vector<1x16xi32> to vector<16xi32>
    %and3A_152 = arith.constant 16383 : i32
    %and3A_153 = vector.broadcast %and3A_152 : i32 to vector<16xi32>
    %and3A_154 = arith.andi %get3A_151, %and3A_153 : vector<16xi32>
    %swap3A_155 = arith.constant 0 : i32
    %swap3A_156 = arith.index_cast %swap3A_155 : i32 to index
    %swap3A_157 = arith.constant 16 : index
    %swap3A_158 = tpu.vector_load %arg7[%swap3A_156, %swap3A_157] {strides = array<i32>} : memref<3x80xi32, #tpu.memory_space<vmem>>, vector<1x16xi32>,
    %swap3A_159 = vector.shape_cast %swap3A_158 : vector<1x16xi32> to vector<16xi32>
    %swap3A_160 = vector.shape_cast %and3A_154 : vector<16xi32> to vector<1x16xi32>
    tpu.vector_store %arg7[%swap3A_156, %swap3A_157], %swap3A_160 {strides = array<i32>} : memref<3x80xi32, #tpu.memory_space<vmem>>, vector<1x16xi32>,
    %get3A_161 = arith.constant 0 : i32
    %get3A_162 = arith.index_cast %get3A_161 : i32 to index
    %get3A_163 = arith.constant 32 : index
    %get3A_164 = tpu.vector_load %arg5[%get3A_162, %get3A_163] {strides = array<i32>} : memref<3x80xi32, #tpu.memory_space<vmem>>, vector<1x16xi32>,
    %get3A_165 = vector.shape_cast %get3A_164 : vector<1x16xi32> to vector<16xi32>
    %and3A_166 = arith.constant 16383 : i32
    %and3A_167 = vector.broadcast %and3A_166 : i32 to vector<16xi32>
    %and3A_168 = arith.andi %get3A_165, %and3A_167 : vector<16xi32>
    %swap3A_169 = arith.constant 0 : i32
    %swap3A_170 = arith.index_cast %swap3A_169 : i32 to index
    %swap3A_171 = arith.constant 32 : index
    %swap3A_172 = tpu.vector_load %arg7[%swap3A_170, %swap3A_171] {strides = array<i32>} : memref<3x80xi32, #tpu.memory_space<vmem>>, vector<1x16xi32>,
    %swap3A_173 = vector.shape_cast %swap3A_172 : vector<1x16xi32> to vector<16xi32>
    %swap3A_174 = vector.shape_cast %and3A_168 : vector<16xi32> to vector<1x16xi32>
    tpu.vector_store %arg7[%swap3A_170, %swap3A_171], %swap3A_174 {strides = array<i32>} : memref<3x80xi32, #tpu.memory_space<vmem>>, vector<1x16xi32>,
    %get3A_175 = arith.constant 0 : i32
    %get3A_176 = arith.index_cast %get3A_175 : i32 to index
    %get3A_177 = arith.constant 48 : index
    %get3A_178 = tpu.vector_load %arg5[%get3A_176, %get3A_177] {strides = array<i32>} : memref<3x80xi32, #tpu.memory_space<vmem>>, vector<1x16xi32>,
    %get3A_179 = vector.shape_cast %get3A_178 : vector<1x16xi32> to vector<16xi32>
    %and3A_180 = arith.constant 16383 : i32
    %and3A_181 = vector.broadcast %and3A_180 : i32 to vector<16xi32>
    %and3A_182 = arith.andi %get3A_179, %and3A_181 : vector<16xi32>
    %swap3A_183 = arith.constant 0 : i32
    %swap3A_184 = arith.index_cast %swap3A_183 : i32 to index
    %swap3A_185 = arith.constant 48 : index
    %swap3A_186 = tpu.vector_load %arg7[%swap3A_184, %swap3A_185] {strides = array<i32>} : memref<3x80xi32, #tpu.memory_space<vmem>>, vector<1x16xi32>,
    %swap3A_187 = vector.shape_cast %swap3A_186 : vector<1x16xi32> to vector<16xi32>
    %swap3A_188 = vector.shape_cast %and3A_182 : vector<16xi32> to vector<1x16xi32>
    tpu.vector_store %arg7[%swap3A_184, %swap3A_185], %swap3A_188 {strides = array<i32>} : memref<3x80xi32, #tpu.memory_space<vmem>>, vector<1x16xi32>,
    %get3A_189 = arith.constant 0 : i32
    %get3A_190 = arith.index_cast %get3A_189 : i32 to index
    %get3A_191 = arith.constant 64 : index
    %get3A_192 = tpu.vector_load %arg5[%get3A_190, %get3A_191] {strides = array<i32>} : memref<3x80xi32, #tpu.memory_space<vmem>>, vector<1x16xi32>,
    %get3A_193 = vector.shape_cast %get3A_192 : vector<1x16xi32> to vector<16xi32>
    %and3A_194 = arith.constant 16383 : i32
    %and3A_195 = vector.broadcast %and3A_194 : i32 to vector<16xi32>
    %and3A_196 = arith.andi %get3A_193, %and3A_195 : vector<16xi32>
    %swap3A_197 = arith.constant 0 : i32
    %swap3A_198 = arith.index_cast %swap3A_197 : i32 to index
    %swap3A_199 = arith.constant 64 : index
    %swap3A_200 = tpu.vector_load %arg7[%swap3A_198, %swap3A_199] {strides = array<i32>} : memref<3x80xi32, #tpu.memory_space<vmem>>, vector<1x16xi32>,
    %swap3A_201 = vector.shape_cast %swap3A_200 : vector<1x16xi32> to vector<16xi32>
    %swap3A_202 = vector.shape_cast %and3A_196 : vector<16xi32> to vector<1x16xi32>
    tpu.vector_store %arg7[%swap3A_198, %swap3A_199], %swap3A_202 {strides = array<i32>} : memref<3x80xi32, #tpu.memory_space<vmem>>, vector<1x16xi32>,
    %dma_start3A_203 = arith.constant 0 : i32
    %dma_start3A_204 = arith.constant 0 : i32
    %dma_start3A_205 = tpu.memref_slice %arg6[%dma_start3A_203, %dma_start3A_204] : memref<3x80xi32, #tpu.memory_space<vmem>> -> memref<1x80xi32, #tpu.memory_space<vmem>>
    %dma_start3A_206 = tpu.memref_squeeze %dma_start3A_205 : memref<1x80xi32, #tpu.memory_space<vmem>> -> memref<80xi32, #tpu.memory_space<vmem>>
    %dma_start3A_207 = arith.constant 0 : i32
    %dma_start3A_208 = arith.constant 0 : i32
    %dma_start3A_209 = tpu.memref_slice %arg2[%dma_start3A_207, %dma_start3A_208] : memref<10000x128xf32, #tpu.memory_space<hbm>> -> memref<10000x128xf32, #tpu.memory_space<hbm>>
    tpu.enqueue_indirect_dma source(%dma_start3A_209 : memref<10000x128xf32, #tpu.memory_space<hbm>>) target(%arg8 : memref<80x128xf32, #tpu.memory_space<vmem>>) offsets(%dma_start3A_206 : memref<80xi32, #tpu.memory_space<vmem>>) semaphore(%arg12 : memref<!tpu.dma_semaphore, #tpu.memory_space<semaphore_mem>>)
    %dma_wait3A_210 = arith.constant 1 : i32
    %dma_wait3A_211 = arith.constant 0 : i32
    %dma_wait3A_212 = tpu.memref_slice %arg5[%dma_wait3A_210, %dma_wait3A_211] : memref<3x80xi32, #tpu.memory_space<vmem>> -> memref<1x80xi32, #tpu.memory_space<vmem>>
    %dma_wait3A_213 = tpu.memref_squeeze %dma_wait3A_212 : memref<1x80xi32, #tpu.memory_space<vmem>> -> memref<80xi32, #tpu.memory_space<vmem>>
    %dma_wait3A_214 = tpu.memref_slice %arg3[%mul3A_2] : memref<320000xi32, #tpu.memory_space<hbm>> -> memref<80xi32, #tpu.memory_space<hbm>>
    %dma_wait3A_215 = arith.constant 0 : i32
    %dma_wait3A_216 = tpu.memref_slice %arg5[%dma_wait3A_210, %dma_wait3A_215] : memref<3x80xi32, #tpu.memory_space<vmem>> -> memref<1x80xi32, #tpu.memory_space<vmem>>
    %dma_wait3A_217 = tpu.memref_squeeze %dma_wait3A_216 : memref<1x80xi32, #tpu.memory_space<vmem>> -> memref<80xi32, #tpu.memory_space<vmem>>
    %dma_wait3A_218 = tpu.memref_slice %arg3[%mul3A_2] : memref<320000xi32, #tpu.memory_space<hbm>> -> memref<80xi32, #tpu.memory_space<hbm>>
    tpu.wait_dma2 semaphore(%arg16 : memref<!tpu.dma_semaphore, #tpu.memory_space<semaphore_mem>>) src(%dma_wait3A_218 : memref<80xi32, #tpu.memory_space<hbm>>) dst(%dma_wait3A_217 : memref<80xi32, #tpu.memory_space<vmem>>)
    %get3A_219 = arith.constant 1 : i32
    %get3A_220 = arith.index_cast %get3A_219 : i32 to index
    %get3A_221 = arith.constant 0 : index
    %get3A_222 = tpu.vector_load %arg5[%get3A_220, %get3A_221] {strides = array<i32>} : memref<3x80xi32, #tpu.memory_space<vmem>>, vector<1x16xi32>,
    %get3A_223 = vector.shape_cast %get3A_222 : vector<1x16xi32> to vector<16xi32>
    %shift_right_logical3A_224 = arith.constant 14 : i32
    %shift_right_logical3A_225 = vector.broadcast %shift_right_logical3A_224 : i32 to vector<16xi32>
    %shift_right_logical3A_226 = arith.shrui %get3A_223, %shift_right_logical3A_225 : vector<16xi32>
    %swap3A_227 = arith.constant 1 : i32
    %swap3A_228 = arith.index_cast %swap3A_227 : i32 to index
    %swap3A_229 = arith.constant 0 : index
    %swap3A_230 = tpu.vector_load %arg6[%swap3A_228, %swap3A_229] {strides = array<i32>} : memref<3x80xi32, #tpu.memory_space<vmem>>, vector<1x16xi32>,
    %swap3A_231 = vector.shape_cast %swap3A_230 : vector<1x16xi32> to vector<16xi32>
    %swap3A_232 = vector.shape_cast %shift_right_logical3A_226 : vector<16xi32> to vector<1x16xi32>
    tpu.vector_store %arg6[%swap3A_228, %swap3A_229], %swap3A_232 {strides = array<i32>} : memref<3x80xi32, #tpu.memory_space<vmem>>, vector<1x16xi32>,
    %get3A_233 = arith.constant 1 : i32
    %get3A_234 = arith.index_cast %get3A_233 : i32 to index
    %get3A_235 = arith.constant 16 : index
    %get3A_236 = tpu.vector_load %arg5[%get3A_234, %get3A_235] {strides = array<i32>} : memref<3x80xi32, #tpu.memory_space<vmem>>, vector<1x16xi32>,
    %get3A_237 = vector.shape_cast %get3A_236 : vector<1x16xi32> to vector<16xi32>
    %shift_right_logical3A_238 = arith.constant 14 : i32
    %shift_right_logical3A_239 = vector.broadcast %shift_right_logical3A_238 : i32 to vector<16xi32>
    %shift_right_logical3A_240 = arith.shrui %get3A_237, %shift_right_logical3A_239 : vector<16xi32>
    %swap3A_241 = arith.constant 1 : i32
    %swap3A_242 = arith.index_cast %swap3A_241 : i32 to index
    %swap3A_243 = arith.constant 16 : index
    %swap3A_244 = tpu.vector_load %arg6[%swap3A_242, %swap3A_243] {strides = array<i32>} : memref<3x80xi32, #tpu.memory_space<vmem>>, vector<1x16xi32>,
    %swap3A_245 = vector.shape_cast %swap3A_244 : vector<1x16xi32> to vector<16xi32>
    %swap3A_246 = vector.shape_cast %shift_right_logical3A_240 : vector<16xi32> to vector<1x16xi32>
    tpu.vector_store %arg6[%swap3A_242, %swap3A_243], %swap3A_246 {strides = array<i32>} : memref<3x80xi32, #tpu.memory_space<vmem>>, vector<1x16xi32>,
    %get3A_247 = arith.constant 1 : i32
    %get3A_248 = arith.index_cast %get3A_247 : i32 to index
    %get3A_249 = arith.constant 32 : index
    %get3A_250 = tpu.vector_load %arg5[%get3A_248, %get3A_249] {strides = array<i32>} : memref<3x80xi32, #tpu.memory_space<vmem>>, vector<1x16xi32>,
    %get3A_251 = vector.shape_cast %get3A_250 : vector<1x16xi32> to vector<16xi32>
    %shift_right_logical3A_252 = arith.constant 14 : i32
    %shift_right_logical3A_253 = vector.broadcast %shift_right_logical3A_252 : i32 to vector<16xi32>
    %shift_right_logical3A_254 = arith.shrui %get3A_251, %shift_right_logical3A_253 : vector<16xi32>
    %swap3A_255 = arith.constant 1 : i32
    %swap3A_256 = arith.index_cast %swap3A_255 : i32 to index
    %swap3A_257 = arith.constant 32 : index
    %swap3A_258 = tpu.vector_load %arg6[%swap3A_256, %swap3A_257] {strides = array<i32>} : memref<3x80xi32, #tpu.memory_space<vmem>>, vector<1x16xi32>,
    %swap3A_259 = vector.shape_cast %swap3A_258 : vector<1x16xi32> to vector<16xi32>
    %swap3A_260 = vector.shape_cast %shift_right_logical3A_254 : vector<16xi32> to vector<1x16xi32>
    tpu.vector_store %arg6[%swap3A_256, %swap3A_257], %swap3A_260 {strides = array<i32>} : memref<3x80xi32, #tpu.memory_space<vmem>>, vector<1x16xi32>,
    %get3A_261 = arith.constant 1 : i32
    %get3A_262 = arith.index_cast %get3A_261 : i32 to index
    %get3A_263 = arith.constant 48 : index
    %get3A_264 = tpu.vector_load %arg5[%get3A_262, %get3A_263] {strides = array<i32>} : memref<3x80xi32, #tpu.memory_space<vmem>>, vector<1x16xi32>,
    %get3A_265 = vector.shape_cast %get3A_264 : vector<1x16xi32> to vector<16xi32>
    %shift_right_logical3A_266 = arith.constant 14 : i32
    %shift_right_logical3A_267 = vector.broadcast %shift_right_logical3A_266 : i32 to vector<16xi32>
    %shift_right_logical3A_268 = arith.shrui %get3A_265, %shift_right_logical3A_267 : vector<16xi32>
    %swap3A_269 = arith.constant 1 : i32
    %swap3A_270 = arith.index_cast %swap3A_269 : i32 to index
    %swap3A_271 = arith.constant 48 : index
    %swap3A_272 = tpu.vector_load %arg6[%swap3A_270, %swap3A_271] {strides = array<i32>} : memref<3x80xi32, #tpu.memory_space<vmem>>, vector<1x16xi32>,
    %swap3A_273 = vector.shape_cast %swap3A_272 : vector<1x16xi32> to vector<16xi32>
    %swap3A_274 = vector.shape_cast %shift_right_logical3A_268 : vector<16xi32> to vector<1x16xi32>
    tpu.vector_store %arg6[%swap3A_270, %swap3A_271], %swap3A_274 {strides = array<i32>} : memref<3x80xi32, #tpu.memory_space<vmem>>, vector<1x16xi32>,
    %get3A_275 = arith.constant 1 : i32
    %get3A_276 = arith.index_cast %get3A_275 : i32 to index
    %get3A_277 = arith.constant 64 : index
    %get3A_278 = tpu.vector_load %arg5[%get3A_276, %get3A_277] {strides = array<i32>} : memref<3x80xi32, #tpu.memory_space<vmem>>, vector<1x16xi32>,
    %get3A_279 = vector.shape_cast %get3A_278 : vector<1x16xi32> to vector<16xi32>
    %shift_right_logical3A_280 = arith.constant 14 : i32
    %shift_right_logical3A_281 = vector.broadcast %shift_right_logical3A_280 : i32 to vector<16xi32>
    %shift_right_logical3A_282 = arith.shrui %get3A_279, %shift_right_logical3A_281 : vector<16xi32>
    %swap3A_283 = arith.constant 1 : i32
    %swap3A_284 = arith.index_cast %swap3A_283 : i32 to index
    %swap3A_285 = arith.constant 64 : index
    %swap3A_286 = tpu.vector_load %arg6[%swap3A_284, %swap3A_285] {strides = array<i32>} : memref<3x80xi32, #tpu.memory_space<vmem>>, vector<1x16xi32>,
    %swap3A_287 = vector.shape_cast %swap3A_286 : vector<1x16xi32> to vector<16xi32>
    %swap3A_288 = vector.shape_cast %shift_right_logical3A_282 : vector<16xi32> to vector<1x16xi32>
    tpu.vector_store %arg6[%swap3A_284, %swap3A_285], %swap3A_288 {strides = array<i32>} : memref<3x80xi32, #tpu.memory_space<vmem>>, vector<1x16xi32>,
    %get3A_289 = arith.constant 1 : i32
    %get3A_290 = arith.index_cast %get3A_289 : i32 to index
    %get3A_291 = arith.constant 0 : index
    %get3A_292 = tpu.vector_load %arg5[%get3A_290, %get3A_291] {strides = array<i32>} : memref<3x80xi32, #tpu.memory_space<vmem>>, vector<1x16xi32>,
    %get3A_293 = vector.shape_cast %get3A_292 : vector<1x16xi32> to vector<16xi32>
    %and3A_294 = arith.constant 16383 : i32
    %and3A_295 = vector.broadcast %and3A_294 : i32 to vector<16xi32>
    %and3A_296 = arith.andi %get3A_293, %and3A_295 : vector<16xi32>
    %swap3A_297 = arith.constant 1 : i32
    %swap3A_298 = arith.index_cast %swap3A_297 : i32 to index
    %swap3A_299 = arith.constant 0 : index
    %swap3A_300 = tpu.vector_load %arg7[%swap3A_298, %swap3A_299] {strides = array<i32>} : memref<3x80xi32, #tpu.memory_space<vmem>>, vector<1x16xi32>,
    %swap3A_301 = vector.shape_cast %swap3A_300 : vector<1x16xi32> to vector<16xi32>
    %swap3A_302 = vector.shape_cast %and3A_296 : vector<16xi32> to vector<1x16xi32>
    tpu.vector_store %arg7[%swap3A_298, %swap3A_299], %swap3A_302 {strides = array<i32>} : memref<3x80xi32, #tpu.memory_space<vmem>>, vector<1x16xi32>,
    %get3A_303 = arith.constant 1 : i32
    %get3A_304 = arith.index_cast %get3A_303 : i32 to index
    %get3A_305 = arith.constant 16 : index
    %get3A_306 = tpu.vector_load %arg5[%get3A_304, %get3A_305] {strides = array<i32>} : memref<3x80xi32, #tpu.memory_space<vmem>>, vector<1x16xi32>,
    %get3A_307 = vector.shape_cast %get3A_306 : vector<1x16xi32> to vector<16xi32>
    %and3A_308 = arith.constant 16383 : i32
    %and3A_309 = vector.broadcast %and3A_308 : i32 to vector<16xi32>
    %and3A_310 = arith.andi %get3A_307, %and3A_309 : vector<16xi32>
    %swap3A_311 = arith.constant 1 : i32
    %swap3A_312 = arith.index_cast %swap3A_311 : i32 to index
    %swap3A_313 = arith.constant 16 : index
    %swap3A_314 = tpu.vector_load %arg7[%swap3A_312, %swap3A_313] {strides = array<i32>} : memref<3x80xi32, #tpu.memory_space<vmem>>, vector<1x16xi32>,
    %swap3A_315 = vector.shape_cast %swap3A_314 : vector<1x16xi32> to vector<16xi32>
    %swap3A_316 = vector.shape_cast %and3A_310 : vector<16xi32> to vector<1x16xi32>
    tpu.vector_store %arg7[%swap3A_312, %swap3A_313], %swap3A_316 {strides = array<i32>} : memref<3x80xi32, #tpu.memory_space<vmem>>, vector<1x16xi32>,
    %get3A_317 = arith.constant 1 : i32
    %get3A_318 = arith.index_cast %get3A_317 : i32 to index
    %get3A_319 = arith.constant 32 : index
    %get3A_320 = tpu.vector_load %arg5[%get3A_318, %get3A_319] {strides = array<i32>} : memref<3x80xi32, #tpu.memory_space<vmem>>, vector<1x16xi32>,
    %get3A_321 = vector.shape_cast %get3A_320 : vector<1x16xi32> to vector<16xi32>
    %and3A_322 = arith.constant 16383 : i32
    %and3A_323 = vector.broadcast %and3A_322 : i32 to vector<16xi32>
    %and3A_324 = arith.andi %get3A_321, %and3A_323 : vector<16xi32>
    %swap3A_325 = arith.constant 1 : i32
    %swap3A_326 = arith.index_cast %swap3A_325 : i32 to index
    %swap3A_327 = arith.constant 32 : index
    %swap3A_328 = tpu.vector_load %arg7[%swap3A_326, %swap3A_327] {strides = array<i32>} : memref<3x80xi32, #tpu.memory_space<vmem>>, vector<1x16xi32>,
    %swap3A_329 = vector.shape_cast %swap3A_328 : vector<1x16xi32> to vector<16xi32>
    %swap3A_330 = vector.shape_cast %and3A_324 : vector<16xi32> to vector<1x16xi32>
    tpu.vector_store %arg7[%swap3A_326, %swap3A_327], %swap3A_330 {strides = array<i32>} : memref<3x80xi32, #tpu.memory_space<vmem>>, vector<1x16xi32>,
    %get3A_331 = arith.constant 1 : i32
    %get3A_332 = arith.index_cast %get3A_331 : i32 to index
    %get3A_333 = arith.constant 48 : index
    %get3A_334 = tpu.vector_load %arg5[%get3A_332, %get3A_333] {strides = array<i32>} : memref<3x80xi32, #tpu.memory_space<vmem>>, vector<1x16xi32>,
    %get3A_335 = vector.shape_cast %get3A_334 : vector<1x16xi32> to vector<16xi32>
    %and3A_336 = arith.constant 16383 : i32
    %and3A_337 = vector.broadcast %and3A_336 : i32 to vector<16xi32>
    %and3A_338 = arith.andi %get3A_335, %and3A_337 : vector<16xi32>
    %swap3A_339 = arith.constant 1 : i32
    %swap3A_340 = arith.index_cast %swap3A_339 : i32 to index
    %swap3A_341 = arith.constant 48 : index
    %swap3A_342 = tpu.vector_load %arg7[%swap3A_340, %swap3A_341] {strides = array<i32>} : memref<3x80xi32, #tpu.memory_space<vmem>>, vector<1x16xi32>,
    %swap3A_343 = vector.shape_cast %swap3A_342 : vector<1x16xi32> to vector<16xi32>
    %swap3A_344 = vector.shape_cast %and3A_338 : vector<16xi32> to vector<1x16xi32>
    tpu.vector_store %arg7[%swap3A_340, %swap3A_341], %swap3A_344 {strides = array<i32>} : memref<3x80xi32, #tpu.memory_space<vmem>>, vector<1x16xi32>,
    %get3A_345 = arith.constant 1 : i32
    %get3A_346 = arith.index_cast %get3A_345 : i32 to index
    %get3A_347 = arith.constant 64 : index
    %get3A_348 = tpu.vector_load %arg5[%get3A_346, %get3A_347] {strides = array<i32>} : memref<3x80xi32, #tpu.memory_space<vmem>>, vector<1x16xi32>,
    %get3A_349 = vector.shape_cast %get3A_348 : vector<1x16xi32> to vector<16xi32>
    %and3A_350 = arith.constant 16383 : i32
    %and3A_351 = vector.broadcast %and3A_350 : i32 to vector<16xi32>
    %and3A_352 = arith.andi %get3A_349, %and3A_351 : vector<16xi32>
    %swap3A_353 = arith.constant 1 : i32
    %swap3A_354 = arith.index_cast %swap3A_353 : i32 to index
    %swap3A_355 = arith.constant 64 : index
    %swap3A_356 = tpu.vector_load %arg7[%swap3A_354, %swap3A_355] {strides = array<i32>} : memref<3x80xi32, #tpu.memory_space<vmem>>, vector<1x16xi32>,
    %swap3A_357 = vector.shape_cast %swap3A_356 : vector<1x16xi32> to vector<16xi32>
    %swap3A_358 = vector.shape_cast %and3A_352 : vector<16xi32> to vector<1x16xi32>
    tpu.vector_store %arg7[%swap3A_354, %swap3A_355], %swap3A_358 {strides = array<i32>} : memref<3x80xi32, #tpu.memory_space<vmem>>, vector<1x16xi32>,
    %dma_start3A_359 = arith.constant 1 : i32
    %dma_start3A_360 = arith.constant 0 : i32
    %dma_start3A_361 = tpu.memref_slice %arg6[%dma_start3A_359, %dma_start3A_360] : memref<3x80xi32, #tpu.memory_space<vmem>> -> memref<1x80xi32, #tpu.memory_space<vmem>>
    %dma_start3A_362 = tpu.memref_squeeze %dma_start3A_361 : memref<1x80xi32, #tpu.memory_space<vmem>> -> memref<80xi32, #tpu.memory_space<vmem>>
    %dma_start3A_363 = arith.constant 0 : i32
    %dma_start3A_364 = arith.constant 0 : i32
    %dma_start3A_365 = tpu.memref_slice %arg2[%dma_start3A_363, %dma_start3A_364] : memref<10000x128xf32, #tpu.memory_space<hbm>> -> memref<10000x128xf32, #tpu.memory_space<hbm>>
    tpu.enqueue_indirect_dma source(%dma_start3A_365 : memref<10000x128xf32, #tpu.memory_space<hbm>>) target(%arg9 : memref<80x128xf32, #tpu.memory_space<vmem>>) offsets(%dma_start3A_362 : memref<80xi32, #tpu.memory_space<vmem>>) semaphore(%arg13 : memref<!tpu.dma_semaphore, #tpu.memory_space<semaphore_mem>>)
    %scan3A_366 = arith.constant 0 : i32
    %scan3A_367 = arith.constant 0 : i32
    %scan3A_368 = arith.constant 41 : i32
    %scan3A_369 = arith.addi %scan3A_367, %scan3A_368 : i32
    %scan3A_370 = arith.constant 1 : i32
    %scan3A_371 = scf.for %scan3A_423 = %scan3A_367 to %scan3A_369 step %scan3A_370 iter_args(%scan3A_424 = %scan3A_366) -> (i32)  : i32 {
      %mul3A_425 = arith.constant 3 : i32
      %mul3A_426 = arith.muli %mul3A_425, %scan3A_423 : i32
      %add3A_427 = arith.constant 0 : i32
      %add3A_428 = arith.addi %mul3A_426, %add3A_427 : i32
      %dma_wait3A_429 = arith.constant 2 : i32
      %dma_wait3A_430 = arith.constant 0 : i32
      %dma_wait3A_431 = tpu.memref_slice %arg5[%dma_wait3A_429, %dma_wait3A_430] : memref<3x80xi32, #tpu.memory_space<vmem>> -> memref<1x80xi32, #tpu.memory_space<vmem>>
      %dma_wait3A_432 = tpu.memref_squeeze %dma_wait3A_431 : memref<1x80xi32, #tpu.memory_space<vmem>> -> memref<80xi32, #tpu.memory_space<vmem>>
      %dma_wait3A_433 = tpu.memref_slice %arg3[%mul3A_2] : memref<320000xi32, #tpu.memory_space<hbm>> -> memref<80xi32, #tpu.memory_space<hbm>>
      %dma_wait3A_434 = arith.constant 0 : i32
      %dma_wait3A_435 = tpu.memref_slice %arg5[%dma_wait3A_429, %dma_wait3A_434] : memref<3x80xi32, #tpu.memory_space<vmem>> -> memref<1x80xi32, #tpu.memory_space<vmem>>
      %dma_wait3A_436 = tpu.memref_squeeze %dma_wait3A_435 : memref<1x80xi32, #tpu.memory_space<vmem>> -> memref<80xi32, #tpu.memory_space<vmem>>
      %dma_wait3A_437 = tpu.memref_slice %arg3[%mul3A_2] : memref<320000xi32, #tpu.memory_space<hbm>> -> memref<80xi32, #tpu.memory_space<hbm>>
      tpu.wait_dma2 semaphore(%arg17 : memref<!tpu.dma_semaphore, #tpu.memory_space<semaphore_mem>>) src(%dma_wait3A_437 : memref<80xi32, #tpu.memory_space<hbm>>) dst(%dma_wait3A_436 : memref<80xi32, #tpu.memory_space<vmem>>)
      %get3A_438 = arith.constant 2 : i32
      %get3A_439 = arith.index_cast %get3A_438 : i32 to index
      %get3A_440 = arith.constant 0 : index
      %get3A_441 = tpu.vector_load %arg5[%get3A_439, %get3A_440] {strides = array<i32>} : memref<3x80xi32, #tpu.memory_space<vmem>>, vector<1x16xi32>,
      %get3A_442 = vector.shape_cast %get3A_441 : vector<1x16xi32> to vector<16xi32>
      %shift_right_logical3A_443 = arith.constant 14 : i32
      %shift_right_logical3A_444 = vector.broadcast %shift_right_logical3A_443 : i32 to vector<16xi32>
      %shift_right_logical3A_445 = arith.shrui %get3A_442, %shift_right_logical3A_444 : vector<16xi32>
      %swap3A_446 = arith.constant 2 : i32
      %swap3A_447 = arith.index_cast %swap3A_446 : i32 to index
      %swap3A_448 = arith.constant 0 : index
      %swap3A_449 = tpu.vector_load %arg6[%swap3A_447, %swap3A_448] {strides = array<i32>} : memref<3x80xi32, #tpu.memory_space<vmem>>, vector<1x16xi32>,
      %swap3A_450 = vector.shape_cast %swap3A_449 : vector<1x16xi32> to vector<16xi32>
      %swap3A_451 = vector.shape_cast %shift_right_logical3A_445 : vector<16xi32> to vector<1x16xi32>
      tpu.vector_store %arg6[%swap3A_447, %swap3A_448], %swap3A_451 {strides = array<i32>} : memref<3x80xi32, #tpu.memory_space<vmem>>, vector<1x16xi32>,
      %get3A_452 = arith.constant 2 : i32
      %get3A_453 = arith.index_cast %get3A_452 : i32 to index
      %get3A_454 = arith.constant 16 : index
      %get3A_455 = tpu.vector_load %arg5[%get3A_453, %get3A_454] {strides = array<i32>} : memref<3x80xi32, #tpu.memory_space<vmem>>, vector<1x16xi32>,
      %get3A_456 = vector.shape_cast %get3A_455 : vector<1x16xi32> to vector<16xi32>
      %shift_right_logical3A_457 = arith.constant 14 : i32
      %shift_right_logical3A_458 = vector.broadcast %shift_right_logical3A_457 : i32 to vector<16xi32>
      %shift_right_logical3A_459 = arith.shrui %get3A_456, %shift_right_logical3A_458 : vector<16xi32>
      %swap3A_460 = arith.constant 2 : i32
      %swap3A_461 = arith.index_cast %swap3A_460 : i32 to index
      %swap3A_462 = arith.constant 16 : index
      %swap3A_463 = tpu.vector_load %arg6[%swap3A_461, %swap3A_462] {strides = array<i32>} : memref<3x80xi32, #tpu.memory_space<vmem>>, vector<1x16xi32>,
      %swap3A_464 = vector.shape_cast %swap3A_463 : vector<1x16xi32> to vector<16xi32>
      %swap3A_465 = vector.shape_cast %shift_right_logical3A_459 : vector<16xi32> to vector<1x16xi32>
      tpu.vector_store %arg6[%swap3A_461, %swap3A_462], %swap3A_465 {strides = array<i32>} : memref<3x80xi32, #tpu.memory_space<vmem>>, vector<1x16xi32>,
      %get3A_466 = arith.constant 2 : i32
      %get3A_467 = arith.index_cast %get3A_466 : i32 to index
      %get3A_468 = arith.constant 32 : index
      %get3A_469 = tpu.vector_load %arg5[%get3A_467, %get3A_468] {strides = array<i32>} : memref<3x80xi32, #tpu.memory_space<vmem>>, vector<1x16xi32>,
      %get3A_470 = vector.shape_cast %get3A_469 : vector<1x16xi32> to vector<16xi32>
      %shift_right_logical3A_471 = arith.constant 14 : i32
      %shift_right_logical3A_472 = vector.broadcast %shift_right_logical3A_471 : i32 to vector<16xi32>
      %shift_right_logical3A_473 = arith.shrui %get3A_470, %shift_right_logical3A_472 : vector<16xi32>
      %swap3A_474 = arith.constant 2 : i32
      %swap3A_475 = arith.index_cast %swap3A_474 : i32 to index
      %swap3A_476 = arith.constant 32 : index
      %swap3A_477 = tpu.vector_load %arg6[%swap3A_475, %swap3A_476] {strides = array<i32>} : memref<3x80xi32, #tpu.memory_space<vmem>>, vector<1x16xi32>,
      %swap3A_478 = vector.shape_cast %swap3A_477 : vector<1x16xi32> to vector<16xi32>
      %swap3A_479 = vector.shape_cast %shift_right_logical3A_473 : vector<16xi32> to vector<1x16xi32>
      tpu.vector_store %arg6[%swap3A_475, %swap3A_476], %swap3A_479 {strides = array<i32>} : memref<3x80xi32, #tpu.memory_space<vmem>>, vector<1x16xi32>,
      %get3A_480 = arith.constant 2 : i32
      %get3A_481 = arith.index_cast %get3A_480 : i32 to index
      %get3A_482 = arith.constant 48 : index
      %get3A_483 = tpu.vector_load %arg5[%get3A_481, %get3A_482] {strides = array<i32>} : memref<3x80xi32, #tpu.memory_space<vmem>>, vector<1x16xi32>,
      %get3A_484 = vector.shape_cast %get3A_483 : vector<1x16xi32> to vector<16xi32>
      %shift_right_logical3A_485 = arith.constant 14 : i32
      %shift_right_logical3A_486 = vector.broadcast %shift_right_logical3A_485 : i32 to vector<16xi32>
      %shift_right_logical3A_487 = arith.shrui %get3A_484, %shift_right_logical3A_486 : vector<16xi32>
      %swap3A_488 = arith.constant 2 : i32
      %swap3A_489 = arith.index_cast %swap3A_488 : i32 to index
      %swap3A_490 = arith.constant 48 : index
      %swap3A_491 = tpu.vector_load %arg6[%swap3A_489, %swap3A_490] {strides = array<i32>} : memref<3x80xi32, #tpu.memory_space<vmem>>, vector<1x16xi32>,
      %swap3A_492 = vector.shape_cast %swap3A_491 : vector<1x16xi32> to vector<16xi32>
      %swap3A_493 = vector.shape_cast %shift_right_logical3A_487 : vector<16xi32> to vector<1x16xi32>
      tpu.vector_store %arg6[%swap3A_489, %swap3A_490], %swap3A_493 {strides = array<i32>} : memref<3x80xi32, #tpu.memory_space<vmem>>, vector<1x16xi32>,
      %get3A_494 = arith.constant 2 : i32
      %get3A_495 = arith.index_cast %get3A_494 : i32 to index
      %get3A_496 = arith.constant 64 : index
      %get3A_497 = tpu.vector_load %arg5[%get3A_495, %get3A_496] {strides = array<i32>} : memref<3x80xi32, #tpu.memory_space<vmem>>, vector<1x16xi32>,
      %get3A_498 = vector.shape_cast %get3A_497 : vector<1x16xi32> to vector<16xi32>
      %shift_right_logical3A_499 = arith.constant 14 : i32
      %shift_right_logical3A_500 = vector.broadcast %shift_right_logical3A_499 : i32 to vector<16xi32>
      %shift_right_logical3A_501 = arith.shrui %get3A_498, %shift_right_logical3A_500 : vector<16xi32>
      %swap3A_502 = arith.constant 2 : i32
      %swap3A_503 = arith.index_cast %swap3A_502 : i32 to index
      %swap3A_504 = arith.constant 64 : index
      %swap3A_505 = tpu.vector_load %arg6[%swap3A_503, %swap3A_504] {strides = array<i32>} : memref<3x80xi32, #tpu.memory_space<vmem>>, vector<1x16xi32>,
      %swap3A_506 = vector.shape_cast %swap3A_505 : vector<1x16xi32> to vector<16xi32>
      %swap3A_507 = vector.shape_cast %shift_right_logical3A_501 : vector<16xi32> to vector<1x16xi32>
      tpu.vector_store %arg6[%swap3A_503, %swap3A_504], %swap3A_507 {strides = array<i32>} : memref<3x80xi32, #tpu.memory_space<vmem>>, vector<1x16xi32>,
      %gt3A = arith.constant 0 : i32
      %gt3A_508 = arith.cmpi sgt, %scan3A_423, %gt3A : i32
      %convert_element_type3A = arith.extui %gt3A_508 : i1 to i32
      %cond3A = arith.constant 0 : i32
      %cond3A_509 = arith.cmpi ne, %convert_element_type3A, %cond3A : i32
      scf.if %cond3A_509 {
        %dma_wait3A_984 = arith.constant 2 : i32
        %dma_wait3A_985 = arith.constant 0 : i32
        %dma_wait3A_986 = tpu.memref_slice %arg7[%dma_wait3A_984, %dma_wait3A_985] : memref<3x80xi32, #tpu.memory_space<vmem>> -> memref<1x80xi32, #tpu.memory_space<vmem>>
        %dma_wait3A_987 = tpu.memref_squeeze %dma_wait3A_986 : memref<1x80xi32, #tpu.memory_space<vmem>> -> memref<80xi32, #tpu.memory_space<vmem>>
        %dma_wait3A_988 = arith.constant 0 : i32
        %dma_wait3A_989 = arith.constant 0 : i32
        %dma_wait3A_990 = tpu.memref_slice %arg11[%dma_wait3A_988, %dma_wait3A_989] : memref<10000x128xf32, #tpu.memory_space<vmem_shared>> -> memref<10000x128xf32, #tpu.memory_space<vmem_shared>>
        tpu.wait_indirect_dma semaphore(%arg20 : memref<!tpu.dma_semaphore, #tpu.memory_space<semaphore_mem>>) src(%arg10 : memref<80x128xf32, #tpu.memory_space<vmem>>) dst(%dma_wait3A_990 : memref<10000x128xf32, #tpu.memory_space<vmem_shared>>)
      } else {
      }
      %get3A_510 = arith.constant 2 : i32
      %get3A_511 = arith.index_cast %get3A_510 : i32 to index
      %get3A_512 = arith.constant 0 : index
      %get3A_513 = tpu.vector_load %arg5[%get3A_511, %get3A_512] {strides = array<i32>} : memref<3x80xi32, #tpu.memory_space<vmem>>, vector<1x16xi32>,
      %get3A_514 = vector.shape_cast %get3A_513 : vector<1x16xi32> to vector<16xi32>
      %and3A_515 = arith.constant 16383 : i32
      %and3A_516 = vector.broadcast %and3A_515 : i32 to vector<16xi32>
      %and3A_517 = arith.andi %get3A_514, %and3A_516 : vector<16xi32>
      %swap3A_518 = arith.constant 2 : i32
      %swap3A_519 = arith.index_cast %swap3A_518 : i32 to index
      %swap3A_520 = arith.constant 0 : index
      %swap3A_521 = tpu.vector_load %arg7[%swap3A_519, %swap3A_520] {strides = array<i32>} : memref<3x80xi32, #tpu.memory_space<vmem>>, vector<1x16xi32>,
      %swap3A_522 = vector.shape_cast %swap3A_521 : vector<1x16xi32> to vector<16xi32>
      %swap3A_523 = vector.shape_cast %and3A_517 : vector<16xi32> to vector<1x16xi32>
      tpu.vector_store %arg7[%swap3A_519, %swap3A_520], %swap3A_523 {strides = array<i32>} : memref<3x80xi32, #tpu.memory_space<vmem>>, vector<1x16xi32>,
      %get3A_524 = arith.constant 2 : i32
      %get3A_525 = arith.index_cast %get3A_524 : i32 to index
      %get3A_526 = arith.constant 16 : index
      %get3A_527 = tpu.vector_load %arg5[%get3A_525, %get3A_526] {strides = array<i32>} : memref<3x80xi32, #tpu.memory_space<vmem>>, vector<1x16xi32>,
      %get3A_528 = vector.shape_cast %get3A_527 : vector<1x16xi32> to vector<16xi32>
      %and3A_529 = arith.constant 16383 : i32
      %and3A_530 = vector.broadcast %and3A_529 : i32 to vector<16xi32>
      %and3A_531 = arith.andi %get3A_528, %and3A_530 : vector<16xi32>
      %swap3A_532 = arith.constant 2 : i32
      %swap3A_533 = arith.index_cast %swap3A_532 : i32 to index
      %swap3A_534 = arith.constant 16 : index
      %swap3A_535 = tpu.vector_load %arg7[%swap3A_533, %swap3A_534] {strides = array<i32>} : memref<3x80xi32, #tpu.memory_space<vmem>>, vector<1x16xi32>,
      %swap3A_536 = vector.shape_cast %swap3A_535 : vector<1x16xi32> to vector<16xi32>
      %swap3A_537 = vector.shape_cast %and3A_531 : vector<16xi32> to vector<1x16xi32>
      tpu.vector_store %arg7[%swap3A_533, %swap3A_534], %swap3A_537 {strides = array<i32>} : memref<3x80xi32, #tpu.memory_space<vmem>>, vector<1x16xi32>,
      %get3A_538 = arith.constant 2 : i32
      %get3A_539 = arith.index_cast %get3A_538 : i32 to index
      %get3A_540 = arith.constant 32 : index
      %get3A_541 = tpu.vector_load %arg5[%get3A_539, %get3A_540] {strides = array<i32>} : memref<3x80xi32, #tpu.memory_space<vmem>>, vector<1x16xi32>,
      %get3A_542 = vector.shape_cast %get3A_541 : vector<1x16xi32> to vector<16xi32>
      %and3A_543 = arith.constant 16383 : i32
      %and3A_544 = vector.broadcast %and3A_543 : i32 to vector<16xi32>
      %and3A_545 = arith.andi %get3A_542, %and3A_544 : vector<16xi32>
      %swap3A_546 = arith.constant 2 : i32
      %swap3A_547 = arith.index_cast %swap3A_546 : i32 to index
      %swap3A_548 = arith.constant 32 : index
      %swap3A_549 = tpu.vector_load %arg7[%swap3A_547, %swap3A_548] {strides = array<i32>} : memref<3x80xi32, #tpu.memory_space<vmem>>, vector<1x16xi32>,
      %swap3A_550 = vector.shape_cast %swap3A_549 : vector<1x16xi32> to vector<16xi32>
      %swap3A_551 = vector.shape_cast %and3A_545 : vector<16xi32> to vector<1x16xi32>
      tpu.vector_store %arg7[%swap3A_547, %swap3A_548], %swap3A_551 {strides = array<i32>} : memref<3x80xi32, #tpu.memory_space<vmem>>, vector<1x16xi32>,
      %get3A_552 = arith.constant 2 : i32
      %get3A_553 = arith.index_cast %get3A_552 : i32 to index
      %get3A_554 = arith.constant 48 : index
      %get3A_555 = tpu.vector_load %arg5[%get3A_553, %get3A_554] {strides = array<i32>} : memref<3x80xi32, #tpu.memory_space<vmem>>, vector<1x16xi32>,
      %get3A_556 = vector.shape_cast %get3A_555 : vector<1x16xi32> to vector<16xi32>
      %and3A_557 = arith.constant 16383 : i32
      %and3A_558 = vector.broadcast %and3A_557 : i32 to vector<16xi32>
      %and3A_559 = arith.andi %get3A_556, %and3A_558 : vector<16xi32>
      %swap3A_560 = arith.constant 2 : i32
      %swap3A_561 = arith.index_cast %swap3A_560 : i32 to index
      %swap3A_562 = arith.constant 48 : index
      %swap3A_563 = tpu.vector_load %arg7[%swap3A_561, %swap3A_562] {strides = array<i32>} : memref<3x80xi32, #tpu.memory_space<vmem>>, vector<1x16xi32>,
      %swap3A_564 = vector.shape_cast %swap3A_563 : vector<1x16xi32> to vector<16xi32>
      %swap3A_565 = vector.shape_cast %and3A_559 : vector<16xi32> to vector<1x16xi32>
      tpu.vector_store %arg7[%swap3A_561, %swap3A_562], %swap3A_565 {strides = array<i32>} : memref<3x80xi32, #tpu.memory_space<vmem>>, vector<1x16xi32>,
      %get3A_566 = arith.constant 2 : i32
      %get3A_567 = arith.index_cast %get3A_566 : i32 to index
      %get3A_568 = arith.constant 64 : index
      %get3A_569 = tpu.vector_load %arg5[%get3A_567, %get3A_568] {strides = array<i32>} : memref<3x80xi32, #tpu.memory_space<vmem>>, vector<1x16xi32>,
      %get3A_570 = vector.shape_cast %get3A_569 : vector<1x16xi32> to vector<16xi32>
      %and3A_571 = arith.constant 16383 : i32
      %and3A_572 = vector.broadcast %and3A_571 : i32 to vector<16xi32>
      %and3A_573 = arith.andi %get3A_570, %and3A_572 : vector<16xi32>
      %swap3A_574 = arith.constant 2 : i32
      %swap3A_575 = arith.index_cast %swap3A_574 : i32 to index
      %swap3A_576 = arith.constant 64 : index
      %swap3A_577 = tpu.vector_load %arg7[%swap3A_575, %swap3A_576] {strides = array<i32>} : memref<3x80xi32, #tpu.memory_space<vmem>>, vector<1x16xi32>,
      %swap3A_578 = vector.shape_cast %swap3A_577 : vector<1x16xi32> to vector<16xi32>
      %swap3A_579 = vector.shape_cast %and3A_573 : vector<16xi32> to vector<1x16xi32>
      tpu.vector_store %arg7[%swap3A_575, %swap3A_576], %swap3A_579 {strides = array<i32>} : memref<3x80xi32, #tpu.memory_space<vmem>>, vector<1x16xi32>,
      %dma_start3A_580 = arith.constant 2 : i32
      %dma_start3A_581 = arith.constant 0 : i32
      %dma_start3A_582 = tpu.memref_slice %arg6[%dma_start3A_580, %dma_start3A_581] : memref<3x80xi32, #tpu.memory_space<vmem>> -> memref<1x80xi32, #tpu.memory_space<vmem>>
      %dma_start3A_583 = tpu.memref_squeeze %dma_start3A_582 : memref<1x80xi32, #tpu.memory_space<vmem>> -> memref<80xi32, #tpu.memory_space<vmem>>
      %dma_start3A_584 = arith.constant 0 : i32
      %dma_start3A_585 = arith.constant 0 : i32
      %dma_start3A_586 = tpu.memref_slice %arg2[%dma_start3A_584, %dma_start3A_585] : memref<10000x128xf32, #tpu.memory_space<hbm>> -> memref<10000x128xf32, #tpu.memory_space<hbm>>
      tpu.enqueue_indirect_dma source(%dma_start3A_586 : memref<10000x128xf32, #tpu.memory_space<hbm>>) target(%arg10 : memref<80x128xf32, #tpu.memory_space<vmem>>) offsets(%dma_start3A_583 : memref<80xi32, #tpu.memory_space<vmem>>) semaphore(%arg14 : memref<!tpu.dma_semaphore, #tpu.memory_space<semaphore_mem>>)
      %dma_wait3A_587 = arith.constant 0 : i32
      %dma_wait3A_588 = arith.constant 0 : i32
      %dma_wait3A_589 = tpu.memref_slice %arg6[%dma_wait3A_587, %dma_wait3A_588] : memref<3x80xi32, #tpu.memory_space<vmem>> -> memref<1x80xi32, #tpu.memory_space<vmem>>
      %dma_wait3A_590 = tpu.memref_squeeze %dma_wait3A_589 : memref<1x80xi32, #tpu.memory_space<vmem>> -> memref<80xi32, #tpu.memory_space<vmem>>
      %dma_wait3A_591 = arith.constant 0 : i32
      %dma_wait3A_592 = arith.constant 0 : i32
      %dma_wait3A_593 = tpu.memref_slice %arg2[%dma_wait3A_591, %dma_wait3A_592] : memref<10000x128xf32, #tpu.memory_space<hbm>> -> memref<10000x128xf32, #tpu.memory_space<hbm>>
      tpu.wait_indirect_dma semaphore(%arg12 : memref<!tpu.dma_semaphore, #tpu.memory_space<semaphore_mem>>) src(%dma_wait3A_593 : memref<10000x128xf32, #tpu.memory_space<hbm>>) dst(%arg8 : memref<80x128xf32, #tpu.memory_space<vmem>>)
      %dma_start3A_594 = arith.constant 0 : i32
      %dma_start3A_595 = arith.constant 0 : i32
      %dma_start3A_596 = tpu.memref_slice %arg7[%dma_start3A_594, %dma_start3A_595] : memref<3x80xi32, #tpu.memory_space<vmem>> -> memref<1x80xi32, #tpu.memory_space<vmem>>
      %dma_start3A_597 = tpu.memref_squeeze %dma_start3A_596 : memref<1x80xi32, #tpu.memory_space<vmem>> -> memref<80xi32, #tpu.memory_space<vmem>>
      %dma_start3A_598 = arith.constant 0 : i32
      %dma_start3A_599 = arith.constant 0 : i32
      %dma_start3A_600 = tpu.memref_slice %arg11[%dma_start3A_598, %dma_start3A_599] : memref<10000x128xf32, #tpu.memory_space<vmem_shared>> -> memref<10000x128xf32, #tpu.memory_space<vmem_shared>>
      tpu.enqueue_indirect_dma source(%arg8 : memref<80x128xf32, #tpu.memory_space<vmem>>) target(%dma_start3A_600 : memref<10000x128xf32, #tpu.memory_space<vmem_shared>>) offsets(%dma_start3A_597 : memref<80xi32, #tpu.memory_space<vmem>>) semaphore(%arg18 : memref<!tpu.dma_semaphore, #tpu.memory_space<semaphore_mem>>) {add = true}
      %add3A_601 = arith.constant 3 : i32
      %add3A_602 = arith.addi %add3A_428, %add3A_601 : i32
      %le3A = arith.constant 124 : i32
      %le3A_603 = arith.cmpi sle, %add3A_602, %le3A : i32
      %convert_element_type3A_604 = arith.extui %le3A_603 : i1 to i32
      %cond3A_605 = arith.constant 0 : i32
      %cond3A_606 = arith.cmpi ne, %convert_element_type3A_604, %cond3A_605 : i32
      scf.if %cond3A_606 {
        %add3A_984 = arith.constant 3 : i32
        %add3A_985 = arith.addi %add3A_428, %add3A_984 : i32
        %mul3A_986 = arith.constant 80 : i32
        %mul3A_987 = arith.muli %add3A_985, %mul3A_986 : i32
        %add3A_988 = arith.addi %mul3A_2, %mul3A_987 : i32
        %dma_start3A_989 = arith.constant 0 : i32
        %dma_start3A_990 = arith.constant 0 : i32
        %dma_start3A_991 = tpu.memref_slice %arg5[%dma_start3A_989, %dma_start3A_990] : memref<3x80xi32, #tpu.memory_space<vmem>> -> memref<1x80xi32, #tpu.memory_space<vmem>>
        %dma_start3A_992 = tpu.memref_squeeze %dma_start3A_991 : memref<1x80xi32, #tpu.memory_space<vmem>> -> memref<80xi32, #tpu.memory_space<vmem>>
        %dma_start3A_993 = tpu.memref_slice %arg3[%add3A_988] : memref<320000xi32, #tpu.memory_space<hbm>> -> memref<80xi32, #tpu.memory_space<hbm>>
        %dma_start3A_994 = arith.constant 0 : i32
        %dma_start3A_995 = tpu.memref_slice %arg5[%dma_start3A_989, %dma_start3A_994] : memref<3x80xi32, #tpu.memory_space<vmem>> -> memref<1x80xi32, #tpu.memory_space<vmem>>
        %dma_start3A_996 = tpu.memref_squeeze %dma_start3A_995 : memref<1x80xi32, #tpu.memory_space<vmem>> -> memref<80xi32, #tpu.memory_space<vmem>>
        %dma_start3A_997 = tpu.memref_slice %arg3[%add3A_988] : memref<320000xi32, #tpu.memory_space<hbm>> -> memref<80xi32, #tpu.memory_space<hbm>>
        tpu.enqueue_dma source(%dma_start3A_997 : memref<80xi32, #tpu.memory_space<hbm>>) target(%dma_start3A_996 : memref<80xi32, #tpu.memory_space<vmem>>) target_semaphore(%arg15 : memref<!tpu.dma_semaphore, #tpu.memory_space<semaphore_mem>>)
      } else {
      }
      %mul3A_607 = arith.constant 3 : i32
      %mul3A_608 = arith.muli %mul3A_607, %scan3A_423 : i32
      %add3A_609 = arith.constant 1 : i32
      %add3A_610 = arith.addi %mul3A_608, %add3A_609 : i32
      %dma_wait3A_611 = arith.constant 0 : i32
      %dma_wait3A_612 = arith.constant 0 : i32
      %dma_wait3A_613 = tpu.memref_slice %arg5[%dma_wait3A_611, %dma_wait3A_612] : memref<3x80xi32, #tpu.memory_space<vmem>> -> memref<1x80xi32, #tpu.memory_space<vmem>>
      %dma_wait3A_614 = tpu.memref_squeeze %dma_wait3A_613 : memref<1x80xi32, #tpu.memory_space<vmem>> -> memref<80xi32, #tpu.memory_space<vmem>>
      %dma_wait3A_615 = tpu.memref_slice %arg3[%mul3A_2] : memref<320000xi32, #tpu.memory_space<hbm>> -> memref<80xi32, #tpu.memory_space<hbm>>
      %dma_wait3A_616 = arith.constant 0 : i32
      %dma_wait3A_617 = tpu.memref_slice %arg5[%dma_wait3A_611, %dma_wait3A_616] : memref<3x80xi32, #tpu.memory_space<vmem>> -> memref<1x80xi32, #tpu.memory_space<vmem>>
      %dma_wait3A_618 = tpu.memref_squeeze %dma_wait3A_617 : memref<1x80xi32, #tpu.memory_space<vmem>> -> memref<80xi32, #tpu.memory_space<vmem>>
      %dma_wait3A_619 = tpu.memref_slice %arg3[%mul3A_2] : memref<320000xi32, #tpu.memory_space<hbm>> -> memref<80xi32, #tpu.memory_space<hbm>>
      tpu.wait_dma2 semaphore(%arg15 : memref<!tpu.dma_semaphore, #tpu.memory_space<semaphore_mem>>) src(%dma_wait3A_619 : memref<80xi32, #tpu.memory_space<hbm>>) dst(%dma_wait3A_618 : memref<80xi32, #tpu.memory_space<vmem>>)
      %get3A_620 = arith.constant 0 : i32
      %get3A_621 = arith.index_cast %get3A_620 : i32 to index
      %get3A_622 = arith.constant 0 : index
      %get3A_623 = tpu.vector_load %arg5[%get3A_621, %get3A_622] {strides = array<i32>} : memref<3x80xi32, #tpu.memory_space<vmem>>, vector<1x16xi32>,
      %get3A_624 = vector.shape_cast %get3A_623 : vector<1x16xi32> to vector<16xi32>
      %shift_right_logical3A_625 = arith.constant 14 : i32
      %shift_right_logical3A_626 = vector.broadcast %shift_right_logical3A_625 : i32 to vector<16xi32>
      %shift_right_logical3A_627 = arith.shrui %get3A_624, %shift_right_logical3A_626 : vector<16xi32>
      %swap3A_628 = arith.constant 0 : i32
      %swap3A_629 = arith.index_cast %swap3A_628 : i32 to index
      %swap3A_630 = arith.constant 0 : index
      %swap3A_631 = tpu.vector_load %arg6[%swap3A_629, %swap3A_630] {strides = array<i32>} : memref<3x80xi32, #tpu.memory_space<vmem>>, vector<1x16xi32>,
      %swap3A_632 = vector.shape_cast %swap3A_631 : vector<1x16xi32> to vector<16xi32>
      %swap3A_633 = vector.shape_cast %shift_right_logical3A_627 : vector<16xi32> to vector<1x16xi32>
      tpu.vector_store %arg6[%swap3A_629, %swap3A_630], %swap3A_633 {strides = array<i32>} : memref<3x80xi32, #tpu.memory_space<vmem>>, vector<1x16xi32>,
      %get3A_634 = arith.constant 0 : i32
      %get3A_635 = arith.index_cast %get3A_634 : i32 to index
      %get3A_636 = arith.constant 16 : index
      %get3A_637 = tpu.vector_load %arg5[%get3A_635, %get3A_636] {strides = array<i32>} : memref<3x80xi32, #tpu.memory_space<vmem>>, vector<1x16xi32>,
      %get3A_638 = vector.shape_cast %get3A_637 : vector<1x16xi32> to vector<16xi32>
      %shift_right_logical3A_639 = arith.constant 14 : i32
      %shift_right_logical3A_640 = vector.broadcast %shift_right_logical3A_639 : i32 to vector<16xi32>
      %shift_right_logical3A_641 = arith.shrui %get3A_638, %shift_right_logical3A_640 : vector<16xi32>
      %swap3A_642 = arith.constant 0 : i32
      %swap3A_643 = arith.index_cast %swap3A_642 : i32 to index
      %swap3A_644 = arith.constant 16 : index
      %swap3A_645 = tpu.vector_load %arg6[%swap3A_643, %swap3A_644] {strides = array<i32>} : memref<3x80xi32, #tpu.memory_space<vmem>>, vector<1x16xi32>,
      %swap3A_646 = vector.shape_cast %swap3A_645 : vector<1x16xi32> to vector<16xi32>
      %swap3A_647 = vector.shape_cast %shift_right_logical3A_641 : vector<16xi32> to vector<1x16xi32>
      tpu.vector_store %arg6[%swap3A_643, %swap3A_644], %swap3A_647 {strides = array<i32>} : memref<3x80xi32, #tpu.memory_space<vmem>>, vector<1x16xi32>,
      %get3A_648 = arith.constant 0 : i32
      %get3A_649 = arith.index_cast %get3A_648 : i32 to index
      %get3A_650 = arith.constant 32 : index
      %get3A_651 = tpu.vector_load %arg5[%get3A_649, %get3A_650] {strides = array<i32>} : memref<3x80xi32, #tpu.memory_space<vmem>>, vector<1x16xi32>,
      %get3A_652 = vector.shape_cast %get3A_651 : vector<1x16xi32> to vector<16xi32>
      %shift_right_logical3A_653 = arith.constant 14 : i32
      %shift_right_logical3A_654 = vector.broadcast %shift_right_logical3A_653 : i32 to vector<16xi32>
      %shift_right_logical3A_655 = arith.shrui %get3A_652, %shift_right_logical3A_654 : vector<16xi32>
      %swap3A_656 = arith.constant 0 : i32
      %swap3A_657 = arith.index_cast %swap3A_656 : i32 to index
      %swap3A_658 = arith.constant 32 : index
      %swap3A_659 = tpu.vector_load %arg6[%swap3A_657, %swap3A_658] {strides = array<i32>} : memref<3x80xi32, #tpu.memory_space<vmem>>, vector<1x16xi32>,
      %swap3A_660 = vector.shape_cast %swap3A_659 : vector<1x16xi32> to vector<16xi32>
      %swap3A_661 = vector.shape_cast %shift_right_logical3A_655 : vector<16xi32> to vector<1x16xi32>
      tpu.vector_store %arg6[%swap3A_657, %swap3A_658], %swap3A_661 {strides = array<i32>} : memref<3x80xi32, #tpu.memory_space<vmem>>, vector<1x16xi32>,
      %get3A_662 = arith.constant 0 : i32
      %get3A_663 = arith.index_cast %get3A_662 : i32 to index
      %get3A_664 = arith.constant 48 : index
      %get3A_665 = tpu.vector_load %arg5[%get3A_663, %get3A_664] {strides = array<i32>} : memref<3x80xi32, #tpu.memory_space<vmem>>, vector<1x16xi32>,
      %get3A_666 = vector.shape_cast %get3A_665 : vector<1x16xi32> to vector<16xi32>
      %shift_right_logical3A_667 = arith.constant 14 : i32
      %shift_right_logical3A_668 = vector.broadcast %shift_right_logical3A_667 : i32 to vector<16xi32>
      %shift_right_logical3A_669 = arith.shrui %get3A_666, %shift_right_logical3A_668 : vector<16xi32>
      %swap3A_670 = arith.constant 0 : i32
      %swap3A_671 = arith.index_cast %swap3A_670 : i32 to index
      %swap3A_672 = arith.constant 48 : index
      %swap3A_673 = tpu.vector_load %arg6[%swap3A_671, %swap3A_672] {strides = array<i32>} : memref<3x80xi32, #tpu.memory_space<vmem>>, vector<1x16xi32>,
      %swap3A_674 = vector.shape_cast %swap3A_673 : vector<1x16xi32> to vector<16xi32>
      %swap3A_675 = vector.shape_cast %shift_right_logical3A_669 : vector<16xi32> to vector<1x16xi32>
      tpu.vector_store %arg6[%swap3A_671, %swap3A_672], %swap3A_675 {strides = array<i32>} : memref<3x80xi32, #tpu.memory_space<vmem>>, vector<1x16xi32>,
      %get3A_676 = arith.constant 0 : i32
      %get3A_677 = arith.index_cast %get3A_676 : i32 to index
      %get3A_678 = arith.constant 64 : index
      %get3A_679 = tpu.vector_load %arg5[%get3A_677, %get3A_678] {strides = array<i32>} : memref<3x80xi32, #tpu.memory_space<vmem>>, vector<1x16xi32>,
      %get3A_680 = vector.shape_cast %get3A_679 : vector<1x16xi32> to vector<16xi32>
      %shift_right_logical3A_681 = arith.constant 14 : i32
      %shift_right_logical3A_682 = vector.broadcast %shift_right_logical3A_681 : i32 to vector<16xi32>
      %shift_right_logical3A_683 = arith.shrui %get3A_680, %shift_right_logical3A_682 : vector<16xi32>
      %swap3A_684 = arith.constant 0 : i32
      %swap3A_685 = arith.index_cast %swap3A_684 : i32 to index
      %swap3A_686 = arith.constant 64 : index
      %swap3A_687 = tpu.vector_load %arg6[%swap3A_685, %swap3A_686] {strides = array<i32>} : memref<3x80xi32, #tpu.memory_space<vmem>>, vector<1x16xi32>,
      %swap3A_688 = vector.shape_cast %swap3A_687 : vector<1x16xi32> to vector<16xi32>
      %swap3A_689 = vector.shape_cast %shift_right_logical3A_683 : vector<16xi32> to vector<1x16xi32>
      tpu.vector_store %arg6[%swap3A_685, %swap3A_686], %swap3A_689 {strides = array<i32>} : memref<3x80xi32, #tpu.memory_space<vmem>>, vector<1x16xi32>,
      %dma_wait3A_690 = arith.constant 0 : i32
      %dma_wait3A_691 = arith.constant 0 : i32
      %dma_wait3A_692 = tpu.memref_slice %arg7[%dma_wait3A_690, %dma_wait3A_691] : memref<3x80xi32, #tpu.memory_space<vmem>> -> memref<1x80xi32, #tpu.memory_space<vmem>>
      %dma_wait3A_693 = tpu.memref_squeeze %dma_wait3A_692 : memref<1x80xi32, #tpu.memory_space<vmem>> -> memref<80xi32, #tpu.memory_space<vmem>>
      %dma_wait3A_694 = arith.constant 0 : i32
      %dma_wait3A_695 = arith.constant 0 : i32
      %dma_wait3A_696 = tpu.memref_slice %arg11[%dma_wait3A_694, %dma_wait3A_695] : memref<10000x128xf32, #tpu.memory_space<vmem_shared>> -> memref<10000x128xf32, #tpu.memory_space<vmem_shared>>
      tpu.wait_indirect_dma semaphore(%arg18 : memref<!tpu.dma_semaphore, #tpu.memory_space<semaphore_mem>>) src(%arg8 : memref<80x128xf32, #tpu.memory_space<vmem>>) dst(%dma_wait3A_696 : memref<10000x128xf32, #tpu.memory_space<vmem_shared>>)
      %get3A_697 = arith.constant 0 : i32
      %get3A_698 = arith.index_cast %get3A_697 : i32 to index
      %get3A_699 = arith.constant 0 : index
      %get3A_700 = tpu.vector_load %arg5[%get3A_698, %get3A_699] {strides = array<i32>} : memref<3x80xi32, #tpu.memory_space<vmem>>, vector<1x16xi32>,
      %get3A_701 = vector.shape_cast %get3A_700 : vector<1x16xi32> to vector<16xi32>
      %and3A_702 = arith.constant 16383 : i32
      %and3A_703 = vector.broadcast %and3A_702 : i32 to vector<16xi32>
      %and3A_704 = arith.andi %get3A_701, %and3A_703 : vector<16xi32>
      %swap3A_705 = arith.constant 0 : i32
      %swap3A_706 = arith.index_cast %swap3A_705 : i32 to index
      %swap3A_707 = arith.constant 0 : index
      %swap3A_708 = tpu.vector_load %arg7[%swap3A_706, %swap3A_707] {strides = array<i32>} : memref<3x80xi32, #tpu.memory_space<vmem>>, vector<1x16xi32>,
      %swap3A_709 = vector.shape_cast %swap3A_708 : vector<1x16xi32> to vector<16xi32>
      %swap3A_710 = vector.shape_cast %and3A_704 : vector<16xi32> to vector<1x16xi32>
      tpu.vector_store %arg7[%swap3A_706, %swap3A_707], %swap3A_710 {strides = array<i32>} : memref<3x80xi32, #tpu.memory_space<vmem>>, vector<1x16xi32>,
      %get3A_711 = arith.constant 0 : i32
      %get3A_712 = arith.index_cast %get3A_711 : i32 to index
      %get3A_713 = arith.constant 16 : index
      %get3A_714 = tpu.vector_load %arg5[%get3A_712, %get3A_713] {strides = array<i32>} : memref<3x80xi32, #tpu.memory_space<vmem>>, vector<1x16xi32>,
      %get3A_715 = vector.shape_cast %get3A_714 : vector<1x16xi32> to vector<16xi32>
      %and3A_716 = arith.constant 16383 : i32
      %and3A_717 = vector.broadcast %and3A_716 : i32 to vector<16xi32>
      %and3A_718 = arith.andi %get3A_715, %and3A_717 : vector<16xi32>
      %swap3A_719 = arith.constant 0 : i32
      %swap3A_720 = arith.index_cast %swap3A_719 : i32 to index
      %swap3A_721 = arith.constant 16 : index
      %swap3A_722 = tpu.vector_load %arg7[%swap3A_720, %swap3A_721] {strides = array<i32>} : memref<3x80xi32, #tpu.memory_space<vmem>>, vector<1x16xi32>,
      %swap3A_723 = vector.shape_cast %swap3A_722 : vector<1x16xi32> to vector<16xi32>
      %swap3A_724 = vector.shape_cast %and3A_718 : vector<16xi32> to vector<1x16xi32>
      tpu.vector_store %arg7[%swap3A_720, %swap3A_721], %swap3A_724 {strides = array<i32>} : memref<3x80xi32, #tpu.memory_space<vmem>>, vector<1x16xi32>,
      %get3A_725 = arith.constant 0 : i32
      %get3A_726 = arith.index_cast %get3A_725 : i32 to index
      %get3A_727 = arith.constant 32 : index
      %get3A_728 = tpu.vector_load %arg5[%get3A_726, %get3A_727] {strides = array<i32>} : memref<3x80xi32, #tpu.memory_space<vmem>>, vector<1x16xi32>,
      %get3A_729 = vector.shape_cast %get3A_728 : vector<1x16xi32> to vector<16xi32>
      %and3A_730 = arith.constant 16383 : i32
      %and3A_731 = vector.broadcast %and3A_730 : i32 to vector<16xi32>
      %and3A_732 = arith.andi %get3A_729, %and3A_731 : vector<16xi32>
      %swap3A_733 = arith.constant 0 : i32
      %swap3A_734 = arith.index_cast %swap3A_733 : i32 to index
      %swap3A_735 = arith.constant 32 : index
      %swap3A_736 = tpu.vector_load %arg7[%swap3A_734, %swap3A_735] {strides = array<i32>} : memref<3x80xi32, #tpu.memory_space<vmem>>, vector<1x16xi32>,
      %swap3A_737 = vector.shape_cast %swap3A_736 : vector<1x16xi32> to vector<16xi32>
      %swap3A_738 = vector.shape_cast %and3A_732 : vector<16xi32> to vector<1x16xi32>
      tpu.vector_store %arg7[%swap3A_734, %swap3A_735], %swap3A_738 {strides = array<i32>} : memref<3x80xi32, #tpu.memory_space<vmem>>, vector<1x16xi32>,
      %get3A_739 = arith.constant 0 : i32
      %get3A_740 = arith.index_cast %get3A_739 : i32 to index
      %get3A_741 = arith.constant 48 : index
      %get3A_742 = tpu.vector_load %arg5[%get3A_740, %get3A_741] {strides = array<i32>} : memref<3x80xi32, #tpu.memory_space<vmem>>, vector<1x16xi32>,
      %get3A_743 = vector.shape_cast %get3A_742 : vector<1x16xi32> to vector<16xi32>
      %and3A_744 = arith.constant 16383 : i32
      %and3A_745 = vector.broadcast %and3A_744 : i32 to vector<16xi32>
      %and3A_746 = arith.andi %get3A_743, %and3A_745 : vector<16xi32>
      %swap3A_747 = arith.constant 0 : i32
      %swap3A_748 = arith.index_cast %swap3A_747 : i32 to index
      %swap3A_749 = arith.constant 48 : index
      %swap3A_750 = tpu.vector_load %arg7[%swap3A_748, %swap3A_749] {strides = array<i32>} : memref<3x80xi32, #tpu.memory_space<vmem>>, vector<1x16xi32>,
      %swap3A_751 = vector.shape_cast %swap3A_750 : vector<1x16xi32> to vector<16xi32>
      %swap3A_752 = vector.shape_cast %and3A_746 : vector<16xi32> to vector<1x16xi32>
      tpu.vector_store %arg7[%swap3A_748, %swap3A_749], %swap3A_752 {strides = array<i32>} : memref<3x80xi32, #tpu.memory_space<vmem>>, vector<1x16xi32>,
      %get3A_753 = arith.constant 0 : i32
      %get3A_754 = arith.index_cast %get3A_753 : i32 to index
      %get3A_755 = arith.constant 64 : index
      %get3A_756 = tpu.vector_load %arg5[%get3A_754, %get3A_755] {strides = array<i32>} : memref<3x80xi32, #tpu.memory_space<vmem>>, vector<1x16xi32>,
      %get3A_757 = vector.shape_cast %get3A_756 : vector<1x16xi32> to vector<16xi32>
      %and3A_758 = arith.constant 16383 : i32
      %and3A_759 = vector.broadcast %and3A_758 : i32 to vector<16xi32>
      %and3A_760 = arith.andi %get3A_757, %and3A_759 : vector<16xi32>
      %swap3A_761 = arith.constant 0 : i32
      %swap3A_762 = arith.index_cast %swap3A_761 : i32 to index
      %swap3A_763 = arith.constant 64 : index
      %swap3A_764 = tpu.vector_load %arg7[%swap3A_762, %swap3A_763] {strides = array<i32>} : memref<3x80xi32, #tpu.memory_space<vmem>>, vector<1x16xi32>,
      %swap3A_765 = vector.shape_cast %swap3A_764 : vector<1x16xi32> to vector<16xi32>
      %swap3A_766 = vector.shape_cast %and3A_760 : vector<16xi32> to vector<1x16xi32>
      tpu.vector_store %arg7[%swap3A_762, %swap3A_763], %swap3A_766 {strides = array<i32>} : memref<3x80xi32, #tpu.memory_space<vmem>>, vector<1x16xi32>,
      %dma_start3A_767 = arith.constant 0 : i32
      %dma_start3A_768 = arith.constant 0 : i32
      %dma_start3A_769 = tpu.memref_slice %arg6[%dma_start3A_767, %dma_start3A_768] : memref<3x80xi32, #tpu.memory_space<vmem>> -> memref<1x80xi32, #tpu.memory_space<vmem>>
      %dma_start3A_770 = tpu.memref_squeeze %dma_start3A_769 : memref<1x80xi32, #tpu.memory_space<vmem>> -> memref<80xi32, #tpu.memory_space<vmem>>
      %dma_start3A_771 = arith.constant 0 : i32
      %dma_start3A_772 = arith.constant 0 : i32
      %dma_start3A_773 = tpu.memref_slice %arg2[%dma_start3A_771, %dma_start3A_772] : memref<10000x128xf32, #tpu.memory_space<hbm>> -> memref<10000x128xf32, #tpu.memory_space<hbm>>
      tpu.enqueue_indirect_dma source(%dma_start3A_773 : memref<10000x128xf32, #tpu.memory_space<hbm>>) target(%arg8 : memref<80x128xf32, #tpu.memory_space<vmem>>) offsets(%dma_start3A_770 : memref<80xi32, #tpu.memory_space<vmem>>) semaphore(%arg12 : memref<!tpu.dma_semaphore, #tpu.memory_space<semaphore_mem>>)
      %dma_wait3A_774 = arith.constant 1 : i32
      %dma_wait3A_775 = arith.constant 0 : i32
      %dma_wait3A_776 = tpu.memref_slice %arg6[%dma_wait3A_774, %dma_wait3A_775] : memref<3x80xi32, #tpu.memory_space<vmem>> -> memref<1x80xi32, #tpu.memory_space<vmem>>
      %dma_wait3A_777 = tpu.memref_squeeze %dma_wait3A_776 : memref<1x80xi32, #tpu.memory_space<vmem>> -> memref<80xi32, #tpu.memory_space<vmem>>
      %dma_wait3A_778 = arith.constant 0 : i32
      %dma_wait3A_779 = arith.constant 0 : i32
      %dma_wait3A_780 = tpu.memref_slice %arg2[%dma_wait3A_778, %dma_wait3A_779] : memref<10000x128xf32, #tpu.memory_space<hbm>> -> memref<10000x128xf32, #tpu.memory_space<hbm>>
      tpu.wait_indirect_dma semaphore(%arg13 : memref<!tpu.dma_semaphore, #tpu.memory_space<semaphore_mem>>) src(%dma_wait3A_780 : memref<10000x128xf32, #tpu.memory_space<hbm>>) dst(%arg9 : memref<80x128xf32, #tpu.memory_space<vmem>>)
      %dma_start3A_781 = arith.constant 1 : i32
      %dma_start3A_782 = arith.constant 0 : i32
      %dma_start3A_783 = tpu.memref_slice %arg7[%dma_start3A_781, %dma_start3A_782] : memref<3x80xi32, #tpu.memory_space<vmem>> -> memref<1x80xi32, #tpu.memory_space<vmem>>
      %dma_start3A_784 = tpu.memref_squeeze %dma_start3A_783 : memref<1x80xi32, #tpu.memory_space<vmem>> -> memref<80xi32, #tpu.memory_space<vmem>>
      %dma_start3A_785 = arith.constant 0 : i32
      %dma_start3A_786 = arith.constant 0 : i32
      %dma_start3A_787 = tpu.memref_slice %arg11[%dma_start3A_785, %dma_start3A_786] : memref<10000x128xf32, #tpu.memory_space<vmem_shared>> -> memref<10000x128xf32, #tpu.memory_space<vmem_shared>>
      tpu.enqueue_indirect_dma source(%arg9 : memref<80x128xf32, #tpu.memory_space<vmem>>) target(%dma_start3A_787 : memref<10000x128xf32, #tpu.memory_space<vmem_shared>>) offsets(%dma_start3A_784 : memref<80xi32, #tpu.memory_space<vmem>>) semaphore(%arg19 : memref<!tpu.dma_semaphore, #tpu.memory_space<semaphore_mem>>) {add = true}
      %add3A_788 = arith.constant 3 : i32
      %add3A_789 = arith.addi %add3A_610, %add3A_788 : i32
      %le3A_790 = arith.constant 124 : i32
      %le3A_791 = arith.cmpi sle, %add3A_789, %le3A_790 : i32
      %convert_element_type3A_792 = arith.extui %le3A_791 : i1 to i32
      %cond3A_793 = arith.constant 0 : i32
      %cond3A_794 = arith.cmpi ne, %convert_element_type3A_792, %cond3A_793 : i32
      scf.if %cond3A_794 {
        %add3A_984 = arith.constant 3 : i32
        %add3A_985 = arith.addi %add3A_610, %add3A_984 : i32
        %mul3A_986 = arith.constant 80 : i32
        %mul3A_987 = arith.muli %add3A_985, %mul3A_986 : i32
        %add3A_988 = arith.addi %mul3A_2, %mul3A_987 : i32
        %dma_start3A_989 = arith.constant 1 : i32
        %dma_start3A_990 = arith.constant 0 : i32
        %dma_start3A_991 = tpu.memref_slice %arg5[%dma_start3A_989, %dma_start3A_990] : memref<3x80xi32, #tpu.memory_space<vmem>> -> memref<1x80xi32, #tpu.memory_space<vmem>>
        %dma_start3A_992 = tpu.memref_squeeze %dma_start3A_991 : memref<1x80xi32, #tpu.memory_space<vmem>> -> memref<80xi32, #tpu.memory_space<vmem>>
        %dma_start3A_993 = tpu.memref_slice %arg3[%add3A_988] : memref<320000xi32, #tpu.memory_space<hbm>> -> memref<80xi32, #tpu.memory_space<hbm>>
        %dma_start3A_994 = arith.constant 0 : i32
        %dma_start3A_995 = tpu.memref_slice %arg5[%dma_start3A_989, %dma_start3A_994] : memref<3x80xi32, #tpu.memory_space<vmem>> -> memref<1x80xi32, #tpu.memory_space<vmem>>
        %dma_start3A_996 = tpu.memref_squeeze %dma_start3A_995 : memref<1x80xi32, #tpu.memory_space<vmem>> -> memref<80xi32, #tpu.memory_space<vmem>>
        %dma_start3A_997 = tpu.memref_slice %arg3[%add3A_988] : memref<320000xi32, #tpu.memory_space<hbm>> -> memref<80xi32, #tpu.memory_space<hbm>>
        tpu.enqueue_dma source(%dma_start3A_997 : memref<80xi32, #tpu.memory_space<hbm>>) target(%dma_start3A_996 : memref<80xi32, #tpu.memory_space<vmem>>) target_semaphore(%arg16 : memref<!tpu.dma_semaphore, #tpu.memory_space<semaphore_mem>>)
      } else {
      }
      %mul3A_795 = arith.constant 3 : i32
      %mul3A_796 = arith.muli %mul3A_795, %scan3A_423 : i32
      %add3A_797 = arith.constant 2 : i32
      %add3A_798 = arith.addi %mul3A_796, %add3A_797 : i32
      %dma_wait3A_799 = arith.constant 1 : i32
      %dma_wait3A_800 = arith.constant 0 : i32
      %dma_wait3A_801 = tpu.memref_slice %arg5[%dma_wait3A_799, %dma_wait3A_800] : memref<3x80xi32, #tpu.memory_space<vmem>> -> memref<1x80xi32, #tpu.memory_space<vmem>>
      %dma_wait3A_802 = tpu.memref_squeeze %dma_wait3A_801 : memref<1x80xi32, #tpu.memory_space<vmem>> -> memref<80xi32, #tpu.memory_space<vmem>>
      %dma_wait3A_803 = tpu.memref_slice %arg3[%mul3A_2] : memref<320000xi32, #tpu.memory_space<hbm>> -> memref<80xi32, #tpu.memory_space<hbm>>
      %dma_wait3A_804 = arith.constant 0 : i32
      %dma_wait3A_805 = tpu.memref_slice %arg5[%dma_wait3A_799, %dma_wait3A_804] : memref<3x80xi32, #tpu.memory_space<vmem>> -> memref<1x80xi32, #tpu.memory_space<vmem>>
      %dma_wait3A_806 = tpu.memref_squeeze %dma_wait3A_805 : memref<1x80xi32, #tpu.memory_space<vmem>> -> memref<80xi32, #tpu.memory_space<vmem>>
      %dma_wait3A_807 = tpu.memref_slice %arg3[%mul3A_2] : memref<320000xi32, #tpu.memory_space<hbm>> -> memref<80xi32, #tpu.memory_space<hbm>>
      tpu.wait_dma2 semaphore(%arg16 : memref<!tpu.dma_semaphore, #tpu.memory_space<semaphore_mem>>) src(%dma_wait3A_807 : memref<80xi32, #tpu.memory_space<hbm>>) dst(%dma_wait3A_806 : memref<80xi32, #tpu.memory_space<vmem>>)
      %get3A_808 = arith.constant 1 : i32
      %get3A_809 = arith.index_cast %get3A_808 : i32 to index
      %get3A_810 = arith.constant 0 : index
      %get3A_811 = tpu.vector_load %arg5[%get3A_809, %get3A_810] {strides = array<i32>} : memref<3x80xi32, #tpu.memory_space<vmem>>, vector<1x16xi32>,
      %get3A_812 = vector.shape_cast %get3A_811 : vector<1x16xi32> to vector<16xi32>
      %shift_right_logical3A_813 = arith.constant 14 : i32
      %shift_right_logical3A_814 = vector.broadcast %shift_right_logical3A_813 : i32 to vector<16xi32>
      %shift_right_logical3A_815 = arith.shrui %get3A_812, %shift_right_logical3A_814 : vector<16xi32>
      %swap3A_816 = arith.constant 1 : i32
      %swap3A_817 = arith.index_cast %swap3A_816 : i32 to index
      %swap3A_818 = arith.constant 0 : index
      %swap3A_819 = tpu.vector_load %arg6[%swap3A_817, %swap3A_818] {strides = array<i32>} : memref<3x80xi32, #tpu.memory_space<vmem>>, vector<1x16xi32>,
      %swap3A_820 = vector.shape_cast %swap3A_819 : vector<1x16xi32> to vector<16xi32>
      %swap3A_821 = vector.shape_cast %shift_right_logical3A_815 : vector<16xi32> to vector<1x16xi32>
      tpu.vector_store %arg6[%swap3A_817, %swap3A_818], %swap3A_821 {strides = array<i32>} : memref<3x80xi32, #tpu.memory_space<vmem>>, vector<1x16xi32>,
      %get3A_822 = arith.constant 1 : i32
      %get3A_823 = arith.index_cast %get3A_822 : i32 to index
      %get3A_824 = arith.constant 16 : index
      %get3A_825 = tpu.vector_load %arg5[%get3A_823, %get3A_824] {strides = array<i32>} : memref<3x80xi32, #tpu.memory_space<vmem>>, vector<1x16xi32>,
      %get3A_826 = vector.shape_cast %get3A_825 : vector<1x16xi32> to vector<16xi32>
      %shift_right_logical3A_827 = arith.constant 14 : i32
      %shift_right_logical3A_828 = vector.broadcast %shift_right_logical3A_827 : i32 to vector<16xi32>
      %shift_right_logical3A_829 = arith.shrui %get3A_826, %shift_right_logical3A_828 : vector<16xi32>
      %swap3A_830 = arith.constant 1 : i32
      %swap3A_831 = arith.index_cast %swap3A_830 : i32 to index
      %swap3A_832 = arith.constant 16 : index
      %swap3A_833 = tpu.vector_load %arg6[%swap3A_831, %swap3A_832] {strides = array<i32>} : memref<3x80xi32, #tpu.memory_space<vmem>>, vector<1x16xi32>,
      %swap3A_834 = vector.shape_cast %swap3A_833 : vector<1x16xi32> to vector<16xi32>
      %swap3A_835 = vector.shape_cast %shift_right_logical3A_829 : vector<16xi32> to vector<1x16xi32>
      tpu.vector_store %arg6[%swap3A_831, %swap3A_832], %swap3A_835 {strides = array<i32>} : memref<3x80xi32, #tpu.memory_space<vmem>>, vector<1x16xi32>,
      %get3A_836 = arith.constant 1 : i32
      %get3A_837 = arith.index_cast %get3A_836 : i32 to index
      %get3A_838 = arith.constant 32 : index
      %get3A_839 = tpu.vector_load %arg5[%get3A_837, %get3A_838] {strides = array<i32>} : memref<3x80xi32, #tpu.memory_space<vmem>>, vector<1x16xi32>,
      %get3A_840 = vector.shape_cast %get3A_839 : vector<1x16xi32> to vector<16xi32>
      %shift_right_logical3A_841 = arith.constant 14 : i32
      %shift_right_logical3A_842 = vector.broadcast %shift_right_logical3A_841 : i32 to vector<16xi32>
      %shift_right_logical3A_843 = arith.shrui %get3A_840, %shift_right_logical3A_842 : vector<16xi32>
      %swap3A_844 = arith.constant 1 : i32
      %swap3A_845 = arith.index_cast %swap3A_844 : i32 to index
      %swap3A_846 = arith.constant 32 : index
      %swap3A_847 = tpu.vector_load %arg6[%swap3A_845, %swap3A_846] {strides = array<i32>} : memref<3x80xi32, #tpu.memory_space<vmem>>, vector<1x16xi32>,
      %swap3A_848 = vector.shape_cast %swap3A_847 : vector<1x16xi32> to vector<16xi32>
      %swap3A_849 = vector.shape_cast %shift_right_logical3A_843 : vector<16xi32> to vector<1x16xi32>
      tpu.vector_store %arg6[%swap3A_845, %swap3A_846], %swap3A_849 {strides = array<i32>} : memref<3x80xi32, #tpu.memory_space<vmem>>, vector<1x16xi32>,
      %get3A_850 = arith.constant 1 : i32
      %get3A_851 = arith.index_cast %get3A_850 : i32 to index
      %get3A_852 = arith.constant 48 : index
      %get3A_853 = tpu.vector_load %arg5[%get3A_851, %get3A_852] {strides = array<i32>} : memref<3x80xi32, #tpu.memory_space<vmem>>, vector<1x16xi32>,
      %get3A_854 = vector.shape_cast %get3A_853 : vector<1x16xi32> to vector<16xi32>
      %shift_right_logical3A_855 = arith.constant 14 : i32
      %shift_right_logical3A_856 = vector.broadcast %shift_right_logical3A_855 : i32 to vector<16xi32>
      %shift_right_logical3A_857 = arith.shrui %get3A_854, %shift_right_logical3A_856 : vector<16xi32>
      %swap3A_858 = arith.constant 1 : i32
      %swap3A_859 = arith.index_cast %swap3A_858 : i32 to index
      %swap3A_860 = arith.constant 48 : index
      %swap3A_861 = tpu.vector_load %arg6[%swap3A_859, %swap3A_860] {strides = array<i32>} : memref<3x80xi32, #tpu.memory_space<vmem>>, vector<1x16xi32>,
      %swap3A_862 = vector.shape_cast %swap3A_861 : vector<1x16xi32> to vector<16xi32>
      %swap3A_863 = vector.shape_cast %shift_right_logical3A_857 : vector<16xi32> to vector<1x16xi32>
      tpu.vector_store %arg6[%swap3A_859, %swap3A_860], %swap3A_863 {strides = array<i32>} : memref<3x80xi32, #tpu.memory_space<vmem>>, vector<1x16xi32>,
      %get3A_864 = arith.constant 1 : i32
      %get3A_865 = arith.index_cast %get3A_864 : i32 to index
      %get3A_866 = arith.constant 64 : index
      %get3A_867 = tpu.vector_load %arg5[%get3A_865, %get3A_866] {strides = array<i32>} : memref<3x80xi32, #tpu.memory_space<vmem>>, vector<1x16xi32>,
      %get3A_868 = vector.shape_cast %get3A_867 : vector<1x16xi32> to vector<16xi32>
      %shift_right_logical3A_869 = arith.constant 14 : i32
      %shift_right_logical3A_870 = vector.broadcast %shift_right_logical3A_869 : i32 to vector<16xi32>
      %shift_right_logical3A_871 = arith.shrui %get3A_868, %shift_right_logical3A_870 : vector<16xi32>
      %swap3A_872 = arith.constant 1 : i32
      %swap3A_873 = arith.index_cast %swap3A_872 : i32 to index
      %swap3A_874 = arith.constant 64 : index
      %swap3A_875 = tpu.vector_load %arg6[%swap3A_873, %swap3A_874] {strides = array<i32>} : memref<3x80xi32, #tpu.memory_space<vmem>>, vector<1x16xi32>,
      %swap3A_876 = vector.shape_cast %swap3A_875 : vector<1x16xi32> to vector<16xi32>
      %swap3A_877 = vector.shape_cast %shift_right_logical3A_871 : vector<16xi32> to vector<1x16xi32>
      tpu.vector_store %arg6[%swap3A_873, %swap3A_874], %swap3A_877 {strides = array<i32>} : memref<3x80xi32, #tpu.memory_space<vmem>>, vector<1x16xi32>,
      %dma_wait3A_878 = arith.constant 1 : i32
      %dma_wait3A_879 = arith.constant 0 : i32
      %dma_wait3A_880 = tpu.memref_slice %arg7[%dma_wait3A_878, %dma_wait3A_879] : memref<3x80xi32, #tpu.memory_space<vmem>> -> memref<1x80xi32, #tpu.memory_space<vmem>>
      %dma_wait3A_881 = tpu.memref_squeeze %dma_wait3A_880 : memref<1x80xi32, #tpu.memory_space<vmem>> -> memref<80xi32, #tpu.memory_space<vmem>>
      %dma_wait3A_882 = arith.constant 0 : i32
      %dma_wait3A_883 = arith.constant 0 : i32
      %dma_wait3A_884 = tpu.memref_slice %arg11[%dma_wait3A_882, %dma_wait3A_883] : memref<10000x128xf32, #tpu.memory_space<vmem_shared>> -> memref<10000x128xf32, #tpu.memory_space<vmem_shared>>
      tpu.wait_indirect_dma semaphore(%arg19 : memref<!tpu.dma_semaphore, #tpu.memory_space<semaphore_mem>>) src(%arg9 : memref<80x128xf32, #tpu.memory_space<vmem>>) dst(%dma_wait3A_884 : memref<10000x128xf32, #tpu.memory_space<vmem_shared>>)
      %get3A_885 = arith.constant 1 : i32
      %get3A_886 = arith.index_cast %get3A_885 : i32 to index
      %get3A_887 = arith.constant 0 : index
      %get3A_888 = tpu.vector_load %arg5[%get3A_886, %get3A_887] {strides = array<i32>} : memref<3x80xi32, #tpu.memory_space<vmem>>, vector<1x16xi32>,
      %get3A_889 = vector.shape_cast %get3A_888 : vector<1x16xi32> to vector<16xi32>
      %and3A_890 = arith.constant 16383 : i32
      %and3A_891 = vector.broadcast %and3A_890 : i32 to vector<16xi32>
      %and3A_892 = arith.andi %get3A_889, %and3A_891 : vector<16xi32>
      %swap3A_893 = arith.constant 1 : i32
      %swap3A_894 = arith.index_cast %swap3A_893 : i32 to index
      %swap3A_895 = arith.constant 0 : index
      %swap3A_896 = tpu.vector_load %arg7[%swap3A_894, %swap3A_895] {strides = array<i32>} : memref<3x80xi32, #tpu.memory_space<vmem>>, vector<1x16xi32>,
      %swap3A_897 = vector.shape_cast %swap3A_896 : vector<1x16xi32> to vector<16xi32>
      %swap3A_898 = vector.shape_cast %and3A_892 : vector<16xi32> to vector<1x16xi32>
      tpu.vector_store %arg7[%swap3A_894, %swap3A_895], %swap3A_898 {strides = array<i32>} : memref<3x80xi32, #tpu.memory_space<vmem>>, vector<1x16xi32>,
      %get3A_899 = arith.constant 1 : i32
      %get3A_900 = arith.index_cast %get3A_899 : i32 to index
      %get3A_901 = arith.constant 16 : index
      %get3A_902 = tpu.vector_load %arg5[%get3A_900, %get3A_901] {strides = array<i32>} : memref<3x80xi32, #tpu.memory_space<vmem>>, vector<1x16xi32>,
      %get3A_903 = vector.shape_cast %get3A_902 : vector<1x16xi32> to vector<16xi32>
      %and3A_904 = arith.constant 16383 : i32
      %and3A_905 = vector.broadcast %and3A_904 : i32 to vector<16xi32>
      %and3A_906 = arith.andi %get3A_903, %and3A_905 : vector<16xi32>
      %swap3A_907 = arith.constant 1 : i32
      %swap3A_908 = arith.index_cast %swap3A_907 : i32 to index
      %swap3A_909 = arith.constant 16 : index
      %swap3A_910 = tpu.vector_load %arg7[%swap3A_908, %swap3A_909] {strides = array<i32>} : memref<3x80xi32, #tpu.memory_space<vmem>>, vector<1x16xi32>,
      %swap3A_911 = vector.shape_cast %swap3A_910 : vector<1x16xi32> to vector<16xi32>
      %swap3A_912 = vector.shape_cast %and3A_906 : vector<16xi32> to vector<1x16xi32>
      tpu.vector_store %arg7[%swap3A_908, %swap3A_909], %swap3A_912 {strides = array<i32>} : memref<3x80xi32, #tpu.memory_space<vmem>>, vector<1x16xi32>,
      %get3A_913 = arith.constant 1 : i32
      %get3A_914 = arith.index_cast %get3A_913 : i32 to index
      %get3A_915 = arith.constant 32 : index
      %get3A_916 = tpu.vector_load %arg5[%get3A_914, %get3A_915] {strides = array<i32>} : memref<3x80xi32, #tpu.memory_space<vmem>>, vector<1x16xi32>,
      %get3A_917 = vector.shape_cast %get3A_916 : vector<1x16xi32> to vector<16xi32>
      %and3A_918 = arith.constant 16383 : i32
      %and3A_919 = vector.broadcast %and3A_918 : i32 to vector<16xi32>
      %and3A_920 = arith.andi %get3A_917, %and3A_919 : vector<16xi32>
      %swap3A_921 = arith.constant 1 : i32
      %swap3A_922 = arith.index_cast %swap3A_921 : i32 to index
      %swap3A_923 = arith.constant 32 : index
      %swap3A_924 = tpu.vector_load %arg7[%swap3A_922, %swap3A_923] {strides = array<i32>} : memref<3x80xi32, #tpu.memory_space<vmem>>, vector<1x16xi32>,
      %swap3A_925 = vector.shape_cast %swap3A_924 : vector<1x16xi32> to vector<16xi32>
      %swap3A_926 = vector.shape_cast %and3A_920 : vector<16xi32> to vector<1x16xi32>
      tpu.vector_store %arg7[%swap3A_922, %swap3A_923], %swap3A_926 {strides = array<i32>} : memref<3x80xi32, #tpu.memory_space<vmem>>, vector<1x16xi32>,
      %get3A_927 = arith.constant 1 : i32
      %get3A_928 = arith.index_cast %get3A_927 : i32 to index
      %get3A_929 = arith.constant 48 : index
      %get3A_930 = tpu.vector_load %arg5[%get3A_928, %get3A_929] {strides = array<i32>} : memref<3x80xi32, #tpu.memory_space<vmem>>, vector<1x16xi32>,
      %get3A_931 = vector.shape_cast %get3A_930 : vector<1x16xi32> to vector<16xi32>
      %and3A_932 = arith.constant 16383 : i32
      %and3A_933 = vector.broadcast %and3A_932 : i32 to vector<16xi32>
      %and3A_934 = arith.andi %get3A_931, %and3A_933 : vector<16xi32>
      %swap3A_935 = arith.constant 1 : i32
      %swap3A_936 = arith.index_cast %swap3A_935 : i32 to index
      %swap3A_937 = arith.constant 48 : index
      %swap3A_938 = tpu.vector_load %arg7[%swap3A_936, %swap3A_937] {strides = array<i32>} : memref<3x80xi32, #tpu.memory_space<vmem>>, vector<1x16xi32>,
      %swap3A_939 = vector.shape_cast %swap3A_938 : vector<1x16xi32> to vector<16xi32>
      %swap3A_940 = vector.shape_cast %and3A_934 : vector<16xi32> to vector<1x16xi32>
      tpu.vector_store %arg7[%swap3A_936, %swap3A_937], %swap3A_940 {strides = array<i32>} : memref<3x80xi32, #tpu.memory_space<vmem>>, vector<1x16xi32>,
      %get3A_941 = arith.constant 1 : i32
      %get3A_942 = arith.index_cast %get3A_941 : i32 to index
      %get3A_943 = arith.constant 64 : index
      %get3A_944 = tpu.vector_load %arg5[%get3A_942, %get3A_943] {strides = array<i32>} : memref<3x80xi32, #tpu.memory_space<vmem>>, vector<1x16xi32>,
      %get3A_945 = vector.shape_cast %get3A_944 : vector<1x16xi32> to vector<16xi32>
      %and3A_946 = arith.constant 16383 : i32
      %and3A_947 = vector.broadcast %and3A_946 : i32 to vector<16xi32>
      %and3A_948 = arith.andi %get3A_945, %and3A_947 : vector<16xi32>
      %swap3A_949 = arith.constant 1 : i32
      %swap3A_950 = arith.index_cast %swap3A_949 : i32 to index
      %swap3A_951 = arith.constant 64 : index
      %swap3A_952 = tpu.vector_load %arg7[%swap3A_950, %swap3A_951] {strides = array<i32>} : memref<3x80xi32, #tpu.memory_space<vmem>>, vector<1x16xi32>,
      %swap3A_953 = vector.shape_cast %swap3A_952 : vector<1x16xi32> to vector<16xi32>
      %swap3A_954 = vector.shape_cast %and3A_948 : vector<16xi32> to vector<1x16xi32>
      tpu.vector_store %arg7[%swap3A_950, %swap3A_951], %swap3A_954 {strides = array<i32>} : memref<3x80xi32, #tpu.memory_space<vmem>>, vector<1x16xi32>,
      %dma_start3A_955 = arith.constant 1 : i32
      %dma_start3A_956 = arith.constant 0 : i32
      %dma_start3A_957 = tpu.memref_slice %arg6[%dma_start3A_955, %dma_start3A_956] : memref<3x80xi32, #tpu.memory_space<vmem>> -> memref<1x80xi32, #tpu.memory_space<vmem>>
      %dma_start3A_958 = tpu.memref_squeeze %dma_start3A_957 : memref<1x80xi32, #tpu.memory_space<vmem>> -> memref<80xi32, #tpu.memory_space<vmem>>
      %dma_start3A_959 = arith.constant 0 : i32
      %dma_start3A_960 = arith.constant 0 : i32
      %dma_start3A_961 = tpu.memref_slice %arg2[%dma_start3A_959, %dma_start3A_960] : memref<10000x128xf32, #tpu.memory_space<hbm>> -> memref<10000x128xf32, #tpu.memory_space<hbm>>
      tpu.enqueue_indirect_dma source(%dma_start3A_961 : memref<10000x128xf32, #tpu.memory_space<hbm>>) target(%arg9 : memref<80x128xf32, #tpu.memory_space<vmem>>) offsets(%dma_start3A_958 : memref<80xi32, #tpu.memory_space<vmem>>) semaphore(%arg13 : memref<!tpu.dma_semaphore, #tpu.memory_space<semaphore_mem>>)
      %dma_wait3A_962 = arith.constant 2 : i32
      %dma_wait3A_963 = arith.constant 0 : i32
      %dma_wait3A_964 = tpu.memref_slice %arg6[%dma_wait3A_962, %dma_wait3A_963] : memref<3x80xi32, #tpu.memory_space<vmem>> -> memref<1x80xi32, #tpu.memory_space<vmem>>
      %dma_wait3A_965 = tpu.memref_squeeze %dma_wait3A_964 : memref<1x80xi32, #tpu.memory_space<vmem>> -> memref<80xi32, #tpu.memory_space<vmem>>
      %dma_wait3A_966 = arith.constant 0 : i32
      %dma_wait3A_967 = arith.constant 0 : i32
      %dma_wait3A_968 = tpu.memref_slice %arg2[%dma_wait3A_966, %dma_wait3A_967] : memref<10000x128xf32, #tpu.memory_space<hbm>> -> memref<10000x128xf32, #tpu.memory_space<hbm>>
      tpu.wait_indirect_dma semaphore(%arg14 : memref<!tpu.dma_semaphore, #tpu.memory_space<semaphore_mem>>) src(%dma_wait3A_968 : memref<10000x128xf32, #tpu.memory_space<hbm>>) dst(%arg10 : memref<80x128xf32, #tpu.memory_space<vmem>>)
      %dma_start3A_969 = arith.constant 2 : i32
      %dma_start3A_970 = arith.constant 0 : i32
      %dma_start3A_971 = tpu.memref_slice %arg7[%dma_start3A_969, %dma_start3A_970] : memref<3x80xi32, #tpu.memory_space<vmem>> -> memref<1x80xi32, #tpu.memory_space<vmem>>
      %dma_start3A_972 = tpu.memref_squeeze %dma_start3A_971 : memref<1x80xi32, #tpu.memory_space<vmem>> -> memref<80xi32, #tpu.memory_space<vmem>>
      %dma_start3A_973 = arith.constant 0 : i32
      %dma_start3A_974 = arith.constant 0 : i32
      %dma_start3A_975 = tpu.memref_slice %arg11[%dma_start3A_973, %dma_start3A_974] : memref<10000x128xf32, #tpu.memory_space<vmem_shared>> -> memref<10000x128xf32, #tpu.memory_space<vmem_shared>>
      tpu.enqueue_indirect_dma source(%arg10 : memref<80x128xf32, #tpu.memory_space<vmem>>) target(%dma_start3A_975 : memref<10000x128xf32, #tpu.memory_space<vmem_shared>>) offsets(%dma_start3A_972 : memref<80xi32, #tpu.memory_space<vmem>>) semaphore(%arg20 : memref<!tpu.dma_semaphore, #tpu.memory_space<semaphore_mem>>) {add = true}
      %add3A_976 = arith.constant 3 : i32
      %add3A_977 = arith.addi %add3A_798, %add3A_976 : i32
      %le3A_978 = arith.constant 124 : i32
      %le3A_979 = arith.cmpi sle, %add3A_977, %le3A_978 : i32
      %convert_element_type3A_980 = arith.extui %le3A_979 : i1 to i32
      %cond3A_981 = arith.constant 0 : i32
      %cond3A_982 = arith.cmpi ne, %convert_element_type3A_980, %cond3A_981 : i32
      scf.if %cond3A_982 {
        %add3A_984 = arith.constant 3 : i32
        %add3A_985 = arith.addi %add3A_798, %add3A_984 : i32
        %mul3A_986 = arith.constant 80 : i32
        %mul3A_987 = arith.muli %add3A_985, %mul3A_986 : i32
        %add3A_988 = arith.addi %mul3A_2, %mul3A_987 : i32
        %dma_start3A_989 = arith.constant 2 : i32
        %dma_start3A_990 = arith.constant 0 : i32
        %dma_start3A_991 = tpu.memref_slice %arg5[%dma_start3A_989, %dma_start3A_990] : memref<3x80xi32, #tpu.memory_space<vmem>> -> memref<1x80xi32, #tpu.memory_space<vmem>>
        %dma_start3A_992 = tpu.memref_squeeze %dma_start3A_991 : memref<1x80xi32, #tpu.memory_space<vmem>> -> memref<80xi32, #tpu.memory_space<vmem>>
        %dma_start3A_993 = tpu.memref_slice %arg3[%add3A_988] : memref<320000xi32, #tpu.memory_space<hbm>> -> memref<80xi32, #tpu.memory_space<hbm>>
        %dma_start3A_994 = arith.constant 0 : i32
        %dma_start3A_995 = tpu.memref_slice %arg5[%dma_start3A_989, %dma_start3A_994] : memref<3x80xi32, #tpu.memory_space<vmem>> -> memref<1x80xi32, #tpu.memory_space<vmem>>
        %dma_start3A_996 = tpu.memref_squeeze %dma_start3A_995 : memref<1x80xi32, #tpu.memory_space<vmem>> -> memref<80xi32, #tpu.memory_space<vmem>>
        %dma_start3A_997 = tpu.memref_slice %arg3[%add3A_988] : memref<320000xi32, #tpu.memory_space<hbm>> -> memref<80xi32, #tpu.memory_space<hbm>>
        tpu.enqueue_dma source(%dma_start3A_997 : memref<80xi32, #tpu.memory_space<hbm>>) target(%dma_start3A_996 : memref<80xi32, #tpu.memory_space<vmem>>) target_semaphore(%arg17 : memref<!tpu.dma_semaphore, #tpu.memory_space<semaphore_mem>>)
      } else {
      }
      %scan3A_983 = arith.constant 0 : i32
      scf.yield %scan3A_983 : i32
    }
    %scan3A_372 = arith.constant 41 : i32
    %dma_wait3A_373 = arith.constant 0 : i32
    %dma_wait3A_374 = arith.constant 0 : i32
    %dma_wait3A_375 = tpu.memref_slice %arg6[%dma_wait3A_373, %dma_wait3A_374] : memref<3x80xi32, #tpu.memory_space<vmem>> -> memref<1x80xi32, #tpu.memory_space<vmem>>
    %dma_wait3A_376 = tpu.memref_squeeze %dma_wait3A_375 : memref<1x80xi32, #tpu.memory_space<vmem>> -> memref<80xi32, #tpu.memory_space<vmem>>
    %dma_wait3A_377 = arith.constant 0 : i32
    %dma_wait3A_378 = arith.constant 0 : i32
    %dma_wait3A_379 = tpu.memref_slice %arg2[%dma_wait3A_377, %dma_wait3A_378] : memref<10000x128xf32, #tpu.memory_space<hbm>> -> memref<10000x128xf32, #tpu.memory_space<hbm>>
    tpu.wait_indirect_dma semaphore(%arg12 : memref<!tpu.dma_semaphore, #tpu.memory_space<semaphore_mem>>) src(%dma_wait3A_379 : memref<10000x128xf32, #tpu.memory_space<hbm>>) dst(%arg8 : memref<80x128xf32, #tpu.memory_space<vmem>>)
    %dma_start3A_380 = arith.constant 0 : i32
    %dma_start3A_381 = arith.constant 0 : i32
    %dma_start3A_382 = tpu.memref_slice %arg7[%dma_start3A_380, %dma_start3A_381] : memref<3x80xi32, #tpu.memory_space<vmem>> -> memref<1x80xi32, #tpu.memory_space<vmem>>
    %dma_start3A_383 = tpu.memref_squeeze %dma_start3A_382 : memref<1x80xi32, #tpu.memory_space<vmem>> -> memref<80xi32, #tpu.memory_space<vmem>>
    %dma_start3A_384 = arith.constant 0 : i32
    %dma_start3A_385 = arith.constant 0 : i32
    %dma_start3A_386 = tpu.memref_slice %arg11[%dma_start3A_384, %dma_start3A_385] : memref<10000x128xf32, #tpu.memory_space<vmem_shared>> -> memref<10000x128xf32, #tpu.memory_space<vmem_shared>>
    tpu.enqueue_indirect_dma source(%arg8 : memref<80x128xf32, #tpu.memory_space<vmem>>) target(%dma_start3A_386 : memref<10000x128xf32, #tpu.memory_space<vmem_shared>>) offsets(%dma_start3A_383 : memref<80xi32, #tpu.memory_space<vmem>>) semaphore(%arg18 : memref<!tpu.dma_semaphore, #tpu.memory_space<semaphore_mem>>) {add = true}
    %dma_wait3A_387 = arith.constant 1 : i32
    %dma_wait3A_388 = arith.constant 0 : i32
    %dma_wait3A_389 = tpu.memref_slice %arg6[%dma_wait3A_387, %dma_wait3A_388] : memref<3x80xi32, #tpu.memory_space<vmem>> -> memref<1x80xi32, #tpu.memory_space<vmem>>
    %dma_wait3A_390 = tpu.memref_squeeze %dma_wait3A_389 : memref<1x80xi32, #tpu.memory_space<vmem>> -> memref<80xi32, #tpu.memory_space<vmem>>
    %dma_wait3A_391 = arith.constant 0 : i32
    %dma_wait3A_392 = arith.constant 0 : i32
    %dma_wait3A_393 = tpu.memref_slice %arg2[%dma_wait3A_391, %dma_wait3A_392] : memref<10000x128xf32, #tpu.memory_space<hbm>> -> memref<10000x128xf32, #tpu.memory_space<hbm>>
    tpu.wait_indirect_dma semaphore(%arg13 : memref<!tpu.dma_semaphore, #tpu.memory_space<semaphore_mem>>) src(%dma_wait3A_393 : memref<10000x128xf32, #tpu.memory_space<hbm>>) dst(%arg9 : memref<80x128xf32, #tpu.memory_space<vmem>>)
    %dma_start3A_394 = arith.constant 1 : i32
    %dma_start3A_395 = arith.constant 0 : i32
    %dma_start3A_396 = tpu.memref_slice %arg7[%dma_start3A_394, %dma_start3A_395] : memref<3x80xi32, #tpu.memory_space<vmem>> -> memref<1x80xi32, #tpu.memory_space<vmem>>
    %dma_start3A_397 = tpu.memref_squeeze %dma_start3A_396 : memref<1x80xi32, #tpu.memory_space<vmem>> -> memref<80xi32, #tpu.memory_space<vmem>>
    %dma_start3A_398 = arith.constant 0 : i32
    %dma_start3A_399 = arith.constant 0 : i32
    %dma_start3A_400 = tpu.memref_slice %arg11[%dma_start3A_398, %dma_start3A_399] : memref<10000x128xf32, #tpu.memory_space<vmem_shared>> -> memref<10000x128xf32, #tpu.memory_space<vmem_shared>>
    tpu.enqueue_indirect_dma source(%arg9 : memref<80x128xf32, #tpu.memory_space<vmem>>) target(%dma_start3A_400 : memref<10000x128xf32, #tpu.memory_space<vmem_shared>>) offsets(%dma_start3A_397 : memref<80xi32, #tpu.memory_space<vmem>>) semaphore(%arg19 : memref<!tpu.dma_semaphore, #tpu.memory_space<semaphore_mem>>) {add = true}
    %dma_wait3A_401 = arith.constant 0 : i32
    %dma_wait3A_402 = arith.constant 0 : i32
    %dma_wait3A_403 = tpu.memref_slice %arg7[%dma_wait3A_401, %dma_wait3A_402] : memref<3x80xi32, #tpu.memory_space<vmem>> -> memref<1x80xi32, #tpu.memory_space<vmem>>
    %dma_wait3A_404 = tpu.memref_squeeze %dma_wait3A_403 : memref<1x80xi32, #tpu.memory_space<vmem>> -> memref<80xi32, #tpu.memory_space<vmem>>
    %dma_wait3A_405 = arith.constant 0 : i32
    %dma_wait3A_406 = arith.constant 0 : i32
    %dma_wait3A_407 = tpu.memref_slice %arg11[%dma_wait3A_405, %dma_wait3A_406] : memref<10000x128xf32, #tpu.memory_space<vmem_shared>> -> memref<10000x128xf32, #tpu.memory_space<vmem_shared>>
    tpu.wait_indirect_dma semaphore(%arg18 : memref<!tpu.dma_semaphore, #tpu.memory_space<semaphore_mem>>) src(%arg8 : memref<80x128xf32, #tpu.memory_space<vmem>>) dst(%dma_wait3A_407 : memref<10000x128xf32, #tpu.memory_space<vmem_shared>>)
    %dma_wait3A_408 = arith.constant 1 : i32
    %dma_wait3A_409 = arith.constant 0 : i32
    %dma_wait3A_410 = tpu.memref_slice %arg7[%dma_wait3A_408, %dma_wait3A_409] : memref<3x80xi32, #tpu.memory_space<vmem>> -> memref<1x80xi32, #tpu.memory_space<vmem>>
    %dma_wait3A_411 = tpu.memref_squeeze %dma_wait3A_410 : memref<1x80xi32, #tpu.memory_space<vmem>> -> memref<80xi32, #tpu.memory_space<vmem>>
    %dma_wait3A_412 = arith.constant 0 : i32
    %dma_wait3A_413 = arith.constant 0 : i32
    %dma_wait3A_414 = tpu.memref_slice %arg11[%dma_wait3A_412, %dma_wait3A_413] : memref<10000x128xf32, #tpu.memory_space<vmem_shared>> -> memref<10000x128xf32, #tpu.memory_space<vmem_shared>>
    tpu.wait_indirect_dma semaphore(%arg19 : memref<!tpu.dma_semaphore, #tpu.memory_space<semaphore_mem>>) src(%arg9 : memref<80x128xf32, #tpu.memory_space<vmem>>) dst(%dma_wait3A_414 : memref<10000x128xf32, #tpu.memory_space<vmem_shared>>)
    %dma_wait3A_415 = arith.constant 2 : i32
    %dma_wait3A_416 = arith.constant 0 : i32
    %dma_wait3A_417 = tpu.memref_slice %arg7[%dma_wait3A_415, %dma_wait3A_416] : memref<3x80xi32, #tpu.memory_space<vmem>> -> memref<1x80xi32, #tpu.memory_space<vmem>>
    %dma_wait3A_418 = tpu.memref_squeeze %dma_wait3A_417 : memref<1x80xi32, #tpu.memory_space<vmem>> -> memref<80xi32, #tpu.memory_space<vmem>>
    %dma_wait3A_419 = arith.constant 0 : i32
    %dma_wait3A_420 = arith.constant 0 : i32
    %dma_wait3A_421 = tpu.memref_slice %arg11[%dma_wait3A_419, %dma_wait3A_420] : memref<10000x128xf32, #tpu.memory_space<vmem_shared>> -> memref<10000x128xf32, #tpu.memory_space<vmem_shared>>
    tpu.wait_indirect_dma semaphore(%arg20 : memref<!tpu.dma_semaphore, #tpu.memory_space<semaphore_mem>>) src(%arg10 : memref<80x128xf32, #tpu.memory_space<vmem>>) dst(%dma_wait3A_421 : memref<10000x128xf32, #tpu.memory_space<vmem_shared>>)
    %barrier3A_422 = arith.constant 0 : index
    tpu.barrier barrier_id(%barrier3A_422)
    "tpu.region"() ({
      %run_scoped3A = tpu.sem_alloc : memref<!tpu.dma_semaphore, #tpu.memory_space<semaphore_mem>>
      %dma_start3A_423 = arith.constant 0 : i32
      %dma_start3A_424 = arith.constant 0 : i32
      %dma_start3A_425 = tpu.memref_slice %arg4[%arg0, %arg1, %dma_start3A_423, %dma_start3A_424] : memref<2x16x625x128xf32, #tpu.memory_space<hbm>> -> memref<1x1x625x128xf32, #tpu.memory_space<hbm>>
      %dma_start3A_426 = tpu.memref_squeeze %dma_start3A_425 : memref<1x1x625x128xf32, #tpu.memory_space<hbm>> -> memref<625x128xf32, #tpu.memory_space<hbm>>
      %dma_start3A_427 = arith.constant 0 : i32
      %dma_start3A_428 = tpu.memref_slice %arg11[%mul3A_42, %dma_start3A_427] : memref<10000x128xf32, #tpu.memory_space<vmem_shared>> -> memref<625x128xf32, #tpu.memory_space<vmem_shared>>
      tpu.enqueue_dma source(%dma_start3A_428 : memref<625x128xf32, #tpu.memory_space<vmem_shared>>) target(%dma_start3A_426 : memref<625x128xf32, #tpu.memory_space<hbm>>) target_semaphore(%run_scoped3A : memref<!tpu.dma_semaphore, #tpu.memory_space<semaphore_mem>>)
      %dma_wait3A_429 = arith.constant 0 : i32
      %dma_wait3A_430 = arith.constant 0 : i32
      %dma_wait3A_431 = tpu.memref_slice %arg4[%arg0, %arg1, %dma_wait3A_429, %dma_wait3A_430] : memref<2x16x625x128xf32, #tpu.memory_space<hbm>> -> memref<1x1x625x128xf32, #tpu.memory_space<hbm>>
      %dma_wait3A_432 = tpu.memref_squeeze %dma_wait3A_431 : memref<1x1x625x128xf32, #tpu.memory_space<hbm>> -> memref<625x128xf32, #tpu.memory_space<hbm>>
      %dma_wait3A_433 = arith.constant 0 : i32
      %dma_wait3A_434 = tpu.memref_slice %arg11[%mul3A_42, %dma_wait3A_433] : memref<10000x128xf32, #tpu.memory_space<vmem_shared>> -> memref<625x128xf32, #tpu.memory_space<vmem_shared>>
      tpu.wait_dma2 semaphore(%run_scoped3A : memref<!tpu.dma_semaphore, #tpu.memory_space<semaphore_mem>>) src(%dma_wait3A_434 : memref<625x128xf32, #tpu.memory_space<vmem_shared>>) dst(%dma_wait3A_432 : memref<625x128xf32, #tpu.memory_space<hbm>>)
      tpu.yield
    }) : () -> ()
    return
  }
}

#map = affine_map<(d0, d1) -> (0, 0)>
#map1 = affine_map<(d0, d1) -> (0)>
#map2 = affine_map<(d0, d1) -> (0, 0, 0, 0)>
module attributes {stable_mosaic.version = 14 : i64} {
  func.func @_agg_body(%arg0: i32, %arg1: i32, %arg2: memref<10000x128xf32, #tpu.memory_space<hbm>>, %arg3: memref<320000xi32, #tpu.memory_space<hbm>>, %arg4: memref<2x16x625x128xf32, #tpu.memory_space<hbm>>, %arg5: memref<3x80xi32, #tpu.memory_space<vmem>>, %arg6: memref<3x80xi32, #tpu.memory_space<vmem>>, %arg7: memref<3x80xi32, #tpu.memory_space<vmem>>, %arg8: memref<80x128xf32, #tpu.memory_space<vmem>>, %arg9: memref<80x128xf32, #tpu.memory_space<vmem>>, %arg10: memref<80x128xf32, #tpu.memory_space<vmem>>, %arg11: memref<10000x128xf32, #tpu.memory_space<vmem_shared>>, %arg12: memref<!tpu.dma_semaphore, #tpu.memory_space<semaphore_mem>>, %arg13: memref<!tpu.dma_semaphore, #tpu.memory_space<semaphore_mem>>, %arg14: memref<!tpu.dma_semaphore, #tpu.memory_space<semaphore_mem>>, %arg15: memref<!tpu.dma_semaphore, #tpu.memory_space<semaphore_mem>>, %arg16: memref<!tpu.dma_semaphore, #tpu.memory_space<semaphore_mem>>, %arg17: memref<!tpu.dma_semaphore, #tpu.memory_space<semaphore_mem>>, %arg18: memref<!tpu.dma_semaphore, #tpu.memory_space<semaphore_mem>>, %arg19: memref<!tpu.dma_semaphore, #tpu.memory_space<semaphore_mem>>, %arg20: memref<!tpu.dma_semaphore, #tpu.memory_space<semaphore_mem>>) attributes {dimension_semantics = [#tpu.dimension_semantics<core_parallel>, #tpu.dimension_semantics<subcore_parallel>], iteration_bounds = array<i64: 2, 16>, scalar_prefetch = 0 : i64, scratch_operands = 16 : i64, tpu.core_type = #tpu.core_type<sc_vector_subcore>, window_params = [{transform_indices = #map}, {transform_indices = #map1}, {transform_indices = #map2}]} {
    %mul3A = arith.constant 16 : i32
    %mul3A_0 = arith.muli %arg0, %mul3A : i32
    %add3A = arith.addi %mul3A_0, %arg1 : i32
    %mul3A_1 = arith.constant 10000 : i32
    %mul3A_2 = arith.muli %add3A, %mul3A_1 : i32
    %add3A_3 = arith.constant 0 : i32
    %add3A_4 = arith.addi %mul3A_2, %add3A_3 : i32
    %dma_start3A = arith.constant 0 : i32
    %dma_start3A_5 = arith.constant 0 : i32
    %dma_start3A_6 = tpu.memref_slice %arg5[%dma_start3A, %dma_start3A_5] : memref<3x80xi32, #tpu.memory_space<vmem>> -> memref<1x80xi32, #tpu.memory_space<vmem>>
    %dma_start3A_7 = tpu.memref_squeeze %dma_start3A_6 : memref<1x80xi32, #tpu.memory_space<vmem>> -> memref<80xi32, #tpu.memory_space<vmem>>
    %dma_start3A_8 = tpu.memref_slice %arg3[%add3A_4] : memref<320000xi32, #tpu.memory_space<hbm>> -> memref<80xi32, #tpu.memory_space<hbm>>
    %dma_start3A_9 = arith.constant 0 : i32
    %dma_start3A_10 = tpu.memref_slice %arg5[%dma_start3A, %dma_start3A_9] : memref<3x80xi32, #tpu.memory_space<vmem>> -> memref<1x80xi32, #tpu.memory_space<vmem>>
    %dma_start3A_11 = tpu.memref_squeeze %dma_start3A_10 : memref<1x80xi32, #tpu.memory_space<vmem>> -> memref<80xi32, #tpu.memory_space<vmem>>
    %dma_start3A_12 = tpu.memref_slice %arg3[%add3A_4] : memref<320000xi32, #tpu.memory_space<hbm>> -> memref<80xi32, #tpu.memory_space<hbm>>
    tpu.enqueue_dma source(%dma_start3A_12 : memref<80xi32, #tpu.memory_space<hbm>>) target(%dma_start3A_11 : memref<80xi32, #tpu.memory_space<vmem>>) target_semaphore(%arg15 : memref<!tpu.dma_semaphore, #tpu.memory_space<semaphore_mem>>)
    %add3A_13 = arith.constant 80 : i32
    %add3A_14 = arith.addi %mul3A_2, %add3A_13 : i32
    %dma_start3A_15 = arith.constant 1 : i32
    %dma_start3A_16 = arith.constant 0 : i32
    %dma_start3A_17 = tpu.memref_slice %arg5[%dma_start3A_15, %dma_start3A_16] : memref<3x80xi32, #tpu.memory_space<vmem>> -> memref<1x80xi32, #tpu.memory_space<vmem>>
    %dma_start3A_18 = tpu.memref_squeeze %dma_start3A_17 : memref<1x80xi32, #tpu.memory_space<vmem>> -> memref<80xi32, #tpu.memory_space<vmem>>
    %dma_start3A_19 = tpu.memref_slice %arg3[%add3A_14] : memref<320000xi32, #tpu.memory_space<hbm>> -> memref<80xi32, #tpu.memory_space<hbm>>
    %dma_start3A_20 = arith.constant 0 : i32
    %dma_start3A_21 = tpu.memref_slice %arg5[%dma_start3A_15, %dma_start3A_20] : memref<3x80xi32, #tpu.memory_space<vmem>> -> memref<1x80xi32, #tpu.memory_space<vmem>>
    %dma_start3A_22 = tpu.memref_squeeze %dma_start3A_21 : memref<1x80xi32, #tpu.memory_space<vmem>> -> memref<80xi32, #tpu.memory_space<vmem>>
    %dma_start3A_23 = tpu.memref_slice %arg3[%add3A_14] : memref<320000xi32, #tpu.memory_space<hbm>> -> memref<80xi32, #tpu.memory_space<hbm>>
    tpu.enqueue_dma source(%dma_start3A_23 : memref<80xi32, #tpu.memory_space<hbm>>) target(%dma_start3A_22 : memref<80xi32, #tpu.memory_space<vmem>>) target_semaphore(%arg16 : memref<!tpu.dma_semaphore, #tpu.memory_space<semaphore_mem>>)
    %add3A_24 = arith.constant 160 : i32
    %add3A_25 = arith.addi %mul3A_2, %add3A_24 : i32
    %dma_start3A_26 = arith.constant 2 : i32
    %dma_start3A_27 = arith.constant 0 : i32
    %dma_start3A_28 = tpu.memref_slice %arg5[%dma_start3A_26, %dma_start3A_27] : memref<3x80xi32, #tpu.memory_space<vmem>> -> memref<1x80xi32, #tpu.memory_space<vmem>>
    %dma_start3A_29 = tpu.memref_squeeze %dma_start3A_28 : memref<1x80xi32, #tpu.memory_space<vmem>> -> memref<80xi32, #tpu.memory_space<vmem>>
    %dma_start3A_30 = tpu.memref_slice %arg3[%add3A_25] : memref<320000xi32, #tpu.memory_space<hbm>> -> memref<80xi32, #tpu.memory_space<hbm>>
    %dma_start3A_31 = arith.constant 0 : i32
    %dma_start3A_32 = tpu.memref_slice %arg5[%dma_start3A_26, %dma_start3A_31] : memref<3x80xi32, #tpu.memory_space<vmem>> -> memref<1x80xi32, #tpu.memory_space<vmem>>
    %dma_start3A_33 = tpu.memref_squeeze %dma_start3A_32 : memref<1x80xi32, #tpu.memory_space<vmem>> -> memref<80xi32, #tpu.memory_space<vmem>>
    %dma_start3A_34 = tpu.memref_slice %arg3[%add3A_25] : memref<320000xi32, #tpu.memory_space<hbm>> -> memref<80xi32, #tpu.memory_space<hbm>>
    tpu.enqueue_dma source(%dma_start3A_34 : memref<80xi32, #tpu.memory_space<hbm>>) target(%dma_start3A_33 : memref<80xi32, #tpu.memory_space<vmem>>) target_semaphore(%arg17 : memref<!tpu.dma_semaphore, #tpu.memory_space<semaphore_mem>>)
    %scan3A = arith.constant 0 : i32
    %scan3A_35 = arith.constant 0 : i32
    %scan3A_36 = arith.constant 640 : i32
    %scan3A_37 = arith.addi %scan3A_35, %scan3A_36 : i32
    %scan3A_38 = arith.constant 1 : i32
    %scan3A_39 = scf.for %scan3A_423 = %scan3A_35 to %scan3A_37 step %scan3A_38 iter_args(%scan3A_424 = %scan3A) -> (i32)  : i32 {
      %jit3A = arith.constant 8 : i32
      %div3A = arith.divsi %scan3A_423, %jit3A : i32
      %sign3A = arith.constant 0 : i32
      %sign3A_425 = arith.cmpi sgt, %scan3A_423, %sign3A : i32
      %sign3A_426 = arith.extui %sign3A_425 : i1 to i32
      %sign3A_427 = arith.constant 0 : i32
      %sign3A_428 = arith.cmpi slt, %scan3A_423, %sign3A_427 : i32
      %sign3A_429 = arith.extui %sign3A_428 : i1 to i32
      %sign3A_430 = arith.subi %sign3A_426, %sign3A_429 : i32
      %sign3A_431 = arith.constant 0 : i32
      %sign3A_432 = arith.cmpi sgt, %jit3A, %sign3A_431 : i32
      %sign3A_433 = arith.extui %sign3A_432 : i1 to i32
      %sign3A_434 = arith.constant 0 : i32
      %sign3A_435 = arith.cmpi slt, %jit3A, %sign3A_434 : i32
      %sign3A_436 = arith.extui %sign3A_435 : i1 to i32
      %sign3A_437 = arith.subi %sign3A_433, %sign3A_436 : i32
      %ne3A = arith.cmpi ne, %sign3A_430, %sign3A_437 : i32
      %rem3A = arith.remsi %scan3A_423, %jit3A : i32
      %ne3A_438 = arith.constant 0 : i32
      %ne3A_439 = arith.cmpi ne, %rem3A, %ne3A_438 : i32
      %and3A_440 = arith.andi %ne3A, %ne3A_439 : i1
      %sub3A = arith.constant 1 : i32
      %sub3A_441 = arith.subi %div3A, %sub3A : i32
      %select_n3A = arith.select %and3A_440, %sub3A_441, %div3A : i32
      %jit3A_442 = arith.constant 8 : i32
      %eq3A = arith.constant 0 : i32
      %eq3A_443 = arith.cmpi eq, %jit3A_442, %eq3A : i32
      %jit3A_444 = arith.constant 1 : i32
      %select_n3A_445 = arith.select %eq3A_443, %jit3A_444, %jit3A_442 : i32
      %rem3A_446 = arith.remsi %scan3A_423, %select_n3A_445 : i32
      %ne3A_447 = arith.constant 0 : i32
      %ne3A_448 = arith.cmpi ne, %rem3A_446, %ne3A_447 : i32
      %lt3A = arith.constant 0 : i32
      %lt3A_449 = arith.cmpi slt, %rem3A_446, %lt3A : i32
      %lt3A_450 = arith.constant 0 : i32
      %lt3A_451 = arith.cmpi slt, %select_n3A_445, %lt3A_450 : i32
      %ne3A_452 = arith.xori %lt3A_449, %lt3A_451 : i1
      %and3A_453 = arith.andi %ne3A_452, %ne3A_448 : i1
      %add3A_454 = arith.addi %rem3A_446, %select_n3A_445 : i32
      %select_n3A_455 = arith.select %and3A_453, %add3A_454, %rem3A_446 : i32
      %broadcast_in_dim3A = arith.constant 0.000000e+00 : f32
      %broadcast_in_dim3A_456 = vector.broadcast %broadcast_in_dim3A : f32 to vector<16xf32>
      %mul3A_457 = arith.constant 16 : i32
      %mul3A_458 = arith.muli %select_n3A_455, %mul3A_457 : i32
      %swap3A_459 = arith.index_cast %select_n3A : i32 to index
      %swap3A_460 = arith.index_cast %mul3A_458 : i32 to index
      %swap3A_461 = tpu.vector_load %arg8[%swap3A_459, %swap3A_460] {strides = array<i32>} : memref<80x128xf32, #tpu.memory_space<vmem>>, vector<1x16xf32>,
      %swap3A_462 = vector.shape_cast %swap3A_461 : vector<1x16xf32> to vector<16xf32>
      %swap3A_463 = vector.shape_cast %broadcast_in_dim3A_456 : vector<16xf32> to vector<1x16xf32>
      tpu.vector_store %arg8[%swap3A_459, %swap3A_460], %swap3A_463 {strides = array<i32>} : memref<80x128xf32, #tpu.memory_space<vmem>>, vector<1x16xf32>,
      %scan3A_464 = arith.constant 0 : i32
      scf.yield %scan3A_464 : i32
    }
    %scan3A_40 = arith.constant 640 : i32
    %mul3A_41 = arith.constant 625 : i32
    %mul3A_42 = arith.muli %arg1, %mul3A_41 : i32
    %add3A_43 = arith.constant 0 : i32
    %add3A_44 = arith.addi %mul3A_42, %add3A_43 : i32
    "tpu.region"() ({
      %run_scoped3A = tpu.sem_alloc : memref<!tpu.dma_semaphore, #tpu.memory_space<semaphore_mem>>
      %dma_start3A_423 = arith.constant 0 : i32
      %dma_start3A_424 = tpu.memref_slice %arg11[%add3A_44, %dma_start3A_423] : memref<10000x128xf32, #tpu.memory_space<vmem_shared>> -> memref<80x128xf32, #tpu.memory_space<vmem_shared>>
      %dma_start3A_425 = arith.constant 0 : i32
      %dma_start3A_426 = tpu.memref_slice %arg11[%add3A_44, %dma_start3A_425] : memref<10000x128xf32, #tpu.memory_space<vmem_shared>> -> memref<80x128xf32, #tpu.memory_space<vmem_shared>>
      tpu.enqueue_dma source(%arg8 : memref<80x128xf32, #tpu.memory_space<vmem>>) target(%dma_start3A_426 : memref<80x128xf32, #tpu.memory_space<vmem_shared>>) target_semaphore(%run_scoped3A : memref<!tpu.dma_semaphore, #tpu.memory_space<semaphore_mem>>)
      %dma_wait3A_427 = arith.constant 0 : i32
      %dma_wait3A_428 = tpu.memref_slice %arg11[%add3A_44, %dma_wait3A_427] : memref<10000x128xf32, #tpu.memory_space<vmem_shared>> -> memref<80x128xf32, #tpu.memory_space<vmem_shared>>
      %dma_wait3A_429 = arith.constant 0 : i32
      %dma_wait3A_430 = tpu.memref_slice %arg11[%add3A_44, %dma_wait3A_429] : memref<10000x128xf32, #tpu.memory_space<vmem_shared>> -> memref<80x128xf32, #tpu.memory_space<vmem_shared>>
      tpu.wait_dma2 semaphore(%run_scoped3A : memref<!tpu.dma_semaphore, #tpu.memory_space<semaphore_mem>>) src(%arg8 : memref<80x128xf32, #tpu.memory_space<vmem>>) dst(%dma_wait3A_430 : memref<80x128xf32, #tpu.memory_space<vmem_shared>>)
      tpu.yield
    }) : () -> ()
    %add3A_45 = arith.constant 80 : i32
    %add3A_46 = arith.addi %mul3A_42, %add3A_45 : i32
    "tpu.region"() ({
      %run_scoped3A = tpu.sem_alloc : memref<!tpu.dma_semaphore, #tpu.memory_space<semaphore_mem>>
      %dma_start3A_423 = arith.constant 0 : i32
      %dma_start3A_424 = tpu.memref_slice %arg11[%add3A_46, %dma_start3A_423] : memref<10000x128xf32, #tpu.memory_space<vmem_shared>> -> memref<80x128xf32, #tpu.memory_space<vmem_shared>>
      %dma_start3A_425 = arith.constant 0 : i32
      %dma_start3A_426 = tpu.memref_slice %arg11[%add3A_46, %dma_start3A_425] : memref<10000x128xf32, #tpu.memory_space<vmem_shared>> -> memref<80x128xf32, #tpu.memory_space<vmem_shared>>
      tpu.enqueue_dma source(%arg8 : memref<80x128xf32, #tpu.memory_space<vmem>>) target(%dma_start3A_426 : memref<80x128xf32, #tpu.memory_space<vmem_shared>>) target_semaphore(%run_scoped3A : memref<!tpu.dma_semaphore, #tpu.memory_space<semaphore_mem>>)
      %dma_wait3A_427 = arith.constant 0 : i32
      %dma_wait3A_428 = tpu.memref_slice %arg11[%add3A_46, %dma_wait3A_427] : memref<10000x128xf32, #tpu.memory_space<vmem_shared>> -> memref<80x128xf32, #tpu.memory_space<vmem_shared>>
      %dma_wait3A_429 = arith.constant 0 : i32
      %dma_wait3A_430 = tpu.memref_slice %arg11[%add3A_46, %dma_wait3A_429] : memref<10000x128xf32, #tpu.memory_space<vmem_shared>> -> memref<80x128xf32, #tpu.memory_space<vmem_shared>>
      tpu.wait_dma2 semaphore(%run_scoped3A : memref<!tpu.dma_semaphore, #tpu.memory_space<semaphore_mem>>) src(%arg8 : memref<80x128xf32, #tpu.memory_space<vmem>>) dst(%dma_wait3A_430 : memref<80x128xf32, #tpu.memory_space<vmem_shared>>)
      tpu.yield
    }) : () -> ()
    %add3A_47 = arith.constant 160 : i32
    %add3A_48 = arith.addi %mul3A_42, %add3A_47 : i32
    "tpu.region"() ({
      %run_scoped3A = tpu.sem_alloc : memref<!tpu.dma_semaphore, #tpu.memory_space<semaphore_mem>>
      %dma_start3A_423 = arith.constant 0 : i32
      %dma_start3A_424 = tpu.memref_slice %arg11[%add3A_48, %dma_start3A_423] : memref<10000x128xf32, #tpu.memory_space<vmem_shared>> -> memref<80x128xf32, #tpu.memory_space<vmem_shared>>
      %dma_start3A_425 = arith.constant 0 : i32
      %dma_start3A_426 = tpu.memref_slice %arg11[%add3A_48, %dma_start3A_425] : memref<10000x128xf32, #tpu.memory_space<vmem_shared>> -> memref<80x128xf32, #tpu.memory_space<vmem_shared>>
      tpu.enqueue_dma source(%arg8 : memref<80x128xf32, #tpu.memory_space<vmem>>) target(%dma_start3A_426 : memref<80x128xf32, #tpu.memory_space<vmem_shared>>) target_semaphore(%run_scoped3A : memref<!tpu.dma_semaphore, #tpu.memory_space<semaphore_mem>>)
      %dma_wait3A_427 = arith.constant 0 : i32
      %dma_wait3A_428 = tpu.memref_slice %arg11[%add3A_48, %dma_wait3A_427] : memref<10000x128xf32, #tpu.memory_space<vmem_shared>> -> memref<80x128xf32, #tpu.memory_space<vmem_shared>>
      %dma_wait3A_429 = arith.constant 0 : i32
      %dma_wait3A_430 = tpu.memref_slice %arg11[%add3A_48, %dma_wait3A_429] : memref<10000x128xf32, #tpu.memory_space<vmem_shared>> -> memref<80x128xf32, #tpu.memory_space<vmem_shared>>
      tpu.wait_dma2 semaphore(%run_scoped3A : memref<!tpu.dma_semaphore, #tpu.memory_space<semaphore_mem>>) src(%arg8 : memref<80x128xf32, #tpu.memory_space<vmem>>) dst(%dma_wait3A_430 : memref<80x128xf32, #tpu.memory_space<vmem_shared>>)
      tpu.yield
    }) : () -> ()
    %add3A_49 = arith.constant 240 : i32
    %add3A_50 = arith.addi %mul3A_42, %add3A_49 : i32
    "tpu.region"() ({
      %run_scoped3A = tpu.sem_alloc : memref<!tpu.dma_semaphore, #tpu.memory_space<semaphore_mem>>
      %dma_start3A_423 = arith.constant 0 : i32
      %dma_start3A_424 = tpu.memref_slice %arg11[%add3A_50, %dma_start3A_423] : memref<10000x128xf32, #tpu.memory_space<vmem_shared>> -> memref<80x128xf32, #tpu.memory_space<vmem_shared>>
      %dma_start3A_425 = arith.constant 0 : i32
      %dma_start3A_426 = tpu.memref_slice %arg11[%add3A_50, %dma_start3A_425] : memref<10000x128xf32, #tpu.memory_space<vmem_shared>> -> memref<80x128xf32, #tpu.memory_space<vmem_shared>>
      tpu.enqueue_dma source(%arg8 : memref<80x128xf32, #tpu.memory_space<vmem>>) target(%dma_start3A_426 : memref<80x128xf32, #tpu.memory_space<vmem_shared>>) target_semaphore(%run_scoped3A : memref<!tpu.dma_semaphore, #tpu.memory_space<semaphore_mem>>)
      %dma_wait3A_427 = arith.constant 0 : i32
      %dma_wait3A_428 = tpu.memref_slice %arg11[%add3A_50, %dma_wait3A_427] : memref<10000x128xf32, #tpu.memory_space<vmem_shared>> -> memref<80x128xf32, #tpu.memory_space<vmem_shared>>
      %dma_wait3A_429 = arith.constant 0 : i32
      %dma_wait3A_430 = tpu.memref_slice %arg11[%add3A_50, %dma_wait3A_429] : memref<10000x128xf32, #tpu.memory_space<vmem_shared>> -> memref<80x128xf32, #tpu.memory_space<vmem_shared>>
      tpu.wait_dma2 semaphore(%run_scoped3A : memref<!tpu.dma_semaphore, #tpu.memory_space<semaphore_mem>>) src(%arg8 : memref<80x128xf32, #tpu.memory_space<vmem>>) dst(%dma_wait3A_430 : memref<80x128xf32, #tpu.memory_space<vmem_shared>>)
      tpu.yield
    }) : () -> ()
    %add3A_51 = arith.constant 320 : i32
    %add3A_52 = arith.addi %mul3A_42, %add3A_51 : i32
    "tpu.region"() ({
      %run_scoped3A = tpu.sem_alloc : memref<!tpu.dma_semaphore, #tpu.memory_space<semaphore_mem>>
      %dma_start3A_423 = arith.constant 0 : i32
      %dma_start3A_424 = tpu.memref_slice %arg11[%add3A_52, %dma_start3A_423] : memref<10000x128xf32, #tpu.memory_space<vmem_shared>> -> memref<80x128xf32, #tpu.memory_space<vmem_shared>>
      %dma_start3A_425 = arith.constant 0 : i32
      %dma_start3A_426 = tpu.memref_slice %arg11[%add3A_52, %dma_start3A_425] : memref<10000x128xf32, #tpu.memory_space<vmem_shared>> -> memref<80x128xf32, #tpu.memory_space<vmem_shared>>
      tpu.enqueue_dma source(%arg8 : memref<80x128xf32, #tpu.memory_space<vmem>>) target(%dma_start3A_426 : memref<80x128xf32, #tpu.memory_space<vmem_shared>>) target_semaphore(%run_scoped3A : memref<!tpu.dma_semaphore, #tpu.memory_space<semaphore_mem>>)
      %dma_wait3A_427 = arith.constant 0 : i32
      %dma_wait3A_428 = tpu.memref_slice %arg11[%add3A_52, %dma_wait3A_427] : memref<10000x128xf32, #tpu.memory_space<vmem_shared>> -> memref<80x128xf32, #tpu.memory_space<vmem_shared>>
      %dma_wait3A_429 = arith.constant 0 : i32
      %dma_wait3A_430 = tpu.memref_slice %arg11[%add3A_52, %dma_wait3A_429] : memref<10000x128xf32, #tpu.memory_space<vmem_shared>> -> memref<80x128xf32, #tpu.memory_space<vmem_shared>>
      tpu.wait_dma2 semaphore(%run_scoped3A : memref<!tpu.dma_semaphore, #tpu.memory_space<semaphore_mem>>) src(%arg8 : memref<80x128xf32, #tpu.memory_space<vmem>>) dst(%dma_wait3A_430 : memref<80x128xf32, #tpu.memory_space<vmem_shared>>)
      tpu.yield
    }) : () -> ()
    %add3A_53 = arith.constant 400 : i32
    %add3A_54 = arith.addi %mul3A_42, %add3A_53 : i32
    "tpu.region"() ({
      %run_scoped3A = tpu.sem_alloc : memref<!tpu.dma_semaphore, #tpu.memory_space<semaphore_mem>>
      %dma_start3A_423 = arith.constant 0 : i32
      %dma_start3A_424 = tpu.memref_slice %arg11[%add3A_54, %dma_start3A_423] : memref<10000x128xf32, #tpu.memory_space<vmem_shared>> -> memref<80x128xf32, #tpu.memory_space<vmem_shared>>
      %dma_start3A_425 = arith.constant 0 : i32
      %dma_start3A_426 = tpu.memref_slice %arg11[%add3A_54, %dma_start3A_425] : memref<10000x128xf32, #tpu.memory_space<vmem_shared>> -> memref<80x128xf32, #tpu.memory_space<vmem_shared>>
      tpu.enqueue_dma source(%arg8 : memref<80x128xf32, #tpu.memory_space<vmem>>) target(%dma_start3A_426 : memref<80x128xf32, #tpu.memory_space<vmem_shared>>) target_semaphore(%run_scoped3A : memref<!tpu.dma_semaphore, #tpu.memory_space<semaphore_mem>>)
      %dma_wait3A_427 = arith.constant 0 : i32
      %dma_wait3A_428 = tpu.memref_slice %arg11[%add3A_54, %dma_wait3A_427] : memref<10000x128xf32, #tpu.memory_space<vmem_shared>> -> memref<80x128xf32, #tpu.memory_space<vmem_shared>>
      %dma_wait3A_429 = arith.constant 0 : i32
      %dma_wait3A_430 = tpu.memref_slice %arg11[%add3A_54, %dma_wait3A_429] : memref<10000x128xf32, #tpu.memory_space<vmem_shared>> -> memref<80x128xf32, #tpu.memory_space<vmem_shared>>
      tpu.wait_dma2 semaphore(%run_scoped3A : memref<!tpu.dma_semaphore, #tpu.memory_space<semaphore_mem>>) src(%arg8 : memref<80x128xf32, #tpu.memory_space<vmem>>) dst(%dma_wait3A_430 : memref<80x128xf32, #tpu.memory_space<vmem_shared>>)
      tpu.yield
    }) : () -> ()
    %add3A_55 = arith.constant 480 : i32
    %add3A_56 = arith.addi %mul3A_42, %add3A_55 : i32
    "tpu.region"() ({
      %run_scoped3A = tpu.sem_alloc : memref<!tpu.dma_semaphore, #tpu.memory_space<semaphore_mem>>
      %dma_start3A_423 = arith.constant 0 : i32
      %dma_start3A_424 = tpu.memref_slice %arg11[%add3A_56, %dma_start3A_423] : memref<10000x128xf32, #tpu.memory_space<vmem_shared>> -> memref<80x128xf32, #tpu.memory_space<vmem_shared>>
      %dma_start3A_425 = arith.constant 0 : i32
      %dma_start3A_426 = tpu.memref_slice %arg11[%add3A_56, %dma_start3A_425] : memref<10000x128xf32, #tpu.memory_space<vmem_shared>> -> memref<80x128xf32, #tpu.memory_space<vmem_shared>>
      tpu.enqueue_dma source(%arg8 : memref<80x128xf32, #tpu.memory_space<vmem>>) target(%dma_start3A_426 : memref<80x128xf32, #tpu.memory_space<vmem_shared>>) target_semaphore(%run_scoped3A : memref<!tpu.dma_semaphore, #tpu.memory_space<semaphore_mem>>)
      %dma_wait3A_427 = arith.constant 0 : i32
      %dma_wait3A_428 = tpu.memref_slice %arg11[%add3A_56, %dma_wait3A_427] : memref<10000x128xf32, #tpu.memory_space<vmem_shared>> -> memref<80x128xf32, #tpu.memory_space<vmem_shared>>
      %dma_wait3A_429 = arith.constant 0 : i32
      %dma_wait3A_430 = tpu.memref_slice %arg11[%add3A_56, %dma_wait3A_429] : memref<10000x128xf32, #tpu.memory_space<vmem_shared>> -> memref<80x128xf32, #tpu.memory_space<vmem_shared>>
      tpu.wait_dma2 semaphore(%run_scoped3A : memref<!tpu.dma_semaphore, #tpu.memory_space<semaphore_mem>>) src(%arg8 : memref<80x128xf32, #tpu.memory_space<vmem>>) dst(%dma_wait3A_430 : memref<80x128xf32, #tpu.memory_space<vmem_shared>>)
      tpu.yield
    }) : () -> ()
    %add3A_57 = arith.constant 560 : i32
    %add3A_58 = arith.addi %mul3A_42, %add3A_57 : i32
    "tpu.region"() ({
      %run_scoped3A = tpu.sem_alloc : memref<!tpu.dma_semaphore, #tpu.memory_space<semaphore_mem>>
      %dma_start3A_423 = arith.constant 0 : i32
      %dma_start3A_424 = arith.constant 0 : i32
      %dma_start3A_425 = tpu.memref_slice %arg8[%dma_start3A_423, %dma_start3A_424] : memref<80x128xf32, #tpu.memory_space<vmem>> -> memref<65x128xf32, #tpu.memory_space<vmem>>
      %dma_start3A_426 = arith.constant 0 : i32
      %dma_start3A_427 = tpu.memref_slice %arg11[%add3A_58, %dma_start3A_426] : memref<10000x128xf32, #tpu.memory_space<vmem_shared>> -> memref<65x128xf32, #tpu.memory_space<vmem_shared>>
      %dma_start3A_428 = arith.constant 0 : i32
      %dma_start3A_429 = tpu.memref_slice %arg11[%add3A_58, %dma_start3A_428] : memref<10000x128xf32, #tpu.memory_space<vmem_shared>> -> memref<65x128xf32, #tpu.memory_space<vmem_shared>>
      %dma_start3A_430 = arith.constant 0 : i32
      %dma_start3A_431 = arith.constant 0 : i32
      %dma_start3A_432 = tpu.memref_slice %arg8[%dma_start3A_430, %dma_start3A_431] : memref<80x128xf32, #tpu.memory_space<vmem>> -> memref<65x128xf32, #tpu.memory_space<vmem>>
      tpu.enqueue_dma source(%dma_start3A_432 : memref<65x128xf32, #tpu.memory_space<vmem>>) target(%dma_start3A_429 : memref<65x128xf32, #tpu.memory_space<vmem_shared>>) target_semaphore(%run_scoped3A : memref<!tpu.dma_semaphore, #tpu.memory_space<semaphore_mem>>)
      %dma_wait3A_433 = arith.constant 0 : i32
      %dma_wait3A_434 = arith.constant 0 : i32
      %dma_wait3A_435 = tpu.memref_slice %arg8[%dma_wait3A_433, %dma_wait3A_434] : memref<80x128xf32, #tpu.memory_space<vmem>> -> memref<65x128xf32, #tpu.memory_space<vmem>>
      %dma_wait3A_436 = arith.constant 0 : i32
      %dma_wait3A_437 = tpu.memref_slice %arg11[%add3A_58, %dma_wait3A_436] : memref<10000x128xf32, #tpu.memory_space<vmem_shared>> -> memref<65x128xf32, #tpu.memory_space<vmem_shared>>
      %dma_wait3A_438 = arith.constant 0 : i32
      %dma_wait3A_439 = tpu.memref_slice %arg11[%add3A_58, %dma_wait3A_438] : memref<10000x128xf32, #tpu.memory_space<vmem_shared>> -> memref<65x128xf32, #tpu.memory_space<vmem_shared>>
      %dma_wait3A_440 = arith.constant 0 : i32
      %dma_wait3A_441 = arith.constant 0 : i32
      %dma_wait3A_442 = tpu.memref_slice %arg8[%dma_wait3A_440, %dma_wait3A_441] : memref<80x128xf32, #tpu.memory_space<vmem>> -> memref<65x128xf32, #tpu.memory_space<vmem>>
      tpu.wait_dma2 semaphore(%run_scoped3A : memref<!tpu.dma_semaphore, #tpu.memory_space<semaphore_mem>>) src(%dma_wait3A_442 : memref<65x128xf32, #tpu.memory_space<vmem>>) dst(%dma_wait3A_439 : memref<65x128xf32, #tpu.memory_space<vmem_shared>>)
      tpu.yield
    }) : () -> ()
    %barrier3A = arith.constant 0 : index
    tpu.barrier barrier_id(%barrier3A)
    %dma_wait3A = arith.constant 0 : i32
    %dma_wait3A_59 = arith.constant 0 : i32
    %dma_wait3A_60 = tpu.memref_slice %arg5[%dma_wait3A, %dma_wait3A_59] : memref<3x80xi32, #tpu.memory_space<vmem>> -> memref<1x80xi32, #tpu.memory_space<vmem>>
    %dma_wait3A_61 = tpu.memref_squeeze %dma_wait3A_60 : memref<1x80xi32, #tpu.memory_space<vmem>> -> memref<80xi32, #tpu.memory_space<vmem>>
    %dma_wait3A_62 = tpu.memref_slice %arg3[%mul3A_2] : memref<320000xi32, #tpu.memory_space<hbm>> -> memref<80xi32, #tpu.memory_space<hbm>>
    %dma_wait3A_63 = arith.constant 0 : i32
    %dma_wait3A_64 = tpu.memref_slice %arg5[%dma_wait3A, %dma_wait3A_63] : memref<3x80xi32, #tpu.memory_space<vmem>> -> memref<1x80xi32, #tpu.memory_space<vmem>>
    %dma_wait3A_65 = tpu.memref_squeeze %dma_wait3A_64 : memref<1x80xi32, #tpu.memory_space<vmem>> -> memref<80xi32, #tpu.memory_space<vmem>>
    %dma_wait3A_66 = tpu.memref_slice %arg3[%mul3A_2] : memref<320000xi32, #tpu.memory_space<hbm>> -> memref<80xi32, #tpu.memory_space<hbm>>
    tpu.wait_dma2 semaphore(%arg15 : memref<!tpu.dma_semaphore, #tpu.memory_space<semaphore_mem>>) src(%dma_wait3A_66 : memref<80xi32, #tpu.memory_space<hbm>>) dst(%dma_wait3A_65 : memref<80xi32, #tpu.memory_space<vmem>>)
    %get3A = arith.constant 0 : i32
    %get3A_67 = arith.index_cast %get3A : i32 to index
    %get3A_68 = arith.constant 0 : index
    %get3A_69 = tpu.vector_load %arg5[%get3A_67, %get3A_68] {strides = array<i32>} : memref<3x80xi32, #tpu.memory_space<vmem>>, vector<1x16xi32>,
    %get3A_70 = vector.shape_cast %get3A_69 : vector<1x16xi32> to vector<16xi32>
    %shift_right_logical3A = arith.constant 14 : i32
    %shift_right_logical3A_71 = vector.broadcast %shift_right_logical3A : i32 to vector<16xi32>
    %shift_right_logical3A_72 = arith.shrui %get3A_70, %shift_right_logical3A_71 : vector<16xi32>
    %swap3A = arith.constant 0 : i32
    %swap3A_73 = arith.index_cast %swap3A : i32 to index
    %swap3A_74 = arith.constant 0 : index
    %swap3A_75 = tpu.vector_load %arg6[%swap3A_73, %swap3A_74] {strides = array<i32>} : memref<3x80xi32, #tpu.memory_space<vmem>>, vector<1x16xi32>,
    %swap3A_76 = vector.shape_cast %swap3A_75 : vector<1x16xi32> to vector<16xi32>
    %swap3A_77 = vector.shape_cast %shift_right_logical3A_72 : vector<16xi32> to vector<1x16xi32>
    tpu.vector_store %arg6[%swap3A_73, %swap3A_74], %swap3A_77 {strides = array<i32>} : memref<3x80xi32, #tpu.memory_space<vmem>>, vector<1x16xi32>,
    %get3A_78 = arith.constant 0 : i32
    %get3A_79 = arith.index_cast %get3A_78 : i32 to index
    %get3A_80 = arith.constant 16 : index
    %get3A_81 = tpu.vector_load %arg5[%get3A_79, %get3A_80] {strides = array<i32>} : memref<3x80xi32, #tpu.memory_space<vmem>>, vector<1x16xi32>,
    %get3A_82 = vector.shape_cast %get3A_81 : vector<1x16xi32> to vector<16xi32>
    %shift_right_logical3A_83 = arith.constant 14 : i32
    %shift_right_logical3A_84 = vector.broadcast %shift_right_logical3A_83 : i32 to vector<16xi32>
    %shift_right_logical3A_85 = arith.shrui %get3A_82, %shift_right_logical3A_84 : vector<16xi32>
    %swap3A_86 = arith.constant 0 : i32
    %swap3A_87 = arith.index_cast %swap3A_86 : i32 to index
    %swap3A_88 = arith.constant 16 : index
    %swap3A_89 = tpu.vector_load %arg6[%swap3A_87, %swap3A_88] {strides = array<i32>} : memref<3x80xi32, #tpu.memory_space<vmem>>, vector<1x16xi32>,
    %swap3A_90 = vector.shape_cast %swap3A_89 : vector<1x16xi32> to vector<16xi32>
    %swap3A_91 = vector.shape_cast %shift_right_logical3A_85 : vector<16xi32> to vector<1x16xi32>
    tpu.vector_store %arg6[%swap3A_87, %swap3A_88], %swap3A_91 {strides = array<i32>} : memref<3x80xi32, #tpu.memory_space<vmem>>, vector<1x16xi32>,
    %get3A_92 = arith.constant 0 : i32
    %get3A_93 = arith.index_cast %get3A_92 : i32 to index
    %get3A_94 = arith.constant 32 : index
    %get3A_95 = tpu.vector_load %arg5[%get3A_93, %get3A_94] {strides = array<i32>} : memref<3x80xi32, #tpu.memory_space<vmem>>, vector<1x16xi32>,
    %get3A_96 = vector.shape_cast %get3A_95 : vector<1x16xi32> to vector<16xi32>
    %shift_right_logical3A_97 = arith.constant 14 : i32
    %shift_right_logical3A_98 = vector.broadcast %shift_right_logical3A_97 : i32 to vector<16xi32>
    %shift_right_logical3A_99 = arith.shrui %get3A_96, %shift_right_logical3A_98 : vector<16xi32>
    %swap3A_100 = arith.constant 0 : i32
    %swap3A_101 = arith.index_cast %swap3A_100 : i32 to index
    %swap3A_102 = arith.constant 32 : index
    %swap3A_103 = tpu.vector_load %arg6[%swap3A_101, %swap3A_102] {strides = array<i32>} : memref<3x80xi32, #tpu.memory_space<vmem>>, vector<1x16xi32>,
    %swap3A_104 = vector.shape_cast %swap3A_103 : vector<1x16xi32> to vector<16xi32>
    %swap3A_105 = vector.shape_cast %shift_right_logical3A_99 : vector<16xi32> to vector<1x16xi32>
    tpu.vector_store %arg6[%swap3A_101, %swap3A_102], %swap3A_105 {strides = array<i32>} : memref<3x80xi32, #tpu.memory_space<vmem>>, vector<1x16xi32>,
    %get3A_106 = arith.constant 0 : i32
    %get3A_107 = arith.index_cast %get3A_106 : i32 to index
    %get3A_108 = arith.constant 48 : index
    %get3A_109 = tpu.vector_load %arg5[%get3A_107, %get3A_108] {strides = array<i32>} : memref<3x80xi32, #tpu.memory_space<vmem>>, vector<1x16xi32>,
    %get3A_110 = vector.shape_cast %get3A_109 : vector<1x16xi32> to vector<16xi32>
    %shift_right_logical3A_111 = arith.constant 14 : i32
    %shift_right_logical3A_112 = vector.broadcast %shift_right_logical3A_111 : i32 to vector<16xi32>
    %shift_right_logical3A_113 = arith.shrui %get3A_110, %shift_right_logical3A_112 : vector<16xi32>
    %swap3A_114 = arith.constant 0 : i32
    %swap3A_115 = arith.index_cast %swap3A_114 : i32 to index
    %swap3A_116 = arith.constant 48 : index
    %swap3A_117 = tpu.vector_load %arg6[%swap3A_115, %swap3A_116] {strides = array<i32>} : memref<3x80xi32, #tpu.memory_space<vmem>>, vector<1x16xi32>,
    %swap3A_118 = vector.shape_cast %swap3A_117 : vector<1x16xi32> to vector<16xi32>
    %swap3A_119 = vector.shape_cast %shift_right_logical3A_113 : vector<16xi32> to vector<1x16xi32>
    tpu.vector_store %arg6[%swap3A_115, %swap3A_116], %swap3A_119 {strides = array<i32>} : memref<3x80xi32, #tpu.memory_space<vmem>>, vector<1x16xi32>,
    %get3A_120 = arith.constant 0 : i32
    %get3A_121 = arith.index_cast %get3A_120 : i32 to index
    %get3A_122 = arith.constant 64 : index
    %get3A_123 = tpu.vector_load %arg5[%get3A_121, %get3A_122] {strides = array<i32>} : memref<3x80xi32, #tpu.memory_space<vmem>>, vector<1x16xi32>,
    %get3A_124 = vector.shape_cast %get3A_123 : vector<1x16xi32> to vector<16xi32>
    %shift_right_logical3A_125 = arith.constant 14 : i32
    %shift_right_logical3A_126 = vector.broadcast %shift_right_logical3A_125 : i32 to vector<16xi32>
    %shift_right_logical3A_127 = arith.shrui %get3A_124, %shift_right_logical3A_126 : vector<16xi32>
    %swap3A_128 = arith.constant 0 : i32
    %swap3A_129 = arith.index_cast %swap3A_128 : i32 to index
    %swap3A_130 = arith.constant 64 : index
    %swap3A_131 = tpu.vector_load %arg6[%swap3A_129, %swap3A_130] {strides = array<i32>} : memref<3x80xi32, #tpu.memory_space<vmem>>, vector<1x16xi32>,
    %swap3A_132 = vector.shape_cast %swap3A_131 : vector<1x16xi32> to vector<16xi32>
    %swap3A_133 = vector.shape_cast %shift_right_logical3A_127 : vector<16xi32> to vector<1x16xi32>
    tpu.vector_store %arg6[%swap3A_129, %swap3A_130], %swap3A_133 {strides = array<i32>} : memref<3x80xi32, #tpu.memory_space<vmem>>, vector<1x16xi32>,
    %get3A_134 = arith.constant 0 : i32
    %get3A_135 = arith.index_cast %get3A_134 : i32 to index
    %get3A_136 = arith.constant 0 : index
    %get3A_137 = tpu.vector_load %arg5[%get3A_135, %get3A_136] {strides = array<i32>} : memref<3x80xi32, #tpu.memory_space<vmem>>, vector<1x16xi32>,
    %get3A_138 = vector.shape_cast %get3A_137 : vector<1x16xi32> to vector<16xi32>
    %and3A = arith.constant 16383 : i32
    %and3A_139 = vector.broadcast %and3A : i32 to vector<16xi32>
    %and3A_140 = arith.andi %get3A_138, %and3A_139 : vector<16xi32>
    %swap3A_141 = arith.constant 0 : i32
    %swap3A_142 = arith.index_cast %swap3A_141 : i32 to index
    %swap3A_143 = arith.constant 0 : index
    %swap3A_144 = tpu.vector_load %arg7[%swap3A_142, %swap3A_143] {strides = array<i32>} : memref<3x80xi32, #tpu.memory_space<vmem>>, vector<1x16xi32>,
    %swap3A_145 = vector.shape_cast %swap3A_144 : vector<1x16xi32> to vector<16xi32>
    %swap3A_146 = vector.shape_cast %and3A_140 : vector<16xi32> to vector<1x16xi32>
    tpu.vector_store %arg7[%swap3A_142, %swap3A_143], %swap3A_146 {strides = array<i32>} : memref<3x80xi32, #tpu.memory_space<vmem>>, vector<1x16xi32>,
    %get3A_147 = arith.constant 0 : i32
    %get3A_148 = arith.index_cast %get3A_147 : i32 to index
    %get3A_149 = arith.constant 16 : index
    %get3A_150 = tpu.vector_load %arg5[%get3A_148, %get3A_149] {strides = array<i32>} : memref<3x80xi32, #tpu.memory_space<vmem>>, vector<1x16xi32>,
    %get3A_151 = vector.shape_cast %get3A_150 : vector<1x16xi32> to vector<16xi32>
    %and3A_152 = arith.constant 16383 : i32
    %and3A_153 = vector.broadcast %and3A_152 : i32 to vector<16xi32>
    %and3A_154 = arith.andi %get3A_151, %and3A_153 : vector<16xi32>
    %swap3A_155 = arith.constant 0 : i32
    %swap3A_156 = arith.index_cast %swap3A_155 : i32 to index
    %swap3A_157 = arith.constant 16 : index
    %swap3A_158 = tpu.vector_load %arg7[%swap3A_156, %swap3A_157] {strides = array<i32>} : memref<3x80xi32, #tpu.memory_space<vmem>>, vector<1x16xi32>,
    %swap3A_159 = vector.shape_cast %swap3A_158 : vector<1x16xi32> to vector<16xi32>
    %swap3A_160 = vector.shape_cast %and3A_154 : vector<16xi32> to vector<1x16xi32>
    tpu.vector_store %arg7[%swap3A_156, %swap3A_157], %swap3A_160 {strides = array<i32>} : memref<3x80xi32, #tpu.memory_space<vmem>>, vector<1x16xi32>,
    %get3A_161 = arith.constant 0 : i32
    %get3A_162 = arith.index_cast %get3A_161 : i32 to index
    %get3A_163 = arith.constant 32 : index
    %get3A_164 = tpu.vector_load %arg5[%get3A_162, %get3A_163] {strides = array<i32>} : memref<3x80xi32, #tpu.memory_space<vmem>>, vector<1x16xi32>,
    %get3A_165 = vector.shape_cast %get3A_164 : vector<1x16xi32> to vector<16xi32>
    %and3A_166 = arith.constant 16383 : i32
    %and3A_167 = vector.broadcast %and3A_166 : i32 to vector<16xi32>
    %and3A_168 = arith.andi %get3A_165, %and3A_167 : vector<16xi32>
    %swap3A_169 = arith.constant 0 : i32
    %swap3A_170 = arith.index_cast %swap3A_169 : i32 to index
    %swap3A_171 = arith.constant 32 : index
    %swap3A_172 = tpu.vector_load %arg7[%swap3A_170, %swap3A_171] {strides = array<i32>} : memref<3x80xi32, #tpu.memory_space<vmem>>, vector<1x16xi32>,
    %swap3A_173 = vector.shape_cast %swap3A_172 : vector<1x16xi32> to vector<16xi32>
    %swap3A_174 = vector.shape_cast %and3A_168 : vector<16xi32> to vector<1x16xi32>
    tpu.vector_store %arg7[%swap3A_170, %swap3A_171], %swap3A_174 {strides = array<i32>} : memref<3x80xi32, #tpu.memory_space<vmem>>, vector<1x16xi32>,
    %get3A_175 = arith.constant 0 : i32
    %get3A_176 = arith.index_cast %get3A_175 : i32 to index
    %get3A_177 = arith.constant 48 : index
    %get3A_178 = tpu.vector_load %arg5[%get3A_176, %get3A_177] {strides = array<i32>} : memref<3x80xi32, #tpu.memory_space<vmem>>, vector<1x16xi32>,
    %get3A_179 = vector.shape_cast %get3A_178 : vector<1x16xi32> to vector<16xi32>
    %and3A_180 = arith.constant 16383 : i32
    %and3A_181 = vector.broadcast %and3A_180 : i32 to vector<16xi32>
    %and3A_182 = arith.andi %get3A_179, %and3A_181 : vector<16xi32>
    %swap3A_183 = arith.constant 0 : i32
    %swap3A_184 = arith.index_cast %swap3A_183 : i32 to index
    %swap3A_185 = arith.constant 48 : index
    %swap3A_186 = tpu.vector_load %arg7[%swap3A_184, %swap3A_185] {strides = array<i32>} : memref<3x80xi32, #tpu.memory_space<vmem>>, vector<1x16xi32>,
    %swap3A_187 = vector.shape_cast %swap3A_186 : vector<1x16xi32> to vector<16xi32>
    %swap3A_188 = vector.shape_cast %and3A_182 : vector<16xi32> to vector<1x16xi32>
    tpu.vector_store %arg7[%swap3A_184, %swap3A_185], %swap3A_188 {strides = array<i32>} : memref<3x80xi32, #tpu.memory_space<vmem>>, vector<1x16xi32>,
    %get3A_189 = arith.constant 0 : i32
    %get3A_190 = arith.index_cast %get3A_189 : i32 to index
    %get3A_191 = arith.constant 64 : index
    %get3A_192 = tpu.vector_load %arg5[%get3A_190, %get3A_191] {strides = array<i32>} : memref<3x80xi32, #tpu.memory_space<vmem>>, vector<1x16xi32>,
    %get3A_193 = vector.shape_cast %get3A_192 : vector<1x16xi32> to vector<16xi32>
    %and3A_194 = arith.constant 16383 : i32
    %and3A_195 = vector.broadcast %and3A_194 : i32 to vector<16xi32>
    %and3A_196 = arith.andi %get3A_193, %and3A_195 : vector<16xi32>
    %swap3A_197 = arith.constant 0 : i32
    %swap3A_198 = arith.index_cast %swap3A_197 : i32 to index
    %swap3A_199 = arith.constant 64 : index
    %swap3A_200 = tpu.vector_load %arg7[%swap3A_198, %swap3A_199] {strides = array<i32>} : memref<3x80xi32, #tpu.memory_space<vmem>>, vector<1x16xi32>,
    %swap3A_201 = vector.shape_cast %swap3A_200 : vector<1x16xi32> to vector<16xi32>
    %swap3A_202 = vector.shape_cast %and3A_196 : vector<16xi32> to vector<1x16xi32>
    tpu.vector_store %arg7[%swap3A_198, %swap3A_199], %swap3A_202 {strides = array<i32>} : memref<3x80xi32, #tpu.memory_space<vmem>>, vector<1x16xi32>,
    %dma_start3A_203 = arith.constant 0 : i32
    %dma_start3A_204 = arith.constant 0 : i32
    %dma_start3A_205 = tpu.memref_slice %arg6[%dma_start3A_203, %dma_start3A_204] : memref<3x80xi32, #tpu.memory_space<vmem>> -> memref<1x80xi32, #tpu.memory_space<vmem>>
    %dma_start3A_206 = tpu.memref_squeeze %dma_start3A_205 : memref<1x80xi32, #tpu.memory_space<vmem>> -> memref<80xi32, #tpu.memory_space<vmem>>
    %dma_start3A_207 = arith.constant 0 : i32
    %dma_start3A_208 = arith.constant 0 : i32
    %dma_start3A_209 = tpu.memref_slice %arg2[%dma_start3A_207, %dma_start3A_208] : memref<10000x128xf32, #tpu.memory_space<hbm>> -> memref<10000x128xf32, #tpu.memory_space<hbm>>
    tpu.enqueue_indirect_dma source(%dma_start3A_209 : memref<10000x128xf32, #tpu.memory_space<hbm>>) target(%arg8 : memref<80x128xf32, #tpu.memory_space<vmem>>) offsets(%dma_start3A_206 : memref<80xi32, #tpu.memory_space<vmem>>) semaphore(%arg12 : memref<!tpu.dma_semaphore, #tpu.memory_space<semaphore_mem>>)
    %dma_wait3A_210 = arith.constant 1 : i32
    %dma_wait3A_211 = arith.constant 0 : i32
    %dma_wait3A_212 = tpu.memref_slice %arg5[%dma_wait3A_210, %dma_wait3A_211] : memref<3x80xi32, #tpu.memory_space<vmem>> -> memref<1x80xi32, #tpu.memory_space<vmem>>
    %dma_wait3A_213 = tpu.memref_squeeze %dma_wait3A_212 : memref<1x80xi32, #tpu.memory_space<vmem>> -> memref<80xi32, #tpu.memory_space<vmem>>
    %dma_wait3A_214 = tpu.memref_slice %arg3[%mul3A_2] : memref<320000xi32, #tpu.memory_space<hbm>> -> memref<80xi32, #tpu.memory_space<hbm>>
    %dma_wait3A_215 = arith.constant 0 : i32
    %dma_wait3A_216 = tpu.memref_slice %arg5[%dma_wait3A_210, %dma_wait3A_215] : memref<3x80xi32, #tpu.memory_space<vmem>> -> memref<1x80xi32, #tpu.memory_space<vmem>>
    %dma_wait3A_217 = tpu.memref_squeeze %dma_wait3A_216 : memref<1x80xi32, #tpu.memory_space<vmem>> -> memref<80xi32, #tpu.memory_space<vmem>>
    %dma_wait3A_218 = tpu.memref_slice %arg3[%mul3A_2] : memref<320000xi32, #tpu.memory_space<hbm>> -> memref<80xi32, #tpu.memory_space<hbm>>
    tpu.wait_dma2 semaphore(%arg16 : memref<!tpu.dma_semaphore, #tpu.memory_space<semaphore_mem>>) src(%dma_wait3A_218 : memref<80xi32, #tpu.memory_space<hbm>>) dst(%dma_wait3A_217 : memref<80xi32, #tpu.memory_space<vmem>>)
    %get3A_219 = arith.constant 1 : i32
    %get3A_220 = arith.index_cast %get3A_219 : i32 to index
    %get3A_221 = arith.constant 0 : index
    %get3A_222 = tpu.vector_load %arg5[%get3A_220, %get3A_221] {strides = array<i32>} : memref<3x80xi32, #tpu.memory_space<vmem>>, vector<1x16xi32>,
    %get3A_223 = vector.shape_cast %get3A_222 : vector<1x16xi32> to vector<16xi32>
    %shift_right_logical3A_224 = arith.constant 14 : i32
    %shift_right_logical3A_225 = vector.broadcast %shift_right_logical3A_224 : i32 to vector<16xi32>
    %shift_right_logical3A_226 = arith.shrui %get3A_223, %shift_right_logical3A_225 : vector<16xi32>
    %swap3A_227 = arith.constant 1 : i32
    %swap3A_228 = arith.index_cast %swap3A_227 : i32 to index
    %swap3A_229 = arith.constant 0 : index
    %swap3A_230 = tpu.vector_load %arg6[%swap3A_228, %swap3A_229] {strides = array<i32>} : memref<3x80xi32, #tpu.memory_space<vmem>>, vector<1x16xi32>,
    %swap3A_231 = vector.shape_cast %swap3A_230 : vector<1x16xi32> to vector<16xi32>
    %swap3A_232 = vector.shape_cast %shift_right_logical3A_226 : vector<16xi32> to vector<1x16xi32>
    tpu.vector_store %arg6[%swap3A_228, %swap3A_229], %swap3A_232 {strides = array<i32>} : memref<3x80xi32, #tpu.memory_space<vmem>>, vector<1x16xi32>,
    %get3A_233 = arith.constant 1 : i32
    %get3A_234 = arith.index_cast %get3A_233 : i32 to index
    %get3A_235 = arith.constant 16 : index
    %get3A_236 = tpu.vector_load %arg5[%get3A_234, %get3A_235] {strides = array<i32>} : memref<3x80xi32, #tpu.memory_space<vmem>>, vector<1x16xi32>,
    %get3A_237 = vector.shape_cast %get3A_236 : vector<1x16xi32> to vector<16xi32>
    %shift_right_logical3A_238 = arith.constant 14 : i32
    %shift_right_logical3A_239 = vector.broadcast %shift_right_logical3A_238 : i32 to vector<16xi32>
    %shift_right_logical3A_240 = arith.shrui %get3A_237, %shift_right_logical3A_239 : vector<16xi32>
    %swap3A_241 = arith.constant 1 : i32
    %swap3A_242 = arith.index_cast %swap3A_241 : i32 to index
    %swap3A_243 = arith.constant 16 : index
    %swap3A_244 = tpu.vector_load %arg6[%swap3A_242, %swap3A_243] {strides = array<i32>} : memref<3x80xi32, #tpu.memory_space<vmem>>, vector<1x16xi32>,
    %swap3A_245 = vector.shape_cast %swap3A_244 : vector<1x16xi32> to vector<16xi32>
    %swap3A_246 = vector.shape_cast %shift_right_logical3A_240 : vector<16xi32> to vector<1x16xi32>
    tpu.vector_store %arg6[%swap3A_242, %swap3A_243], %swap3A_246 {strides = array<i32>} : memref<3x80xi32, #tpu.memory_space<vmem>>, vector<1x16xi32>,
    %get3A_247 = arith.constant 1 : i32
    %get3A_248 = arith.index_cast %get3A_247 : i32 to index
    %get3A_249 = arith.constant 32 : index
    %get3A_250 = tpu.vector_load %arg5[%get3A_248, %get3A_249] {strides = array<i32>} : memref<3x80xi32, #tpu.memory_space<vmem>>, vector<1x16xi32>,
    %get3A_251 = vector.shape_cast %get3A_250 : vector<1x16xi32> to vector<16xi32>
    %shift_right_logical3A_252 = arith.constant 14 : i32
    %shift_right_logical3A_253 = vector.broadcast %shift_right_logical3A_252 : i32 to vector<16xi32>
    %shift_right_logical3A_254 = arith.shrui %get3A_251, %shift_right_logical3A_253 : vector<16xi32>
    %swap3A_255 = arith.constant 1 : i32
    %swap3A_256 = arith.index_cast %swap3A_255 : i32 to index
    %swap3A_257 = arith.constant 32 : index
    %swap3A_258 = tpu.vector_load %arg6[%swap3A_256, %swap3A_257] {strides = array<i32>} : memref<3x80xi32, #tpu.memory_space<vmem>>, vector<1x16xi32>,
    %swap3A_259 = vector.shape_cast %swap3A_258 : vector<1x16xi32> to vector<16xi32>
    %swap3A_260 = vector.shape_cast %shift_right_logical3A_254 : vector<16xi32> to vector<1x16xi32>
    tpu.vector_store %arg6[%swap3A_256, %swap3A_257], %swap3A_260 {strides = array<i32>} : memref<3x80xi32, #tpu.memory_space<vmem>>, vector<1x16xi32>,
    %get3A_261 = arith.constant 1 : i32
    %get3A_262 = arith.index_cast %get3A_261 : i32 to index
    %get3A_263 = arith.constant 48 : index
    %get3A_264 = tpu.vector_load %arg5[%get3A_262, %get3A_263] {strides = array<i32>} : memref<3x80xi32, #tpu.memory_space<vmem>>, vector<1x16xi32>,
    %get3A_265 = vector.shape_cast %get3A_264 : vector<1x16xi32> to vector<16xi32>
    %shift_right_logical3A_266 = arith.constant 14 : i32
    %shift_right_logical3A_267 = vector.broadcast %shift_right_logical3A_266 : i32 to vector<16xi32>
    %shift_right_logical3A_268 = arith.shrui %get3A_265, %shift_right_logical3A_267 : vector<16xi32>
    %swap3A_269 = arith.constant 1 : i32
    %swap3A_270 = arith.index_cast %swap3A_269 : i32 to index
    %swap3A_271 = arith.constant 48 : index
    %swap3A_272 = tpu.vector_load %arg6[%swap3A_270, %swap3A_271] {strides = array<i32>} : memref<3x80xi32, #tpu.memory_space<vmem>>, vector<1x16xi32>,
    %swap3A_273 = vector.shape_cast %swap3A_272 : vector<1x16xi32> to vector<16xi32>
    %swap3A_274 = vector.shape_cast %shift_right_logical3A_268 : vector<16xi32> to vector<1x16xi32>
    tpu.vector_store %arg6[%swap3A_270, %swap3A_271], %swap3A_274 {strides = array<i32>} : memref<3x80xi32, #tpu.memory_space<vmem>>, vector<1x16xi32>,
    %get3A_275 = arith.constant 1 : i32
    %get3A_276 = arith.index_cast %get3A_275 : i32 to index
    %get3A_277 = arith.constant 64 : index
    %get3A_278 = tpu.vector_load %arg5[%get3A_276, %get3A_277] {strides = array<i32>} : memref<3x80xi32, #tpu.memory_space<vmem>>, vector<1x16xi32>,
    %get3A_279 = vector.shape_cast %get3A_278 : vector<1x16xi32> to vector<16xi32>
    %shift_right_logical3A_280 = arith.constant 14 : i32
    %shift_right_logical3A_281 = vector.broadcast %shift_right_logical3A_280 : i32 to vector<16xi32>
    %shift_right_logical3A_282 = arith.shrui %get3A_279, %shift_right_logical3A_281 : vector<16xi32>
    %swap3A_283 = arith.constant 1 : i32
    %swap3A_284 = arith.index_cast %swap3A_283 : i32 to index
    %swap3A_285 = arith.constant 64 : index
    %swap3A_286 = tpu.vector_load %arg6[%swap3A_284, %swap3A_285] {strides = array<i32>} : memref<3x80xi32, #tpu.memory_space<vmem>>, vector<1x16xi32>,
    %swap3A_287 = vector.shape_cast %swap3A_286 : vector<1x16xi32> to vector<16xi32>
    %swap3A_288 = vector.shape_cast %shift_right_logical3A_282 : vector<16xi32> to vector<1x16xi32>
    tpu.vector_store %arg6[%swap3A_284, %swap3A_285], %swap3A_288 {strides = array<i32>} : memref<3x80xi32, #tpu.memory_space<vmem>>, vector<1x16xi32>,
    %get3A_289 = arith.constant 1 : i32
    %get3A_290 = arith.index_cast %get3A_289 : i32 to index
    %get3A_291 = arith.constant 0 : index
    %get3A_292 = tpu.vector_load %arg5[%get3A_290, %get3A_291] {strides = array<i32>} : memref<3x80xi32, #tpu.memory_space<vmem>>, vector<1x16xi32>,
    %get3A_293 = vector.shape_cast %get3A_292 : vector<1x16xi32> to vector<16xi32>
    %and3A_294 = arith.constant 16383 : i32
    %and3A_295 = vector.broadcast %and3A_294 : i32 to vector<16xi32>
    %and3A_296 = arith.andi %get3A_293, %and3A_295 : vector<16xi32>
    %swap3A_297 = arith.constant 1 : i32
    %swap3A_298 = arith.index_cast %swap3A_297 : i32 to index
    %swap3A_299 = arith.constant 0 : index
    %swap3A_300 = tpu.vector_load %arg7[%swap3A_298, %swap3A_299] {strides = array<i32>} : memref<3x80xi32, #tpu.memory_space<vmem>>, vector<1x16xi32>,
    %swap3A_301 = vector.shape_cast %swap3A_300 : vector<1x16xi32> to vector<16xi32>
    %swap3A_302 = vector.shape_cast %and3A_296 : vector<16xi32> to vector<1x16xi32>
    tpu.vector_store %arg7[%swap3A_298, %swap3A_299], %swap3A_302 {strides = array<i32>} : memref<3x80xi32, #tpu.memory_space<vmem>>, vector<1x16xi32>,
    %get3A_303 = arith.constant 1 : i32
    %get3A_304 = arith.index_cast %get3A_303 : i32 to index
    %get3A_305 = arith.constant 16 : index
    %get3A_306 = tpu.vector_load %arg5[%get3A_304, %get3A_305] {strides = array<i32>} : memref<3x80xi32, #tpu.memory_space<vmem>>, vector<1x16xi32>,
    %get3A_307 = vector.shape_cast %get3A_306 : vector<1x16xi32> to vector<16xi32>
    %and3A_308 = arith.constant 16383 : i32
    %and3A_309 = vector.broadcast %and3A_308 : i32 to vector<16xi32>
    %and3A_310 = arith.andi %get3A_307, %and3A_309 : vector<16xi32>
    %swap3A_311 = arith.constant 1 : i32
    %swap3A_312 = arith.index_cast %swap3A_311 : i32 to index
    %swap3A_313 = arith.constant 16 : index
    %swap3A_314 = tpu.vector_load %arg7[%swap3A_312, %swap3A_313] {strides = array<i32>} : memref<3x80xi32, #tpu.memory_space<vmem>>, vector<1x16xi32>,
    %swap3A_315 = vector.shape_cast %swap3A_314 : vector<1x16xi32> to vector<16xi32>
    %swap3A_316 = vector.shape_cast %and3A_310 : vector<16xi32> to vector<1x16xi32>
    tpu.vector_store %arg7[%swap3A_312, %swap3A_313], %swap3A_316 {strides = array<i32>} : memref<3x80xi32, #tpu.memory_space<vmem>>, vector<1x16xi32>,
    %get3A_317 = arith.constant 1 : i32
    %get3A_318 = arith.index_cast %get3A_317 : i32 to index
    %get3A_319 = arith.constant 32 : index
    %get3A_320 = tpu.vector_load %arg5[%get3A_318, %get3A_319] {strides = array<i32>} : memref<3x80xi32, #tpu.memory_space<vmem>>, vector<1x16xi32>,
    %get3A_321 = vector.shape_cast %get3A_320 : vector<1x16xi32> to vector<16xi32>
    %and3A_322 = arith.constant 16383 : i32
    %and3A_323 = vector.broadcast %and3A_322 : i32 to vector<16xi32>
    %and3A_324 = arith.andi %get3A_321, %and3A_323 : vector<16xi32>
    %swap3A_325 = arith.constant 1 : i32
    %swap3A_326 = arith.index_cast %swap3A_325 : i32 to index
    %swap3A_327 = arith.constant 32 : index
    %swap3A_328 = tpu.vector_load %arg7[%swap3A_326, %swap3A_327] {strides = array<i32>} : memref<3x80xi32, #tpu.memory_space<vmem>>, vector<1x16xi32>,
    %swap3A_329 = vector.shape_cast %swap3A_328 : vector<1x16xi32> to vector<16xi32>
    %swap3A_330 = vector.shape_cast %and3A_324 : vector<16xi32> to vector<1x16xi32>
    tpu.vector_store %arg7[%swap3A_326, %swap3A_327], %swap3A_330 {strides = array<i32>} : memref<3x80xi32, #tpu.memory_space<vmem>>, vector<1x16xi32>,
    %get3A_331 = arith.constant 1 : i32
    %get3A_332 = arith.index_cast %get3A_331 : i32 to index
    %get3A_333 = arith.constant 48 : index
    %get3A_334 = tpu.vector_load %arg5[%get3A_332, %get3A_333] {strides = array<i32>} : memref<3x80xi32, #tpu.memory_space<vmem>>, vector<1x16xi32>,
    %get3A_335 = vector.shape_cast %get3A_334 : vector<1x16xi32> to vector<16xi32>
    %and3A_336 = arith.constant 16383 : i32
    %and3A_337 = vector.broadcast %and3A_336 : i32 to vector<16xi32>
    %and3A_338 = arith.andi %get3A_335, %and3A_337 : vector<16xi32>
    %swap3A_339 = arith.constant 1 : i32
    %swap3A_340 = arith.index_cast %swap3A_339 : i32 to index
    %swap3A_341 = arith.constant 48 : index
    %swap3A_342 = tpu.vector_load %arg7[%swap3A_340, %swap3A_341] {strides = array<i32>} : memref<3x80xi32, #tpu.memory_space<vmem>>, vector<1x16xi32>,
    %swap3A_343 = vector.shape_cast %swap3A_342 : vector<1x16xi32> to vector<16xi32>
    %swap3A_344 = vector.shape_cast %and3A_338 : vector<16xi32> to vector<1x16xi32>
    tpu.vector_store %arg7[%swap3A_340, %swap3A_341], %swap3A_344 {strides = array<i32>} : memref<3x80xi32, #tpu.memory_space<vmem>>, vector<1x16xi32>,
    %get3A_345 = arith.constant 1 : i32
    %get3A_346 = arith.index_cast %get3A_345 : i32 to index
    %get3A_347 = arith.constant 64 : index
    %get3A_348 = tpu.vector_load %arg5[%get3A_346, %get3A_347] {strides = array<i32>} : memref<3x80xi32, #tpu.memory_space<vmem>>, vector<1x16xi32>,
    %get3A_349 = vector.shape_cast %get3A_348 : vector<1x16xi32> to vector<16xi32>
    %and3A_350 = arith.constant 16383 : i32
    %and3A_351 = vector.broadcast %and3A_350 : i32 to vector<16xi32>
    %and3A_352 = arith.andi %get3A_349, %and3A_351 : vector<16xi32>
    %swap3A_353 = arith.constant 1 : i32
    %swap3A_354 = arith.index_cast %swap3A_353 : i32 to index
    %swap3A_355 = arith.constant 64 : index
    %swap3A_356 = tpu.vector_load %arg7[%swap3A_354, %swap3A_355] {strides = array<i32>} : memref<3x80xi32, #tpu.memory_space<vmem>>, vector<1x16xi32>,
    %swap3A_357 = vector.shape_cast %swap3A_356 : vector<1x16xi32> to vector<16xi32>
    %swap3A_358 = vector.shape_cast %and3A_352 : vector<16xi32> to vector<1x16xi32>
    tpu.vector_store %arg7[%swap3A_354, %swap3A_355], %swap3A_358 {strides = array<i32>} : memref<3x80xi32, #tpu.memory_space<vmem>>, vector<1x16xi32>,
    %dma_start3A_359 = arith.constant 1 : i32
    %dma_start3A_360 = arith.constant 0 : i32
    %dma_start3A_361 = tpu.memref_slice %arg6[%dma_start3A_359, %dma_start3A_360] : memref<3x80xi32, #tpu.memory_space<vmem>> -> memref<1x80xi32, #tpu.memory_space<vmem>>
    %dma_start3A_362 = tpu.memref_squeeze %dma_start3A_361 : memref<1x80xi32, #tpu.memory_space<vmem>> -> memref<80xi32, #tpu.memory_space<vmem>>
    %dma_start3A_363 = arith.constant 0 : i32
    %dma_start3A_364 = arith.constant 0 : i32
    %dma_start3A_365 = tpu.memref_slice %arg2[%dma_start3A_363, %dma_start3A_364] : memref<10000x128xf32, #tpu.memory_space<hbm>> -> memref<10000x128xf32, #tpu.memory_space<hbm>>
    tpu.enqueue_indirect_dma source(%dma_start3A_365 : memref<10000x128xf32, #tpu.memory_space<hbm>>) target(%arg9 : memref<80x128xf32, #tpu.memory_space<vmem>>) offsets(%dma_start3A_362 : memref<80xi32, #tpu.memory_space<vmem>>) semaphore(%arg13 : memref<!tpu.dma_semaphore, #tpu.memory_space<semaphore_mem>>)
    %scan3A_366 = arith.constant 0 : i32
    %scan3A_367 = arith.constant 0 : i32
    %scan3A_368 = arith.constant 41 : i32
    %scan3A_369 = arith.addi %scan3A_367, %scan3A_368 : i32
    %scan3A_370 = arith.constant 1 : i32
    %scan3A_371 = scf.for %scan3A_423 = %scan3A_367 to %scan3A_369 step %scan3A_370 iter_args(%scan3A_424 = %scan3A_366) -> (i32)  : i32 {
      %mul3A_425 = arith.constant 3 : i32
      %mul3A_426 = arith.muli %mul3A_425, %scan3A_423 : i32
      %add3A_427 = arith.constant 0 : i32
      %add3A_428 = arith.addi %mul3A_426, %add3A_427 : i32
      %dma_wait3A_429 = arith.constant 2 : i32
      %dma_wait3A_430 = arith.constant 0 : i32
      %dma_wait3A_431 = tpu.memref_slice %arg5[%dma_wait3A_429, %dma_wait3A_430] : memref<3x80xi32, #tpu.memory_space<vmem>> -> memref<1x80xi32, #tpu.memory_space<vmem>>
      %dma_wait3A_432 = tpu.memref_squeeze %dma_wait3A_431 : memref<1x80xi32, #tpu.memory_space<vmem>> -> memref<80xi32, #tpu.memory_space<vmem>>
      %dma_wait3A_433 = tpu.memref_slice %arg3[%mul3A_2] : memref<320000xi32, #tpu.memory_space<hbm>> -> memref<80xi32, #tpu.memory_space<hbm>>
      %dma_wait3A_434 = arith.constant 0 : i32
      %dma_wait3A_435 = tpu.memref_slice %arg5[%dma_wait3A_429, %dma_wait3A_434] : memref<3x80xi32, #tpu.memory_space<vmem>> -> memref<1x80xi32, #tpu.memory_space<vmem>>
      %dma_wait3A_436 = tpu.memref_squeeze %dma_wait3A_435 : memref<1x80xi32, #tpu.memory_space<vmem>> -> memref<80xi32, #tpu.memory_space<vmem>>
      %dma_wait3A_437 = tpu.memref_slice %arg3[%mul3A_2] : memref<320000xi32, #tpu.memory_space<hbm>> -> memref<80xi32, #tpu.memory_space<hbm>>
      tpu.wait_dma2 semaphore(%arg17 : memref<!tpu.dma_semaphore, #tpu.memory_space<semaphore_mem>>) src(%dma_wait3A_437 : memref<80xi32, #tpu.memory_space<hbm>>) dst(%dma_wait3A_436 : memref<80xi32, #tpu.memory_space<vmem>>)
      %get3A_438 = arith.constant 2 : i32
      %get3A_439 = arith.index_cast %get3A_438 : i32 to index
      %get3A_440 = arith.constant 0 : index
      %get3A_441 = tpu.vector_load %arg5[%get3A_439, %get3A_440] {strides = array<i32>} : memref<3x80xi32, #tpu.memory_space<vmem>>, vector<1x16xi32>,
      %get3A_442 = vector.shape_cast %get3A_441 : vector<1x16xi32> to vector<16xi32>
      %shift_right_logical3A_443 = arith.constant 14 : i32
      %shift_right_logical3A_444 = vector.broadcast %shift_right_logical3A_443 : i32 to vector<16xi32>
      %shift_right_logical3A_445 = arith.shrui %get3A_442, %shift_right_logical3A_444 : vector<16xi32>
      %swap3A_446 = arith.constant 2 : i32
      %swap3A_447 = arith.index_cast %swap3A_446 : i32 to index
      %swap3A_448 = arith.constant 0 : index
      %swap3A_449 = tpu.vector_load %arg6[%swap3A_447, %swap3A_448] {strides = array<i32>} : memref<3x80xi32, #tpu.memory_space<vmem>>, vector<1x16xi32>,
      %swap3A_450 = vector.shape_cast %swap3A_449 : vector<1x16xi32> to vector<16xi32>
      %swap3A_451 = vector.shape_cast %shift_right_logical3A_445 : vector<16xi32> to vector<1x16xi32>
      tpu.vector_store %arg6[%swap3A_447, %swap3A_448], %swap3A_451 {strides = array<i32>} : memref<3x80xi32, #tpu.memory_space<vmem>>, vector<1x16xi32>,
      %get3A_452 = arith.constant 2 : i32
      %get3A_453 = arith.index_cast %get3A_452 : i32 to index
      %get3A_454 = arith.constant 16 : index
      %get3A_455 = tpu.vector_load %arg5[%get3A_453, %get3A_454] {strides = array<i32>} : memref<3x80xi32, #tpu.memory_space<vmem>>, vector<1x16xi32>,
      %get3A_456 = vector.shape_cast %get3A_455 : vector<1x16xi32> to vector<16xi32>
      %shift_right_logical3A_457 = arith.constant 14 : i32
      %shift_right_logical3A_458 = vector.broadcast %shift_right_logical3A_457 : i32 to vector<16xi32>
      %shift_right_logical3A_459 = arith.shrui %get3A_456, %shift_right_logical3A_458 : vector<16xi32>
      %swap3A_460 = arith.constant 2 : i32
      %swap3A_461 = arith.index_cast %swap3A_460 : i32 to index
      %swap3A_462 = arith.constant 16 : index
      %swap3A_463 = tpu.vector_load %arg6[%swap3A_461, %swap3A_462] {strides = array<i32>} : memref<3x80xi32, #tpu.memory_space<vmem>>, vector<1x16xi32>,
      %swap3A_464 = vector.shape_cast %swap3A_463 : vector<1x16xi32> to vector<16xi32>
      %swap3A_465 = vector.shape_cast %shift_right_logical3A_459 : vector<16xi32> to vector<1x16xi32>
      tpu.vector_store %arg6[%swap3A_461, %swap3A_462], %swap3A_465 {strides = array<i32>} : memref<3x80xi32, #tpu.memory_space<vmem>>, vector<1x16xi32>,
      %get3A_466 = arith.constant 2 : i32
      %get3A_467 = arith.index_cast %get3A_466 : i32 to index
      %get3A_468 = arith.constant 32 : index
      %get3A_469 = tpu.vector_load %arg5[%get3A_467, %get3A_468] {strides = array<i32>} : memref<3x80xi32, #tpu.memory_space<vmem>>, vector<1x16xi32>,
      %get3A_470 = vector.shape_cast %get3A_469 : vector<1x16xi32> to vector<16xi32>
      %shift_right_logical3A_471 = arith.constant 14 : i32
      %shift_right_logical3A_472 = vector.broadcast %shift_right_logical3A_471 : i32 to vector<16xi32>
      %shift_right_logical3A_473 = arith.shrui %get3A_470, %shift_right_logical3A_472 : vector<16xi32>
      %swap3A_474 = arith.constant 2 : i32
      %swap3A_475 = arith.index_cast %swap3A_474 : i32 to index
      %swap3A_476 = arith.constant 32 : index
      %swap3A_477 = tpu.vector_load %arg6[%swap3A_475, %swap3A_476] {strides = array<i32>} : memref<3x80xi32, #tpu.memory_space<vmem>>, vector<1x16xi32>,
      %swap3A_478 = vector.shape_cast %swap3A_477 : vector<1x16xi32> to vector<16xi32>
      %swap3A_479 = vector.shape_cast %shift_right_logical3A_473 : vector<16xi32> to vector<1x16xi32>
      tpu.vector_store %arg6[%swap3A_475, %swap3A_476], %swap3A_479 {strides = array<i32>} : memref<3x80xi32, #tpu.memory_space<vmem>>, vector<1x16xi32>,
      %get3A_480 = arith.constant 2 : i32
      %get3A_481 = arith.index_cast %get3A_480 : i32 to index
      %get3A_482 = arith.constant 48 : index
      %get3A_483 = tpu.vector_load %arg5[%get3A_481, %get3A_482] {strides = array<i32>} : memref<3x80xi32, #tpu.memory_space<vmem>>, vector<1x16xi32>,
      %get3A_484 = vector.shape_cast %get3A_483 : vector<1x16xi32> to vector<16xi32>
      %shift_right_logical3A_485 = arith.constant 14 : i32
      %shift_right_logical3A_486 = vector.broadcast %shift_right_logical3A_485 : i32 to vector<16xi32>
      %shift_right_logical3A_487 = arith.shrui %get3A_484, %shift_right_logical3A_486 : vector<16xi32>
      %swap3A_488 = arith.constant 2 : i32
      %swap3A_489 = arith.index_cast %swap3A_488 : i32 to index
      %swap3A_490 = arith.constant 48 : index
      %swap3A_491 = tpu.vector_load %arg6[%swap3A_489, %swap3A_490] {strides = array<i32>} : memref<3x80xi32, #tpu.memory_space<vmem>>, vector<1x16xi32>,
      %swap3A_492 = vector.shape_cast %swap3A_491 : vector<1x16xi32> to vector<16xi32>
      %swap3A_493 = vector.shape_cast %shift_right_logical3A_487 : vector<16xi32> to vector<1x16xi32>
      tpu.vector_store %arg6[%swap3A_489, %swap3A_490], %swap3A_493 {strides = array<i32>} : memref<3x80xi32, #tpu.memory_space<vmem>>, vector<1x16xi32>,
      %get3A_494 = arith.constant 2 : i32
      %get3A_495 = arith.index_cast %get3A_494 : i32 to index
      %get3A_496 = arith.constant 64 : index
      %get3A_497 = tpu.vector_load %arg5[%get3A_495, %get3A_496] {strides = array<i32>} : memref<3x80xi32, #tpu.memory_space<vmem>>, vector<1x16xi32>,
      %get3A_498 = vector.shape_cast %get3A_497 : vector<1x16xi32> to vector<16xi32>
      %shift_right_logical3A_499 = arith.constant 14 : i32
      %shift_right_logical3A_500 = vector.broadcast %shift_right_logical3A_499 : i32 to vector<16xi32>
      %shift_right_logical3A_501 = arith.shrui %get3A_498, %shift_right_logical3A_500 : vector<16xi32>
      %swap3A_502 = arith.constant 2 : i32
      %swap3A_503 = arith.index_cast %swap3A_502 : i32 to index
      %swap3A_504 = arith.constant 64 : index
      %swap3A_505 = tpu.vector_load %arg6[%swap3A_503, %swap3A_504] {strides = array<i32>} : memref<3x80xi32, #tpu.memory_space<vmem>>, vector<1x16xi32>,
      %swap3A_506 = vector.shape_cast %swap3A_505 : vector<1x16xi32> to vector<16xi32>
      %swap3A_507 = vector.shape_cast %shift_right_logical3A_501 : vector<16xi32> to vector<1x16xi32>
      tpu.vector_store %arg6[%swap3A_503, %swap3A_504], %swap3A_507 {strides = array<i32>} : memref<3x80xi32, #tpu.memory_space<vmem>>, vector<1x16xi32>,
      %gt3A = arith.constant 0 : i32
      %gt3A_508 = arith.cmpi sgt, %scan3A_423, %gt3A : i32
      %convert_element_type3A = arith.extui %gt3A_508 : i1 to i32
      %cond3A = arith.constant 0 : i32
      %cond3A_509 = arith.cmpi ne, %convert_element_type3A, %cond3A : i32
      scf.if %cond3A_509 {
        %dma_wait3A_984 = arith.constant 2 : i32
        %dma_wait3A_985 = arith.constant 0 : i32
        %dma_wait3A_986 = tpu.memref_slice %arg7[%dma_wait3A_984, %dma_wait3A_985] : memref<3x80xi32, #tpu.memory_space<vmem>> -> memref<1x80xi32, #tpu.memory_space<vmem>>
        %dma_wait3A_987 = tpu.memref_squeeze %dma_wait3A_986 : memref<1x80xi32, #tpu.memory_space<vmem>> -> memref<80xi32, #tpu.memory_space<vmem>>
        %dma_wait3A_988 = arith.constant 0 : i32
        %dma_wait3A_989 = arith.constant 0 : i32
        %dma_wait3A_990 = tpu.memref_slice %arg11[%dma_wait3A_988, %dma_wait3A_989] : memref<10000x128xf32, #tpu.memory_space<vmem_shared>> -> memref<10000x128xf32, #tpu.memory_space<vmem_shared>>
        tpu.wait_indirect_dma semaphore(%arg20 : memref<!tpu.dma_semaphore, #tpu.memory_space<semaphore_mem>>) src(%arg10 : memref<80x128xf32, #tpu.memory_space<vmem>>) dst(%dma_wait3A_990 : memref<10000x128xf32, #tpu.memory_space<vmem_shared>>)
      } else {
      }
      %get3A_510 = arith.constant 2 : i32
      %get3A_511 = arith.index_cast %get3A_510 : i32 to index
      %get3A_512 = arith.constant 0 : index
      %get3A_513 = tpu.vector_load %arg5[%get3A_511, %get3A_512] {strides = array<i32>} : memref<3x80xi32, #tpu.memory_space<vmem>>, vector<1x16xi32>,
      %get3A_514 = vector.shape_cast %get3A_513 : vector<1x16xi32> to vector<16xi32>
      %and3A_515 = arith.constant 16383 : i32
      %and3A_516 = vector.broadcast %and3A_515 : i32 to vector<16xi32>
      %and3A_517 = arith.andi %get3A_514, %and3A_516 : vector<16xi32>
      %swap3A_518 = arith.constant 2 : i32
      %swap3A_519 = arith.index_cast %swap3A_518 : i32 to index
      %swap3A_520 = arith.constant 0 : index
      %swap3A_521 = tpu.vector_load %arg7[%swap3A_519, %swap3A_520] {strides = array<i32>} : memref<3x80xi32, #tpu.memory_space<vmem>>, vector<1x16xi32>,
      %swap3A_522 = vector.shape_cast %swap3A_521 : vector<1x16xi32> to vector<16xi32>
      %swap3A_523 = vector.shape_cast %and3A_517 : vector<16xi32> to vector<1x16xi32>
      tpu.vector_store %arg7[%swap3A_519, %swap3A_520], %swap3A_523 {strides = array<i32>} : memref<3x80xi32, #tpu.memory_space<vmem>>, vector<1x16xi32>,
      %get3A_524 = arith.constant 2 : i32
      %get3A_525 = arith.index_cast %get3A_524 : i32 to index
      %get3A_526 = arith.constant 16 : index
      %get3A_527 = tpu.vector_load %arg5[%get3A_525, %get3A_526] {strides = array<i32>} : memref<3x80xi32, #tpu.memory_space<vmem>>, vector<1x16xi32>,
      %get3A_528 = vector.shape_cast %get3A_527 : vector<1x16xi32> to vector<16xi32>
      %and3A_529 = arith.constant 16383 : i32
      %and3A_530 = vector.broadcast %and3A_529 : i32 to vector<16xi32>
      %and3A_531 = arith.andi %get3A_528, %and3A_530 : vector<16xi32>
      %swap3A_532 = arith.constant 2 : i32
      %swap3A_533 = arith.index_cast %swap3A_532 : i32 to index
      %swap3A_534 = arith.constant 16 : index
      %swap3A_535 = tpu.vector_load %arg7[%swap3A_533, %swap3A_534] {strides = array<i32>} : memref<3x80xi32, #tpu.memory_space<vmem>>, vector<1x16xi32>,
      %swap3A_536 = vector.shape_cast %swap3A_535 : vector<1x16xi32> to vector<16xi32>
      %swap3A_537 = vector.shape_cast %and3A_531 : vector<16xi32> to vector<1x16xi32>
      tpu.vector_store %arg7[%swap3A_533, %swap3A_534], %swap3A_537 {strides = array<i32>} : memref<3x80xi32, #tpu.memory_space<vmem>>, vector<1x16xi32>,
      %get3A_538 = arith.constant 2 : i32
      %get3A_539 = arith.index_cast %get3A_538 : i32 to index
      %get3A_540 = arith.constant 32 : index
      %get3A_541 = tpu.vector_load %arg5[%get3A_539, %get3A_540] {strides = array<i32>} : memref<3x80xi32, #tpu.memory_space<vmem>>, vector<1x16xi32>,
      %get3A_542 = vector.shape_cast %get3A_541 : vector<1x16xi32> to vector<16xi32>
      %and3A_543 = arith.constant 16383 : i32
      %and3A_544 = vector.broadcast %and3A_543 : i32 to vector<16xi32>
      %and3A_545 = arith.andi %get3A_542, %and3A_544 : vector<16xi32>
      %swap3A_546 = arith.constant 2 : i32
      %swap3A_547 = arith.index_cast %swap3A_546 : i32 to index
      %swap3A_548 = arith.constant 32 : index
      %swap3A_549 = tpu.vector_load %arg7[%swap3A_547, %swap3A_548] {strides = array<i32>} : memref<3x80xi32, #tpu.memory_space<vmem>>, vector<1x16xi32>,
      %swap3A_550 = vector.shape_cast %swap3A_549 : vector<1x16xi32> to vector<16xi32>
      %swap3A_551 = vector.shape_cast %and3A_545 : vector<16xi32> to vector<1x16xi32>
      tpu.vector_store %arg7[%swap3A_547, %swap3A_548], %swap3A_551 {strides = array<i32>} : memref<3x80xi32, #tpu.memory_space<vmem>>, vector<1x16xi32>,
      %get3A_552 = arith.constant 2 : i32
      %get3A_553 = arith.index_cast %get3A_552 : i32 to index
      %get3A_554 = arith.constant 48 : index
      %get3A_555 = tpu.vector_load %arg5[%get3A_553, %get3A_554] {strides = array<i32>} : memref<3x80xi32, #tpu.memory_space<vmem>>, vector<1x16xi32>,
      %get3A_556 = vector.shape_cast %get3A_555 : vector<1x16xi32> to vector<16xi32>
      %and3A_557 = arith.constant 16383 : i32
      %and3A_558 = vector.broadcast %and3A_557 : i32 to vector<16xi32>
      %and3A_559 = arith.andi %get3A_556, %and3A_558 : vector<16xi32>
      %swap3A_560 = arith.constant 2 : i32
      %swap3A_561 = arith.index_cast %swap3A_560 : i32 to index
      %swap3A_562 = arith.constant 48 : index
      %swap3A_563 = tpu.vector_load %arg7[%swap3A_561, %swap3A_562] {strides = array<i32>} : memref<3x80xi32, #tpu.memory_space<vmem>>, vector<1x16xi32>,
      %swap3A_564 = vector.shape_cast %swap3A_563 : vector<1x16xi32> to vector<16xi32>
      %swap3A_565 = vector.shape_cast %and3A_559 : vector<16xi32> to vector<1x16xi32>
      tpu.vector_store %arg7[%swap3A_561, %swap3A_562], %swap3A_565 {strides = array<i32>} : memref<3x80xi32, #tpu.memory_space<vmem>>, vector<1x16xi32>,
      %get3A_566 = arith.constant 2 : i32
      %get3A_567 = arith.index_cast %get3A_566 : i32 to index
      %get3A_568 = arith.constant 64 : index
      %get3A_569 = tpu.vector_load %arg5[%get3A_567, %get3A_568] {strides = array<i32>} : memref<3x80xi32, #tpu.memory_space<vmem>>, vector<1x16xi32>,
      %get3A_570 = vector.shape_cast %get3A_569 : vector<1x16xi32> to vector<16xi32>
      %and3A_571 = arith.constant 16383 : i32
      %and3A_572 = vector.broadcast %and3A_571 : i32 to vector<16xi32>
      %and3A_573 = arith.andi %get3A_570, %and3A_572 : vector<16xi32>
      %swap3A_574 = arith.constant 2 : i32
      %swap3A_575 = arith.index_cast %swap3A_574 : i32 to index
      %swap3A_576 = arith.constant 64 : index
      %swap3A_577 = tpu.vector_load %arg7[%swap3A_575, %swap3A_576] {strides = array<i32>} : memref<3x80xi32, #tpu.memory_space<vmem>>, vector<1x16xi32>,
      %swap3A_578 = vector.shape_cast %swap3A_577 : vector<1x16xi32> to vector<16xi32>
      %swap3A_579 = vector.shape_cast %and3A_573 : vector<16xi32> to vector<1x16xi32>
      tpu.vector_store %arg7[%swap3A_575, %swap3A_576], %swap3A_579 {strides = array<i32>} : memref<3x80xi32, #tpu.memory_space<vmem>>, vector<1x16xi32>,
      %dma_start3A_580 = arith.constant 2 : i32
      %dma_start3A_581 = arith.constant 0 : i32
      %dma_start3A_582 = tpu.memref_slice %arg6[%dma_start3A_580, %dma_start3A_581] : memref<3x80xi32, #tpu.memory_space<vmem>> -> memref<1x80xi32, #tpu.memory_space<vmem>>
      %dma_start3A_583 = tpu.memref_squeeze %dma_start3A_582 : memref<1x80xi32, #tpu.memory_space<vmem>> -> memref<80xi32, #tpu.memory_space<vmem>>
      %dma_start3A_584 = arith.constant 0 : i32
      %dma_start3A_585 = arith.constant 0 : i32
      %dma_start3A_586 = tpu.memref_slice %arg2[%dma_start3A_584, %dma_start3A_585] : memref<10000x128xf32, #tpu.memory_space<hbm>> -> memref<10000x128xf32, #tpu.memory_space<hbm>>
      tpu.enqueue_indirect_dma source(%dma_start3A_586 : memref<10000x128xf32, #tpu.memory_space<hbm>>) target(%arg10 : memref<80x128xf32, #tpu.memory_space<vmem>>) offsets(%dma_start3A_583 : memref<80xi32, #tpu.memory_space<vmem>>) semaphore(%arg14 : memref<!tpu.dma_semaphore, #tpu.memory_space<semaphore_mem>>)
      %dma_wait3A_587 = arith.constant 0 : i32
      %dma_wait3A_588 = arith.constant 0 : i32
      %dma_wait3A_589 = tpu.memref_slice %arg6[%dma_wait3A_587, %dma_wait3A_588] : memref<3x80xi32, #tpu.memory_space<vmem>> -> memref<1x80xi32, #tpu.memory_space<vmem>>
      %dma_wait3A_590 = tpu.memref_squeeze %dma_wait3A_589 : memref<1x80xi32, #tpu.memory_space<vmem>> -> memref<80xi32, #tpu.memory_space<vmem>>
      %dma_wait3A_591 = arith.constant 0 : i32
      %dma_wait3A_592 = arith.constant 0 : i32
      %dma_wait3A_593 = tpu.memref_slice %arg2[%dma_wait3A_591, %dma_wait3A_592] : memref<10000x128xf32, #tpu.memory_space<hbm>> -> memref<10000x128xf32, #tpu.memory_space<hbm>>
      tpu.wait_indirect_dma semaphore(%arg12 : memref<!tpu.dma_semaphore, #tpu.memory_space<semaphore_mem>>) src(%dma_wait3A_593 : memref<10000x128xf32, #tpu.memory_space<hbm>>) dst(%arg8 : memref<80x128xf32, #tpu.memory_space<vmem>>)
      %dma_start3A_594 = arith.constant 0 : i32
      %dma_start3A_595 = arith.constant 0 : i32
      %dma_start3A_596 = tpu.memref_slice %arg7[%dma_start3A_594, %dma_start3A_595] : memref<3x80xi32, #tpu.memory_space<vmem>> -> memref<1x80xi32, #tpu.memory_space<vmem>>
      %dma_start3A_597 = tpu.memref_squeeze %dma_start3A_596 : memref<1x80xi32, #tpu.memory_space<vmem>> -> memref<80xi32, #tpu.memory_space<vmem>>
      %dma_start3A_598 = arith.constant 0 : i32
      %dma_start3A_599 = arith.constant 0 : i32
      %dma_start3A_600 = tpu.memref_slice %arg11[%dma_start3A_598, %dma_start3A_599] : memref<10000x128xf32, #tpu.memory_space<vmem_shared>> -> memref<10000x128xf32, #tpu.memory_space<vmem_shared>>
      tpu.enqueue_indirect_dma source(%arg8 : memref<80x128xf32, #tpu.memory_space<vmem>>) target(%dma_start3A_600 : memref<10000x128xf32, #tpu.memory_space<vmem_shared>>) offsets(%dma_start3A_597 : memref<80xi32, #tpu.memory_space<vmem>>) semaphore(%arg18 : memref<!tpu.dma_semaphore, #tpu.memory_space<semaphore_mem>>) {add = true}
      %add3A_601 = arith.constant 3 : i32
      %add3A_602 = arith.addi %add3A_428, %add3A_601 : i32
      %le3A = arith.constant 124 : i32
      %le3A_603 = arith.cmpi sle, %add3A_602, %le3A : i32
      %convert_element_type3A_604 = arith.extui %le3A_603 : i1 to i32
      %cond3A_605 = arith.constant 0 : i32
      %cond3A_606 = arith.cmpi ne, %convert_element_type3A_604, %cond3A_605 : i32
      scf.if %cond3A_606 {
        %add3A_984 = arith.constant 3 : i32
        %add3A_985 = arith.addi %add3A_428, %add3A_984 : i32
        %mul3A_986 = arith.constant 80 : i32
        %mul3A_987 = arith.muli %add3A_985, %mul3A_986 : i32
        %add3A_988 = arith.addi %mul3A_2, %mul3A_987 : i32
        %dma_start3A_989 = arith.constant 0 : i32
        %dma_start3A_990 = arith.constant 0 : i32
        %dma_start3A_991 = tpu.memref_slice %arg5[%dma_start3A_989, %dma_start3A_990] : memref<3x80xi32, #tpu.memory_space<vmem>> -> memref<1x80xi32, #tpu.memory_space<vmem>>
        %dma_start3A_992 = tpu.memref_squeeze %dma_start3A_991 : memref<1x80xi32, #tpu.memory_space<vmem>> -> memref<80xi32, #tpu.memory_space<vmem>>
        %dma_start3A_993 = tpu.memref_slice %arg3[%add3A_988] : memref<320000xi32, #tpu.memory_space<hbm>> -> memref<80xi32, #tpu.memory_space<hbm>>
        %dma_start3A_994 = arith.constant 0 : i32
        %dma_start3A_995 = tpu.memref_slice %arg5[%dma_start3A_989, %dma_start3A_994] : memref<3x80xi32, #tpu.memory_space<vmem>> -> memref<1x80xi32, #tpu.memory_space<vmem>>
        %dma_start3A_996 = tpu.memref_squeeze %dma_start3A_995 : memref<1x80xi32, #tpu.memory_space<vmem>> -> memref<80xi32, #tpu.memory_space<vmem>>
        %dma_start3A_997 = tpu.memref_slice %arg3[%add3A_988] : memref<320000xi32, #tpu.memory_space<hbm>> -> memref<80xi32, #tpu.memory_space<hbm>>
        tpu.enqueue_dma source(%dma_start3A_997 : memref<80xi32, #tpu.memory_space<hbm>>) target(%dma_start3A_996 : memref<80xi32, #tpu.memory_space<vmem>>) target_semaphore(%arg15 : memref<!tpu.dma_semaphore, #tpu.memory_space<semaphore_mem>>)
      } else {
      }
      %mul3A_607 = arith.constant 3 : i32
      %mul3A_608 = arith.muli %mul3A_607, %scan3A_423 : i32
      %add3A_609 = arith.constant 1 : i32
      %add3A_610 = arith.addi %mul3A_608, %add3A_609 : i32
      %dma_wait3A_611 = arith.constant 0 : i32
      %dma_wait3A_612 = arith.constant 0 : i32
      %dma_wait3A_613 = tpu.memref_slice %arg5[%dma_wait3A_611, %dma_wait3A_612] : memref<3x80xi32, #tpu.memory_space<vmem>> -> memref<1x80xi32, #tpu.memory_space<vmem>>
      %dma_wait3A_614 = tpu.memref_squeeze %dma_wait3A_613 : memref<1x80xi32, #tpu.memory_space<vmem>> -> memref<80xi32, #tpu.memory_space<vmem>>
      %dma_wait3A_615 = tpu.memref_slice %arg3[%mul3A_2] : memref<320000xi32, #tpu.memory_space<hbm>> -> memref<80xi32, #tpu.memory_space<hbm>>
      %dma_wait3A_616 = arith.constant 0 : i32
      %dma_wait3A_617 = tpu.memref_slice %arg5[%dma_wait3A_611, %dma_wait3A_616] : memref<3x80xi32, #tpu.memory_space<vmem>> -> memref<1x80xi32, #tpu.memory_space<vmem>>
      %dma_wait3A_618 = tpu.memref_squeeze %dma_wait3A_617 : memref<1x80xi32, #tpu.memory_space<vmem>> -> memref<80xi32, #tpu.memory_space<vmem>>
      %dma_wait3A_619 = tpu.memref_slice %arg3[%mul3A_2] : memref<320000xi32, #tpu.memory_space<hbm>> -> memref<80xi32, #tpu.memory_space<hbm>>
      tpu.wait_dma2 semaphore(%arg15 : memref<!tpu.dma_semaphore, #tpu.memory_space<semaphore_mem>>) src(%dma_wait3A_619 : memref<80xi32, #tpu.memory_space<hbm>>) dst(%dma_wait3A_618 : memref<80xi32, #tpu.memory_space<vmem>>)
      %get3A_620 = arith.constant 0 : i32
      %get3A_621 = arith.index_cast %get3A_620 : i32 to index
      %get3A_622 = arith.constant 0 : index
      %get3A_623 = tpu.vector_load %arg5[%get3A_621, %get3A_622] {strides = array<i32>} : memref<3x80xi32, #tpu.memory_space<vmem>>, vector<1x16xi32>,
      %get3A_624 = vector.shape_cast %get3A_623 : vector<1x16xi32> to vector<16xi32>
      %shift_right_logical3A_625 = arith.constant 14 : i32
      %shift_right_logical3A_626 = vector.broadcast %shift_right_logical3A_625 : i32 to vector<16xi32>
      %shift_right_logical3A_627 = arith.shrui %get3A_624, %shift_right_logical3A_626 : vector<16xi32>
      %swap3A_628 = arith.constant 0 : i32
      %swap3A_629 = arith.index_cast %swap3A_628 : i32 to index
      %swap3A_630 = arith.constant 0 : index
      %swap3A_631 = tpu.vector_load %arg6[%swap3A_629, %swap3A_630] {strides = array<i32>} : memref<3x80xi32, #tpu.memory_space<vmem>>, vector<1x16xi32>,
      %swap3A_632 = vector.shape_cast %swap3A_631 : vector<1x16xi32> to vector<16xi32>
      %swap3A_633 = vector.shape_cast %shift_right_logical3A_627 : vector<16xi32> to vector<1x16xi32>
      tpu.vector_store %arg6[%swap3A_629, %swap3A_630], %swap3A_633 {strides = array<i32>} : memref<3x80xi32, #tpu.memory_space<vmem>>, vector<1x16xi32>,
      %get3A_634 = arith.constant 0 : i32
      %get3A_635 = arith.index_cast %get3A_634 : i32 to index
      %get3A_636 = arith.constant 16 : index
      %get3A_637 = tpu.vector_load %arg5[%get3A_635, %get3A_636] {strides = array<i32>} : memref<3x80xi32, #tpu.memory_space<vmem>>, vector<1x16xi32>,
      %get3A_638 = vector.shape_cast %get3A_637 : vector<1x16xi32> to vector<16xi32>
      %shift_right_logical3A_639 = arith.constant 14 : i32
      %shift_right_logical3A_640 = vector.broadcast %shift_right_logical3A_639 : i32 to vector<16xi32>
      %shift_right_logical3A_641 = arith.shrui %get3A_638, %shift_right_logical3A_640 : vector<16xi32>
      %swap3A_642 = arith.constant 0 : i32
      %swap3A_643 = arith.index_cast %swap3A_642 : i32 to index
      %swap3A_644 = arith.constant 16 : index
      %swap3A_645 = tpu.vector_load %arg6[%swap3A_643, %swap3A_644] {strides = array<i32>} : memref<3x80xi32, #tpu.memory_space<vmem>>, vector<1x16xi32>,
      %swap3A_646 = vector.shape_cast %swap3A_645 : vector<1x16xi32> to vector<16xi32>
      %swap3A_647 = vector.shape_cast %shift_right_logical3A_641 : vector<16xi32> to vector<1x16xi32>
      tpu.vector_store %arg6[%swap3A_643, %swap3A_644], %swap3A_647 {strides = array<i32>} : memref<3x80xi32, #tpu.memory_space<vmem>>, vector<1x16xi32>,
      %get3A_648 = arith.constant 0 : i32
      %get3A_649 = arith.index_cast %get3A_648 : i32 to index
      %get3A_650 = arith.constant 32 : index
      %get3A_651 = tpu.vector_load %arg5[%get3A_649, %get3A_650] {strides = array<i32>} : memref<3x80xi32, #tpu.memory_space<vmem>>, vector<1x16xi32>,
      %get3A_652 = vector.shape_cast %get3A_651 : vector<1x16xi32> to vector<16xi32>
      %shift_right_logical3A_653 = arith.constant 14 : i32
      %shift_right_logical3A_654 = vector.broadcast %shift_right_logical3A_653 : i32 to vector<16xi32>
      %shift_right_logical3A_655 = arith.shrui %get3A_652, %shift_right_logical3A_654 : vector<16xi32>
      %swap3A_656 = arith.constant 0 : i32
      %swap3A_657 = arith.index_cast %swap3A_656 : i32 to index
      %swap3A_658 = arith.constant 32 : index
      %swap3A_659 = tpu.vector_load %arg6[%swap3A_657, %swap3A_658] {strides = array<i32>} : memref<3x80xi32, #tpu.memory_space<vmem>>, vector<1x16xi32>,
      %swap3A_660 = vector.shape_cast %swap3A_659 : vector<1x16xi32> to vector<16xi32>
      %swap3A_661 = vector.shape_cast %shift_right_logical3A_655 : vector<16xi32> to vector<1x16xi32>
      tpu.vector_store %arg6[%swap3A_657, %swap3A_658], %swap3A_661 {strides = array<i32>} : memref<3x80xi32, #tpu.memory_space<vmem>>, vector<1x16xi32>,
      %get3A_662 = arith.constant 0 : i32
      %get3A_663 = arith.index_cast %get3A_662 : i32 to index
      %get3A_664 = arith.constant 48 : index
      %get3A_665 = tpu.vector_load %arg5[%get3A_663, %get3A_664] {strides = array<i32>} : memref<3x80xi32, #tpu.memory_space<vmem>>, vector<1x16xi32>,
      %get3A_666 = vector.shape_cast %get3A_665 : vector<1x16xi32> to vector<16xi32>
      %shift_right_logical3A_667 = arith.constant 14 : i32
      %shift_right_logical3A_668 = vector.broadcast %shift_right_logical3A_667 : i32 to vector<16xi32>
      %shift_right_logical3A_669 = arith.shrui %get3A_666, %shift_right_logical3A_668 : vector<16xi32>
      %swap3A_670 = arith.constant 0 : i32
      %swap3A_671 = arith.index_cast %swap3A_670 : i32 to index
      %swap3A_672 = arith.constant 48 : index
      %swap3A_673 = tpu.vector_load %arg6[%swap3A_671, %swap3A_672] {strides = array<i32>} : memref<3x80xi32, #tpu.memory_space<vmem>>, vector<1x16xi32>,
      %swap3A_674 = vector.shape_cast %swap3A_673 : vector<1x16xi32> to vector<16xi32>
      %swap3A_675 = vector.shape_cast %shift_right_logical3A_669 : vector<16xi32> to vector<1x16xi32>
      tpu.vector_store %arg6[%swap3A_671, %swap3A_672], %swap3A_675 {strides = array<i32>} : memref<3x80xi32, #tpu.memory_space<vmem>>, vector<1x16xi32>,
      %get3A_676 = arith.constant 0 : i32
      %get3A_677 = arith.index_cast %get3A_676 : i32 to index
      %get3A_678 = arith.constant 64 : index
      %get3A_679 = tpu.vector_load %arg5[%get3A_677, %get3A_678] {strides = array<i32>} : memref<3x80xi32, #tpu.memory_space<vmem>>, vector<1x16xi32>,
      %get3A_680 = vector.shape_cast %get3A_679 : vector<1x16xi32> to vector<16xi32>
      %shift_right_logical3A_681 = arith.constant 14 : i32
      %shift_right_logical3A_682 = vector.broadcast %shift_right_logical3A_681 : i32 to vector<16xi32>
      %shift_right_logical3A_683 = arith.shrui %get3A_680, %shift_right_logical3A_682 : vector<16xi32>
      %swap3A_684 = arith.constant 0 : i32
      %swap3A_685 = arith.index_cast %swap3A_684 : i32 to index
      %swap3A_686 = arith.constant 64 : index
      %swap3A_687 = tpu.vector_load %arg6[%swap3A_685, %swap3A_686] {strides = array<i32>} : memref<3x80xi32, #tpu.memory_space<vmem>>, vector<1x16xi32>,
      %swap3A_688 = vector.shape_cast %swap3A_687 : vector<1x16xi32> to vector<16xi32>
      %swap3A_689 = vector.shape_cast %shift_right_logical3A_683 : vector<16xi32> to vector<1x16xi32>
      tpu.vector_store %arg6[%swap3A_685, %swap3A_686], %swap3A_689 {strides = array<i32>} : memref<3x80xi32, #tpu.memory_space<vmem>>, vector<1x16xi32>,
      %dma_wait3A_690 = arith.constant 0 : i32
      %dma_wait3A_691 = arith.constant 0 : i32
      %dma_wait3A_692 = tpu.memref_slice %arg7[%dma_wait3A_690, %dma_wait3A_691] : memref<3x80xi32, #tpu.memory_space<vmem>> -> memref<1x80xi32, #tpu.memory_space<vmem>>
      %dma_wait3A_693 = tpu.memref_squeeze %dma_wait3A_692 : memref<1x80xi32, #tpu.memory_space<vmem>> -> memref<80xi32, #tpu.memory_space<vmem>>
      %dma_wait3A_694 = arith.constant 0 : i32
      %dma_wait3A_695 = arith.constant 0 : i32
      %dma_wait3A_696 = tpu.memref_slice %arg11[%dma_wait3A_694, %dma_wait3A_695] : memref<10000x128xf32, #tpu.memory_space<vmem_shared>> -> memref<10000x128xf32, #tpu.memory_space<vmem_shared>>
      tpu.wait_indirect_dma semaphore(%arg18 : memref<!tpu.dma_semaphore, #tpu.memory_space<semaphore_mem>>) src(%arg8 : memref<80x128xf32, #tpu.memory_space<vmem>>) dst(%dma_wait3A_696 : memref<10000x128xf32, #tpu.memory_space<vmem_shared>>)
      %get3A_697 = arith.constant 0 : i32
      %get3A_698 = arith.index_cast %get3A_697 : i32 to index
      %get3A_699 = arith.constant 0 : index
      %get3A_700 = tpu.vector_load %arg5[%get3A_698, %get3A_699] {strides = array<i32>} : memref<3x80xi32, #tpu.memory_space<vmem>>, vector<1x16xi32>,
      %get3A_701 = vector.shape_cast %get3A_700 : vector<1x16xi32> to vector<16xi32>
      %and3A_702 = arith.constant 16383 : i32
      %and3A_703 = vector.broadcast %and3A_702 : i32 to vector<16xi32>
      %and3A_704 = arith.andi %get3A_701, %and3A_703 : vector<16xi32>
      %swap3A_705 = arith.constant 0 : i32
      %swap3A_706 = arith.index_cast %swap3A_705 : i32 to index
      %swap3A_707 = arith.constant 0 : index
      %swap3A_708 = tpu.vector_load %arg7[%swap3A_706, %swap3A_707] {strides = array<i32>} : memref<3x80xi32, #tpu.memory_space<vmem>>, vector<1x16xi32>,
      %swap3A_709 = vector.shape_cast %swap3A_708 : vector<1x16xi32> to vector<16xi32>
      %swap3A_710 = vector.shape_cast %and3A_704 : vector<16xi32> to vector<1x16xi32>
      tpu.vector_store %arg7[%swap3A_706, %swap3A_707], %swap3A_710 {strides = array<i32>} : memref<3x80xi32, #tpu.memory_space<vmem>>, vector<1x16xi32>,
      %get3A_711 = arith.constant 0 : i32
      %get3A_712 = arith.index_cast %get3A_711 : i32 to index
      %get3A_713 = arith.constant 16 : index
      %get3A_714 = tpu.vector_load %arg5[%get3A_712, %get3A_713] {strides = array<i32>} : memref<3x80xi32, #tpu.memory_space<vmem>>, vector<1x16xi32>,
      %get3A_715 = vector.shape_cast %get3A_714 : vector<1x16xi32> to vector<16xi32>
      %and3A_716 = arith.constant 16383 : i32
      %and3A_717 = vector.broadcast %and3A_716 : i32 to vector<16xi32>
      %and3A_718 = arith.andi %get3A_715, %and3A_717 : vector<16xi32>
      %swap3A_719 = arith.constant 0 : i32
      %swap3A_720 = arith.index_cast %swap3A_719 : i32 to index
      %swap3A_721 = arith.constant 16 : index
      %swap3A_722 = tpu.vector_load %arg7[%swap3A_720, %swap3A_721] {strides = array<i32>} : memref<3x80xi32, #tpu.memory_space<vmem>>, vector<1x16xi32>,
      %swap3A_723 = vector.shape_cast %swap3A_722 : vector<1x16xi32> to vector<16xi32>
      %swap3A_724 = vector.shape_cast %and3A_718 : vector<16xi32> to vector<1x16xi32>
      tpu.vector_store %arg7[%swap3A_720, %swap3A_721], %swap3A_724 {strides = array<i32>} : memref<3x80xi32, #tpu.memory_space<vmem>>, vector<1x16xi32>,
      %get3A_725 = arith.constant 0 : i32
      %get3A_726 = arith.index_cast %get3A_725 : i32 to index
      %get3A_727 = arith.constant 32 : index
      %get3A_728 = tpu.vector_load %arg5[%get3A_726, %get3A_727] {strides = array<i32>} : memref<3x80xi32, #tpu.memory_space<vmem>>, vector<1x16xi32>,
      %get3A_729 = vector.shape_cast %get3A_728 : vector<1x16xi32> to vector<16xi32>
      %and3A_730 = arith.constant 16383 : i32
      %and3A_731 = vector.broadcast %and3A_730 : i32 to vector<16xi32>
      %and3A_732 = arith.andi %get3A_729, %and3A_731 : vector<16xi32>
      %swap3A_733 = arith.constant 0 : i32
      %swap3A_734 = arith.index_cast %swap3A_733 : i32 to index
      %swap3A_735 = arith.constant 32 : index
      %swap3A_736 = tpu.vector_load %arg7[%swap3A_734, %swap3A_735] {strides = array<i32>} : memref<3x80xi32, #tpu.memory_space<vmem>>, vector<1x16xi32>,
      %swap3A_737 = vector.shape_cast %swap3A_736 : vector<1x16xi32> to vector<16xi32>
      %swap3A_738 = vector.shape_cast %and3A_732 : vector<16xi32> to vector<1x16xi32>
      tpu.vector_store %arg7[%swap3A_734, %swap3A_735], %swap3A_738 {strides = array<i32>} : memref<3x80xi32, #tpu.memory_space<vmem>>, vector<1x16xi32>,
      %get3A_739 = arith.constant 0 : i32
      %get3A_740 = arith.index_cast %get3A_739 : i32 to index
      %get3A_741 = arith.constant 48 : index
      %get3A_742 = tpu.vector_load %arg5[%get3A_740, %get3A_741] {strides = array<i32>} : memref<3x80xi32, #tpu.memory_space<vmem>>, vector<1x16xi32>,
      %get3A_743 = vector.shape_cast %get3A_742 : vector<1x16xi32> to vector<16xi32>
      %and3A_744 = arith.constant 16383 : i32
      %and3A_745 = vector.broadcast %and3A_744 : i32 to vector<16xi32>
      %and3A_746 = arith.andi %get3A_743, %and3A_745 : vector<16xi32>
      %swap3A_747 = arith.constant 0 : i32
      %swap3A_748 = arith.index_cast %swap3A_747 : i32 to index
      %swap3A_749 = arith.constant 48 : index
      %swap3A_750 = tpu.vector_load %arg7[%swap3A_748, %swap3A_749] {strides = array<i32>} : memref<3x80xi32, #tpu.memory_space<vmem>>, vector<1x16xi32>,
      %swap3A_751 = vector.shape_cast %swap3A_750 : vector<1x16xi32> to vector<16xi32>
      %swap3A_752 = vector.shape_cast %and3A_746 : vector<16xi32> to vector<1x16xi32>
      tpu.vector_store %arg7[%swap3A_748, %swap3A_749], %swap3A_752 {strides = array<i32>} : memref<3x80xi32, #tpu.memory_space<vmem>>, vector<1x16xi32>,
      %get3A_753 = arith.constant 0 : i32
      %get3A_754 = arith.index_cast %get3A_753 : i32 to index
      %get3A_755 = arith.constant 64 : index
      %get3A_756 = tpu.vector_load %arg5[%get3A_754, %get3A_755] {strides = array<i32>} : memref<3x80xi32, #tpu.memory_space<vmem>>, vector<1x16xi32>,
      %get3A_757 = vector.shape_cast %get3A_756 : vector<1x16xi32> to vector<16xi32>
      %and3A_758 = arith.constant 16383 : i32
      %and3A_759 = vector.broadcast %and3A_758 : i32 to vector<16xi32>
      %and3A_760 = arith.andi %get3A_757, %and3A_759 : vector<16xi32>
      %swap3A_761 = arith.constant 0 : i32
      %swap3A_762 = arith.index_cast %swap3A_761 : i32 to index
      %swap3A_763 = arith.constant 64 : index
      %swap3A_764 = tpu.vector_load %arg7[%swap3A_762, %swap3A_763] {strides = array<i32>} : memref<3x80xi32, #tpu.memory_space<vmem>>, vector<1x16xi32>,
      %swap3A_765 = vector.shape_cast %swap3A_764 : vector<1x16xi32> to vector<16xi32>
      %swap3A_766 = vector.shape_cast %and3A_760 : vector<16xi32> to vector<1x16xi32>
      tpu.vector_store %arg7[%swap3A_762, %swap3A_763], %swap3A_766 {strides = array<i32>} : memref<3x80xi32, #tpu.memory_space<vmem>>, vector<1x16xi32>,
      %dma_start3A_767 = arith.constant 0 : i32
      %dma_start3A_768 = arith.constant 0 : i32
      %dma_start3A_769 = tpu.memref_slice %arg6[%dma_start3A_767, %dma_start3A_768] : memref<3x80xi32, #tpu.memory_space<vmem>> -> memref<1x80xi32, #tpu.memory_space<vmem>>
      %dma_start3A_770 = tpu.memref_squeeze %dma_start3A_769 : memref<1x80xi32, #tpu.memory_space<vmem>> -> memref<80xi32, #tpu.memory_space<vmem>>
      %dma_start3A_771 = arith.constant 0 : i32
      %dma_start3A_772 = arith.constant 0 : i32
      %dma_start3A_773 = tpu.memref_slice %arg2[%dma_start3A_771, %dma_start3A_772] : memref<10000x128xf32, #tpu.memory_space<hbm>> -> memref<10000x128xf32, #tpu.memory_space<hbm>>
      tpu.enqueue_indirect_dma source(%dma_start3A_773 : memref<10000x128xf32, #tpu.memory_space<hbm>>) target(%arg8 : memref<80x128xf32, #tpu.memory_space<vmem>>) offsets(%dma_start3A_770 : memref<80xi32, #tpu.memory_space<vmem>>) semaphore(%arg12 : memref<!tpu.dma_semaphore, #tpu.memory_space<semaphore_mem>>)
      %dma_wait3A_774 = arith.constant 1 : i32
      %dma_wait3A_775 = arith.constant 0 : i32
      %dma_wait3A_776 = tpu.memref_slice %arg6[%dma_wait3A_774, %dma_wait3A_775] : memref<3x80xi32, #tpu.memory_space<vmem>> -> memref<1x80xi32, #tpu.memory_space<vmem>>
      %dma_wait3A_777 = tpu.memref_squeeze %dma_wait3A_776 : memref<1x80xi32, #tpu.memory_space<vmem>> -> memref<80xi32, #tpu.memory_space<vmem>>
      %dma_wait3A_778 = arith.constant 0 : i32
      %dma_wait3A_779 = arith.constant 0 : i32
      %dma_wait3A_780 = tpu.memref_slice %arg2[%dma_wait3A_778, %dma_wait3A_779] : memref<10000x128xf32, #tpu.memory_space<hbm>> -> memref<10000x128xf32, #tpu.memory_space<hbm>>
      tpu.wait_indirect_dma semaphore(%arg13 : memref<!tpu.dma_semaphore, #tpu.memory_space<semaphore_mem>>) src(%dma_wait3A_780 : memref<10000x128xf32, #tpu.memory_space<hbm>>) dst(%arg9 : memref<80x128xf32, #tpu.memory_space<vmem>>)
      %dma_start3A_781 = arith.constant 1 : i32
      %dma_start3A_782 = arith.constant 0 : i32
      %dma_start3A_783 = tpu.memref_slice %arg7[%dma_start3A_781, %dma_start3A_782] : memref<3x80xi32, #tpu.memory_space<vmem>> -> memref<1x80xi32, #tpu.memory_space<vmem>>
      %dma_start3A_784 = tpu.memref_squeeze %dma_start3A_783 : memref<1x80xi32, #tpu.memory_space<vmem>> -> memref<80xi32, #tpu.memory_space<vmem>>
      %dma_start3A_785 = arith.constant 0 : i32
      %dma_start3A_786 = arith.constant 0 : i32
      %dma_start3A_787 = tpu.memref_slice %arg11[%dma_start3A_785, %dma_start3A_786] : memref<10000x128xf32, #tpu.memory_space<vmem_shared>> -> memref<10000x128xf32, #tpu.memory_space<vmem_shared>>
      tpu.enqueue_indirect_dma source(%arg9 : memref<80x128xf32, #tpu.memory_space<vmem>>) target(%dma_start3A_787 : memref<10000x128xf32, #tpu.memory_space<vmem_shared>>) offsets(%dma_start3A_784 : memref<80xi32, #tpu.memory_space<vmem>>) semaphore(%arg19 : memref<!tpu.dma_semaphore, #tpu.memory_space<semaphore_mem>>) {add = true}
      %add3A_788 = arith.constant 3 : i32
      %add3A_789 = arith.addi %add3A_610, %add3A_788 : i32
      %le3A_790 = arith.constant 124 : i32
      %le3A_791 = arith.cmpi sle, %add3A_789, %le3A_790 : i32
      %convert_element_type3A_792 = arith.extui %le3A_791 : i1 to i32
      %cond3A_793 = arith.constant 0 : i32
      %cond3A_794 = arith.cmpi ne, %convert_element_type3A_792, %cond3A_793 : i32
      scf.if %cond3A_794 {
        %add3A_984 = arith.constant 3 : i32
        %add3A_985 = arith.addi %add3A_610, %add3A_984 : i32
        %mul3A_986 = arith.constant 80 : i32
        %mul3A_987 = arith.muli %add3A_985, %mul3A_986 : i32
        %add3A_988 = arith.addi %mul3A_2, %mul3A_987 : i32
        %dma_start3A_989 = arith.constant 1 : i32
        %dma_start3A_990 = arith.constant 0 : i32
        %dma_start3A_991 = tpu.memref_slice %arg5[%dma_start3A_989, %dma_start3A_990] : memref<3x80xi32, #tpu.memory_space<vmem>> -> memref<1x80xi32, #tpu.memory_space<vmem>>
        %dma_start3A_992 = tpu.memref_squeeze %dma_start3A_991 : memref<1x80xi32, #tpu.memory_space<vmem>> -> memref<80xi32, #tpu.memory_space<vmem>>
        %dma_start3A_993 = tpu.memref_slice %arg3[%add3A_988] : memref<320000xi32, #tpu.memory_space<hbm>> -> memref<80xi32, #tpu.memory_space<hbm>>
        %dma_start3A_994 = arith.constant 0 : i32
        %dma_start3A_995 = tpu.memref_slice %arg5[%dma_start3A_989, %dma_start3A_994] : memref<3x80xi32, #tpu.memory_space<vmem>> -> memref<1x80xi32, #tpu.memory_space<vmem>>
        %dma_start3A_996 = tpu.memref_squeeze %dma_start3A_995 : memref<1x80xi32, #tpu.memory_space<vmem>> -> memref<80xi32, #tpu.memory_space<vmem>>
        %dma_start3A_997 = tpu.memref_slice %arg3[%add3A_988] : memref<320000xi32, #tpu.memory_space<hbm>> -> memref<80xi32, #tpu.memory_space<hbm>>
        tpu.enqueue_dma source(%dma_start3A_997 : memref<80xi32, #tpu.memory_space<hbm>>) target(%dma_start3A_996 : memref<80xi32, #tpu.memory_space<vmem>>) target_semaphore(%arg16 : memref<!tpu.dma_semaphore, #tpu.memory_space<semaphore_mem>>)
      } else {
      }
      %mul3A_795 = arith.constant 3 : i32
      %mul3A_796 = arith.muli %mul3A_795, %scan3A_423 : i32
      %add3A_797 = arith.constant 2 : i32
      %add3A_798 = arith.addi %mul3A_796, %add3A_797 : i32
      %dma_wait3A_799 = arith.constant 1 : i32
      %dma_wait3A_800 = arith.constant 0 : i32
      %dma_wait3A_801 = tpu.memref_slice %arg5[%dma_wait3A_799, %dma_wait3A_800] : memref<3x80xi32, #tpu.memory_space<vmem>> -> memref<1x80xi32, #tpu.memory_space<vmem>>
      %dma_wait3A_802 = tpu.memref_squeeze %dma_wait3A_801 : memref<1x80xi32, #tpu.memory_space<vmem>> -> memref<80xi32, #tpu.memory_space<vmem>>
      %dma_wait3A_803 = tpu.memref_slice %arg3[%mul3A_2] : memref<320000xi32, #tpu.memory_space<hbm>> -> memref<80xi32, #tpu.memory_space<hbm>>
      %dma_wait3A_804 = arith.constant 0 : i32
      %dma_wait3A_805 = tpu.memref_slice %arg5[%dma_wait3A_799, %dma_wait3A_804] : memref<3x80xi32, #tpu.memory_space<vmem>> -> memref<1x80xi32, #tpu.memory_space<vmem>>
      %dma_wait3A_806 = tpu.memref_squeeze %dma_wait3A_805 : memref<1x80xi32, #tpu.memory_space<vmem>> -> memref<80xi32, #tpu.memory_space<vmem>>
      %dma_wait3A_807 = tpu.memref_slice %arg3[%mul3A_2] : memref<320000xi32, #tpu.memory_space<hbm>> -> memref<80xi32, #tpu.memory_space<hbm>>
      tpu.wait_dma2 semaphore(%arg16 : memref<!tpu.dma_semaphore, #tpu.memory_space<semaphore_mem>>) src(%dma_wait3A_807 : memref<80xi32, #tpu.memory_space<hbm>>) dst(%dma_wait3A_806 : memref<80xi32, #tpu.memory_space<vmem>>)
      %get3A_808 = arith.constant 1 : i32
      %get3A_809 = arith.index_cast %get3A_808 : i32 to index
      %get3A_810 = arith.constant 0 : index
      %get3A_811 = tpu.vector_load %arg5[%get3A_809, %get3A_810] {strides = array<i32>} : memref<3x80xi32, #tpu.memory_space<vmem>>, vector<1x16xi32>,
      %get3A_812 = vector.shape_cast %get3A_811 : vector<1x16xi32> to vector<16xi32>
      %shift_right_logical3A_813 = arith.constant 14 : i32
      %shift_right_logical3A_814 = vector.broadcast %shift_right_logical3A_813 : i32 to vector<16xi32>
      %shift_right_logical3A_815 = arith.shrui %get3A_812, %shift_right_logical3A_814 : vector<16xi32>
      %swap3A_816 = arith.constant 1 : i32
      %swap3A_817 = arith.index_cast %swap3A_816 : i32 to index
      %swap3A_818 = arith.constant 0 : index
      %swap3A_819 = tpu.vector_load %arg6[%swap3A_817, %swap3A_818] {strides = array<i32>} : memref<3x80xi32, #tpu.memory_space<vmem>>, vector<1x16xi32>,
      %swap3A_820 = vector.shape_cast %swap3A_819 : vector<1x16xi32> to vector<16xi32>
      %swap3A_821 = vector.shape_cast %shift_right_logical3A_815 : vector<16xi32> to vector<1x16xi32>
      tpu.vector_store %arg6[%swap3A_817, %swap3A_818], %swap3A_821 {strides = array<i32>} : memref<3x80xi32, #tpu.memory_space<vmem>>, vector<1x16xi32>,
      %get3A_822 = arith.constant 1 : i32
      %get3A_823 = arith.index_cast %get3A_822 : i32 to index
      %get3A_824 = arith.constant 16 : index
      %get3A_825 = tpu.vector_load %arg5[%get3A_823, %get3A_824] {strides = array<i32>} : memref<3x80xi32, #tpu.memory_space<vmem>>, vector<1x16xi32>,
      %get3A_826 = vector.shape_cast %get3A_825 : vector<1x16xi32> to vector<16xi32>
      %shift_right_logical3A_827 = arith.constant 14 : i32
      %shift_right_logical3A_828 = vector.broadcast %shift_right_logical3A_827 : i32 to vector<16xi32>
      %shift_right_logical3A_829 = arith.shrui %get3A_826, %shift_right_logical3A_828 : vector<16xi32>
      %swap3A_830 = arith.constant 1 : i32
      %swap3A_831 = arith.index_cast %swap3A_830 : i32 to index
      %swap3A_832 = arith.constant 16 : index
      %swap3A_833 = tpu.vector_load %arg6[%swap3A_831, %swap3A_832] {strides = array<i32>} : memref<3x80xi32, #tpu.memory_space<vmem>>, vector<1x16xi32>,
      %swap3A_834 = vector.shape_cast %swap3A_833 : vector<1x16xi32> to vector<16xi32>
      %swap3A_835 = vector.shape_cast %shift_right_logical3A_829 : vector<16xi32> to vector<1x16xi32>
      tpu.vector_store %arg6[%swap3A_831, %swap3A_832], %swap3A_835 {strides = array<i32>} : memref<3x80xi32, #tpu.memory_space<vmem>>, vector<1x16xi32>,
      %get3A_836 = arith.constant 1 : i32
      %get3A_837 = arith.index_cast %get3A_836 : i32 to index
      %get3A_838 = arith.constant 32 : index
      %get3A_839 = tpu.vector_load %arg5[%get3A_837, %get3A_838] {strides = array<i32>} : memref<3x80xi32, #tpu.memory_space<vmem>>, vector<1x16xi32>,
      %get3A_840 = vector.shape_cast %get3A_839 : vector<1x16xi32> to vector<16xi32>
      %shift_right_logical3A_841 = arith.constant 14 : i32
      %shift_right_logical3A_842 = vector.broadcast %shift_right_logical3A_841 : i32 to vector<16xi32>
      %shift_right_logical3A_843 = arith.shrui %get3A_840, %shift_right_logical3A_842 : vector<16xi32>
      %swap3A_844 = arith.constant 1 : i32
      %swap3A_845 = arith.index_cast %swap3A_844 : i32 to index
      %swap3A_846 = arith.constant 32 : index
      %swap3A_847 = tpu.vector_load %arg6[%swap3A_845, %swap3A_846] {strides = array<i32>} : memref<3x80xi32, #tpu.memory_space<vmem>>, vector<1x16xi32>,
      %swap3A_848 = vector.shape_cast %swap3A_847 : vector<1x16xi32> to vector<16xi32>
      %swap3A_849 = vector.shape_cast %shift_right_logical3A_843 : vector<16xi32> to vector<1x16xi32>
      tpu.vector_store %arg6[%swap3A_845, %swap3A_846], %swap3A_849 {strides = array<i32>} : memref<3x80xi32, #tpu.memory_space<vmem>>, vector<1x16xi32>,
      %get3A_850 = arith.constant 1 : i32
      %get3A_851 = arith.index_cast %get3A_850 : i32 to index
      %get3A_852 = arith.constant 48 : index
      %get3A_853 = tpu.vector_load %arg5[%get3A_851, %get3A_852] {strides = array<i32>} : memref<3x80xi32, #tpu.memory_space<vmem>>, vector<1x16xi32>,
      %get3A_854 = vector.shape_cast %get3A_853 : vector<1x16xi32> to vector<16xi32>
      %shift_right_logical3A_855 = arith.constant 14 : i32
      %shift_right_logical3A_856 = vector.broadcast %shift_right_logical3A_855 : i32 to vector<16xi32>
      %shift_right_logical3A_857 = arith.shrui %get3A_854, %shift_right_logical3A_856 : vector<16xi32>
      %swap3A_858 = arith.constant 1 : i32
      %swap3A_859 = arith.index_cast %swap3A_858 : i32 to index
      %swap3A_860 = arith.constant 48 : index
      %swap3A_861 = tpu.vector_load %arg6[%swap3A_859, %swap3A_860] {strides = array<i32>} : memref<3x80xi32, #tpu.memory_space<vmem>>, vector<1x16xi32>,
      %swap3A_862 = vector.shape_cast %swap3A_861 : vector<1x16xi32> to vector<16xi32>
      %swap3A_863 = vector.shape_cast %shift_right_logical3A_857 : vector<16xi32> to vector<1x16xi32>
      tpu.vector_store %arg6[%swap3A_859, %swap3A_860], %swap3A_863 {strides = array<i32>} : memref<3x80xi32, #tpu.memory_space<vmem>>, vector<1x16xi32>,
      %get3A_864 = arith.constant 1 : i32
      %get3A_865 = arith.index_cast %get3A_864 : i32 to index
      %get3A_866 = arith.constant 64 : index
      %get3A_867 = tpu.vector_load %arg5[%get3A_865, %get3A_866] {strides = array<i32>} : memref<3x80xi32, #tpu.memory_space<vmem>>, vector<1x16xi32>,
      %get3A_868 = vector.shape_cast %get3A_867 : vector<1x16xi32> to vector<16xi32>
      %shift_right_logical3A_869 = arith.constant 14 : i32
      %shift_right_logical3A_870 = vector.broadcast %shift_right_logical3A_869 : i32 to vector<16xi32>
      %shift_right_logical3A_871 = arith.shrui %get3A_868, %shift_right_logical3A_870 : vector<16xi32>
      %swap3A_872 = arith.constant 1 : i32
      %swap3A_873 = arith.index_cast %swap3A_872 : i32 to index
      %swap3A_874 = arith.constant 64 : index
      %swap3A_875 = tpu.vector_load %arg6[%swap3A_873, %swap3A_874] {strides = array<i32>} : memref<3x80xi32, #tpu.memory_space<vmem>>, vector<1x16xi32>,
      %swap3A_876 = vector.shape_cast %swap3A_875 : vector<1x16xi32> to vector<16xi32>
      %swap3A_877 = vector.shape_cast %shift_right_logical3A_871 : vector<16xi32> to vector<1x16xi32>
      tpu.vector_store %arg6[%swap3A_873, %swap3A_874], %swap3A_877 {strides = array<i32>} : memref<3x80xi32, #tpu.memory_space<vmem>>, vector<1x16xi32>,
      %dma_wait3A_878 = arith.constant 1 : i32
      %dma_wait3A_879 = arith.constant 0 : i32
      %dma_wait3A_880 = tpu.memref_slice %arg7[%dma_wait3A_878, %dma_wait3A_879] : memref<3x80xi32, #tpu.memory_space<vmem>> -> memref<1x80xi32, #tpu.memory_space<vmem>>
      %dma_wait3A_881 = tpu.memref_squeeze %dma_wait3A_880 : memref<1x80xi32, #tpu.memory_space<vmem>> -> memref<80xi32, #tpu.memory_space<vmem>>
      %dma_wait3A_882 = arith.constant 0 : i32
      %dma_wait3A_883 = arith.constant 0 : i32
      %dma_wait3A_884 = tpu.memref_slice %arg11[%dma_wait3A_882, %dma_wait3A_883] : memref<10000x128xf32, #tpu.memory_space<vmem_shared>> -> memref<10000x128xf32, #tpu.memory_space<vmem_shared>>
      tpu.wait_indirect_dma semaphore(%arg19 : memref<!tpu.dma_semaphore, #tpu.memory_space<semaphore_mem>>) src(%arg9 : memref<80x128xf32, #tpu.memory_space<vmem>>) dst(%dma_wait3A_884 : memref<10000x128xf32, #tpu.memory_space<vmem_shared>>)
      %get3A_885 = arith.constant 1 : i32
      %get3A_886 = arith.index_cast %get3A_885 : i32 to index
      %get3A_887 = arith.constant 0 : index
      %get3A_888 = tpu.vector_load %arg5[%get3A_886, %get3A_887] {strides = array<i32>} : memref<3x80xi32, #tpu.memory_space<vmem>>, vector<1x16xi32>,
      %get3A_889 = vector.shape_cast %get3A_888 : vector<1x16xi32> to vector<16xi32>
      %and3A_890 = arith.constant 16383 : i32
      %and3A_891 = vector.broadcast %and3A_890 : i32 to vector<16xi32>
      %and3A_892 = arith.andi %get3A_889, %and3A_891 : vector<16xi32>
      %swap3A_893 = arith.constant 1 : i32
      %swap3A_894 = arith.index_cast %swap3A_893 : i32 to index
      %swap3A_895 = arith.constant 0 : index
      %swap3A_896 = tpu.vector_load %arg7[%swap3A_894, %swap3A_895] {strides = array<i32>} : memref<3x80xi32, #tpu.memory_space<vmem>>, vector<1x16xi32>,
      %swap3A_897 = vector.shape_cast %swap3A_896 : vector<1x16xi32> to vector<16xi32>
      %swap3A_898 = vector.shape_cast %and3A_892 : vector<16xi32> to vector<1x16xi32>
      tpu.vector_store %arg7[%swap3A_894, %swap3A_895], %swap3A_898 {strides = array<i32>} : memref<3x80xi32, #tpu.memory_space<vmem>>, vector<1x16xi32>,
      %get3A_899 = arith.constant 1 : i32
      %get3A_900 = arith.index_cast %get3A_899 : i32 to index
      %get3A_901 = arith.constant 16 : index
      %get3A_902 = tpu.vector_load %arg5[%get3A_900, %get3A_901] {strides = array<i32>} : memref<3x80xi32, #tpu.memory_space<vmem>>, vector<1x16xi32>,
      %get3A_903 = vector.shape_cast %get3A_902 : vector<1x16xi32> to vector<16xi32>
      %and3A_904 = arith.constant 16383 : i32
      %and3A_905 = vector.broadcast %and3A_904 : i32 to vector<16xi32>
      %and3A_906 = arith.andi %get3A_903, %and3A_905 : vector<16xi32>
      %swap3A_907 = arith.constant 1 : i32
      %swap3A_908 = arith.index_cast %swap3A_907 : i32 to index
      %swap3A_909 = arith.constant 16 : index
      %swap3A_910 = tpu.vector_load %arg7[%swap3A_908, %swap3A_909] {strides = array<i32>} : memref<3x80xi32, #tpu.memory_space<vmem>>, vector<1x16xi32>,
      %swap3A_911 = vector.shape_cast %swap3A_910 : vector<1x16xi32> to vector<16xi32>
      %swap3A_912 = vector.shape_cast %and3A_906 : vector<16xi32> to vector<1x16xi32>
      tpu.vector_store %arg7[%swap3A_908, %swap3A_909], %swap3A_912 {strides = array<i32>} : memref<3x80xi32, #tpu.memory_space<vmem>>, vector<1x16xi32>,
      %get3A_913 = arith.constant 1 : i32
      %get3A_914 = arith.index_cast %get3A_913 : i32 to index
      %get3A_915 = arith.constant 32 : index
      %get3A_916 = tpu.vector_load %arg5[%get3A_914, %get3A_915] {strides = array<i32>} : memref<3x80xi32, #tpu.memory_space<vmem>>, vector<1x16xi32>,
      %get3A_917 = vector.shape_cast %get3A_916 : vector<1x16xi32> to vector<16xi32>
      %and3A_918 = arith.constant 16383 : i32
      %and3A_919 = vector.broadcast %and3A_918 : i32 to vector<16xi32>
      %and3A_920 = arith.andi %get3A_917, %and3A_919 : vector<16xi32>
      %swap3A_921 = arith.constant 1 : i32
      %swap3A_922 = arith.index_cast %swap3A_921 : i32 to index
      %swap3A_923 = arith.constant 32 : index
      %swap3A_924 = tpu.vector_load %arg7[%swap3A_922, %swap3A_923] {strides = array<i32>} : memref<3x80xi32, #tpu.memory_space<vmem>>, vector<1x16xi32>,
      %swap3A_925 = vector.shape_cast %swap3A_924 : vector<1x16xi32> to vector<16xi32>
      %swap3A_926 = vector.shape_cast %and3A_920 : vector<16xi32> to vector<1x16xi32>
      tpu.vector_store %arg7[%swap3A_922, %swap3A_923], %swap3A_926 {strides = array<i32>} : memref<3x80xi32, #tpu.memory_space<vmem>>, vector<1x16xi32>,
      %get3A_927 = arith.constant 1 : i32
      %get3A_928 = arith.index_cast %get3A_927 : i32 to index
      %get3A_929 = arith.constant 48 : index
      %get3A_930 = tpu.vector_load %arg5[%get3A_928, %get3A_929] {strides = array<i32>} : memref<3x80xi32, #tpu.memory_space<vmem>>, vector<1x16xi32>,
      %get3A_931 = vector.shape_cast %get3A_930 : vector<1x16xi32> to vector<16xi32>
      %and3A_932 = arith.constant 16383 : i32
      %and3A_933 = vector.broadcast %and3A_932 : i32 to vector<16xi32>
      %and3A_934 = arith.andi %get3A_931, %and3A_933 : vector<16xi32>
      %swap3A_935 = arith.constant 1 : i32
      %swap3A_936 = arith.index_cast %swap3A_935 : i32 to index
      %swap3A_937 = arith.constant 48 : index
      %swap3A_938 = tpu.vector_load %arg7[%swap3A_936, %swap3A_937] {strides = array<i32>} : memref<3x80xi32, #tpu.memory_space<vmem>>, vector<1x16xi32>,
      %swap3A_939 = vector.shape_cast %swap3A_938 : vector<1x16xi32> to vector<16xi32>
      %swap3A_940 = vector.shape_cast %and3A_934 : vector<16xi32> to vector<1x16xi32>
      tpu.vector_store %arg7[%swap3A_936, %swap3A_937], %swap3A_940 {strides = array<i32>} : memref<3x80xi32, #tpu.memory_space<vmem>>, vector<1x16xi32>,
      %get3A_941 = arith.constant 1 : i32
      %get3A_942 = arith.index_cast %get3A_941 : i32 to index
      %get3A_943 = arith.constant 64 : index
      %get3A_944 = tpu.vector_load %arg5[%get3A_942, %get3A_943] {strides = array<i32>} : memref<3x80xi32, #tpu.memory_space<vmem>>, vector<1x16xi32>,
      %get3A_945 = vector.shape_cast %get3A_944 : vector<1x16xi32> to vector<16xi32>
      %and3A_946 = arith.constant 16383 : i32
      %and3A_947 = vector.broadcast %and3A_946 : i32 to vector<16xi32>
      %and3A_948 = arith.andi %get3A_945, %and3A_947 : vector<16xi32>
      %swap3A_949 = arith.constant 1 : i32
      %swap3A_950 = arith.index_cast %swap3A_949 : i32 to index
      %swap3A_951 = arith.constant 64 : index
      %swap3A_952 = tpu.vector_load %arg7[%swap3A_950, %swap3A_951] {strides = array<i32>} : memref<3x80xi32, #tpu.memory_space<vmem>>, vector<1x16xi32>,
      %swap3A_953 = vector.shape_cast %swap3A_952 : vector<1x16xi32> to vector<16xi32>
      %swap3A_954 = vector.shape_cast %and3A_948 : vector<16xi32> to vector<1x16xi32>
      tpu.vector_store %arg7[%swap3A_950, %swap3A_951], %swap3A_954 {strides = array<i32>} : memref<3x80xi32, #tpu.memory_space<vmem>>, vector<1x16xi32>,
      %dma_start3A_955 = arith.constant 1 : i32
      %dma_start3A_956 = arith.constant 0 : i32
      %dma_start3A_957 = tpu.memref_slice %arg6[%dma_start3A_955, %dma_start3A_956] : memref<3x80xi32, #tpu.memory_space<vmem>> -> memref<1x80xi32, #tpu.memory_space<vmem>>
      %dma_start3A_958 = tpu.memref_squeeze %dma_start3A_957 : memref<1x80xi32, #tpu.memory_space<vmem>> -> memref<80xi32, #tpu.memory_space<vmem>>
      %dma_start3A_959 = arith.constant 0 : i32
      %dma_start3A_960 = arith.constant 0 : i32
      %dma_start3A_961 = tpu.memref_slice %arg2[%dma_start3A_959, %dma_start3A_960] : memref<10000x128xf32, #tpu.memory_space<hbm>> -> memref<10000x128xf32, #tpu.memory_space<hbm>>
      tpu.enqueue_indirect_dma source(%dma_start3A_961 : memref<10000x128xf32, #tpu.memory_space<hbm>>) target(%arg9 : memref<80x128xf32, #tpu.memory_space<vmem>>) offsets(%dma_start3A_958 : memref<80xi32, #tpu.memory_space<vmem>>) semaphore(%arg13 : memref<!tpu.dma_semaphore, #tpu.memory_space<semaphore_mem>>)
      %dma_wait3A_962 = arith.constant 2 : i32
      %dma_wait3A_963 = arith.constant 0 : i32
      %dma_wait3A_964 = tpu.memref_slice %arg6[%dma_wait3A_962, %dma_wait3A_963] : memref<3x80xi32, #tpu.memory_space<vmem>> -> memref<1x80xi32, #tpu.memory_space<vmem>>
      %dma_wait3A_965 = tpu.memref_squeeze %dma_wait3A_964 : memref<1x80xi32, #tpu.memory_space<vmem>> -> memref<80xi32, #tpu.memory_space<vmem>>
      %dma_wait3A_966 = arith.constant 0 : i32
      %dma_wait3A_967 = arith.constant 0 : i32
      %dma_wait3A_968 = tpu.memref_slice %arg2[%dma_wait3A_966, %dma_wait3A_967] : memref<10000x128xf32, #tpu.memory_space<hbm>> -> memref<10000x128xf32, #tpu.memory_space<hbm>>
      tpu.wait_indirect_dma semaphore(%arg14 : memref<!tpu.dma_semaphore, #tpu.memory_space<semaphore_mem>>) src(%dma_wait3A_968 : memref<10000x128xf32, #tpu.memory_space<hbm>>) dst(%arg10 : memref<80x128xf32, #tpu.memory_space<vmem>>)
      %dma_start3A_969 = arith.constant 2 : i32
      %dma_start3A_970 = arith.constant 0 : i32
      %dma_start3A_971 = tpu.memref_slice %arg7[%dma_start3A_969, %dma_start3A_970] : memref<3x80xi32, #tpu.memory_space<vmem>> -> memref<1x80xi32, #tpu.memory_space<vmem>>
      %dma_start3A_972 = tpu.memref_squeeze %dma_start3A_971 : memref<1x80xi32, #tpu.memory_space<vmem>> -> memref<80xi32, #tpu.memory_space<vmem>>
      %dma_start3A_973 = arith.constant 0 : i32
      %dma_start3A_974 = arith.constant 0 : i32
      %dma_start3A_975 = tpu.memref_slice %arg11[%dma_start3A_973, %dma_start3A_974] : memref<10000x128xf32, #tpu.memory_space<vmem_shared>> -> memref<10000x128xf32, #tpu.memory_space<vmem_shared>>
      tpu.enqueue_indirect_dma source(%arg10 : memref<80x128xf32, #tpu.memory_space<vmem>>) target(%dma_start3A_975 : memref<10000x128xf32, #tpu.memory_space<vmem_shared>>) offsets(%dma_start3A_972 : memref<80xi32, #tpu.memory_space<vmem>>) semaphore(%arg20 : memref<!tpu.dma_semaphore, #tpu.memory_space<semaphore_mem>>) {add = true}
      %add3A_976 = arith.constant 3 : i32
      %add3A_977 = arith.addi %add3A_798, %add3A_976 : i32
      %le3A_978 = arith.constant 124 : i32
      %le3A_979 = arith.cmpi sle, %add3A_977, %le3A_978 : i32
      %convert_element_type3A_980 = arith.extui %le3A_979 : i1 to i32
      %cond3A_981 = arith.constant 0 : i32
      %cond3A_982 = arith.cmpi ne, %convert_element_type3A_980, %cond3A_981 : i32
      scf.if %cond3A_982 {
        %add3A_984 = arith.constant 3 : i32
        %add3A_985 = arith.addi %add3A_798, %add3A_984 : i32
        %mul3A_986 = arith.constant 80 : i32
        %mul3A_987 = arith.muli %add3A_985, %mul3A_986 : i32
        %add3A_988 = arith.addi %mul3A_2, %mul3A_987 : i32
        %dma_start3A_989 = arith.constant 2 : i32
        %dma_start3A_990 = arith.constant 0 : i32
        %dma_start3A_991 = tpu.memref_slice %arg5[%dma_start3A_989, %dma_start3A_990] : memref<3x80xi32, #tpu.memory_space<vmem>> -> memref<1x80xi32, #tpu.memory_space<vmem>>
        %dma_start3A_992 = tpu.memref_squeeze %dma_start3A_991 : memref<1x80xi32, #tpu.memory_space<vmem>> -> memref<80xi32, #tpu.memory_space<vmem>>
        %dma_start3A_993 = tpu.memref_slice %arg3[%add3A_988] : memref<320000xi32, #tpu.memory_space<hbm>> -> memref<80xi32, #tpu.memory_space<hbm>>
        %dma_start3A_994 = arith.constant 0 : i32
        %dma_start3A_995 = tpu.memref_slice %arg5[%dma_start3A_989, %dma_start3A_994] : memref<3x80xi32, #tpu.memory_space<vmem>> -> memref<1x80xi32, #tpu.memory_space<vmem>>
        %dma_start3A_996 = tpu.memref_squeeze %dma_start3A_995 : memref<1x80xi32, #tpu.memory_space<vmem>> -> memref<80xi32, #tpu.memory_space<vmem>>
        %dma_start3A_997 = tpu.memref_slice %arg3[%add3A_988] : memref<320000xi32, #tpu.memory_space<hbm>> -> memref<80xi32, #tpu.memory_space<hbm>>
        tpu.enqueue_dma source(%dma_start3A_997 : memref<80xi32, #tpu.memory_space<hbm>>) target(%dma_start3A_996 : memref<80xi32, #tpu.memory_space<vmem>>) target_semaphore(%arg17 : memref<!tpu.dma_semaphore, #tpu.memory_space<semaphore_mem>>)
      } else {
      }
      %scan3A_983 = arith.constant 0 : i32
      scf.yield %scan3A_983 : i32
    }
    %scan3A_372 = arith.constant 41 : i32
    %dma_wait3A_373 = arith.constant 0 : i32
    %dma_wait3A_374 = arith.constant 0 : i32
    %dma_wait3A_375 = tpu.memref_slice %arg6[%dma_wait3A_373, %dma_wait3A_374] : memref<3x80xi32, #tpu.memory_space<vmem>> -> memref<1x80xi32, #tpu.memory_space<vmem>>
    %dma_wait3A_376 = tpu.memref_squeeze %dma_wait3A_375 : memref<1x80xi32, #tpu.memory_space<vmem>> -> memref<80xi32, #tpu.memory_space<vmem>>
    %dma_wait3A_377 = arith.constant 0 : i32
    %dma_wait3A_378 = arith.constant 0 : i32
    %dma_wait3A_379 = tpu.memref_slice %arg2[%dma_wait3A_377, %dma_wait3A_378] : memref<10000x128xf32, #tpu.memory_space<hbm>> -> memref<10000x128xf32, #tpu.memory_space<hbm>>
    tpu.wait_indirect_dma semaphore(%arg12 : memref<!tpu.dma_semaphore, #tpu.memory_space<semaphore_mem>>) src(%dma_wait3A_379 : memref<10000x128xf32, #tpu.memory_space<hbm>>) dst(%arg8 : memref<80x128xf32, #tpu.memory_space<vmem>>)
    %dma_start3A_380 = arith.constant 0 : i32
    %dma_start3A_381 = arith.constant 0 : i32
    %dma_start3A_382 = tpu.memref_slice %arg7[%dma_start3A_380, %dma_start3A_381] : memref<3x80xi32, #tpu.memory_space<vmem>> -> memref<1x80xi32, #tpu.memory_space<vmem>>
    %dma_start3A_383 = tpu.memref_squeeze %dma_start3A_382 : memref<1x80xi32, #tpu.memory_space<vmem>> -> memref<80xi32, #tpu.memory_space<vmem>>
    %dma_start3A_384 = arith.constant 0 : i32
    %dma_start3A_385 = arith.constant 0 : i32
    %dma_start3A_386 = tpu.memref_slice %arg11[%dma_start3A_384, %dma_start3A_385] : memref<10000x128xf32, #tpu.memory_space<vmem_shared>> -> memref<10000x128xf32, #tpu.memory_space<vmem_shared>>
    tpu.enqueue_indirect_dma source(%arg8 : memref<80x128xf32, #tpu.memory_space<vmem>>) target(%dma_start3A_386 : memref<10000x128xf32, #tpu.memory_space<vmem_shared>>) offsets(%dma_start3A_383 : memref<80xi32, #tpu.memory_space<vmem>>) semaphore(%arg18 : memref<!tpu.dma_semaphore, #tpu.memory_space<semaphore_mem>>) {add = true}
    %dma_wait3A_387 = arith.constant 1 : i32
    %dma_wait3A_388 = arith.constant 0 : i32
    %dma_wait3A_389 = tpu.memref_slice %arg6[%dma_wait3A_387, %dma_wait3A_388] : memref<3x80xi32, #tpu.memory_space<vmem>> -> memref<1x80xi32, #tpu.memory_space<vmem>>
    %dma_wait3A_390 = tpu.memref_squeeze %dma_wait3A_389 : memref<1x80xi32, #tpu.memory_space<vmem>> -> memref<80xi32, #tpu.memory_space<vmem>>
    %dma_wait3A_391 = arith.constant 0 : i32
    %dma_wait3A_392 = arith.constant 0 : i32
    %dma_wait3A_393 = tpu.memref_slice %arg2[%dma_wait3A_391, %dma_wait3A_392] : memref<10000x128xf32, #tpu.memory_space<hbm>> -> memref<10000x128xf32, #tpu.memory_space<hbm>>
    tpu.wait_indirect_dma semaphore(%arg13 : memref<!tpu.dma_semaphore, #tpu.memory_space<semaphore_mem>>) src(%dma_wait3A_393 : memref<10000x128xf32, #tpu.memory_space<hbm>>) dst(%arg9 : memref<80x128xf32, #tpu.memory_space<vmem>>)
    %dma_start3A_394 = arith.constant 1 : i32
    %dma_start3A_395 = arith.constant 0 : i32
    %dma_start3A_396 = tpu.memref_slice %arg7[%dma_start3A_394, %dma_start3A_395] : memref<3x80xi32, #tpu.memory_space<vmem>> -> memref<1x80xi32, #tpu.memory_space<vmem>>
    %dma_start3A_397 = tpu.memref_squeeze %dma_start3A_396 : memref<1x80xi32, #tpu.memory_space<vmem>> -> memref<80xi32, #tpu.memory_space<vmem>>
    %dma_start3A_398 = arith.constant 0 : i32
    %dma_start3A_399 = arith.constant 0 : i32
    %dma_start3A_400 = tpu.memref_slice %arg11[%dma_start3A_398, %dma_start3A_399] : memref<10000x128xf32, #tpu.memory_space<vmem_shared>> -> memref<10000x128xf32, #tpu.memory_space<vmem_shared>>
    tpu.enqueue_indirect_dma source(%arg9 : memref<80x128xf32, #tpu.memory_space<vmem>>) target(%dma_start3A_400 : memref<10000x128xf32, #tpu.memory_space<vmem_shared>>) offsets(%dma_start3A_397 : memref<80xi32, #tpu.memory_space<vmem>>) semaphore(%arg19 : memref<!tpu.dma_semaphore, #tpu.memory_space<semaphore_mem>>) {add = true}
    %dma_wait3A_401 = arith.constant 0 : i32
    %dma_wait3A_402 = arith.constant 0 : i32
    %dma_wait3A_403 = tpu.memref_slice %arg7[%dma_wait3A_401, %dma_wait3A_402] : memref<3x80xi32, #tpu.memory_space<vmem>> -> memref<1x80xi32, #tpu.memory_space<vmem>>
    %dma_wait3A_404 = tpu.memref_squeeze %dma_wait3A_403 : memref<1x80xi32, #tpu.memory_space<vmem>> -> memref<80xi32, #tpu.memory_space<vmem>>
    %dma_wait3A_405 = arith.constant 0 : i32
    %dma_wait3A_406 = arith.constant 0 : i32
    %dma_wait3A_407 = tpu.memref_slice %arg11[%dma_wait3A_405, %dma_wait3A_406] : memref<10000x128xf32, #tpu.memory_space<vmem_shared>> -> memref<10000x128xf32, #tpu.memory_space<vmem_shared>>
    tpu.wait_indirect_dma semaphore(%arg18 : memref<!tpu.dma_semaphore, #tpu.memory_space<semaphore_mem>>) src(%arg8 : memref<80x128xf32, #tpu.memory_space<vmem>>) dst(%dma_wait3A_407 : memref<10000x128xf32, #tpu.memory_space<vmem_shared>>)
    %dma_wait3A_408 = arith.constant 1 : i32
    %dma_wait3A_409 = arith.constant 0 : i32
    %dma_wait3A_410 = tpu.memref_slice %arg7[%dma_wait3A_408, %dma_wait3A_409] : memref<3x80xi32, #tpu.memory_space<vmem>> -> memref<1x80xi32, #tpu.memory_space<vmem>>
    %dma_wait3A_411 = tpu.memref_squeeze %dma_wait3A_410 : memref<1x80xi32, #tpu.memory_space<vmem>> -> memref<80xi32, #tpu.memory_space<vmem>>
    %dma_wait3A_412 = arith.constant 0 : i32
    %dma_wait3A_413 = arith.constant 0 : i32
    %dma_wait3A_414 = tpu.memref_slice %arg11[%dma_wait3A_412, %dma_wait3A_413] : memref<10000x128xf32, #tpu.memory_space<vmem_shared>> -> memref<10000x128xf32, #tpu.memory_space<vmem_shared>>
    tpu.wait_indirect_dma semaphore(%arg19 : memref<!tpu.dma_semaphore, #tpu.memory_space<semaphore_mem>>) src(%arg9 : memref<80x128xf32, #tpu.memory_space<vmem>>) dst(%dma_wait3A_414 : memref<10000x128xf32, #tpu.memory_space<vmem_shared>>)
    %dma_wait3A_415 = arith.constant 2 : i32
    %dma_wait3A_416 = arith.constant 0 : i32
    %dma_wait3A_417 = tpu.memref_slice %arg7[%dma_wait3A_415, %dma_wait3A_416] : memref<3x80xi32, #tpu.memory_space<vmem>> -> memref<1x80xi32, #tpu.memory_space<vmem>>
    %dma_wait3A_418 = tpu.memref_squeeze %dma_wait3A_417 : memref<1x80xi32, #tpu.memory_space<vmem>> -> memref<80xi32, #tpu.memory_space<vmem>>
    %dma_wait3A_419 = arith.constant 0 : i32
    %dma_wait3A_420 = arith.constant 0 : i32
    %dma_wait3A_421 = tpu.memref_slice %arg11[%dma_wait3A_419, %dma_wait3A_420] : memref<10000x128xf32, #tpu.memory_space<vmem_shared>> -> memref<10000x128xf32, #tpu.memory_space<vmem_shared>>
    tpu.wait_indirect_dma semaphore(%arg20 : memref<!tpu.dma_semaphore, #tpu.memory_space<semaphore_mem>>) src(%arg10 : memref<80x128xf32, #tpu.memory_space<vmem>>) dst(%dma_wait3A_421 : memref<10000x128xf32, #tpu.memory_space<vmem_shared>>)
    %barrier3A_422 = arith.constant 0 : index
    tpu.barrier barrier_id(%barrier3A_422)
    "tpu.region"() ({
      %run_scoped3A = tpu.sem_alloc : memref<!tpu.dma_semaphore, #tpu.memory_space<semaphore_mem>>
      %dma_start3A_423 = arith.constant 0 : i32
      %dma_start3A_424 = arith.constant 0 : i32
      %dma_start3A_425 = tpu.memref_slice %arg4[%arg0, %arg1, %dma_start3A_423, %dma_start3A_424] : memref<2x16x625x128xf32, #tpu.memory_space<hbm>> -> memref<1x1x625x128xf32, #tpu.memory_space<hbm>>
      %dma_start3A_426 = tpu.memref_squeeze %dma_start3A_425 : memref<1x1x625x128xf32, #tpu.memory_space<hbm>> -> memref<625x128xf32, #tpu.memory_space<hbm>>
      %dma_start3A_427 = arith.constant 0 : i32
      %dma_start3A_428 = tpu.memref_slice %arg11[%mul3A_42, %dma_start3A_427] : memref<10000x128xf32, #tpu.memory_space<vmem_shared>> -> memref<625x128xf32, #tpu.memory_space<vmem_shared>>
      tpu.enqueue_dma source(%dma_start3A_428 : memref<625x128xf32, #tpu.memory_space<vmem_shared>>) target(%dma_start3A_426 : memref<625x128xf32, #tpu.memory_space<hbm>>) target_semaphore(%run_scoped3A : memref<!tpu.dma_semaphore, #tpu.memory_space<semaphore_mem>>)
      %dma_wait3A_429 = arith.constant 0 : i32
      %dma_wait3A_430 = arith.constant 0 : i32
      %dma_wait3A_431 = tpu.memref_slice %arg4[%arg0, %arg1, %dma_wait3A_429, %dma_wait3A_430] : memref<2x16x625x128xf32, #tpu.memory_space<hbm>> -> memref<1x1x625x128xf32, #tpu.memory_space<hbm>>
      %dma_wait3A_432 = tpu.memref_squeeze %dma_wait3A_431 : memref<1x1x625x128xf32, #tpu.memory_space<hbm>> -> memref<625x128xf32, #tpu.memory_space<hbm>>
      %dma_wait3A_433 = arith.constant 0 : i32
      %dma_wait3A_434 = tpu.memref_slice %arg11[%mul3A_42, %dma_wait3A_433] : memref<10000x128xf32, #tpu.memory_space<vmem_shared>> -> memref<625x128xf32, #tpu.memory_space<vmem_shared>>
      tpu.wait_dma2 semaphore(%run_scoped3A : memref<!tpu.dma_semaphore, #tpu.memory_space<semaphore_mem>>) src(%dma_wait3A_434 : memref<625x128xf32, #tpu.memory_space<vmem_shared>>) dst(%dma_wait3A_432 : memref<625x128xf32, #tpu.memory_space<hbm>>)
      tpu.yield
    }) : () -> ()
    return
  }
}

module attributes {stable_mosaic.version = 14 : i64} {
  func.func @_tc1_body(%arg0: i32, %arg1: memref<2000x128xf32, #tpu.memory_space<vmem>>, %arg2: memref<128x128xf32, #tpu.memory_space<vmem>>, %arg3: memref<2000x32xf32, #tpu.memory_space<vmem>>, %arg4: memref<2000x128xf32, #tpu.memory_space<vmem>>, %arg5: memref<2000x16xf32, #tpu.memory_space<vmem>>) attributes {dimension_semantics = [#tpu.dimension_semantics<arbitrary>], iteration_bounds = array<i64: 5>, scalar_prefetch = 0 : i64, scratch_operands = 0 : i64, tpu.core_type = #tpu.core_type<tc>, window_params = [{transform_indices = @transform_0, window_bounds = array<i64: 2000, 128>}, {pipeline_mode = #tpu.pipeline_mode<synchronous>, transform_indices = @transform_1, window_bounds = array<i64: 128, 128>}, {transform_indices = @transform_2, window_bounds = array<i64: 2000, 32>}, {transform_indices = @transform_3, window_bounds = array<i64: 2000, 128>}, {transform_indices = @transform_4, window_bounds = array<i64: 2000, 16>}]} {
    %get3A = arith.constant 0 : index
    %get3A_0 = arith.constant 0 : index
    %get3A_1 = vector.load %arg3[%get3A, %get3A_0] : memref<2000x32xf32, #tpu.memory_space<vmem>>, vector<2000x32xf32>
    %reduce_sum3A = arith.constant dense<0.000000e+00> : vector<2000xf32>
    %reduce_sum3A_2 = vector.multi_reduction <add>, %get3A_1, %reduce_sum3A [1] : vector<2000x32xf32> to vector<2000xf32>
    %broadcast_in_dim3A = vector.shape_cast %reduce_sum3A_2 : vector<2000xf32> to vector<2000x1xf32>
    %add3A = arith.constant 1.000000e+00 : f32
    %add3A_3 = vector.broadcast %add3A : f32 to vector<2000x1xf32>
    %add3A_4 = arith.addf %broadcast_in_dim3A, %add3A_3 : vector<2000x1xf32>
    %rsqrt3A = math.rsqrt %add3A_4 : vector<2000x1xf32>
    %broadcast_in_dim3A_5 = vector.shape_cast %rsqrt3A : vector<2000x1xf32> to vector<2000x1xf32>
    %broadcast_in_dim3A_6 = vector.broadcast %broadcast_in_dim3A_5 : vector<2000x1xf32> to vector<2000x16xf32>
    %swap3A = arith.constant 0 : index
    %swap3A_7 = arith.constant 0 : index
    %swap3A_8 = vector.load %arg5[%swap3A, %swap3A_7] : memref<2000x16xf32, #tpu.memory_space<vmem>>, vector<2000x16xf32>
    tpu.vector_store %arg5[%swap3A, %swap3A_7], %broadcast_in_dim3A_6 {strides = array<i32>} : memref<2000x16xf32, #tpu.memory_space<vmem>>, vector<2000x16xf32>,
    %get3A_9 = arith.constant 0 : index
    %get3A_10 = arith.constant 0 : index
    %get3A_11 = vector.load %arg1[%get3A_9, %get3A_10] : memref<2000x128xf32, #tpu.memory_space<vmem>>, vector<2000x128xf32>
    %get3A_12 = arith.constant 0 : index
    %get3A_13 = arith.constant 0 : index
    %get3A_14 = vector.load %arg2[%get3A_12, %get3A_13] : memref<128x128xf32, #tpu.memory_space<vmem>>, vector<128x128xf32>
    %dot_general3A = arith.constant dense<0.000000e+00> : vector<2000x128xf32>
    %dot_general3A_15 = tpu.matmul %get3A_11, %get3A_14, %dot_general3A {dimension_numbers = #tpu.dot_dimension_numbers<[1], [0], [0], [1], [0, 0, 1, 1], [], []>, transpose_lhs_hint = false} : vector<2000x128xf32>, vector<128x128xf32>, vector<2000x128xf32> -> vector<2000x128xf32>
    %mul3A = vector.broadcast %rsqrt3A : vector<2000x1xf32> to vector<2000x128xf32>
    %mul3A_16 = arith.mulf %dot_general3A_15, %mul3A : vector<2000x128xf32>
    %swap3A_17 = arith.constant 0 : index
    %swap3A_18 = arith.constant 0 : index
    %swap3A_19 = vector.load %arg4[%swap3A_17, %swap3A_18] : memref<2000x128xf32, #tpu.memory_space<vmem>>, vector<2000x128xf32>
    tpu.vector_store %arg4[%swap3A_17, %swap3A_18], %mul3A_16 {strides = array<i32>} : memref<2000x128xf32, #tpu.memory_space<vmem>>, vector<2000x128xf32>,
    return
  }
  func.func @transform_0(%arg0: i32) -> (i32, i32) {
    %c0_i32 = arith.constant 0 : i32
    %c0_i32_0 = arith.constant 0 : i32
    return %arg0, %c0_i32 : i32, i32
  }
  func.func @transform_1(%arg0: i32) -> (i32, i32) {
    %c0_i32 = arith.constant 0 : i32
    %c0_i32_0 = arith.constant 0 : i32
    %c0_i32_1 = arith.constant 0 : i32
    return %c0_i32, %c0_i32_0 : i32, i32
  }
  func.func @transform_2(%arg0: i32) -> (i32, i32) {
    %c0_i32 = arith.constant 0 : i32
    %c0_i32_0 = arith.constant 0 : i32
    return %arg0, %c0_i32 : i32, i32
  }
  func.func @transform_3(%arg0: i32) -> (i32, i32) {
    %c0_i32 = arith.constant 0 : i32
    %c0_i32_0 = arith.constant 0 : i32
    return %arg0, %c0_i32 : i32, i32
  }
  func.func @transform_4(%arg0: i32) -> (i32, i32) {
    %c0_i32 = arith.constant 0 : i32
    %c0_i32_0 = arith.constant 0 : i32
    return %arg0, %c0_i32 : i32, i32
  }
}

module attributes {stable_mosaic.version = 14 : i64} {
  func.func @_tcmid_body(%arg0: i32, %arg1: memref<2x2000x128xf32, #tpu.memory_space<vmem>>, %arg2: memref<2000x128xf32, #tpu.memory_space<vmem>>, %arg3: memref<2000x16xf32, #tpu.memory_space<vmem>>, %arg4: memref<1x128xf32, #tpu.memory_space<vmem>>, %arg5: memref<128x128xf32, #tpu.memory_space<vmem>>, %arg6: memref<2000x128xf32, #tpu.memory_space<vmem>>) attributes {dimension_semantics = [#tpu.dimension_semantics<arbitrary>], iteration_bounds = array<i64: 5>, scalar_prefetch = 0 : i64, scratch_operands = 0 : i64, tpu.core_type = #tpu.core_type<tc>, window_params = [{transform_indices = @transform_0, window_bounds = array<i64: 2, 2000, 128>}, {transform_indices = @transform_1, window_bounds = array<i64: 2000, 128>}, {transform_indices = @transform_2, window_bounds = array<i64: 2000, 16>}, {pipeline_mode = #tpu.pipeline_mode<synchronous>, transform_indices = @transform_3, window_bounds = array<i64: 1, 128>}, {pipeline_mode = #tpu.pipeline_mode<synchronous>, transform_indices = @transform_4, window_bounds = array<i64: 128, 128>}, {transform_indices = @transform_5, window_bounds = array<i64: 2000, 128>}]} {
    %get3A = arith.constant 0 : index
    %get3A_0 = arith.constant 0 : index
    %get3A_1 = vector.load %arg3[%get3A, %get3A_0] : memref<2000x16xf32, #tpu.memory_space<vmem>>, vector<2000x1xf32>
    %get3A_2 = arith.constant 0 : index
    %get3A_3 = arith.constant 0 : index
    %get3A_4 = arith.constant 0 : index
    %get3A_5 = vector.load %arg1[%get3A_2, %get3A_3, %get3A_4] : memref<2x2000x128xf32, #tpu.memory_space<vmem>>, vector<1x2000x128xf32>
    %get3A_6 = vector.shape_cast %get3A_5 : vector<1x2000x128xf32> to vector<2000x128xf32>
    %get3A_7 = arith.constant 1 : index
    %get3A_8 = arith.constant 0 : index
    %get3A_9 = arith.constant 0 : index
    %get3A_10 = vector.load %arg1[%get3A_7, %get3A_8, %get3A_9] : memref<2x2000x128xf32, #tpu.memory_space<vmem>>, vector<1x2000x128xf32>
    %get3A_11 = vector.shape_cast %get3A_10 : vector<1x2000x128xf32> to vector<2000x128xf32>
    %add3A = arith.addf %get3A_6, %get3A_11 : vector<2000x128xf32>
    %get3A_12 = arith.constant 0 : index
    %get3A_13 = arith.constant 0 : index
    %get3A_14 = vector.load %arg2[%get3A_12, %get3A_13] : memref<2000x128xf32, #tpu.memory_space<vmem>>, vector<2000x128xf32>
    %add3A_15 = arith.addf %add3A, %get3A_14 : vector<2000x128xf32>
    %mul3A = vector.broadcast %get3A_1 : vector<2000x1xf32> to vector<2000x128xf32>
    %mul3A_16 = arith.mulf %add3A_15, %mul3A : vector<2000x128xf32>
    %get3A_17 = arith.constant 0 : index
    %get3A_18 = arith.constant 0 : index
    %get3A_19 = vector.load %arg4[%get3A_17, %get3A_18] : memref<1x128xf32, #tpu.memory_space<vmem>>, vector<1x128xf32>
    %add3A_20 = vector.broadcast %get3A_19 : vector<1x128xf32> to vector<2000x128xf32>
    %add3A_21 = arith.addf %mul3A_16, %add3A_20 : vector<2000x128xf32>
    %max3A = arith.constant 0.000000e+00 : f32
    %max3A_22 = vector.broadcast %max3A : f32 to vector<2000x128xf32>
    %max3A_23 = arith.maximumf %add3A_21, %max3A_22 : vector<2000x128xf32>
    %get3A_24 = arith.constant 0 : index
    %get3A_25 = arith.constant 0 : index
    %get3A_26 = vector.load %arg5[%get3A_24, %get3A_25] : memref<128x128xf32, #tpu.memory_space<vmem>>, vector<128x128xf32>
    %dot_general3A = arith.constant dense<0.000000e+00> : vector<2000x128xf32>
    %dot_general3A_27 = tpu.matmul %max3A_23, %get3A_26, %dot_general3A {dimension_numbers = #tpu.dot_dimension_numbers<[1], [0], [0], [1], [0, 0, 1, 1], [], []>, transpose_lhs_hint = false} : vector<2000x128xf32>, vector<128x128xf32>, vector<2000x128xf32> -> vector<2000x128xf32>
    %mul3A_28 = vector.broadcast %get3A_1 : vector<2000x1xf32> to vector<2000x128xf32>
    %mul3A_29 = arith.mulf %dot_general3A_27, %mul3A_28 : vector<2000x128xf32>
    %swap3A = arith.constant 0 : index
    %swap3A_30 = arith.constant 0 : index
    %swap3A_31 = vector.load %arg6[%swap3A, %swap3A_30] : memref<2000x128xf32, #tpu.memory_space<vmem>>, vector<2000x128xf32>
    tpu.vector_store %arg6[%swap3A, %swap3A_30], %mul3A_29 {strides = array<i32>} : memref<2000x128xf32, #tpu.memory_space<vmem>>, vector<2000x128xf32>,
    return
  }
  func.func @transform_0(%arg0: i32) -> (i32, i32, i32) {
    %c0_i32 = arith.constant 0 : i32
    %c0_i32_0 = arith.constant 0 : i32
    %c0_i32_1 = arith.constant 0 : i32
    return %c0_i32, %arg0, %c0_i32_0 : i32, i32, i32
  }
  func.func @transform_1(%arg0: i32) -> (i32, i32) {
    %c0_i32 = arith.constant 0 : i32
    %c0_i32_0 = arith.constant 0 : i32
    return %arg0, %c0_i32 : i32, i32
  }
  func.func @transform_2(%arg0: i32) -> (i32, i32) {
    %c0_i32 = arith.constant 0 : i32
    %c0_i32_0 = arith.constant 0 : i32
    return %arg0, %c0_i32 : i32, i32
  }
  func.func @transform_3(%arg0: i32) -> (i32, i32) {
    %c0_i32 = arith.constant 0 : i32
    %c0_i32_0 = arith.constant 0 : i32
    %c0_i32_1 = arith.constant 0 : i32
    return %c0_i32, %c0_i32_0 : i32, i32
  }
  func.func @transform_4(%arg0: i32) -> (i32, i32) {
    %c0_i32 = arith.constant 0 : i32
    %c0_i32_0 = arith.constant 0 : i32
    %c0_i32_1 = arith.constant 0 : i32
    return %c0_i32, %c0_i32_0 : i32, i32
  }
  func.func @transform_5(%arg0: i32) -> (i32, i32) {
    %c0_i32 = arith.constant 0 : i32
    %c0_i32_0 = arith.constant 0 : i32
    return %arg0, %c0_i32 : i32, i32
  }
}

module attributes {stable_mosaic.version = 14 : i64} {
  func.func @_tcfin_body(%arg0: i32, %arg1: memref<2x2000x128xf32, #tpu.memory_space<vmem>>, %arg2: memref<2000x128xf32, #tpu.memory_space<vmem>>, %arg3: memref<2000x16xf32, #tpu.memory_space<vmem>>, %arg4: memref<1x128xf32, #tpu.memory_space<vmem>>, %arg5: memref<2000x128xf32, #tpu.memory_space<vmem>>) attributes {dimension_semantics = [#tpu.dimension_semantics<arbitrary>], iteration_bounds = array<i64: 5>, scalar_prefetch = 0 : i64, scratch_operands = 0 : i64, tpu.core_type = #tpu.core_type<tc>, window_params = [{transform_indices = @transform_0, window_bounds = array<i64: 2, 2000, 128>}, {transform_indices = @transform_1, window_bounds = array<i64: 2000, 128>}, {transform_indices = @transform_2, window_bounds = array<i64: 2000, 16>}, {pipeline_mode = #tpu.pipeline_mode<synchronous>, transform_indices = @transform_3, window_bounds = array<i64: 1, 128>}, {transform_indices = @transform_4, window_bounds = array<i64: 2000, 128>}]} {
    %get3A = arith.constant 0 : index
    %get3A_0 = arith.constant 0 : index
    %get3A_1 = vector.load %arg3[%get3A, %get3A_0] : memref<2000x16xf32, #tpu.memory_space<vmem>>, vector<2000x1xf32>
    %get3A_2 = arith.constant 0 : index
    %get3A_3 = arith.constant 0 : index
    %get3A_4 = arith.constant 0 : index
    %get3A_5 = vector.load %arg1[%get3A_2, %get3A_3, %get3A_4] : memref<2x2000x128xf32, #tpu.memory_space<vmem>>, vector<1x2000x128xf32>
    %get3A_6 = vector.shape_cast %get3A_5 : vector<1x2000x128xf32> to vector<2000x128xf32>
    %get3A_7 = arith.constant 1 : index
    %get3A_8 = arith.constant 0 : index
    %get3A_9 = arith.constant 0 : index
    %get3A_10 = vector.load %arg1[%get3A_7, %get3A_8, %get3A_9] : memref<2x2000x128xf32, #tpu.memory_space<vmem>>, vector<1x2000x128xf32>
    %get3A_11 = vector.shape_cast %get3A_10 : vector<1x2000x128xf32> to vector<2000x128xf32>
    %add3A = arith.addf %get3A_6, %get3A_11 : vector<2000x128xf32>
    %get3A_12 = arith.constant 0 : index
    %get3A_13 = arith.constant 0 : index
    %get3A_14 = vector.load %arg2[%get3A_12, %get3A_13] : memref<2000x128xf32, #tpu.memory_space<vmem>>, vector<2000x128xf32>
    %add3A_15 = arith.addf %add3A, %get3A_14 : vector<2000x128xf32>
    %mul3A = vector.broadcast %get3A_1 : vector<2000x1xf32> to vector<2000x128xf32>
    %mul3A_16 = arith.mulf %add3A_15, %mul3A : vector<2000x128xf32>
    %get3A_17 = arith.constant 0 : index
    %get3A_18 = arith.constant 0 : index
    %get3A_19 = vector.load %arg4[%get3A_17, %get3A_18] : memref<1x128xf32, #tpu.memory_space<vmem>>, vector<1x128xf32>
    %add3A_20 = vector.broadcast %get3A_19 : vector<1x128xf32> to vector<2000x128xf32>
    %add3A_21 = arith.addf %mul3A_16, %add3A_20 : vector<2000x128xf32>
    %swap3A = arith.constant 0 : index
    %swap3A_22 = arith.constant 0 : index
    %swap3A_23 = vector.load %arg5[%swap3A, %swap3A_22] : memref<2000x128xf32, #tpu.memory_space<vmem>>, vector<2000x128xf32>
    tpu.vector_store %arg5[%swap3A, %swap3A_22], %add3A_21 {strides = array<i32>} : memref<2000x128xf32, #tpu.memory_space<vmem>>, vector<2000x128xf32>,
    return
  }
  func.func @transform_0(%arg0: i32) -> (i32, i32, i32) {
    %c0_i32 = arith.constant 0 : i32
    %c0_i32_0 = arith.constant 0 : i32
    %c0_i32_1 = arith.constant 0 : i32
    return %c0_i32, %arg0, %c0_i32_0 : i32, i32, i32
  }
  func.func @transform_1(%arg0: i32) -> (i32, i32) {
    %c0_i32 = arith.constant 0 : i32
    %c0_i32_0 = arith.constant 0 : i32
    return %arg0, %c0_i32 : i32, i32
  }
  func.func @transform_2(%arg0: i32) -> (i32, i32) {
    %c0_i32 = arith.constant 0 : i32
    %c0_i32_0 = arith.constant 0 : i32
    return %arg0, %c0_i32 : i32, i32
  }
  func.func @transform_3(%arg0: i32) -> (i32, i32) {
    %c0_i32 = arith.constant 0 : i32
    %c0_i32_0 = arith.constant 0 : i32
    %c0_i32_1 = arith.constant 0 : i32
    return %c0_i32, %c0_i32_0 : i32, i32
  }
  func.func @transform_4(%arg0: i32) -> (i32, i32) {
    %c0_i32 = arith.constant 0 : i32
    %c0_i32_0 = arith.constant 0 : i32
    return %arg0, %c0_i32 : i32, i32
  }
}

</mosaic_0001>

<sc_bundles>
// kernel: kernel.10.cloned.1.call-start
scs
__scs_entry_jumppad:
0x0: {  	(pc) =	sbr.rel $0x88, $3  }
0x1: {  	(tag) =	ssettag $0x0;
	lr =	simm.s32 $0x1  }
0x2: {  	[smem:$0x3F99] =	sst lr;
	_ =	strace $0xD0000000  }
0x3: {  	_ = 	snop  }
0x4: {  	_ = 	snop  }
0x5: {  	_ = 	snop  }
0x6: {  	_ = 	snop  }
0x7: {  	_ = 	snop  }
__scs_overlays_trampoline_lowered:
0x8: {  	[smem:$0x3FA8] =	sst s0  }
0x9: {  	[smem:$0x3FA9] =	sst s1  }
0xa: {  	[smem:$0x3FAA] =	sst s2  }
0xb: {  	[smem:$0x3FAB] =	sst s3  }
0xc: {  	[smem:$0x3FAC] =	sst s4  }
0xd: {  	[smem:$0x3FAD] =	sst s5  }
0xe: {  	[smem:$0x3FAE] =	sst s6  }
0xf: {  	[smem:$0x3FAF] =	sst s7  }
0x10: {  	[smem:$0x3FB0] =	sst s8  }
0x11: {  	[smem:$0x3FB1] =	sst s9;
	s0 =	simm.s32 @!p0 $0x0  }
0x12: {  	s1 =	sld [smem:$0x3F97];
	s0 =	simm.s32 @p0 $0x1  }
0x13: {  	[smem:$0x3FB2] =	sst s0;
	s0 =	simm.s32 @!p1 $0x0  }
0x14: {  	s2 =	sld [smem:$0x3F96];
	s0 =	simm.s32 @p1 $0x1  }
0x15: {  	[smem:$0x3FB3] =	sst s0;
	s0 =	simm.s32 @!p2 $0x0  }
0x16: {  	s3 =	sld [smem:$0x3FDB];
	s0 =	simm.s32 @p2 $0x1  }
0x17: {  	s4 =	simm.s32 $0x1BF5;
	[smem:$0x3FB5] =	sst s0  }
0x18: {  	s0 =	sld [smem:$0x3F98];
	_ =	swait.ge [sflag:s4], $0x0  }
0x19: {  	s7 =	sld [smem:$0x3F99]  }
0x1a: {  	s8 =	sadd.s32 $0xFFFFE003, lr  }
0x1b: {  	s9 =	sadd.s32 $0xFFFFFEF7, lr;
	s5 =	simm.s32 $0xFFFFFFFF;
	p2 =	slt.u32 s8, $0xFFFFF086  }
0x1c: {  	p1 =	slt.u32 s9, $0xF7A;
	s5 =	simm.s32 @!p2 $0x0  }
0x1d: {  	s5 =	simm.s32 @p1 $0x1;
	p0 =	seq.s32 s7, s2  }
0x1e: {  	s7 =	smul.u32 @!p0 $0xF7A, s2;
	p2 =	seq.s32 @!p0 s5, $0x0  }
0x1f: {  	s9 =	smul.u32 $0xF7A, s1;
	s8 =	simm.s32 @!p0 $0x1BF5;
	p2 =	por !p2, p0  }
0x20: {  	[sflag:s8] =	ssyncset.s32 @!p0 $0xFFFFF086;
	s6 =	sadd.s32 @!p0 s3, s7;
	s7 =	simm.s32 @!p0 $0x108  }
0x21: {  	s3 =	sadd.s32 s3, s9;
	s6 =	sadd.s32 @!p0 $0x88, s6;
	s7 =	simm.s32 @p2 $0x1082  }
0x22: {  	[simem:s7], [sflag:s8] =	dma.local @!p0 [hbm:s6], $0xF7A  }
0x23: {  	s9 =	sor.u32 $0xD0000000, s2;
	s6 =	simm.s32 $0x108;
	_ =	swait.ge @!p0 [sflag:s8], $0x0  }
0x24: {  	s3 =	sadd.s32 $0x88, s3;
	s6 =	simm.s32 @!p1 $0x1082;
	[sflag:s4] =	ssyncset.s32 $0xFFFFF086  }
0x25: {  	[simem:s6], [sflag:s4] =	dma.local [hbm:s3], $0xF7A  }
0x26: {  	[smem:$0x3F99] =	sst s1;
	(tag) =	ssettag s2;
	_ =	strace s9  }
0x27: {  	s1 =	sld [smem:$0x3FA9]  }
0x28: {  	s2 =	sld [smem:$0x3FAA]  }
0x29: {  	s4 =	sld [smem:$0x3FAC]  }
0x2a: {  	p0 =	seq.s32 s5, $0x0;
	s5 =	sld [smem:$0x3FAD]  }
0x2b: {  	s6 =	sld [smem:$0x3FAE]  }
0x2c: {  	s7 =	sld [smem:$0x3FAF]  }
0x2d: {  	s3 =	simm.s32 $0x108;
	s8 =	sld [smem:$0x3FB0]  }
0x2e: {  	s3 =	simm.s32 @!p0 $0x1082;
	s9 =	sld [smem:$0x3FB1]  }
0x2f: {  	lr =	sadd.s32 s0, s3;
	s0 =	sld [smem:$0x3FA8]  }
0x30: {  	s3 =	sld [smem:$0x3FAB]  }
0x31: {  	[smem:$0x3FB4] =	sst s10  }
0x32: {  	s10 =	sld [smem:$0x3FB2];
	_ =	sdelay $0x3  }
0x33: {  	p0 =	seq.s32 s10, $0x1;
	s10 =	sld [smem:$0x3FB4];
	_ =	sdelay $0x3  }
0x34: {  	[smem:$0x3FB4] =	sst s10  }
0x35: {  	s10 =	sld [smem:$0x3FB3];
	_ =	sdelay $0x3  }
0x36: {  	p1 =	seq.s32 s10, $0x1;
	s10 =	sld [smem:$0x3FB4];
	_ =	sdelay $0x3  }
0x37: {  	[smem:$0x3FB4] =	sst s10  }
0x38: {  	s10 =	sld [smem:$0x3FB5]  }
0x39: {  	_ = 	snop;
	(pc) =	sbr.ind lr, $3  }
0x3a: {  	_ = 	snop  }
0x3b: {  	_ = 	snop  }
0x3c: {  	p2 =	seq.s32 s10, $0x1;
	s10 =	sld [smem:$0x3FB4]  }
0x3d: {  	_ =	shalt  }
0x3e: {  	_ =	shalt  }
0x3f: {  	_ =	shalt  }
0x40: {  	_ =	shalt  }
0x41: {  	_ =	shalt  }
0x42: {  	_ =	shalt  }
0x43: {  	_ =	shalt  }
0x44: {  	_ =	shalt  }
0x45: {  	_ =	shalt  }
0x46: {  	_ =	shalt  }
0x47: {  	_ =	shalt  }
0x48: {  	_ =	shalt  }
0x49: {  	_ =	shalt  }
0x4a: {  	_ =	shalt  }
0x4b: {  	_ =	shalt  }
0x4c: {  	_ =	shalt  }
0x4d: {  	_ =	shalt  }
0x4e: {  	_ =	shalt  }
0x4f: {  	_ =	shalt  }
0x50: {  	_ =	shalt  }
0x51: {  	_ =	shalt  }
0x52: {  	_ =	shalt  }
0x53: {  	_ =	shalt  }
0x54: {  	_ =	shalt  }
0x55: {  	_ =	shalt  }
0x56: {  	_ =	shalt  }
0x57: {  	_ =	shalt  }
0x58: {  	_ =	shalt  }
0x59: {  	_ =	shalt  }
0x5a: {  	_ =	shalt  }
0x5b: {  	_ =	shalt  }
0x5c: {  	_ =	shalt  }
0x5d: {  	_ =	shalt  }
0x5e: {  	_ =	shalt  }
0x5f: {  	_ =	shalt  }
0x60: {  	_ =	shalt  }
0x61: {  	_ =	shalt  }
0x62: {  	_ =	shalt  }
0x63: {  	_ =	shalt  }
0x64: {  	_ =	shalt  }
0x65: {  	_ =	shalt  }
0x66: {  	_ =	shalt  }
0x67: {  	_ =	shalt  }
0x68: {  	_ =	shalt  }
0x69: {  	_ =	shalt  }
0x6a: {  	_ =	shalt  }
0x6b: {  	_ =	shalt  }
0x6c: {  	_ =	shalt  }
0x6d: {  	_ =	shalt  }
0x6e: {  	_ =	shalt  }
0x6f: {  	_ =	shalt  }
0x70: {  	_ =	shalt  }
0x71: {  	_ =	shalt  }
0x72: {  	_ =	shalt  }
0x73: {  	_ =	shalt  }
0x74: {  	_ =	shalt  }
0x75: {  	_ =	shalt  }
0x76: {  	_ =	shalt  }
0x77: {  	_ =	shalt  }
0x78: {  	_ =	shalt  }
0x79: {  	_ =	shalt  }
0x7a: {  	_ =	shalt  }
0x7b: {  	_ =	shalt  }
0x7c: {  	_ =	shalt  }
0x7d: {  	_ =	shalt  }
0x7e: {  	_ =	shalt  }
0x7f: {  	_ =	shalt  }
0x80: {  	_ =	shalt  }
0x81: {  	_ =	shalt  }
0x82: {  	_ =	shalt  }
0x83: {  	_ =	shalt  }
0x84: {  	_ =	shalt  }
0x85: {  	_ =	shalt  }
0x86: {  	_ =	shalt  }
0x87: {  	_ =	shalt  }
.Lfunc_end0:
.L_simem_size_0:
called_computation_lowered:
.L_overlay_start_0:
0x88: {  	s2 =	sld [smem:$0x3FD9]  }
0x89: {  	s3 =	sld [smem:$0x3FFE];
	_ =	sdelay $0x1  }
0x8a: {  	s1 =	srdreg.scid  }
0x8b: {  	s0 =	sand.u32 $0x1, s1  }
0x8c: {  	s17 =	sshll.u32 s0, $0xA;
	s2 =	sadd.s32 s3, s2  }
0x8d: {  	s2 =	sadd.s32 s2, s17  }
0x8e: {  	[smem:$0x3FC0] =	sst s2  }
0x8f: {  	_ = 	snop  }
0x90: {  	s2 =	sld [smem:$0x3FD0];
	(tm) =	ssettm $0x1  }
0x91: {  	s18 =	sld [smem:$0x3FFB];
	_ =	sdelay $0x3  }
0x92: {  	_ =	strace s18  }
0x93: {  	s3 =	sld [smem:$0x3FFC];
	_ =	sdelay $0x3  }
0x94: {  	_ =	strace s3  }
0x95: {  	s3 =	sld [smem:$0x3FFD];
	_ =	sdelay $0x3  }
0x96: {  	_ =	strace s3  }
0x97: {  	_ =	strace $0x8FFFFFFF  }
0x98: {  	s19 =	sld [smem:$0x3FDB];
	_ =	sdelay $0x1  }
0x99: {  	s4 =	simm.s32 $_scs_section_size  }
0x9a: {  	s5 =	simm.s32 $_size__tile_overlayer_lowered;
	s6 =	simm.s32 $_tile_overlayer_lowered  }
0x9b: {  	s22 =	simm.s32 $0x1BFF;
	s21 =	sshll.u32 s6, $0x1;
	s3 =	sadd.s32 s4, s19  }
0x9c: {  	s7 =	simm.s32 $0x0;
	s20 =	sshll.u32 s5, $0x1;
	s5 =	sadd.s32 s21, s3  }
0x9d: {  	[timem:s7], [sflag:s22] =	dma.local [hbm:s5], s20  }
0x9e: {  	_ =	swait.ge [sflag:s22], s20  }
0x9f: {  	s4 =	ssub.s32 $0x0, s20;
	[sflag:s22] =	ssyncset.done $0x0  }
0xa0: {  	[sflag:s22] =	ssyncadd.s32 s4;
	_ =	sdelay $0x1  }
0xa1: {  	s23 =	simm.s32 $0x1B8B  }
0xa2: {  	_ =	swait.ge [sflag:s23], $0x1  }
0xa3: {  	[sflag:s23] =	ssyncset.done $0x0  }
0xa4: {  	s25 =	simm.s32 $0x1B8E;
	s24 =	sld [smem:$0x3FFE];
	[sflag:s23] =	ssyncadd.s32 $0xFFFFFFFF  }
0xa5: {  	s26 =	simm.s32 $execute0_lowered;
	[smem:$0x3FD2] =	sst s25  }
0xa6: {  	s5 =	sshll.u32 s26, $0x1;
	_ =	strace $0x80000046;
	[dreg:$0x1] =	wrdreg $0xFFFFFFFF  }
0xa7: {  	s28 =	simm.s32 $_size_execute0_lowered;
	s3 =	sadd.s32 s3, s5;
	[dreg:$0x0] =	wrdreg $0x0  }
0xa8: {  	s5 =	sshll.u32 s28, $0x1;
	[dreg:$0x2] =	wrdreg s3  }
0xa9: {  	[dreg:$0x3] =	wrdreg s5  }
0xaa: {  	[dreg:$0x4] =	wrdreg $0xC0  }
0xab: {  	_ =	task [dreg:s7], $0x5FFFF  }
0xac: {  	[dreg:$0x1] =	wrdreg $0xFFFFFFFF  }
0xad: {  	[dreg:$0x0] =	wrdreg $0x60  }
0xae: {  	[dreg:$0x2] =	wrdreg s24  }
0xaf: {  	[dreg:$0x3] =	wrdreg s2  }
0xb0: {  	[dreg:$0x4] =	wrdreg $0x9  }
0xb1: {  	_ =	task.clear_ibuf [dreg:s7], $0x5FFFF;
	_ =	strace $0x90000046  }
0xb2: {  	s29 =	simm.s32 $0x9;
	_ =	strace $0x80000048  }
0xb3: {  	_ =	swait.ge [sflag:s29], $0x1  }
0xb4: {  	[sflag:s29] =	ssyncadd.s32 $0xFFFFFFFF  }
0xb5: {  	_ =	strace $0x90000048  }
0xb6: {  	_ =	sfence  }
0xb7: {  	s30 =	sld [smem:$0x0];
	_ =	sdelay $0x2  }
0xb8: {  	s31 =	sshll.u32 s1, $0xD;
	s1 =	sshrl.u32 s1, $0x2  }
0xb9: {  	s3 =	sand.u32 $0x4000, s31;
	s1 =	sadd.s32 s1, s30  }
0xba: {  	s0 =	sor.u32 s3, s0;
	s1 =	sshll.u32 s1, $0x11  }
0xbb: {  	s0 =	sor.u32 s1, s0  }
0xbc: {  	s0 =	sadd.s32 $0x8F2B, s0  }
0xbd: {  	[sflag:s0] =	ssyncadd.remote.s32 $0x1  }
0xbe: {  	_ =	sfence.sel $0xFFFF  }
0xbf: {  	[dreg:$0x0] =	wrdreg $0xFFFFFFFF;
	(pc) =	sbr.abs _section_cstart, $3  }
0xc0: {  	[dreg:$0x1] =	wrdreg $0xFFFFFFFF  }
0xc1: {  	_ =	task.clear_ibuf [dreg:s7], $0x2FFFF;
	_ =	strace $0x9FFFFFFF  }
0xc2: {  	(tm) =	ssettm $0x7FFFFFFF  }
0xc3: {  	_ =	shalt  }
tec
execute0_lowered:
.L_overlay_start_1:
0x0: {  	(tag) =	ssettag $0x1  }
0x1: {  	s3 =	rddreg [dreg:$0x0];
	s0 =	srdreg.scid  }
0x2: {  	s4 =	rddreg [dreg:$0x1];
	s1 =	stileid.u32;
	s2 =	simm.s32 $0x0  }
0x3: {  	s10 =	simm.s32 $0x0;
	s5 =	sand.u32 $0x1, s0;
	s0 =	rddreg [dreg:$0x2]  }
0x4: {  	s7 =	sshrl.u32 s1, $0x3;
	[smem:$0x7FF] =	sst s2;
	s6 =	smul.u32 $0x27800, s5  }
0x5: {  	s9 =	sshll.u32 s1, $0x7;
	s8 =	sshll.u32 s5, $0x4;
	s7 =	smul.u32 $0x13C00, s7  }
0x6: {  	s30 =	sand.u32 $0x380, s9;
	_ =	strace $0x80000047;
	s5 =	ssub.s32 $0x2, s5  }
0x7: {  	s9 =	simm.s32 $0x400;
	s8 =	sor.u32 s1, s8;
	s31 =	sshrl.u32 s5, $0x1  }
0x8: {  	s8 =	smul.u32 $0x4E2, s8;
	s6 =	sadd.s32 s6, s7;
	s5 =	ssub.s32 s5, s31  }
0x9: {  	s7 =	simm.s32 $0x2780;
	s6 =	sor.u32 s30, s6;
	s5 =	smax.u32 s5, $0x1  }
0xa: {  	s3 =	sadd.s32 s8, s3;
	s6 =	sshrl.u32 s6, $0x3;
	s8 =	simm.s32 $0x80  }
0xb: {  	v0 =	vimm.f32 $0.0e+00;
	v1 =	vimm.f32 $1.000000000e+00;
	s3 =	sadd.s32 $0x3800, s3;
	s4 =	sadd.s32 s4, s6;
	s6 =	simm.s32 $0x1  }
.LBB2_1:
0xc: {  	[tilespmem:s2], [sflag:$0x1] =	stream.linear.gather [hbm4b:s3+s2], $0x2710, $0x38;
	[tilespmem:$0x4F00] =	vst v63  }
0xd: {  	_ =	swait.ge [sflag:s6], $0x2710  }
0xe: {  	[sflag:s6] =	ssyncset.done $0x0  }
0xf: {  	s11 =	simm.s32 $0x0;
	[sflag:s6] =	ssyncadd.s32 $0xFFFFD8F0  }
.LBB2_2:
0x10: {  	p0 =	sne.s32 s11, $0x9C00  }
.Ltmp0:
0x11: {  	_ = 	snop;
	(pc) =	sbr.rel @p0 .LBB2_2-.Ltmp0, $3  }
0x12: {  	_ =	sdelay $0x1  }
0x13: {  	s12 =	sshra.s32 s11, $0x2  }
0x14: {  	s11 =	sadd.s32 $0x40, s11;
	[tilespmem:s12+$0x2780] =	vst v0  }
0x15: {  	s12 =	simm.s32 $0x0;
	s11 =	simm.s32 $0x40  }
.LBB2_4:
0x16: {  	p0 =	sne.s32 s11, $0x9C00;
	v2 =	vld [tilespmem:s12+$0x0];
	_ =	sdelay $0x3  }
.Ltmp1:
0x17: {  	(pc) =	sbr.rel @p0 .LBB2_4-.Ltmp1, $2  }
0x18: {  	_ =	sdelay $0x2  }
0x19: {  	s12 =	sshra.s32 s11, $0x2;
	s11 =	sadd.s32 $0x40, s11;
	[tilespmem:v2+s7+$0x0] =	vst.idx.add.f32.msk $0xffff, v1  }
0x1a: {  	v2 =	vld [tilespmem:s12+$0x0];
	_ =	sdelay $0x5  }
0x1b: {  	s10 =	sadd.s32 $0x1, s10  }
0x1c: {  	p0 =	sne.s32 s10, s5  }
.Ltmp2:
0x1d: {  	[tilespmem:v2+s7+$0x0] =	vst.idx.add.f32.msk $0xffff, v1;
	(pc) =	sbr.rel @p0 .LBB2_1-.Ltmp2, $4  }
0x1e: {  	[hbm4b:s4+s8] =	stream.strided.scatter [tilespmem:s7], [sflag:$0x1], $0x2780, s9, s8, $0x38;
	[tilespmem:$0x4F00] =	vst v63  }
0x1f: {  	_ =	swait.ge [sflag:s6], $0x2780  }
0x20: {  	[sflag:s6] =	ssyncset.done $0x0  }
0x21: {  	[sflag:s6] =	ssyncadd.s32 $0xFFFFD880  }
0x22: {  	_ =	sfence.sel $0x180000  }
0x23: {  	[bflag:$0x0] =	sbarrier.arrive $0xFFFF  }
0x24: {  	p0 =	sne.s32 s1, $0x0;
	_ =	strace $0x90000047  }
0x25: {  	s0 =	sadd.s32 @!p0 $0x100000, s0;
	[bflag:$0x2] =	sbarrier.arrive $0xFFFF  }
0x26: {  	[sflag:s0] =	ssyncadd.tile.s32 @!p0 $0x1;
	_ =	shalt  }
.Lfunc_end2:
_tile_overlayer_lowered:
.L_overlay_start_2:
0x27: {  	(tag) =	ssettag $0x2  }
0x28: {  	s0 =	rddreg [dreg:$0x0];
	s2 =	stileid.u32  }
0x29: {  	s1 =	rddreg [dreg:$0x1];
	p0 =	sne.s32 s2, $0x0  }
0x2a: {  	s3 =	rddreg [dreg:$0x2];
	[bflag:$0x3] =	sbarrier.arrive $0xFFFF;
	s2 =	simm.s32 @!p0 $0x1C01  }
0x2b: {  	[timem:s3], [sflag:s2] =	dma.local @!p0 [hbm:s0], s1  }
0x2c: {  	s0 =	simm.s32 @!p0 $0x1  }
0x2d: {  	_ =	swait.ge @!p0 [sflag:s0], s1  }
0x2e: {  	s1 =	ssub.s32 @!p0 $0x0, s1;
	[sflag:s0] =	ssyncset.done @!p0 $0x0  }
0x2f: {  	[sflag:s0] =	ssyncadd.s32 @!p0 s1  }
0x30: {  	[bflag:$0x3] =	sbarrier.arrive $0xFFFF  }
0x31: {  	_ =	shalt  }

// kernel: kernel.13.cloned.1.call-start
scs
__scs_entry_jumppad:
0x0: {  	(pc) =	sbr.rel $0x88, $3  }
0x1: {  	(tag) =	ssettag $0x0;
	lr =	simm.s32 $0x1  }
0x2: {  	[smem:$0x3F99] =	sst lr;
	_ =	strace $0xD0000000  }
0x3: {  	_ = 	snop  }
0x4: {  	_ = 	snop  }
0x5: {  	_ = 	snop  }
0x6: {  	_ = 	snop  }
0x7: {  	_ = 	snop  }
__scs_overlays_trampoline_lowered:
0x8: {  	[smem:$0x3FA8] =	sst s0  }
0x9: {  	[smem:$0x3FA9] =	sst s1  }
0xa: {  	[smem:$0x3FAA] =	sst s2  }
0xb: {  	[smem:$0x3FAB] =	sst s3  }
0xc: {  	[smem:$0x3FAC] =	sst s4  }
0xd: {  	[smem:$0x3FAD] =	sst s5  }
0xe: {  	[smem:$0x3FAE] =	sst s6  }
0xf: {  	[smem:$0x3FAF] =	sst s7  }
0x10: {  	[smem:$0x3FB0] =	sst s8  }
0x11: {  	[smem:$0x3FB1] =	sst s9;
	s0 =	simm.s32 @!p0 $0x0  }
0x12: {  	s1 =	sld [smem:$0x3F97];
	s0 =	simm.s32 @p0 $0x1  }
0x13: {  	[smem:$0x3FB2] =	sst s0;
	s0 =	simm.s32 @!p1 $0x0  }
0x14: {  	s2 =	sld [smem:$0x3F96];
	s0 =	simm.s32 @p1 $0x1  }
0x15: {  	[smem:$0x3FB3] =	sst s0;
	s0 =	simm.s32 @!p2 $0x0  }
0x16: {  	s3 =	sld [smem:$0x3FDB];
	s0 =	simm.s32 @p2 $0x1  }
0x17: {  	s4 =	simm.s32 $0x1BF5;
	[smem:$0x3FB5] =	sst s0  }
0x18: {  	s0 =	sld [smem:$0x3F98];
	_ =	swait.ge [sflag:s4], $0x0  }
0x19: {  	s7 =	sld [smem:$0x3F99]  }
0x1a: {  	s8 =	sadd.s32 $0xFFFFE003, lr  }
0x1b: {  	s9 =	sadd.s32 $0xFFFFFEF7, lr;
	s5 =	simm.s32 $0xFFFFFFFF;
	p2 =	slt.u32 s8, $0xFFFFF086  }
0x1c: {  	p1 =	slt.u32 s9, $0xF7A;
	s5 =	simm.s32 @!p2 $0x0  }
0x1d: {  	s5 =	simm.s32 @p1 $0x1;
	p0 =	seq.s32 s7, s2  }
0x1e: {  	s7 =	smul.u32 @!p0 $0xF7A, s2;
	p2 =	seq.s32 @!p0 s5, $0x0  }
0x1f: {  	s9 =	smul.u32 $0xF7A, s1;
	s8 =	simm.s32 @!p0 $0x1BF5;
	p2 =	por !p2, p0  }
0x20: {  	[sflag:s8] =	ssyncset.s32 @!p0 $0xFFFFF086;
	s6 =	sadd.s32 @!p0 s3, s7;
	s7 =	simm.s32 @!p0 $0x108  }
0x21: {  	s3 =	sadd.s32 s3, s9;
	s6 =	sadd.s32 @!p0 $0x88, s6;
	s7 =	simm.s32 @p2 $0x1082  }
0x22: {  	[simem:s7], [sflag:s8] =	dma.local @!p0 [hbm:s6], $0xF7A  }
0x23: {  	s9 =	sor.u32 $0xD0000000, s2;
	s6 =	simm.s32 $0x108;
	_ =	swait.ge @!p0 [sflag:s8], $0x0  }
0x24: {  	s3 =	sadd.s32 $0x88, s3;
	s6 =	simm.s32 @!p1 $0x1082;
	[sflag:s4] =	ssyncset.s32 $0xFFFFF086  }
0x25: {  	[simem:s6], [sflag:s4] =	dma.local [hbm:s3], $0xF7A  }
0x26: {  	[smem:$0x3F99] =	sst s1;
	(tag) =	ssettag s2;
	_ =	strace s9  }
0x27: {  	s1 =	sld [smem:$0x3FA9]  }
0x28: {  	s2 =	sld [smem:$0x3FAA]  }
0x29: {  	s4 =	sld [smem:$0x3FAC]  }
0x2a: {  	p0 =	seq.s32 s5, $0x0;
	s5 =	sld [smem:$0x3FAD]  }
0x2b: {  	s6 =	sld [smem:$0x3FAE]  }
0x2c: {  	s7 =	sld [smem:$0x3FAF]  }
0x2d: {  	s3 =	simm.s32 $0x108;
	s8 =	sld [smem:$0x3FB0]  }
0x2e: {  	s3 =	simm.s32 @!p0 $0x1082;
	s9 =	sld [smem:$0x3FB1]  }
0x2f: {  	lr =	sadd.s32 s0, s3;
	s0 =	sld [smem:$0x3FA8]  }
0x30: {  	s3 =	sld [smem:$0x3FAB]  }
0x31: {  	[smem:$0x3FB4] =	sst s10  }
0x32: {  	s10 =	sld [smem:$0x3FB2];
	_ =	sdelay $0x3  }
0x33: {  	p0 =	seq.s32 s10, $0x1;
	s10 =	sld [smem:$0x3FB4];
	_ =	sdelay $0x3  }
0x34: {  	[smem:$0x3FB4] =	sst s10  }
0x35: {  	s10 =	sld [smem:$0x3FB3];
	_ =	sdelay $0x3  }
0x36: {  	p1 =	seq.s32 s10, $0x1;
	s10 =	sld [smem:$0x3FB4];
	_ =	sdelay $0x3  }
0x37: {  	[smem:$0x3FB4] =	sst s10  }
0x38: {  	s10 =	sld [smem:$0x3FB5]  }
0x39: {  	_ = 	snop;
	(pc) =	sbr.ind lr, $3  }
0x3a: {  	_ = 	snop  }
0x3b: {  	_ = 	snop  }
0x3c: {  	p2 =	seq.s32 s10, $0x1;
	s10 =	sld [smem:$0x3FB4]  }
0x3d: {  	_ =	shalt  }
0x3e: {  	_ =	shalt  }
0x3f: {  	_ =	shalt  }
0x40: {  	_ =	shalt  }
0x41: {  	_ =	shalt  }
0x42: {  	_ =	shalt  }
0x43: {  	_ =	shalt  }
0x44: {  	_ =	shalt  }
0x45: {  	_ =	shalt  }
0x46: {  	_ =	shalt  }
0x47: {  	_ =	shalt  }
0x48: {  	_ =	shalt  }
0x49: {  	_ =	shalt  }
0x4a: {  	_ =	shalt  }
0x4b: {  	_ =	shalt  }
0x4c: {  	_ =	shalt  }
0x4d: {  	_ =	shalt  }
0x4e: {  	_ =	shalt  }
0x4f: {  	_ =	shalt  }
0x50: {  	_ =	shalt  }
0x51: {  	_ =	shalt  }
0x52: {  	_ =	shalt  }
0x53: {  	_ =	shalt  }
0x54: {  	_ =	shalt  }
0x55: {  	_ =	shalt  }
0x56: {  	_ =	shalt  }
0x57: {  	_ =	shalt  }
0x58: {  	_ =	shalt  }
0x59: {  	_ =	shalt  }
0x5a: {  	_ =	shalt  }
0x5b: {  	_ =	shalt  }
0x5c: {  	_ =	shalt  }
0x5d: {  	_ =	shalt  }
0x5e: {  	_ =	shalt  }
0x5f: {  	_ =	shalt  }
0x60: {  	_ =	shalt  }
0x61: {  	_ =	shalt  }
0x62: {  	_ =	shalt  }
0x63: {  	_ =	shalt  }
0x64: {  	_ =	shalt  }
0x65: {  	_ =	shalt  }
0x66: {  	_ =	shalt  }
0x67: {  	_ =	shalt  }
0x68: {  	_ =	shalt  }
0x69: {  	_ =	shalt  }
0x6a: {  	_ =	shalt  }
0x6b: {  	_ =	shalt  }
0x6c: {  	_ =	shalt  }
0x6d: {  	_ =	shalt  }
0x6e: {  	_ =	shalt  }
0x6f: {  	_ =	shalt  }
0x70: {  	_ =	shalt  }
0x71: {  	_ =	shalt  }
0x72: {  	_ =	shalt  }
0x73: {  	_ =	shalt  }
0x74: {  	_ =	shalt  }
0x75: {  	_ =	shalt  }
0x76: {  	_ =	shalt  }
0x77: {  	_ =	shalt  }
0x78: {  	_ =	shalt  }
0x79: {  	_ =	shalt  }
0x7a: {  	_ =	shalt  }
0x7b: {  	_ =	shalt  }
0x7c: {  	_ =	shalt  }
0x7d: {  	_ =	shalt  }
0x7e: {  	_ =	shalt  }
0x7f: {  	_ =	shalt  }
0x80: {  	_ =	shalt  }
0x81: {  	_ =	shalt  }
0x82: {  	_ =	shalt  }
0x83: {  	_ =	shalt  }
0x84: {  	_ =	shalt  }
0x85: {  	_ =	shalt  }
0x86: {  	_ =	shalt  }
0x87: {  	_ =	shalt  }
.Lfunc_end0:
.L_simem_size_0:
called_computation.1_lowered:
.L_overlay_start_0:
0x88: {  	s2 =	sld [smem:$0x3FD9]  }
0x89: {  	s3 =	sld [smem:$0x3FFE];
	_ =	sdelay $0x1  }
0x8a: {  	s1 =	srdreg.scid  }
0x8b: {  	s0 =	sand.u32 $0x1, s1  }
0x8c: {  	s17 =	sshll.u32 s0, $0xA;
	s2 =	sadd.s32 s3, s2  }
0x8d: {  	s2 =	sadd.s32 s2, s17  }
0x8e: {  	[smem:$0x3FC0] =	sst s2  }
0x8f: {  	_ = 	snop  }
0x90: {  	s2 =	sld [smem:$0x3FD0];
	(tm) =	ssettm $0x1  }
0x91: {  	s18 =	sld [smem:$0x3FFB];
	_ =	sdelay $0x3  }
0x92: {  	_ =	strace s18  }
0x93: {  	s3 =	sld [smem:$0x3FFC];
	_ =	sdelay $0x3  }
0x94: {  	_ =	strace s3  }
0x95: {  	s3 =	sld [smem:$0x3FFD];
	_ =	sdelay $0x3  }
0x96: {  	_ =	strace s3  }
0x97: {  	_ =	strace $0x8FFFFFFF  }
0x98: {  	s19 =	sld [smem:$0x3FDB];
	_ =	sdelay $0x1  }
0x99: {  	s4 =	simm.s32 $_scs_section_size  }
0x9a: {  	s5 =	simm.s32 $_size__tile_overlayer_lowered;
	s6 =	simm.s32 $_tile_overlayer_lowered  }
0x9b: {  	s22 =	simm.s32 $0x1BFF;
	s21 =	sshll.u32 s6, $0x1;
	s3 =	sadd.s32 s4, s19  }
0x9c: {  	s7 =	simm.s32 $0x0;
	s20 =	sshll.u32 s5, $0x1;
	s5 =	sadd.s32 s21, s3  }
0x9d: {  	[timem:s7], [sflag:s22] =	dma.local [hbm:s5], s20  }
0x9e: {  	_ =	swait.ge [sflag:s22], s20  }
0x9f: {  	s4 =	ssub.s32 $0x0, s20;
	[sflag:s22] =	ssyncset.done $0x0  }
0xa0: {  	[sflag:s22] =	ssyncadd.s32 s4;
	_ =	sdelay $0x1  }
0xa1: {  	s23 =	simm.s32 $0x1B8B  }
0xa2: {  	_ =	swait.ge [sflag:s23], $0x1  }
0xa3: {  	[sflag:s23] =	ssyncset.done $0x0  }
0xa4: {  	s25 =	simm.s32 $0x1B8E;
	s24 =	sld [smem:$0x3FFE];
	[sflag:s23] =	ssyncadd.s32 $0xFFFFFFFF  }
0xa5: {  	s26 =	simm.s32 $execute0_lowered;
	[smem:$0x3FD2] =	sst s25  }
0xa6: {  	s5 =	sshll.u32 s26, $0x1;
	_ =	strace $0x80000049;
	[dreg:$0x1] =	wrdreg $0xFFFFFFFF  }
0xa7: {  	s28 =	simm.s32 $_size_execute0_lowered;
	s3 =	sadd.s32 s3, s5;
	[dreg:$0x0] =	wrdreg $0x0  }
0xa8: {  	s5 =	sshll.u32 s28, $0x1;
	[dreg:$0x2] =	wrdreg s3  }
0xa9: {  	[dreg:$0x3] =	wrdreg s5  }
0xaa: {  	[dreg:$0x4] =	wrdreg $0xC0  }
0xab: {  	_ =	task [dreg:s7], $0x5FFFF  }
0xac: {  	[dreg:$0x1] =	wrdreg $0xFFFFFFFF  }
0xad: {  	[dreg:$0x0] =	wrdreg $0x60  }
0xae: {  	[dreg:$0x2] =	wrdreg s2  }
0xaf: {  	[dreg:$0x3] =	wrdreg s24  }
0xb0: {  	[dreg:$0x4] =	wrdreg $0x7E000  }
0xb1: {  	[dreg:$0x5] =	wrdreg $0x9  }
0xb2: {  	_ =	task.clear_ibuf [dreg:s7], $0x6FFFF;
	_ =	strace $0x90000049  }
0xb3: {  	s29 =	simm.s32 $0x9;
	_ =	strace $0x8000004B  }
0xb4: {  	_ =	swait.ge [sflag:s29], $0x1  }
0xb5: {  	[sflag:s29] =	ssyncadd.s32 $0xFFFFFFFF  }
0xb6: {  	_ =	strace $0x9000004B  }
0xb7: {  	_ =	sfence  }
0xb8: {  	s30 =	sld [smem:$0x0];
	_ =	sdelay $0x2  }
0xb9: {  	s31 =	sshll.u32 s1, $0xD;
	s1 =	sshrl.u32 s1, $0x2  }
0xba: {  	s3 =	sand.u32 $0x4000, s31;
	s1 =	sadd.s32 s1, s30  }
0xbb: {  	s0 =	sor.u32 s3, s0;
	s1 =	sshll.u32 s1, $0x11  }
0xbc: {  	s0 =	sor.u32 s1, s0  }
0xbd: {  	s0 =	sadd.s32 $0x8F2B, s0  }
0xbe: {  	[sflag:s0] =	ssyncadd.remote.s32 $0x1  }
0xbf: {  	_ =	sfence.sel $0xFFFF  }
0xc0: {  	[dreg:$0x0] =	wrdreg $0xFFFFFFFF;
	(pc) =	sbr.abs _section_cstart, $3  }
0xc1: {  	[dreg:$0x1] =	wrdreg $0xFFFFFFFF  }
0xc2: {  	_ =	task.clear_ibuf [dreg:s7], $0x2FFFF;
	_ =	strace $0x9FFFFFFF  }
0xc3: {  	(tm) =	ssettm $0x7FFFFFFF  }
tec
execute0_lowered:
.L_overlay_start_1:
0x0: {  	(tag) =	ssettag $0x1  }
0x1: {  	s1 =	rddreg [dreg:$0x0]  }
0x2: {  	s0 =	rddreg [dreg:$0x1]  }
0x3: {  	s2 =	rddreg [dreg:$0x2]  }
0x4: {  	s3 =	srdreg.scid;
	s4 =	simm.s32 $0x0;
	s10 =	stileid.u32  }
0x5: {  	s28 =	simm.s32 $0x50;
	s29 =	simm.s32 $0x200;
	s7 =	smul.u32 $0x13C00, s10  }
0x6: {  	s30 =	simm.s32 $0x5;
	s31 =	simm.s32 $0x280;
	s9 =	smul.u32 $0x4E200, s10  }
0x7: {  	s3 =	sand.u32 $0x1, s3;
	[smem:$0x7FF] =	sst s4;
	s15 =	smul.u32 $0x2710, s10  }
0x8: {  	s6 =	smul.u32 $0x13C000, s3;
	s5 =	sshll.u32 s3, $0x4;
	_ =	strace $0x8000004A  }
0x9: {  	s23 =	ssub.s32 $0x2, s3;
	s3 =	smul.u32 $0x27100, s3;
	s8 =	sor.u32 s10, s5  }
0xa: {  	s5 =	sadd.s32 $0xD600, s0;
	s24 =	sshrl.u32 s23, $0x1;
	s26 =	sshrl.u32 s9, $0x2  }
0xb: {  	s9 =	simm.s32 $0x5600;
	s10 =	simm.s32 $0x1;
	s6 =	sadd.s32 s7, s6  }
0xc: {  	s22 =	smul.u32 $0x2710, s8;
	s12 =	sadd.s32 s26, s2;
	s3 =	sadd.s32 s15, s3  }
0xd: {  	s15 =	simm.s32 $0x8;
	s14 =	sadd.s32 $0x2800, s12;
	[dreg:$0x6] =	wrdreg s12  }
0xe: {  	s8 =	simm.s32 $0x0;
	s16 =	sadd.s32 $0x5000, s12;
	[dreg:$0x8] =	wrdreg s14  }
0xf: {  	s6 =	sshrl.u32 s6, $0x3;
	s17 =	sadd.s32 $0x7800, s12;
	[dreg:$0x9] =	wrdreg s16  }
0x10: {  	s18 =	sadd.s32 $0xA000, s12;
	s19 =	sadd.s32 $0xC800, s12;
	[dreg:$0xa] =	wrdreg s17  }
0x11: {  	s20 =	sadd.s32 $0xF000, s12;
	s21 =	sadd.s32 $0x11800, s12;
	[dreg:$0xb] =	wrdreg s18  }
0x12: {  	s26 =	sadd.s32 $0xF0, s3;
	s12 =	simm.s32 $0x7;
	[dreg:$0xc] =	wrdreg s19  }
0x13: {  	s0 =	sadd.s32 s6, s0;
	s7 =	sshrl.u32 s22, $0x3;
	[dreg:$0xd] =	wrdreg s20  }
0x14: {  	s6 =	ssub.s32 s23, s24;
	[dreg:$0xe] =	wrdreg s21;
	s22 =	sadd.s32 $0x190, s3  }
0x15: {  	s23 =	sadd.s32 $0x140, s3;
	[dreg:$0x11] =	wrdreg s26;
	s26 =	simm.s32 $0x4  }
0x16: {  	s3 =	simm.s32 $0x6;
	s14 =	simm.s32 $0x480;
	s16 =	simm.s32 $0x3  }
0x17: {  	s17 =	simm.s32 $0x500;
	s25 =	sadd.s32 s5, s7;
	s0 =	sadd.s32 $0x17400, s0  }
0x18: {  	s24 =	sshrl.u32 s22, $0x3;
	s6 =	smax.u32 s6, $0x1;
	s22 =	simm.s32 $0x80  }
0x19: {  	s7 =	simm.s32 $0x300;
	s11 =	sadd.s32 $0xA, s25;
	[dreg:$0x4] =	wrdreg s25  }
.Ltmp0:
0x1a: {  	s13 =	sadd.s32 $0x14, s25;
	[dreg:$0xf] =	wrdreg s0;
	(pc) =	sbr.rel .LBB2_1-.Ltmp0, $4  }
0x1b: {  	s25 =	sshrl.u32 s23, $0x3;
	[dreg:$0x10] =	wrdreg s6;
	s19 =	sadd.s32 s24, s5  }
0x1c: {  	s23 =	simm.s32 $0x100;
	s24 =	simm.s32 $0x600;
	[dreg:$0x5] =	wrdreg s11  }
0x1d: {  	s0 =	simm.s32 $0x2E00;
	[dreg:$0x7] =	wrdreg s13;
	s20 =	sadd.s32 s25, s5  }
0x1e: {  	v0 =	vimm.f32 $0.0e+00;
	s25 =	simm.s32 $0xA;
	s11 =	simm.s32 $0x400;
	s13 =	simm.s32 $0x2  }
.LBB2_6:
0x1f: {  	_ =	swait.ge [sflag:s10], $0x2800  }
0x20: {  	[sflag:s10] =	ssyncset.done $0x0  }
0x21: {  	[sflag:s10] =	ssyncadd.s32 $0xFFFFD800  }
0x22: {  	[spmem:s2] =	stream.indirect.scatter.add.f32 [tilespmem:s24], [sflag:$0x7], $0x80, s11, s28, $0xb8;
	[tilespmem:$0x1B680] =	vst v63  }
0x23: {  	_ =	swait.ge [sflag:s13], $0x2800  }
0x24: {  	[sflag:s13] =	ssyncset.done $0x0  }
0x25: {  	[sflag:s13] =	ssyncadd.s32 $0xFFFFD800  }
0x26: {  	[spmem:s2] =	stream.indirect.scatter.add.f32 [tilespmem:s0], [sflag:$0x8], $0x80, s14, s28, $0xb8;
	[tilespmem:$0x1B680] =	vst v63  }
0x27: {  	_ =	swait.ge [sflag:s12], $0x2800  }
0x28: {  	[sflag:s12] =	ssyncset.done $0x0  }
0x29: {  	[sflag:s12] =	ssyncadd.s32 $0xFFFFD800  }
0x2a: {  	_ =	swait.ge [sflag:s15], $0x2800  }
0x2b: {  	[sflag:s15] =	ssyncset.done $0x0  }
0x2c: {  	s6 =	simm.s32 $0x9;
	[sflag:s15] =	ssyncadd.s32 $0xFFFFD800  }
0x2d: {  	_ =	swait.ge [sflag:s6], $0x2800  }
0x2e: {  	[sflag:s6] =	ssyncset.done $0x0  }
0x2f: {  	[sflag:s6] =	ssyncadd.s32 $0xFFFFD800  }
0x30: {  	s8 =	stileid.u32;
	[bflag:$0x0] =	sbarrier.arrive $0xFFFF  }
0x31: {  	s6 =	sshll.u32 s8, $0x6;
	s8 =	rddreg [dreg:$0x6]  }
0x32: {  	s6 =	sor.u32 $0x1C0A, s6;
	s18 =	rddreg [dreg:$0xf];
	s8 =	sshrl.u32 s8, $0x3  }
0x33: {  	[hbm:s18], [sflag:s6] =	dma.local [spmem:s8], $0x2710  }
0x34: {  	_ =	swait.ge [sflag:s25], $0x2710  }
0x35: {  	s18 =	rddreg [dreg:$0x12]  }
0x36: {  	s21 =	rddreg [dreg:$0x10];
	s8 =	sadd.s32 $0x1, s18  }
0x37: {  	p0 =	sne.s32 s8, s21  }
.Ltmp1:
0x38: {  	_ = 	snop;
	(pc) =	sbr.rel @!p0 .LBB2_7-.Ltmp1, $3  }
0x39: {  	_ =	sdelay $0x1  }
0x3a: {  	[sflag:s25] =	ssyncset.done $0x0  }
0x3b: {  	[sflag:s25] =	ssyncadd.s32 $0xFFFFD8F0  }
.LBB2_1:
0x3c: {  	[dreg:$0x12] =	wrdreg s8  }
0x3d: {  	s6 =	rddreg [dreg:$0x4]  }
0x3e: {  	[tilespmem:s4], [sflag:$0x4] =	stream.linear.gather [hbm4b:s6+s4], $0x50, $0x38;
	[tilespmem:$0x1B680] =	vst v63  }
0x3f: {  	s21 =	rddreg [dreg:$0x5]  }
0x40: {  	[tilespmem:s22], [sflag:$0x5] =	stream.linear.gather [hbm4b:s21+s4], $0x50, $0x38;
	[tilespmem:$0x1B680] =	vst v63  }
0x41: {  	s8 =	rddreg [dreg:$0x7];
	s18 =	sand.u32 $0xFE00, s4  }
0x42: {  	[tilespmem:s23], [sflag:$0x6] =	stream.linear.gather [hbm4b:s8+s4], $0x50, $0x38;
	[tilespmem:$0x1B680] =	vst v63  }
0x43: {  	s21 =	sand.u32 $0x70, s4;
	s8 =	sshrl.u32 s18, $0x2  }
0x44: {  	s18 =	simm.s32 $0x40;
	s8 =	sor.u32 s21, s8;
	s21 =	simm.s32 $0x0  }
.LBB2_2:
0x45: {  	p0 =	sne.s32 s18, $0x9FC0  }
0x46: {  	[tilespmem:s8+$0x600] =	vst v0;
	s21 =	sadd.s32 $0x10, s21;
	s8 =	smov.u32 s18;
	s18 =	sadd.s32 $0x40, s18  }
.Ltmp2:
0x47: {  	(pc) =	sbr.rel @p0 .LBB2_2-.Ltmp2, $4  }
0x48: {  	_ = 	snop  }
0x49: {  	s8 =	sand.u32 $0xFE00, s8  }
0x4a: {  	s6 =	sand.u32 $0x70, s21;
	s8 =	sshrl.u32 s8, $0x2  }
0x4b: {  	s8 =	sor.u32 s6, s8  }
0x4c: {  	[tilespmem:s8+$0x600] =	vst v0;
	s6 =	rddreg [dreg:$0x6]  }
0x4d: {  	[spmem:s6] =	stream.linear.scatter [tilespmem:s24], [sflag:$0xA], $0x2800, $0x38;
	[tilespmem:$0x1B680] =	vst v63  }
0x4e: {  	_ =	swait.ge [sflag:s25], $0x2800  }
0x4f: {  	[sflag:s25] =	ssyncset.done $0x0  }
0x50: {  	s21 =	rddreg [dreg:$0x8];
	[sflag:s25] =	ssyncadd.s32 $0xFFFFD800  }
0x51: {  	[spmem:s21] =	stream.linear.scatter [tilespmem:s24], [sflag:$0xA], $0x2800, $0x38;
	[tilespmem:$0x1B680] =	vst v63  }
0x52: {  	_ =	swait.ge [sflag:s25], $0x2800  }
0x53: {  	[sflag:s25] =	ssyncset.done $0x0  }
0x54: {  	s8 =	rddreg [dreg:$0x9];
	[sflag:s25] =	ssyncadd.s32 $0xFFFFD800  }
0x55: {  	[spmem:s8] =	stream.linear.scatter [tilespmem:s24], [sflag:$0xA], $0x2800, $0x38;
	[tilespmem:$0x1B680] =	vst v63  }
0x56: {  	_ =	swait.ge [sflag:s25], $0x2800  }
0x57: {  	[sflag:s25] =	ssyncset.done $0x0  }
0x58: {  	s18 =	rddreg [dreg:$0xa];
	[sflag:s25] =	ssyncadd.s32 $0xFFFFD800  }
0x59: {  	[spmem:s18] =	stream.linear.scatter [tilespmem:s24], [sflag:$0xA], $0x2800, $0x38;
	[tilespmem:$0x1B680] =	vst v63  }
0x5a: {  	_ =	swait.ge [sflag:s25], $0x2800  }
0x5b: {  	[sflag:s25] =	ssyncset.done $0x0  }
0x5c: {  	s21 =	rddreg [dreg:$0xb];
	[sflag:s25] =	ssyncadd.s32 $0xFFFFD800  }
0x5d: {  	[spmem:s21] =	stream.linear.scatter [tilespmem:s24], [sflag:$0xA], $0x2800, $0x38;
	[tilespmem:$0x1B680] =	vst v63  }
0x5e: {  	_ =	swait.ge [sflag:s25], $0x2800  }
0x5f: {  	[sflag:s25] =	ssyncset.done $0x0  }
0x60: {  	s8 =	rddreg [dreg:$0xc];
	[sflag:s25] =	ssyncadd.s32 $0xFFFFD800  }
0x61: {  	[spmem:s8] =	stream.linear.scatter [tilespmem:s24], [sflag:$0xA], $0x2800, $0x38;
	[tilespmem:$0x1B680] =	vst v63  }
0x62: {  	_ =	swait.ge [sflag:s25], $0x2800  }
0x63: {  	[sflag:s25] =	ssyncset.done $0x0  }
0x64: {  	s18 =	rddreg [dreg:$0xd];
	[sflag:s25] =	ssyncadd.s32 $0xFFFFD800  }
0x65: {  	[spmem:s18] =	stream.linear.scatter [tilespmem:s24], [sflag:$0xA], $0x2800, $0x38;
	[tilespmem:$0x1B680] =	vst v63  }
0x66: {  	_ =	swait.ge [sflag:s25], $0x2800  }
0x67: {  	[sflag:s25] =	ssyncset.done $0x0  }
0x68: {  	s21 =	rddreg [dreg:$0xe];
	[sflag:s25] =	ssyncadd.s32 $0xFFFFD800  }
0x69: {  	[spmem:s21] =	stream.linear.scatter [tilespmem:s24], [sflag:$0xA], $0x2080, $0x38;
	[tilespmem:$0x1B680] =	vst v63  }
0x6a: {  	_ =	swait.ge [sflag:s25], $0x2080  }
0x6b: {  	[sflag:s25] =	ssyncset.done $0x0  }
0x6c: {  	[sflag:s25] =	ssyncadd.s32 $0xFFFFDF80  }
0x6d: {  	[bflag:$0x0] =	sbarrier.arrive $0xFFFF  }
0x6e: {  	_ =	swait.ge [sflag:s26], $0x50  }
0x6f: {  	[sflag:s26] =	ssyncset.done $0x0  }
0x70: {  	[sflag:s26] =	ssyncadd.s32 $0xFFFFFFB0  }
0x71: {  	v1 =	vld [tilespmem:$0x0]  }
0x72: {  	v2 =	vld [tilespmem:$0x10]  }
0x73: {  	v3 =	vld [tilespmem:$0x20]  }
0x74: {  	v4 =	vld [tilespmem:$0x30]  }
0x75: {  	v5 =	vld [tilespmem:$0x40]  }
0x76: {  	v6 =	vld [tilespmem:$0x0];
	v1 =	vshrl.u32 v1, $0xE  }
0x77: {  	[tilespmem:$0x200] =	vst v1;
	v1 =	vshrl.u32 v2, $0xE;
	v2 =	vld [tilespmem:$0x10]  }
0x78: {  	[tilespmem:$0x210] =	vst v1;
	v1 =	vshrl.u32 v3, $0xE;
	v3 =	vld [tilespmem:$0x20]  }
0x79: {  	v57 =	vld [tilespmem:$0x30];
	[tilespmem:$0x220] =	vst v1;
	v1 =	vshrl.u32 v4, $0xE  }
0x7a: {  	v58 =	vld [tilespmem:$0x40];
	[tilespmem:$0x230] =	vst v1;
	v1 =	vshrl.u32 v5, $0xE  }
0x7b: {  	[tilespmem:$0x240] =	vst v1;
	v1 =	vand.u32 $0x3FFF, v6  }
0x7c: {  	[tilespmem:$0x400] =	vst v1;
	v1 =	vand.u32 $0x3FFF, v2  }
0x7d: {  	[tilespmem:$0x410] =	vst v1;
	v1 =	vand.u32 $0x3FFF, v3  }
0x7e: {  	[tilespmem:$0x420] =	vst v1;
	v1 =	vand.u32 $0x3FFF, v57  }
0x7f: {  	[tilespmem:$0x430] =	vst v1;
	v1 =	vand.u32 $0x3FFF, v58  }
0x80: {  	[tilespmem:$0x440] =	vst v1  }
0x81: {  	[tilespmem:s24], [sflag:$0x1] =	stream.indirect.gather [hbm4b:s1+s28], $0x80, s29, s28, $0xb8;
	[tilespmem:$0x1B680] =	vst v63  }
0x82: {  	_ =	swait.ge [sflag:s30], $0x50  }
0x83: {  	[sflag:s30] =	ssyncset.done $0x0  }
0x84: {  	[sflag:s30] =	ssyncadd.s32 $0xFFFFFFB0  }
0x85: {  	v1 =	vld [tilespmem:$0x80]  }
0x86: {  	v2 =	vld [tilespmem:$0x90]  }
0x87: {  	v3 =	vld [tilespmem:$0xA0]  }
0x88: {  	v59 =	vld [tilespmem:$0xB0]  }
0x89: {  	v60 =	vld [tilespmem:$0xC0]  }
0x8a: {  	v61 =	vld [tilespmem:$0x80];
	v1 =	vshrl.u32 v1, $0xE  }
0x8b: {  	[tilespmem:$0x280] =	vst v1;
	v1 =	vshrl.u32 v2, $0xE;
	v2 =	vld [tilespmem:$0x90]  }
0x8c: {  	[tilespmem:$0x290] =	vst v1;
	v1 =	vshrl.u32 v3, $0xE;
	v3 =	vld [tilespmem:$0xA0]  }
0x8d: {  	v62 =	vld [tilespmem:$0xB0];
	[tilespmem:$0x2A0] =	vst v1;
	v1 =	vshrl.u32 v59, $0xE  }
0x8e: {  	v63 =	vld [tilespmem:$0xC0];
	[tilespmem:$0x2B0] =	vst v1;
	v1 =	vshrl.u32 v60, $0xE  }
0x8f: {  	[tilespmem:$0x2C0] =	vst v1;
	v1 =	vand.u32 $0x3FFF, v61  }
0x90: {  	[tilespmem:$0x480] =	vst v1;
	v1 =	vand.u32 $0x3FFF, v2  }
0x91: {  	[tilespmem:$0x490] =	vst v1;
	v1 =	vand.u32 $0x3FFF, v3  }
0x92: {  	[tilespmem:$0x4A0] =	vst v1;
	v1 =	vand.u32 $0x3FFF, v62  }
0x93: {  	[tilespmem:$0x4B0] =	vst v1;
	v1 =	vand.u32 $0x3FFF, v63  }
0x94: {  	s21 =	simm.s32 $0x0;
	s18 =	rddreg [dreg:$0x11];
	[tilespmem:$0x4C0] =	vst v1  }
0x95: {  	[tilespmem:s0], [sflag:$0x2] =	stream.indirect.gather [hbm4b:s1+s28], $0x80, s31, s28, $0xb8;
	[tilespmem:$0x1B680] =	vst v63  }
.LBB2_4:
0x96: {  	_ =	swait.ge [sflag:s3], $0x50  }
0x97: {  	[sflag:s3] =	ssyncset.done $0x0  }
0x98: {  	[sflag:s3] =	ssyncadd.s32 $0xFFFFFFB0  }
0x99: {  	v1 =	vld [tilespmem:$0x100]  }
0x9a: {  	v2 =	vld [tilespmem:$0x110]  }
0x9b: {  	v3 =	vld [tilespmem:$0x120]  }
0x9c: {  	v4 =	vld [tilespmem:$0x130]  }
0x9d: {  	v5 =	vld [tilespmem:$0x140]  }
0x9e: {  	v1 =	vshrl.u32 v1, $0xE  }
0x9f: {  	[tilespmem:$0x300] =	vst v1;
	v1 =	vshrl.u32 v2, $0xE  }
0xa0: {  	[tilespmem:$0x310] =	vst v1;
	v1 =	vshrl.u32 v3, $0xE  }
0xa1: {  	[tilespmem:$0x320] =	vst v1;
	v1 =	vshrl.u32 v4, $0xE  }
0xa2: {  	p0 =	seq.s32 s21, $0x0;
	[tilespmem:$0x330] =	vst v1;
	v1 =	vshrl.u32 v5, $0xE  }
0xa3: {  	s6 =	simm.s32 @!p0 $0x9;
	[tilespmem:$0x340] =	vst v1  }
0xa4: {  	_ =	swait.ge @!p0 [sflag:s6], $0x2800  }
0xa5: {  	[sflag:s6] =	ssyncset.done @!p0 $0x0  }
0xa6: {  	[sflag:s6] =	ssyncadd.s32 @!p0 $0xFFFFD800  }
0xa7: {  	v1 =	vld [tilespmem:$0x100]  }
0xa8: {  	v2 =	vld [tilespmem:$0x110]  }
0xa9: {  	v3 =	vld [tilespmem:$0x120]  }
0xaa: {  	v54 =	vld [tilespmem:$0x130]  }
0xab: {  	v55 =	vld [tilespmem:$0x140]  }
0xac: {  	v1 =	vand.u32 $0x3FFF, v1  }
0xad: {  	[tilespmem:$0x500] =	vst v1;
	v1 =	vand.u32 $0x3FFF, v2  }
0xae: {  	[tilespmem:$0x510] =	vst v1;
	v1 =	vand.u32 $0x3FFF, v3  }
0xaf: {  	[tilespmem:$0x520] =	vst v1;
	v1 =	vand.u32 $0x3FFF, v54  }
0xb0: {  	[tilespmem:$0x530] =	vst v1;
	v1 =	vand.u32 $0x3FFF, v55  }
0xb1: {  	[tilespmem:$0x540] =	vst v1  }
0xb2: {  	[tilespmem:s9], [sflag:$0x3] =	stream.indirect.gather [hbm4b:s1+s28], $0x80, s7, s28, $0xb8;
	[tilespmem:$0x1B680] =	vst v63  }
0xb3: {  	_ =	swait.ge [sflag:s10], $0x2800  }
0xb4: {  	[sflag:s10] =	ssyncset.done $0x0  }
0xb5: {  	s8 =	sshrl.u32 s18, $0x3;
	[sflag:s10] =	ssyncadd.s32 $0xFFFFD800  }
0xb6: {  	[spmem:s2] =	stream.indirect.scatter.add.f32 [tilespmem:s24], [sflag:$0x7], $0x80, s11, s28, $0xb8;
	[tilespmem:$0x1B680] =	vst v63  }
0xb7: {  	s6 =	sadd.s32 s5, s8  }
0xb8: {  	[tilespmem:s4], [sflag:$0x4] =	stream.linear.gather [hbm4b:s6+s4], $0x50, $0x38;
	[tilespmem:$0x1B680] =	vst v63  }
0xb9: {  	_ =	swait.ge [sflag:s26], $0x50  }
0xba: {  	[sflag:s26] =	ssyncset.done $0x0  }
0xbb: {  	[sflag:s26] =	ssyncadd.s32 $0xFFFFFFB0  }
0xbc: {  	v1 =	vld [tilespmem:$0x0]  }
0xbd: {  	v2 =	vld [tilespmem:$0x10]  }
0xbe: {  	v3 =	vld [tilespmem:$0x20]  }
0xbf: {  	v56 =	vld [tilespmem:$0x30]  }
0xc0: {  	v57 =	vld [tilespmem:$0x40]  }
0xc1: {  	v1 =	vshrl.u32 v1, $0xE  }
0xc2: {  	[tilespmem:$0x200] =	vst v1;
	v1 =	vshrl.u32 v2, $0xE  }
0xc3: {  	[tilespmem:$0x210] =	vst v1;
	v1 =	vshrl.u32 v3, $0xE  }
0xc4: {  	[tilespmem:$0x220] =	vst v1;
	v1 =	vshrl.u32 v56, $0xE  }
0xc5: {  	[tilespmem:$0x230] =	vst v1;
	v1 =	vshrl.u32 v57, $0xE  }
0xc6: {  	[tilespmem:$0x240] =	vst v1  }
0xc7: {  	_ =	swait.ge [sflag:s12], $0x2800  }
0xc8: {  	[sflag:s12] =	ssyncset.done $0x0  }
0xc9: {  	[sflag:s12] =	ssyncadd.s32 $0xFFFFD800  }
0xca: {  	v1 =	vld [tilespmem:$0x0]  }
0xcb: {  	v2 =	vld [tilespmem:$0x10]  }
0xcc: {  	v3 =	vld [tilespmem:$0x20]  }
0xcd: {  	v58 =	vld [tilespmem:$0x30]  }
0xce: {  	v59 =	vld [tilespmem:$0x40]  }
0xcf: {  	v1 =	vand.u32 $0x3FFF, v1  }
0xd0: {  	[tilespmem:$0x400] =	vst v1;
	v1 =	vand.u32 $0x3FFF, v2  }
0xd1: {  	[tilespmem:$0x410] =	vst v1;
	v1 =	vand.u32 $0x3FFF, v3  }
0xd2: {  	[tilespmem:$0x420] =	vst v1;
	v1 =	vand.u32 $0x3FFF, v58  }
0xd3: {  	[tilespmem:$0x430] =	vst v1;
	v1 =	vand.u32 $0x3FFF, v59  }
0xd4: {  	[tilespmem:$0x440] =	vst v1  }
0xd5: {  	[tilespmem:s24], [sflag:$0x1] =	stream.indirect.gather [hbm4b:s1+s28], $0x80, s29, s28, $0xb8;
	[tilespmem:$0x1B680] =	vst v63  }
0xd6: {  	_ =	swait.ge [sflag:s13], $0x2800  }
0xd7: {  	[sflag:s13] =	ssyncset.done $0x0  }
0xd8: {  	[sflag:s13] =	ssyncadd.s32 $0xFFFFD800  }
0xd9: {  	[spmem:s2] =	stream.indirect.scatter.add.f32 [tilespmem:s0], [sflag:$0x8], $0x80, s14, s28, $0xb8;
	[tilespmem:$0x1B680] =	vst v63  }
0xda: {  	s8 =	sadd.s32 s21, s20  }
0xdb: {  	[tilespmem:s22], [sflag:$0x5] =	stream.linear.gather [hbm4b:s8+s4], $0x50, $0x38;
	[tilespmem:$0x1B680] =	vst v63  }
0xdc: {  	_ =	swait.ge [sflag:s30], $0x50  }
0xdd: {  	[sflag:s30] =	ssyncset.done $0x0  }
0xde: {  	[sflag:s30] =	ssyncadd.s32 $0xFFFFFFB0  }
0xdf: {  	v1 =	vld [tilespmem:$0x80]  }
0xe0: {  	v2 =	vld [tilespmem:$0x90]  }
0xe1: {  	v3 =	vld [tilespmem:$0xA0]  }
0xe2: {  	v60 =	vld [tilespmem:$0xB0]  }
0xe3: {  	v61 =	vld [tilespmem:$0xC0]  }
0xe4: {  	v1 =	vshrl.u32 v1, $0xE  }
0xe5: {  	[tilespmem:$0x280] =	vst v1;
	v1 =	vshrl.u32 v2, $0xE  }
0xe6: {  	[tilespmem:$0x290] =	vst v1;
	v1 =	vshrl.u32 v3, $0xE  }
0xe7: {  	[tilespmem:$0x2A0] =	vst v1;
	v1 =	vshrl.u32 v60, $0xE  }
0xe8: {  	[tilespmem:$0x2B0] =	vst v1;
	v1 =	vshrl.u32 v61, $0xE  }
0xe9: {  	[tilespmem:$0x2C0] =	vst v1  }
0xea: {  	_ =	swait.ge [sflag:s15], $0x2800  }
0xeb: {  	[sflag:s15] =	ssyncset.done $0x0  }
0xec: {  	[sflag:s15] =	ssyncadd.s32 $0xFFFFD800  }
0xed: {  	v1 =	vld [tilespmem:$0x80]  }
0xee: {  	v2 =	vld [tilespmem:$0x90]  }
0xef: {  	v3 =	vld [tilespmem:$0xA0]  }
0xf0: {  	v62 =	vld [tilespmem:$0xB0]  }
0xf1: {  	v63 =	vld [tilespmem:$0xC0]  }
0xf2: {  	v1 =	vand.u32 $0x3FFF, v1  }
0xf3: {  	[tilespmem:$0x480] =	vst v1;
	v1 =	vand.u32 $0x3FFF, v2  }
0xf4: {  	[tilespmem:$0x490] =	vst v1;
	v1 =	vand.u32 $0x3FFF, v3  }
0xf5: {  	[tilespmem:$0x4A0] =	vst v1;
	v1 =	vand.u32 $0x3FFF, v62  }
0xf6: {  	[tilespmem:$0x4B0] =	vst v1;
	v1 =	vand.u32 $0x3FFF, v63  }
0xf7: {  	p0 =	seq.s32 s21, $0x4B0;
	[tilespmem:$0x4C0] =	vst v1  }
0xf8: {  	[tilespmem:s0], [sflag:$0x2] =	stream.indirect.gather [hbm4b:s1+s28], $0x80, s31, s28, $0xb8;
	[tilespmem:$0x1B680] =	vst v63  }
.Ltmp3:
0xf9: {  	_ = 	snop;
	(pc) =	sbr.rel @p0 .LBB2_6-.Ltmp3, $4  }
0xfa: {  	_ =	swait.ge [sflag:s16], $0x2800  }
0xfb: {  	[sflag:s16] =	ssyncset.done $0x0  }
0xfc: {  	[sflag:s16] =	ssyncadd.s32 $0xFFFFD800  }
0xfd: {  	[spmem:s2] =	stream.indirect.scatter.add.f32 [tilespmem:s9], [sflag:$0x9], $0x80, s17, s28, $0xb8;
	[tilespmem:$0x1B680] =	vst v63  }
.Ltmp4:
0xfe: {  	(pc) =	sbr.rel .LBB2_4-.Ltmp4, $3  }
0xff: {  	_ =	sdelay $0x1  }
0x100: {  	s6 =	sadd.s32 s21, s19;
	s21 =	sadd.s32 $0x1E, s21;
	s18 =	sadd.s32 $0xF0, s18  }
0x101: {  	[tilespmem:s23], [sflag:$0x6] =	stream.linear.gather [hbm4b:s6+s4], $0x50, $0x38;
	[tilespmem:$0x1B680] =	vst v63  }
.LBB2_7:
0x102: {  	_ =	sfence.sel $0x180000  }
0x103: {  	[bflag:$0x0] =	sbarrier.arrive $0xFFFF  }
0x104: {  	_ =	strace $0x9000004A  }
0x105: {  	s0 =	stileid.u32;
	[bflag:$0x2] =	sbarrier.arrive $0xFFFF  }
0x106: {  	p0 =	sne.s32 s0, $0x0;
	s0 =	rddreg [dreg:$0x3]  }
0x107: {  	s0 =	sadd.s32 @!p0 $0x100000, s0  }
0x108: {  	[sflag:s0] =	ssyncadd.tile.s32 @!p0 $0x1;
	_ =	shalt  }
.Lfunc_end2:
_tile_overlayer_lowered:
.L_overlay_start_2:
0x109: {  	(tag) =	ssettag $0x2  }
0x10a: {  	s0 =	rddreg [dreg:$0x0];
	s2 =	stileid.u32  }
0x10b: {  	s1 =	rddreg [dreg:$0x1];
	p0 =	sne.s32 s2, $0x0  }
0x10c: {  	s3 =	rddreg [dreg:$0x2];
	[bflag:$0x3] =	sbarrier.arrive $0xFFFF;
	s2 =	simm.s32 @!p0 $0x1C0A  }
0x10d: {  	[timem:s3], [sflag:s2] =	dma.local @!p0 [hbm:s0], s1  }
0x10e: {  	s0 =	simm.s32 @!p0 $0xA  }
0x10f: {  	_ =	swait.ge @!p0 [sflag:s0], s1  }
0x110: {  	s1 =	ssub.s32 @!p0 $0x0, s1;
	[sflag:s0] =	ssyncset.done @!p0 $0x0  }
0x111: {  	[sflag:s0] =	ssyncadd.s32 @!p0 s1  }
0x112: {  	[bflag:$0x3] =	sbarrier.arrive $0xFFFF  }
0x113: {  	_ =	shalt  }

// kernel: kernel.16.cloned.1.call-start
scs
__scs_entry_jumppad:
0x0: {  	(pc) =	sbr.rel $0x88, $3  }
0x1: {  	(tag) =	ssettag $0x0;
	lr =	simm.s32 $0x1  }
0x2: {  	[smem:$0x3F99] =	sst lr;
	_ =	strace $0xD0000000  }
0x3: {  	_ = 	snop  }
0x4: {  	_ = 	snop  }
0x5: {  	_ = 	snop  }
0x6: {  	_ = 	snop  }
0x7: {  	_ = 	snop  }
__scs_overlays_trampoline_lowered:
0x8: {  	[smem:$0x3FA8] =	sst s0  }
0x9: {  	[smem:$0x3FA9] =	sst s1  }
0xa: {  	[smem:$0x3FAA] =	sst s2  }
0xb: {  	[smem:$0x3FAB] =	sst s3  }
0xc: {  	[smem:$0x3FAC] =	sst s4  }
0xd: {  	[smem:$0x3FAD] =	sst s5  }
0xe: {  	[smem:$0x3FAE] =	sst s6  }
0xf: {  	[smem:$0x3FAF] =	sst s7  }
0x10: {  	[smem:$0x3FB0] =	sst s8  }
0x11: {  	[smem:$0x3FB1] =	sst s9;
	s0 =	simm.s32 @!p0 $0x0  }
0x12: {  	s1 =	sld [smem:$0x3F97];
	s0 =	simm.s32 @p0 $0x1  }
0x13: {  	[smem:$0x3FB2] =	sst s0;
	s0 =	simm.s32 @!p1 $0x0  }
0x14: {  	s2 =	sld [smem:$0x3F96];
	s0 =	simm.s32 @p1 $0x1  }
0x15: {  	[smem:$0x3FB3] =	sst s0;
	s0 =	simm.s32 @!p2 $0x0  }
0x16: {  	s3 =	sld [smem:$0x3FDB];
	s0 =	simm.s32 @p2 $0x1  }
0x17: {  	s4 =	simm.s32 $0x1BF5;
	[smem:$0x3FB5] =	sst s0  }
0x18: {  	s0 =	sld [smem:$0x3F98];
	_ =	swait.ge [sflag:s4], $0x0  }
0x19: {  	s7 =	sld [smem:$0x3F99]  }
0x1a: {  	s8 =	sadd.s32 $0xFFFFE003, lr  }
0x1b: {  	s9 =	sadd.s32 $0xFFFFFEF7, lr;
	s5 =	simm.s32 $0xFFFFFFFF;
	p2 =	slt.u32 s8, $0xFFFFF086  }
0x1c: {  	p1 =	slt.u32 s9, $0xF7A;
	s5 =	simm.s32 @!p2 $0x0  }
0x1d: {  	s5 =	simm.s32 @p1 $0x1;
	p0 =	seq.s32 s7, s2  }
0x1e: {  	s7 =	smul.u32 @!p0 $0xF7A, s2;
	p2 =	seq.s32 @!p0 s5, $0x0  }
0x1f: {  	s9 =	smul.u32 $0xF7A, s1;
	s8 =	simm.s32 @!p0 $0x1BF5;
	p2 =	por !p2, p0  }
0x20: {  	[sflag:s8] =	ssyncset.s32 @!p0 $0xFFFFF086;
	s6 =	sadd.s32 @!p0 s3, s7;
	s7 =	simm.s32 @!p0 $0x108  }
0x21: {  	s3 =	sadd.s32 s3, s9;
	s6 =	sadd.s32 @!p0 $0x88, s6;
	s7 =	simm.s32 @p2 $0x1082  }
0x22: {  	[simem:s7], [sflag:s8] =	dma.local @!p0 [hbm:s6], $0xF7A  }
0x23: {  	s9 =	sor.u32 $0xD0000000, s2;
	s6 =	simm.s32 $0x108;
	_ =	swait.ge @!p0 [sflag:s8], $0x0  }
0x24: {  	s3 =	sadd.s32 $0x88, s3;
	s6 =	simm.s32 @!p1 $0x1082;
	[sflag:s4] =	ssyncset.s32 $0xFFFFF086  }
0x25: {  	[simem:s6], [sflag:s4] =	dma.local [hbm:s3], $0xF7A  }
0x26: {  	[smem:$0x3F99] =	sst s1;
	(tag) =	ssettag s2;
	_ =	strace s9  }
0x27: {  	s1 =	sld [smem:$0x3FA9]  }
0x28: {  	s2 =	sld [smem:$0x3FAA]  }
0x29: {  	s4 =	sld [smem:$0x3FAC]  }
0x2a: {  	p0 =	seq.s32 s5, $0x0;
	s5 =	sld [smem:$0x3FAD]  }
0x2b: {  	s6 =	sld [smem:$0x3FAE]  }
0x2c: {  	s7 =	sld [smem:$0x3FAF]  }
0x2d: {  	s3 =	simm.s32 $0x108;
	s8 =	sld [smem:$0x3FB0]  }
0x2e: {  	s3 =	simm.s32 @!p0 $0x1082;
	s9 =	sld [smem:$0x3FB1]  }
0x2f: {  	lr =	sadd.s32 s0, s3;
	s0 =	sld [smem:$0x3FA8]  }
0x30: {  	s3 =	sld [smem:$0x3FAB]  }
0x31: {  	[smem:$0x3FB4] =	sst s10  }
0x32: {  	s10 =	sld [smem:$0x3FB2];
	_ =	sdelay $0x3  }
0x33: {  	p0 =	seq.s32 s10, $0x1;
	s10 =	sld [smem:$0x3FB4];
	_ =	sdelay $0x3  }
0x34: {  	[smem:$0x3FB4] =	sst s10  }
0x35: {  	s10 =	sld [smem:$0x3FB3];
	_ =	sdelay $0x3  }
0x36: {  	p1 =	seq.s32 s10, $0x1;
	s10 =	sld [smem:$0x3FB4];
	_ =	sdelay $0x3  }
0x37: {  	[smem:$0x3FB4] =	sst s10  }
0x38: {  	s10 =	sld [smem:$0x3FB5]  }
0x39: {  	_ = 	snop;
	(pc) =	sbr.ind lr, $3  }
0x3a: {  	_ = 	snop  }
0x3b: {  	_ = 	snop  }
0x3c: {  	p2 =	seq.s32 s10, $0x1;
	s10 =	sld [smem:$0x3FB4]  }
0x3d: {  	_ =	shalt  }
0x3e: {  	_ =	shalt  }
0x3f: {  	_ =	shalt  }
0x40: {  	_ =	shalt  }
0x41: {  	_ =	shalt  }
0x42: {  	_ =	shalt  }
0x43: {  	_ =	shalt  }
0x44: {  	_ =	shalt  }
0x45: {  	_ =	shalt  }
0x46: {  	_ =	shalt  }
0x47: {  	_ =	shalt  }
0x48: {  	_ =	shalt  }
0x49: {  	_ =	shalt  }
0x4a: {  	_ =	shalt  }
0x4b: {  	_ =	shalt  }
0x4c: {  	_ =	shalt  }
0x4d: {  	_ =	shalt  }
0x4e: {  	_ =	shalt  }
0x4f: {  	_ =	shalt  }
0x50: {  	_ =	shalt  }
0x51: {  	_ =	shalt  }
0x52: {  	_ =	shalt  }
0x53: {  	_ =	shalt  }
0x54: {  	_ =	shalt  }
0x55: {  	_ =	shalt  }
0x56: {  	_ =	shalt  }
0x57: {  	_ =	shalt  }
0x58: {  	_ =	shalt  }
0x59: {  	_ =	shalt  }
0x5a: {  	_ =	shalt  }
0x5b: {  	_ =	shalt  }
0x5c: {  	_ =	shalt  }
0x5d: {  	_ =	shalt  }
0x5e: {  	_ =	shalt  }
0x5f: {  	_ =	shalt  }
0x60: {  	_ =	shalt  }
0x61: {  	_ =	shalt  }
0x62: {  	_ =	shalt  }
0x63: {  	_ =	shalt  }
0x64: {  	_ =	shalt  }
0x65: {  	_ =	shalt  }
0x66: {  	_ =	shalt  }
0x67: {  	_ =	shalt  }
0x68: {  	_ =	shalt  }
0x69: {  	_ =	shalt  }
0x6a: {  	_ =	shalt  }
0x6b: {  	_ =	shalt  }
0x6c: {  	_ =	shalt  }
0x6d: {  	_ =	shalt  }
0x6e: {  	_ =	shalt  }
0x6f: {  	_ =	shalt  }
0x70: {  	_ =	shalt  }
0x71: {  	_ =	shalt  }
0x72: {  	_ =	shalt  }
0x73: {  	_ =	shalt  }
0x74: {  	_ =	shalt  }
0x75: {  	_ =	shalt  }
0x76: {  	_ =	shalt  }
0x77: {  	_ =	shalt  }
0x78: {  	_ =	shalt  }
0x79: {  	_ =	shalt  }
0x7a: {  	_ =	shalt  }
0x7b: {  	_ =	shalt  }
0x7c: {  	_ =	shalt  }
0x7d: {  	_ =	shalt  }
0x7e: {  	_ =	shalt  }
0x7f: {  	_ =	shalt  }
0x80: {  	_ =	shalt  }
0x81: {  	_ =	shalt  }
0x82: {  	_ =	shalt  }
0x83: {  	_ =	shalt  }
0x84: {  	_ =	shalt  }
0x85: {  	_ =	shalt  }
0x86: {  	_ =	shalt  }
0x87: {  	_ =	shalt  }
.Lfunc_end0:
.L_simem_size_0:
called_computation.2_lowered:
.L_overlay_start_0:
0x88: {  	s2 =	sld [smem:$0x3FD9]  }
0x89: {  	s3 =	sld [smem:$0x3FFE];
	_ =	sdelay $0x1  }
0x8a: {  	s1 =	srdreg.scid  }
0x8b: {  	s0 =	sand.u32 $0x1, s1  }
0x8c: {  	s17 =	sshll.u32 s0, $0xA;
	s2 =	sadd.s32 s3, s2  }
0x8d: {  	s2 =	sadd.s32 s2, s17  }
0x8e: {  	[smem:$0x3FC0] =	sst s2  }
0x8f: {  	_ = 	snop  }
0x90: {  	s2 =	sld [smem:$0x3FD0];
	(tm) =	ssettm $0x1  }
0x91: {  	s18 =	sld [smem:$0x3FFB];
	_ =	sdelay $0x3  }
0x92: {  	_ =	strace s18  }
0x93: {  	s3 =	sld [smem:$0x3FFC];
	_ =	sdelay $0x3  }
0x94: {  	_ =	strace s3  }
0x95: {  	s3 =	sld [smem:$0x3FFD];
	_ =	sdelay $0x3  }
0x96: {  	_ =	strace s3  }
0x97: {  	_ =	strace $0x8FFFFFFF  }
0x98: {  	s19 =	sld [smem:$0x3FDB];
	_ =	sdelay $0x1  }
0x99: {  	s4 =	simm.s32 $_scs_section_size  }
0x9a: {  	s5 =	simm.s32 $_size__tile_overlayer_lowered;
	s6 =	simm.s32 $_tile_overlayer_lowered  }
0x9b: {  	s22 =	simm.s32 $0x1BFF;
	s21 =	sshll.u32 s6, $0x1;
	s3 =	sadd.s32 s4, s19  }
0x9c: {  	s7 =	simm.s32 $0x0;
	s20 =	sshll.u32 s5, $0x1;
	s5 =	sadd.s32 s21, s3  }
0x9d: {  	[timem:s7], [sflag:s22] =	dma.local [hbm:s5], s20  }
0x9e: {  	_ =	swait.ge [sflag:s22], s20  }
0x9f: {  	s4 =	ssub.s32 $0x0, s20;
	[sflag:s22] =	ssyncset.done $0x0  }
0xa0: {  	[sflag:s22] =	ssyncadd.s32 s4;
	_ =	sdelay $0x1  }
0xa1: {  	s23 =	simm.s32 $0x1B8B  }
0xa2: {  	_ =	swait.ge [sflag:s23], $0x1  }
0xa3: {  	[sflag:s23] =	ssyncset.done $0x0  }
0xa4: {  	s25 =	simm.s32 $0x1B8E;
	s24 =	sld [smem:$0x3FFE];
	[sflag:s23] =	ssyncadd.s32 $0xFFFFFFFF  }
0xa5: {  	s26 =	simm.s32 $execute0_lowered;
	[smem:$0x3FD2] =	sst s25  }
0xa6: {  	s5 =	sshll.u32 s26, $0x1;
	_ =	strace $0x8000004C;
	[dreg:$0x1] =	wrdreg $0xFFFFFFFF  }
0xa7: {  	s28 =	simm.s32 $_size_execute0_lowered;
	s3 =	sadd.s32 s3, s5;
	[dreg:$0x0] =	wrdreg $0x0  }
0xa8: {  	s5 =	sshll.u32 s28, $0x1;
	[dreg:$0x2] =	wrdreg s3  }
0xa9: {  	[dreg:$0x3] =	wrdreg s5  }
0xaa: {  	[dreg:$0x4] =	wrdreg $0xC0  }
0xab: {  	_ =	task [dreg:s7], $0x5FFFF  }
0xac: {  	[dreg:$0x1] =	wrdreg $0xFFFFFFFF  }
0xad: {  	[dreg:$0x0] =	wrdreg $0x60  }
0xae: {  	[dreg:$0x2] =	wrdreg s2  }
0xaf: {  	[dreg:$0x3] =	wrdreg s24  }
0xb0: {  	[dreg:$0x4] =	wrdreg $0x7E000  }
0xb1: {  	[dreg:$0x5] =	wrdreg $0x9  }
0xb2: {  	_ =	task.clear_ibuf [dreg:s7], $0x6FFFF;
	_ =	strace $0x9000004C  }
0xb3: {  	s29 =	simm.s32 $0x9;
	_ =	strace $0x8000004E  }
0xb4: {  	_ =	swait.ge [sflag:s29], $0x1  }
0xb5: {  	[sflag:s29] =	ssyncadd.s32 $0xFFFFFFFF  }
0xb6: {  	_ =	strace $0x9000004E  }
0xb7: {  	_ =	sfence  }
0xb8: {  	s30 =	sld [smem:$0x0];
	_ =	sdelay $0x2  }
0xb9: {  	s31 =	sshll.u32 s1, $0xD;
	s1 =	sshrl.u32 s1, $0x2  }
0xba: {  	s3 =	sand.u32 $0x4000, s31;
	s1 =	sadd.s32 s1, s30  }
0xbb: {  	s0 =	sor.u32 s3, s0;
	s1 =	sshll.u32 s1, $0x11  }
0xbc: {  	s0 =	sor.u32 s1, s0  }
0xbd: {  	s0 =	sadd.s32 $0x8F2B, s0  }
0xbe: {  	[sflag:s0] =	ssyncadd.remote.s32 $0x1  }
0xbf: {  	_ =	sfence.sel $0xFFFF  }
0xc0: {  	[dreg:$0x0] =	wrdreg $0xFFFFFFFF;
	(pc) =	sbr.abs _section_cstart, $3  }
0xc1: {  	[dreg:$0x1] =	wrdreg $0xFFFFFFFF  }
0xc2: {  	_ =	task.clear_ibuf [dreg:s7], $0x2FFFF;
	_ =	strace $0x9FFFFFFF  }
0xc3: {  	(tm) =	ssettm $0x7FFFFFFF  }
tec
execute0_lowered:
.L_overlay_start_1:
0x0: {  	(tag) =	ssettag $0x1  }
0x1: {  	s1 =	rddreg [dreg:$0x0]  }
0x2: {  	s0 =	rddreg [dreg:$0x1]  }
0x3: {  	s2 =	rddreg [dreg:$0x2]  }
0x4: {  	s3 =	srdreg.scid;
	s4 =	simm.s32 $0x0;
	s10 =	stileid.u32  }
0x5: {  	s28 =	simm.s32 $0x50;
	s29 =	simm.s32 $0x200;
	s7 =	smul.u32 $0x13C00, s10  }
0x6: {  	s30 =	simm.s32 $0x5;
	s31 =	simm.s32 $0x280;
	s9 =	smul.u32 $0x4E200, s10  }
0x7: {  	s3 =	sand.u32 $0x1, s3;
	[smem:$0x7FF] =	sst s4;
	s15 =	smul.u32 $0x2710, s10  }
0x8: {  	s6 =	smul.u32 $0x13C000, s3;
	s5 =	sshll.u32 s3, $0x4;
	_ =	strace $0x8000004D  }
0x9: {  	s23 =	ssub.s32 $0x2, s3;
	s3 =	smul.u32 $0x27100, s3;
	s8 =	sor.u32 s10, s5  }
0xa: {  	s5 =	sadd.s32 $0xD600, s0;
	s24 =	sshrl.u32 s23, $0x1;
	s26 =	sshrl.u32 s9, $0x2  }
0xb: {  	s9 =	simm.s32 $0x5600;
	s10 =	simm.s32 $0x1;
	s6 =	sadd.s32 s7, s6  }
0xc: {  	s22 =	smul.u32 $0x2710, s8;
	s12 =	sadd.s32 s26, s2;
	s3 =	sadd.s32 s15, s3  }
0xd: {  	s15 =	simm.s32 $0x8;
	s14 =	sadd.s32 $0x2800, s12;
	[dreg:$0x6] =	wrdreg s12  }
0xe: {  	s8 =	simm.s32 $0x0;
	s16 =	sadd.s32 $0x5000, s12;
	[dreg:$0x8] =	wrdreg s14  }
0xf: {  	s6 =	sshrl.u32 s6, $0x3;
	s17 =	sadd.s32 $0x7800, s12;
	[dreg:$0x9] =	wrdreg s16  }
0x10: {  	s18 =	sadd.s32 $0xA000, s12;
	s19 =	sadd.s32 $0xC800, s12;
	[dreg:$0xa] =	wrdreg s17  }
0x11: {  	s20 =	sadd.s32 $0xF000, s12;
	s21 =	sadd.s32 $0x11800, s12;
	[dreg:$0xb] =	wrdreg s18  }
0x12: {  	s26 =	sadd.s32 $0xF0, s3;
	s12 =	simm.s32 $0x7;
	[dreg:$0xc] =	wrdreg s19  }
0x13: {  	s0 =	sadd.s32 s6, s0;
	s7 =	sshrl.u32 s22, $0x3;
	[dreg:$0xd] =	wrdreg s20  }
0x14: {  	s6 =	ssub.s32 s23, s24;
	[dreg:$0xe] =	wrdreg s21;
	s22 =	sadd.s32 $0x190, s3  }
0x15: {  	s23 =	sadd.s32 $0x140, s3;
	[dreg:$0x11] =	wrdreg s26;
	s26 =	simm.s32 $0x4  }
0x16: {  	s3 =	simm.s32 $0x6;
	s14 =	simm.s32 $0x480;
	s16 =	simm.s32 $0x3  }
0x17: {  	s17 =	simm.s32 $0x500;
	s25 =	sadd.s32 s5, s7;
	s0 =	sadd.s32 $0x17400, s0  }
0x18: {  	s24 =	sshrl.u32 s22, $0x3;
	s6 =	smax.u32 s6, $0x1;
	s22 =	simm.s32 $0x80  }
0x19: {  	s7 =	simm.s32 $0x300;
	s11 =	sadd.s32 $0xA, s25;
	[dreg:$0x4] =	wrdreg s25  }
.Ltmp0:
0x1a: {  	s13 =	sadd.s32 $0x14, s25;
	[dreg:$0xf] =	wrdreg s0;
	(pc) =	sbr.rel .LBB2_1-.Ltmp0, $4  }
0x1b: {  	s25 =	sshrl.u32 s23, $0x3;
	[dreg:$0x10] =	wrdreg s6;
	s19 =	sadd.s32 s24, s5  }
0x1c: {  	s23 =	simm.s32 $0x100;
	s24 =	simm.s32 $0x600;
	[dreg:$0x5] =	wrdreg s11  }
0x1d: {  	s0 =	simm.s32 $0x2E00;
	[dreg:$0x7] =	wrdreg s13;
	s20 =	sadd.s32 s25, s5  }
0x1e: {  	v0 =	vimm.f32 $0.0e+00;
	s25 =	simm.s32 $0xA;
	s11 =	simm.s32 $0x400;
	s13 =	simm.s32 $0x2  }
.LBB2_6:
0x1f: {  	_ =	swait.ge [sflag:s10], $0x2800  }
0x20: {  	[sflag:s10] =	ssyncset.done $0x0  }
0x21: {  	[sflag:s10] =	ssyncadd.s32 $0xFFFFD800  }
0x22: {  	[spmem:s2] =	stream.indirect.scatter.add.f32 [tilespmem:s24], [sflag:$0x7], $0x80, s11, s28, $0xb8;
	[tilespmem:$0x1B680] =	vst v63  }
0x23: {  	_ =	swait.ge [sflag:s13], $0x2800  }
0x24: {  	[sflag:s13] =	ssyncset.done $0x0  }
0x25: {  	[sflag:s13] =	ssyncadd.s32 $0xFFFFD800  }
0x26: {  	[spmem:s2] =	stream.indirect.scatter.add.f32 [tilespmem:s0], [sflag:$0x8], $0x80, s14, s28, $0xb8;
	[tilespmem:$0x1B680] =	vst v63  }
0x27: {  	_ =	swait.ge [sflag:s12], $0x2800  }
0x28: {  	[sflag:s12] =	ssyncset.done $0x0  }
0x29: {  	[sflag:s12] =	ssyncadd.s32 $0xFFFFD800  }
0x2a: {  	_ =	swait.ge [sflag:s15], $0x2800  }
0x2b: {  	[sflag:s15] =	ssyncset.done $0x0  }
0x2c: {  	s6 =	simm.s32 $0x9;
	[sflag:s15] =	ssyncadd.s32 $0xFFFFD800  }
0x2d: {  	_ =	swait.ge [sflag:s6], $0x2800  }
0x2e: {  	[sflag:s6] =	ssyncset.done $0x0  }
0x2f: {  	[sflag:s6] =	ssyncadd.s32 $0xFFFFD800  }
0x30: {  	s8 =	stileid.u32;
	[bflag:$0x0] =	sbarrier.arrive $0xFFFF  }
0x31: {  	s6 =	sshll.u32 s8, $0x6;
	s8 =	rddreg [dreg:$0x6]  }
0x32: {  	s6 =	sor.u32 $0x1C0A, s6;
	s18 =	rddreg [dreg:$0xf];
	s8 =	sshrl.u32 s8, $0x3  }
0x33: {  	[hbm:s18], [sflag:s6] =	dma.local [spmem:s8], $0x2710  }
0x34: {  	_ =	swait.ge [sflag:s25], $0x2710  }
0x35: {  	s18 =	rddreg [dreg:$0x12]  }
0x36: {  	s21 =	rddreg [dreg:$0x10];
	s8 =	sadd.s32 $0x1, s18  }
0x37: {  	p0 =	sne.s32 s8, s21  }
.Ltmp1:
0x38: {  	_ = 	snop;
	(pc) =	sbr.rel @!p0 .LBB2_7-.Ltmp1, $3  }
0x39: {  	_ =	sdelay $0x1  }
0x3a: {  	[sflag:s25] =	ssyncset.done $0x0  }
0x3b: {  	[sflag:s25] =	ssyncadd.s32 $0xFFFFD8F0  }
.LBB2_1:
0x3c: {  	[dreg:$0x12] =	wrdreg s8  }
0x3d: {  	s6 =	rddreg [dreg:$0x4]  }
0x3e: {  	[tilespmem:s4], [sflag:$0x4] =	stream.linear.gather [hbm4b:s6+s4], $0x50, $0x38;
	[tilespmem:$0x1B680] =	vst v63  }
0x3f: {  	s21 =	rddreg [dreg:$0x5]  }
0x40: {  	[tilespmem:s22], [sflag:$0x5] =	stream.linear.gather [hbm4b:s21+s4], $0x50, $0x38;
	[tilespmem:$0x1B680] =	vst v63  }
0x41: {  	s8 =	rddreg [dreg:$0x7];
	s18 =	sand.u32 $0xFE00, s4  }
0x42: {  	[tilespmem:s23], [sflag:$0x6] =	stream.linear.gather [hbm4b:s8+s4], $0x50, $0x38;
	[tilespmem:$0x1B680] =	vst v63  }
0x43: {  	s21 =	sand.u32 $0x70, s4;
	s8 =	sshrl.u32 s18, $0x2  }
0x44: {  	s18 =	simm.s32 $0x40;
	s8 =	sor.u32 s21, s8;
	s21 =	simm.s32 $0x0  }
.LBB2_2:
0x45: {  	p0 =	sne.s32 s18, $0x9FC0  }
0x46: {  	[tilespmem:s8+$0x600] =	vst v0;
	s21 =	sadd.s32 $0x10, s21;
	s8 =	smov.u32 s18;
	s18 =	sadd.s32 $0x40, s18  }
.Ltmp2:
0x47: {  	(pc) =	sbr.rel @p0 .LBB2_2-.Ltmp2, $4  }
0x48: {  	_ = 	snop  }
0x49: {  	s8 =	sand.u32 $0xFE00, s8  }
0x4a: {  	s6 =	sand.u32 $0x70, s21;
	s8 =	sshrl.u32 s8, $0x2  }
0x4b: {  	s8 =	sor.u32 s6, s8  }
0x4c: {  	[tilespmem:s8+$0x600] =	vst v0;
	s6 =	rddreg [dreg:$0x6]  }
0x4d: {  	[spmem:s6] =	stream.linear.scatter [tilespmem:s24], [sflag:$0xA], $0x2800, $0x38;
	[tilespmem:$0x1B680] =	vst v63  }
0x4e: {  	_ =	swait.ge [sflag:s25], $0x2800  }
0x4f: {  	[sflag:s25] =	ssyncset.done $0x0  }
0x50: {  	s21 =	rddreg [dreg:$0x8];
	[sflag:s25] =	ssyncadd.s32 $0xFFFFD800  }
0x51: {  	[spmem:s21] =	stream.linear.scatter [tilespmem:s24], [sflag:$0xA], $0x2800, $0x38;
	[tilespmem:$0x1B680] =	vst v63  }
0x52: {  	_ =	swait.ge [sflag:s25], $0x2800  }
0x53: {  	[sflag:s25] =	ssyncset.done $0x0  }
0x54: {  	s8 =	rddreg [dreg:$0x9];
	[sflag:s25] =	ssyncadd.s32 $0xFFFFD800  }
0x55: {  	[spmem:s8] =	stream.linear.scatter [tilespmem:s24], [sflag:$0xA], $0x2800, $0x38;
	[tilespmem:$0x1B680] =	vst v63  }
0x56: {  	_ =	swait.ge [sflag:s25], $0x2800  }
0x57: {  	[sflag:s25] =	ssyncset.done $0x0  }
0x58: {  	s18 =	rddreg [dreg:$0xa];
	[sflag:s25] =	ssyncadd.s32 $0xFFFFD800  }
0x59: {  	[spmem:s18] =	stream.linear.scatter [tilespmem:s24], [sflag:$0xA], $0x2800, $0x38;
	[tilespmem:$0x1B680] =	vst v63  }
0x5a: {  	_ =	swait.ge [sflag:s25], $0x2800  }
0x5b: {  	[sflag:s25] =	ssyncset.done $0x0  }
0x5c: {  	s21 =	rddreg [dreg:$0xb];
	[sflag:s25] =	ssyncadd.s32 $0xFFFFD800  }
0x5d: {  	[spmem:s21] =	stream.linear.scatter [tilespmem:s24], [sflag:$0xA], $0x2800, $0x38;
	[tilespmem:$0x1B680] =	vst v63  }
0x5e: {  	_ =	swait.ge [sflag:s25], $0x2800  }
0x5f: {  	[sflag:s25] =	ssyncset.done $0x0  }
0x60: {  	s8 =	rddreg [dreg:$0xc];
	[sflag:s25] =	ssyncadd.s32 $0xFFFFD800  }
0x61: {  	[spmem:s8] =	stream.linear.scatter [tilespmem:s24], [sflag:$0xA], $0x2800, $0x38;
	[tilespmem:$0x1B680] =	vst v63  }
0x62: {  	_ =	swait.ge [sflag:s25], $0x2800  }
0x63: {  	[sflag:s25] =	ssyncset.done $0x0  }
0x64: {  	s18 =	rddreg [dreg:$0xd];
	[sflag:s25] =	ssyncadd.s32 $0xFFFFD800  }
0x65: {  	[spmem:s18] =	stream.linear.scatter [tilespmem:s24], [sflag:$0xA], $0x2800, $0x38;
	[tilespmem:$0x1B680] =	vst v63  }
0x66: {  	_ =	swait.ge [sflag:s25], $0x2800  }
0x67: {  	[sflag:s25] =	ssyncset.done $0x0  }
0x68: {  	s21 =	rddreg [dreg:$0xe];
	[sflag:s25] =	ssyncadd.s32 $0xFFFFD800  }
0x69: {  	[spmem:s21] =	stream.linear.scatter [tilespmem:s24], [sflag:$0xA], $0x2080, $0x38;
	[tilespmem:$0x1B680] =	vst v63  }
0x6a: {  	_ =	swait.ge [sflag:s25], $0x2080  }
0x6b: {  	[sflag:s25] =	ssyncset.done $0x0  }
0x6c: {  	[sflag:s25] =	ssyncadd.s32 $0xFFFFDF80  }
0x6d: {  	[bflag:$0x0] =	sbarrier.arrive $0xFFFF  }
0x6e: {  	_ =	swait.ge [sflag:s26], $0x50  }
0x6f: {  	[sflag:s26] =	ssyncset.done $0x0  }
0x70: {  	[sflag:s26] =	ssyncadd.s32 $0xFFFFFFB0  }
0x71: {  	v1 =	vld [tilespmem:$0x0]  }
0x72: {  	v2 =	vld [tilespmem:$0x10]  }
0x73: {  	v3 =	vld [tilespmem:$0x20]  }
0x74: {  	v4 =	vld [tilespmem:$0x30]  }
0x75: {  	v5 =	vld [tilespmem:$0x40]  }
0x76: {  	v6 =	vld [tilespmem:$0x0];
	v1 =	vshrl.u32 v1, $0xE  }
0x77: {  	[tilespmem:$0x200] =	vst v1;
	v1 =	vshrl.u32 v2, $0xE;
	v2 =	vld [tilespmem:$0x10]  }
0x78: {  	[tilespmem:$0x210] =	vst v1;
	v1 =	vshrl.u32 v3, $0xE;
	v3 =	vld [tilespmem:$0x20]  }
0x79: {  	v57 =	vld [tilespmem:$0x30];
	[tilespmem:$0x220] =	vst v1;
	v1 =	vshrl.u32 v4, $0xE  }
0x7a: {  	v58 =	vld [tilespmem:$0x40];
	[tilespmem:$0x230] =	vst v1;
	v1 =	vshrl.u32 v5, $0xE  }
0x7b: {  	[tilespmem:$0x240] =	vst v1;
	v1 =	vand.u32 $0x3FFF, v6  }
0x7c: {  	[tilespmem:$0x400] =	vst v1;
	v1 =	vand.u32 $0x3FFF, v2  }
0x7d: {  	[tilespmem:$0x410] =	vst v1;
	v1 =	vand.u32 $0x3FFF, v3  }
0x7e: {  	[tilespmem:$0x420] =	vst v1;
	v1 =	vand.u32 $0x3FFF, v57  }
0x7f: {  	[tilespmem:$0x430] =	vst v1;
	v1 =	vand.u32 $0x3FFF, v58  }
0x80: {  	[tilespmem:$0x440] =	vst v1  }
0x81: {  	[tilespmem:s24], [sflag:$0x1] =	stream.indirect.gather [hbm4b:s1+s28], $0x80, s29, s28, $0xb8;
	[tilespmem:$0x1B680] =	vst v63  }
0x82: {  	_ =	swait.ge [sflag:s30], $0x50  }
0x83: {  	[sflag:s30] =	ssyncset.done $0x0  }
0x84: {  	[sflag:s30] =	ssyncadd.s32 $0xFFFFFFB0  }
0x85: {  	v1 =	vld [tilespmem:$0x80]  }
0x86: {  	v2 =	vld [tilespmem:$0x90]  }
0x87: {  	v3 =	vld [tilespmem:$0xA0]  }
0x88: {  	v59 =	vld [tilespmem:$0xB0]  }
0x89: {  	v60 =	vld [tilespmem:$0xC0]  }
0x8a: {  	v61 =	vld [tilespmem:$0x80];
	v1 =	vshrl.u32 v1, $0xE  }
0x8b: {  	[tilespmem:$0x280] =	vst v1;
	v1 =	vshrl.u32 v2, $0xE;
	v2 =	vld [tilespmem:$0x90]  }
0x8c: {  	[tilespmem:$0x290] =	vst v1;
	v1 =	vshrl.u32 v3, $0xE;
	v3 =	vld [tilespmem:$0xA0]  }
0x8d: {  	v62 =	vld [tilespmem:$0xB0];
	[tilespmem:$0x2A0] =	vst v1;
	v1 =	vshrl.u32 v59, $0xE  }
0x8e: {  	v63 =	vld [tilespmem:$0xC0];
	[tilespmem:$0x2B0] =	vst v1;
	v1 =	vshrl.u32 v60, $0xE  }
0x8f: {  	[tilespmem:$0x2C0] =	vst v1;
	v1 =	vand.u32 $0x3FFF, v61  }
0x90: {  	[tilespmem:$0x480] =	vst v1;
	v1 =	vand.u32 $0x3FFF, v2  }
0x91: {  	[tilespmem:$0x490] =	vst v1;
	v1 =	vand.u32 $0x3FFF, v3  }
0x92: {  	[tilespmem:$0x4A0] =	vst v1;
	v1 =	vand.u32 $0x3FFF, v62  }
0x93: {  	[tilespmem:$0x4B0] =	vst v1;
	v1 =	vand.u32 $0x3FFF, v63  }
0x94: {  	s21 =	simm.s32 $0x0;
	s18 =	rddreg [dreg:$0x11];
	[tilespmem:$0x4C0] =	vst v1  }
0x95: {  	[tilespmem:s0], [sflag:$0x2] =	stream.indirect.gather [hbm4b:s1+s28], $0x80, s31, s28, $0xb8;
	[tilespmem:$0x1B680] =	vst v63  }
.LBB2_4:
0x96: {  	_ =	swait.ge [sflag:s3], $0x50  }
0x97: {  	[sflag:s3] =	ssyncset.done $0x0  }
0x98: {  	[sflag:s3] =	ssyncadd.s32 $0xFFFFFFB0  }
0x99: {  	v1 =	vld [tilespmem:$0x100]  }
0x9a: {  	v2 =	vld [tilespmem:$0x110]  }
0x9b: {  	v3 =	vld [tilespmem:$0x120]  }
0x9c: {  	v4 =	vld [tilespmem:$0x130]  }
0x9d: {  	v5 =	vld [tilespmem:$0x140]  }
0x9e: {  	v1 =	vshrl.u32 v1, $0xE  }
0x9f: {  	[tilespmem:$0x300] =	vst v1;
	v1 =	vshrl.u32 v2, $0xE  }
0xa0: {  	[tilespmem:$0x310] =	vst v1;
	v1 =	vshrl.u32 v3, $0xE  }
0xa1: {  	[tilespmem:$0x320] =	vst v1;
	v1 =	vshrl.u32 v4, $0xE  }
0xa2: {  	p0 =	seq.s32 s21, $0x0;
	[tilespmem:$0x330] =	vst v1;
	v1 =	vshrl.u32 v5, $0xE  }
0xa3: {  	s6 =	simm.s32 @!p0 $0x9;
	[tilespmem:$0x340] =	vst v1  }
0xa4: {  	_ =	swait.ge @!p0 [sflag:s6], $0x2800  }
0xa5: {  	[sflag:s6] =	ssyncset.done @!p0 $0x0  }
0xa6: {  	[sflag:s6] =	ssyncadd.s32 @!p0 $0xFFFFD800  }
0xa7: {  	v1 =	vld [tilespmem:$0x100]  }
0xa8: {  	v2 =	vld [tilespmem:$0x110]  }
0xa9: {  	v3 =	vld [tilespmem:$0x120]  }
0xaa: {  	v54 =	vld [tilespmem:$0x130]  }
0xab: {  	v55 =	vld [tilespmem:$0x140]  }
0xac: {  	v1 =	vand.u32 $0x3FFF, v1  }
0xad: {  	[tilespmem:$0x500] =	vst v1;
	v1 =	vand.u32 $0x3FFF, v2  }
0xae: {  	[tilespmem:$0x510] =	vst v1;
	v1 =	vand.u32 $0x3FFF, v3  }
0xaf: {  	[tilespmem:$0x520] =	vst v1;
	v1 =	vand.u32 $0x3FFF, v54  }
0xb0: {  	[tilespmem:$0x530] =	vst v1;
	v1 =	vand.u32 $0x3FFF, v55  }
0xb1: {  	[tilespmem:$0x540] =	vst v1  }
0xb2: {  	[tilespmem:s9], [sflag:$0x3] =	stream.indirect.gather [hbm4b:s1+s28], $0x80, s7, s28, $0xb8;
	[tilespmem:$0x1B680] =	vst v63  }
0xb3: {  	_ =	swait.ge [sflag:s10], $0x2800  }
0xb4: {  	[sflag:s10] =	ssyncset.done $0x0  }
0xb5: {  	s8 =	sshrl.u32 s18, $0x3;
	[sflag:s10] =	ssyncadd.s32 $0xFFFFD800  }
0xb6: {  	[spmem:s2] =	stream.indirect.scatter.add.f32 [tilespmem:s24], [sflag:$0x7], $0x80, s11, s28, $0xb8;
	[tilespmem:$0x1B680] =	vst v63  }
0xb7: {  	s6 =	sadd.s32 s5, s8  }
0xb8: {  	[tilespmem:s4], [sflag:$0x4] =	stream.linear.gather [hbm4b:s6+s4], $0x50, $0x38;
	[tilespmem:$0x1B680] =	vst v63  }
0xb9: {  	_ =	swait.ge [sflag:s26], $0x50  }
0xba: {  	[sflag:s26] =	ssyncset.done $0x0  }
0xbb: {  	[sflag:s26] =	ssyncadd.s32 $0xFFFFFFB0  }
0xbc: {  	v1 =	vld [tilespmem:$0x0]  }
0xbd: {  	v2 =	vld [tilespmem:$0x10]  }
0xbe: {  	v3 =	vld [tilespmem:$0x20]  }
0xbf: {  	v56 =	vld [tilespmem:$0x30]  }
0xc0: {  	v57 =	vld [tilespmem:$0x40]  }
0xc1: {  	v1 =	vshrl.u32 v1, $0xE  }
0xc2: {  	[tilespmem:$0x200] =	vst v1;
	v1 =	vshrl.u32 v2, $0xE  }
0xc3: {  	[tilespmem:$0x210] =	vst v1;
	v1 =	vshrl.u32 v3, $0xE  }
0xc4: {  	[tilespmem:$0x220] =	vst v1;
	v1 =	vshrl.u32 v56, $0xE  }
0xc5: {  	[tilespmem:$0x230] =	vst v1;
	v1 =	vshrl.u32 v57, $0xE  }
0xc6: {  	[tilespmem:$0x240] =	vst v1  }
0xc7: {  	_ =	swait.ge [sflag:s12], $0x2800  }
0xc8: {  	[sflag:s12] =	ssyncset.done $0x0  }
0xc9: {  	[sflag:s12] =	ssyncadd.s32 $0xFFFFD800  }
0xca: {  	v1 =	vld [tilespmem:$0x0]  }
0xcb: {  	v2 =	vld [tilespmem:$0x10]  }
0xcc: {  	v3 =	vld [tilespmem:$0x20]  }
0xcd: {  	v58 =	vld [tilespmem:$0x30]  }
0xce: {  	v59 =	vld [tilespmem:$0x40]  }
0xcf: {  	v1 =	vand.u32 $0x3FFF, v1  }
0xd0: {  	[tilespmem:$0x400] =	vst v1;
	v1 =	vand.u32 $0x3FFF, v2  }
0xd1: {  	[tilespmem:$0x410] =	vst v1;
	v1 =	vand.u32 $0x3FFF, v3  }
0xd2: {  	[tilespmem:$0x420] =	vst v1;
	v1 =	vand.u32 $0x3FFF, v58  }
0xd3: {  	[tilespmem:$0x430] =	vst v1;
	v1 =	vand.u32 $0x3FFF, v59  }
0xd4: {  	[tilespmem:$0x440] =	vst v1  }
0xd5: {  	[tilespmem:s24], [sflag:$0x1] =	stream.indirect.gather [hbm4b:s1+s28], $0x80, s29, s28, $0xb8;
	[tilespmem:$0x1B680] =	vst v63  }
0xd6: {  	_ =	swait.ge [sflag:s13], $0x2800  }
0xd7: {  	[sflag:s13] =	ssyncset.done $0x0  }
0xd8: {  	[sflag:s13] =	ssyncadd.s32 $0xFFFFD800  }
0xd9: {  	[spmem:s2] =	stream.indirect.scatter.add.f32 [tilespmem:s0], [sflag:$0x8], $0x80, s14, s28, $0xb8;
	[tilespmem:$0x1B680] =	vst v63  }
0xda: {  	s8 =	sadd.s32 s21, s20  }
0xdb: {  	[tilespmem:s22], [sflag:$0x5] =	stream.linear.gather [hbm4b:s8+s4], $0x50, $0x38;
	[tilespmem:$0x1B680] =	vst v63  }
0xdc: {  	_ =	swait.ge [sflag:s30], $0x50  }
0xdd: {  	[sflag:s30] =	ssyncset.done $0x0  }
0xde: {  	[sflag:s30] =	ssyncadd.s32 $0xFFFFFFB0  }
0xdf: {  	v1 =	vld [tilespmem:$0x80]  }
0xe0: {  	v2 =	vld [tilespmem:$0x90]  }
0xe1: {  	v3 =	vld [tilespmem:$0xA0]  }
0xe2: {  	v60 =	vld [tilespmem:$0xB0]  }
0xe3: {  	v61 =	vld [tilespmem:$0xC0]  }
0xe4: {  	v1 =	vshrl.u32 v1, $0xE  }
0xe5: {  	[tilespmem:$0x280] =	vst v1;
	v1 =	vshrl.u32 v2, $0xE  }
0xe6: {  	[tilespmem:$0x290] =	vst v1;
	v1 =	vshrl.u32 v3, $0xE  }
0xe7: {  	[tilespmem:$0x2A0] =	vst v1;
	v1 =	vshrl.u32 v60, $0xE  }
0xe8: {  	[tilespmem:$0x2B0] =	vst v1;
	v1 =	vshrl.u32 v61, $0xE  }
0xe9: {  	[tilespmem:$0x2C0] =	vst v1  }
0xea: {  	_ =	swait.ge [sflag:s15], $0x2800  }
0xeb: {  	[sflag:s15] =	ssyncset.done $0x0  }
0xec: {  	[sflag:s15] =	ssyncadd.s32 $0xFFFFD800  }
0xed: {  	v1 =	vld [tilespmem:$0x80]  }
0xee: {  	v2 =	vld [tilespmem:$0x90]  }
0xef: {  	v3 =	vld [tilespmem:$0xA0]  }
0xf0: {  	v62 =	vld [tilespmem:$0xB0]  }
0xf1: {  	v63 =	vld [tilespmem:$0xC0]  }
0xf2: {  	v1 =	vand.u32 $0x3FFF, v1  }
0xf3: {  	[tilespmem:$0x480] =	vst v1;
	v1 =	vand.u32 $0x3FFF, v2  }
0xf4: {  	[tilespmem:$0x490] =	vst v1;
	v1 =	vand.u32 $0x3FFF, v3  }
0xf5: {  	[tilespmem:$0x4A0] =	vst v1;
	v1 =	vand.u32 $0x3FFF, v62  }
0xf6: {  	[tilespmem:$0x4B0] =	vst v1;
	v1 =	vand.u32 $0x3FFF, v63  }
0xf7: {  	p0 =	seq.s32 s21, $0x4B0;
	[tilespmem:$0x4C0] =	vst v1  }
0xf8: {  	[tilespmem:s0], [sflag:$0x2] =	stream.indirect.gather [hbm4b:s1+s28], $0x80, s31, s28, $0xb8;
	[tilespmem:$0x1B680] =	vst v63  }
.Ltmp3:
0xf9: {  	_ = 	snop;
	(pc) =	sbr.rel @p0 .LBB2_6-.Ltmp3, $4  }
0xfa: {  	_ =	swait.ge [sflag:s16], $0x2800  }
0xfb: {  	[sflag:s16] =	ssyncset.done $0x0  }
0xfc: {  	[sflag:s16] =	ssyncadd.s32 $0xFFFFD800  }
0xfd: {  	[spmem:s2] =	stream.indirect.scatter.add.f32 [tilespmem:s9], [sflag:$0x9], $0x80, s17, s28, $0xb8;
	[tilespmem:$0x1B680] =	vst v63  }
.Ltmp4:
0xfe: {  	(pc) =	sbr.rel .LBB2_4-.Ltmp4, $3  }
0xff: {  	_ =	sdelay $0x1  }
0x100: {  	s6 =	sadd.s32 s21, s19;
	s21 =	sadd.s32 $0x1E, s21;
	s18 =	sadd.s32 $0xF0, s18  }
0x101: {  	[tilespmem:s23], [sflag:$0x6] =	stream.linear.gather [hbm4b:s6+s4], $0x50, $0x38;
	[tilespmem:$0x1B680] =	vst v63  }
.LBB2_7:
0x102: {  	_ =	sfence.sel $0x180000  }
0x103: {  	[bflag:$0x0] =	sbarrier.arrive $0xFFFF  }
0x104: {  	_ =	strace $0x9000004D  }
0x105: {  	s0 =	stileid.u32;
	[bflag:$0x2] =	sbarrier.arrive $0xFFFF  }
0x106: {  	p0 =	sne.s32 s0, $0x0;
	s0 =	rddreg [dreg:$0x3]  }
0x107: {  	s0 =	sadd.s32 @!p0 $0x100000, s0  }
0x108: {  	[sflag:s0] =	ssyncadd.tile.s32 @!p0 $0x1;
	_ =	shalt  }
.Lfunc_end2:
_tile_overlayer_lowered:
.L_overlay_start_2:
0x109: {  	(tag) =	ssettag $0x2  }
0x10a: {  	s0 =	rddreg [dreg:$0x0];
	s2 =	stileid.u32  }
0x10b: {  	s1 =	rddreg [dreg:$0x1];
	p0 =	sne.s32 s2, $0x0  }
0x10c: {  	s3 =	rddreg [dreg:$0x2];
	[bflag:$0x3] =	sbarrier.arrive $0xFFFF;
	s2 =	simm.s32 @!p0 $0x1C0A  }
0x10d: {  	[timem:s3], [sflag:s2] =	dma.local @!p0 [hbm:s0], s1  }
0x10e: {  	s0 =	simm.s32 @!p0 $0xA  }
0x10f: {  	_ =	swait.ge @!p0 [sflag:s0], s1  }
0x110: {  	s1 =	ssub.s32 @!p0 $0x0, s1;
	[sflag:s0] =	ssyncset.done @!p0 $0x0  }
0x111: {  	[sflag:s0] =	ssyncadd.s32 @!p0 s1  }
0x112: {  	[bflag:$0x3] =	sbarrier.arrive $0xFFFF  }
0x113: {  	_ =	shalt  }

// kernel: kernel.19.cloned.1.call-start
scs
__scs_entry_jumppad:
0x0: {  	(pc) =	sbr.rel $0x88, $3  }
0x1: {  	(tag) =	ssettag $0x0;
	lr =	simm.s32 $0x1  }
0x2: {  	[smem:$0x3F99] =	sst lr;
	_ =	strace $0xD0000000  }
0x3: {  	_ = 	snop  }
0x4: {  	_ = 	snop  }
0x5: {  	_ = 	snop  }
0x6: {  	_ = 	snop  }
0x7: {  	_ = 	snop  }
__scs_overlays_trampoline_lowered:
0x8: {  	[smem:$0x3FA8] =	sst s0  }
0x9: {  	[smem:$0x3FA9] =	sst s1  }
0xa: {  	[smem:$0x3FAA] =	sst s2  }
0xb: {  	[smem:$0x3FAB] =	sst s3  }
0xc: {  	[smem:$0x3FAC] =	sst s4  }
0xd: {  	[smem:$0x3FAD] =	sst s5  }
0xe: {  	[smem:$0x3FAE] =	sst s6  }
0xf: {  	[smem:$0x3FAF] =	sst s7  }
0x10: {  	[smem:$0x3FB0] =	sst s8  }
0x11: {  	[smem:$0x3FB1] =	sst s9;
	s0 =	simm.s32 @!p0 $0x0  }
0x12: {  	s1 =	sld [smem:$0x3F97];
	s0 =	simm.s32 @p0 $0x1  }
0x13: {  	[smem:$0x3FB2] =	sst s0;
	s0 =	simm.s32 @!p1 $0x0  }
0x14: {  	s2 =	sld [smem:$0x3F96];
	s0 =	simm.s32 @p1 $0x1  }
0x15: {  	[smem:$0x3FB3] =	sst s0;
	s0 =	simm.s32 @!p2 $0x0  }
0x16: {  	s3 =	sld [smem:$0x3FDB];
	s0 =	simm.s32 @p2 $0x1  }
0x17: {  	s4 =	simm.s32 $0x1BF5;
	[smem:$0x3FB5] =	sst s0  }
0x18: {  	s0 =	sld [smem:$0x3F98];
	_ =	swait.ge [sflag:s4], $0x0  }
0x19: {  	s7 =	sld [smem:$0x3F99]  }
0x1a: {  	s8 =	sadd.s32 $0xFFFFE003, lr  }
0x1b: {  	s9 =	sadd.s32 $0xFFFFFEF7, lr;
	s5 =	simm.s32 $0xFFFFFFFF;
	p2 =	slt.u32 s8, $0xFFFFF086  }
0x1c: {  	p1 =	slt.u32 s9, $0xF7A;
	s5 =	simm.s32 @!p2 $0x0  }
0x1d: {  	s5 =	simm.s32 @p1 $0x1;
	p0 =	seq.s32 s7, s2  }
0x1e: {  	s7 =	smul.u32 @!p0 $0xF7A, s2;
	p2 =	seq.s32 @!p0 s5, $0x0  }
0x1f: {  	s9 =	smul.u32 $0xF7A, s1;
	s8 =	simm.s32 @!p0 $0x1BF5;
	p2 =	por !p2, p0  }
0x20: {  	[sflag:s8] =	ssyncset.s32 @!p0 $0xFFFFF086;
	s6 =	sadd.s32 @!p0 s3, s7;
	s7 =	simm.s32 @!p0 $0x108  }
0x21: {  	s3 =	sadd.s32 s3, s9;
	s6 =	sadd.s32 @!p0 $0x88, s6;
	s7 =	simm.s32 @p2 $0x1082  }
0x22: {  	[simem:s7], [sflag:s8] =	dma.local @!p0 [hbm:s6], $0xF7A  }
0x23: {  	s9 =	sor.u32 $0xD0000000, s2;
	s6 =	simm.s32 $0x108;
	_ =	swait.ge @!p0 [sflag:s8], $0x0  }
0x24: {  	s3 =	sadd.s32 $0x88, s3;
	s6 =	simm.s32 @!p1 $0x1082;
	[sflag:s4] =	ssyncset.s32 $0xFFFFF086  }
0x25: {  	[simem:s6], [sflag:s4] =	dma.local [hbm:s3], $0xF7A  }
0x26: {  	[smem:$0x3F99] =	sst s1;
	(tag) =	ssettag s2;
	_ =	strace s9  }
0x27: {  	s1 =	sld [smem:$0x3FA9]  }
0x28: {  	s2 =	sld [smem:$0x3FAA]  }
0x29: {  	s4 =	sld [smem:$0x3FAC]  }
0x2a: {  	p0 =	seq.s32 s5, $0x0;
	s5 =	sld [smem:$0x3FAD]  }
0x2b: {  	s6 =	sld [smem:$0x3FAE]  }
0x2c: {  	s7 =	sld [smem:$0x3FAF]  }
0x2d: {  	s3 =	simm.s32 $0x108;
	s8 =	sld [smem:$0x3FB0]  }
0x2e: {  	s3 =	simm.s32 @!p0 $0x1082;
	s9 =	sld [smem:$0x3FB1]  }
0x2f: {  	lr =	sadd.s32 s0, s3;
	s0 =	sld [smem:$0x3FA8]  }
0x30: {  	s3 =	sld [smem:$0x3FAB]  }
0x31: {  	[smem:$0x3FB4] =	sst s10  }
0x32: {  	s10 =	sld [smem:$0x3FB2];
	_ =	sdelay $0x3  }
0x33: {  	p0 =	seq.s32 s10, $0x1;
	s10 =	sld [smem:$0x3FB4];
	_ =	sdelay $0x3  }
0x34: {  	[smem:$0x3FB4] =	sst s10  }
0x35: {  	s10 =	sld [smem:$0x3FB3];
	_ =	sdelay $0x3  }
0x36: {  	p1 =	seq.s32 s10, $0x1;
	s10 =	sld [smem:$0x3FB4];
	_ =	sdelay $0x3  }
0x37: {  	[smem:$0x3FB4] =	sst s10  }
0x38: {  	s10 =	sld [smem:$0x3FB5]  }
0x39: {  	_ = 	snop;
	(pc) =	sbr.ind lr, $3  }
0x3a: {  	_ = 	snop  }
0x3b: {  	_ = 	snop  }
0x3c: {  	p2 =	seq.s32 s10, $0x1;
	s10 =	sld [smem:$0x3FB4]  }
0x3d: {  	_ =	shalt  }
0x3e: {  	_ =	shalt  }
0x3f: {  	_ =	shalt  }
0x40: {  	_ =	shalt  }
0x41: {  	_ =	shalt  }
0x42: {  	_ =	shalt  }
0x43: {  	_ =	shalt  }
0x44: {  	_ =	shalt  }
0x45: {  	_ =	shalt  }
0x46: {  	_ =	shalt  }
0x47: {  	_ =	shalt  }
0x48: {  	_ =	shalt  }
0x49: {  	_ =	shalt  }
0x4a: {  	_ =	shalt  }
0x4b: {  	_ =	shalt  }
0x4c: {  	_ =	shalt  }
0x4d: {  	_ =	shalt  }
0x4e: {  	_ =	shalt  }
0x4f: {  	_ =	shalt  }
0x50: {  	_ =	shalt  }
0x51: {  	_ =	shalt  }
0x52: {  	_ =	shalt  }
0x53: {  	_ =	shalt  }
0x54: {  	_ =	shalt  }
0x55: {  	_ =	shalt  }
0x56: {  	_ =	shalt  }
0x57: {  	_ =	shalt  }
0x58: {  	_ =	shalt  }
0x59: {  	_ =	shalt  }
0x5a: {  	_ =	shalt  }
0x5b: {  	_ =	shalt  }
0x5c: {  	_ =	shalt  }
0x5d: {  	_ =	shalt  }
0x5e: {  	_ =	shalt  }
0x5f: {  	_ =	shalt  }
0x60: {  	_ =	shalt  }
0x61: {  	_ =	shalt  }
0x62: {  	_ =	shalt  }
0x63: {  	_ =	shalt  }
0x64: {  	_ =	shalt  }
0x65: {  	_ =	shalt  }
0x66: {  	_ =	shalt  }
0x67: {  	_ =	shalt  }
0x68: {  	_ =	shalt  }
0x69: {  	_ =	shalt  }
0x6a: {  	_ =	shalt  }
0x6b: {  	_ =	shalt  }
0x6c: {  	_ =	shalt  }
0x6d: {  	_ =	shalt  }
0x6e: {  	_ =	shalt  }
0x6f: {  	_ =	shalt  }
0x70: {  	_ =	shalt  }
0x71: {  	_ =	shalt  }
0x72: {  	_ =	shalt  }
0x73: {  	_ =	shalt  }
0x74: {  	_ =	shalt  }
0x75: {  	_ =	shalt  }
0x76: {  	_ =	shalt  }
0x77: {  	_ =	shalt  }
0x78: {  	_ =	shalt  }
0x79: {  	_ =	shalt  }
0x7a: {  	_ =	shalt  }
0x7b: {  	_ =	shalt  }
0x7c: {  	_ =	shalt  }
0x7d: {  	_ =	shalt  }
0x7e: {  	_ =	shalt  }
0x7f: {  	_ =	shalt  }
0x80: {  	_ =	shalt  }
0x81: {  	_ =	shalt  }
0x82: {  	_ =	shalt  }
0x83: {  	_ =	shalt  }
0x84: {  	_ =	shalt  }
0x85: {  	_ =	shalt  }
0x86: {  	_ =	shalt  }
0x87: {  	_ =	shalt  }
.Lfunc_end0:
.L_simem_size_0:
called_computation.3_lowered:
.L_overlay_start_0:
0x88: {  	s2 =	sld [smem:$0x3FD9]  }
0x89: {  	s3 =	sld [smem:$0x3FFE];
	_ =	sdelay $0x1  }
0x8a: {  	s1 =	srdreg.scid  }
0x8b: {  	s0 =	sand.u32 $0x1, s1  }
0x8c: {  	s17 =	sshll.u32 s0, $0xA;
	s2 =	sadd.s32 s3, s2  }
0x8d: {  	s2 =	sadd.s32 s2, s17  }
0x8e: {  	[smem:$0x3FC0] =	sst s2  }
0x8f: {  	_ = 	snop  }
0x90: {  	s2 =	sld [smem:$0x3FD0];
	(tm) =	ssettm $0x1  }
0x91: {  	s18 =	sld [smem:$0x3FFB];
	_ =	sdelay $0x3  }
0x92: {  	_ =	strace s18  }
0x93: {  	s3 =	sld [smem:$0x3FFC];
	_ =	sdelay $0x3  }
0x94: {  	_ =	strace s3  }
0x95: {  	s3 =	sld [smem:$0x3FFD];
	_ =	sdelay $0x3  }
0x96: {  	_ =	strace s3  }
0x97: {  	_ =	strace $0x8FFFFFFF  }
0x98: {  	s19 =	sld [smem:$0x3FDB];
	_ =	sdelay $0x1  }
0x99: {  	s4 =	simm.s32 $_scs_section_size  }
0x9a: {  	s5 =	simm.s32 $_size__tile_overlayer_lowered;
	s6 =	simm.s32 $_tile_overlayer_lowered  }
0x9b: {  	s22 =	simm.s32 $0x1BFF;
	s21 =	sshll.u32 s6, $0x1;
	s3 =	sadd.s32 s4, s19  }
0x9c: {  	s7 =	simm.s32 $0x0;
	s20 =	sshll.u32 s5, $0x1;
	s5 =	sadd.s32 s21, s3  }
0x9d: {  	[timem:s7], [sflag:s22] =	dma.local [hbm:s5], s20  }
0x9e: {  	_ =	swait.ge [sflag:s22], s20  }
0x9f: {  	s4 =	ssub.s32 $0x0, s20;
	[sflag:s22] =	ssyncset.done $0x0  }
0xa0: {  	[sflag:s22] =	ssyncadd.s32 s4;
	_ =	sdelay $0x1  }
0xa1: {  	s23 =	simm.s32 $0x1B8B  }
0xa2: {  	_ =	swait.ge [sflag:s23], $0x1  }
0xa3: {  	[sflag:s23] =	ssyncset.done $0x0  }
0xa4: {  	s25 =	simm.s32 $0x1B8E;
	s24 =	sld [smem:$0x3FFE];
	[sflag:s23] =	ssyncadd.s32 $0xFFFFFFFF  }
0xa5: {  	s26 =	simm.s32 $execute0_lowered;
	[smem:$0x3FD2] =	sst s25  }
0xa6: {  	s5 =	sshll.u32 s26, $0x1;
	_ =	strace $0x8000004F;
	[dreg:$0x1] =	wrdreg $0xFFFFFFFF  }
0xa7: {  	s28 =	simm.s32 $_size_execute0_lowered;
	s3 =	sadd.s32 s3, s5;
	[dreg:$0x0] =	wrdreg $0x0  }
0xa8: {  	s5 =	sshll.u32 s28, $0x1;
	[dreg:$0x2] =	wrdreg s3  }
0xa9: {  	[dreg:$0x3] =	wrdreg s5  }
0xaa: {  	[dreg:$0x4] =	wrdreg $0xC0  }
0xab: {  	_ =	task [dreg:s7], $0x5FFFF  }
0xac: {  	[dreg:$0x1] =	wrdreg $0xFFFFFFFF  }
0xad: {  	[dreg:$0x0] =	wrdreg $0x60  }
0xae: {  	[dreg:$0x2] =	wrdreg s2  }
0xaf: {  	[dreg:$0x3] =	wrdreg s24  }
0xb0: {  	[dreg:$0x4] =	wrdreg $0x7E000  }
0xb1: {  	[dreg:$0x5] =	wrdreg $0x9  }
0xb2: {  	_ =	task.clear_ibuf [dreg:s7], $0x6FFFF;
	_ =	strace $0x9000004F  }
0xb3: {  	s29 =	simm.s32 $0x9;
	_ =	strace $0x80000051  }
0xb4: {  	_ =	swait.ge [sflag:s29], $0x1  }
0xb5: {  	[sflag:s29] =	ssyncadd.s32 $0xFFFFFFFF  }
0xb6: {  	_ =	strace $0x90000051  }
0xb7: {  	_ =	sfence  }
0xb8: {  	s30 =	sld [smem:$0x0];
	_ =	sdelay $0x2  }
0xb9: {  	s31 =	sshll.u32 s1, $0xD;
	s1 =	sshrl.u32 s1, $0x2  }
0xba: {  	s3 =	sand.u32 $0x4000, s31;
	s1 =	sadd.s32 s1, s30  }
0xbb: {  	s0 =	sor.u32 s3, s0;
	s1 =	sshll.u32 s1, $0x11  }
0xbc: {  	s0 =	sor.u32 s1, s0  }
0xbd: {  	s0 =	sadd.s32 $0x8F2B, s0  }
0xbe: {  	[sflag:s0] =	ssyncadd.remote.s32 $0x1  }
0xbf: {  	_ =	sfence.sel $0xFFFF  }
0xc0: {  	[dreg:$0x0] =	wrdreg $0xFFFFFFFF;
	(pc) =	sbr.abs _section_cstart, $3  }
0xc1: {  	[dreg:$0x1] =	wrdreg $0xFFFFFFFF  }
0xc2: {  	_ =	task.clear_ibuf [dreg:s7], $0x2FFFF;
	_ =	strace $0x9FFFFFFF  }
0xc3: {  	(tm) =	ssettm $0x7FFFFFFF  }
tec
execute0_lowered:
.L_overlay_start_1:
0x0: {  	(tag) =	ssettag $0x1  }
0x1: {  	s1 =	rddreg [dreg:$0x0]  }
0x2: {  	s0 =	rddreg [dreg:$0x1]  }
0x3: {  	s2 =	rddreg [dreg:$0x2]  }
0x4: {  	s3 =	srdreg.scid;
	s4 =	simm.s32 $0x0;
	s10 =	stileid.u32  }
0x5: {  	s28 =	simm.s32 $0x50;
	s29 =	simm.s32 $0x200;
	s7 =	smul.u32 $0x13C00, s10  }
0x6: {  	s30 =	simm.s32 $0x5;
	s31 =	simm.s32 $0x280;
	s9 =	smul.u32 $0x4E200, s10  }
0x7: {  	s3 =	sand.u32 $0x1, s3;
	[smem:$0x7FF] =	sst s4;
	s15 =	smul.u32 $0x2710, s10  }
0x8: {  	s6 =	smul.u32 $0x13C000, s3;
	s5 =	sshll.u32 s3, $0x4;
	_ =	strace $0x80000050  }
0x9: {  	s23 =	ssub.s32 $0x2, s3;
	s3 =	smul.u32 $0x27100, s3;
	s8 =	sor.u32 s10, s5  }
0xa: {  	s5 =	sadd.s32 $0xD600, s0;
	s24 =	sshrl.u32 s23, $0x1;
	s26 =	sshrl.u32 s9, $0x2  }
0xb: {  	s9 =	simm.s32 $0x5600;
	s10 =	simm.s32 $0x1;
	s6 =	sadd.s32 s7, s6  }
0xc: {  	s22 =	smul.u32 $0x2710, s8;
	s12 =	sadd.s32 s26, s2;
	s3 =	sadd.s32 s15, s3  }
0xd: {  	s15 =	simm.s32 $0x8;
	s14 =	sadd.s32 $0x2800, s12;
	[dreg:$0x6] =	wrdreg s12  }
0xe: {  	s8 =	simm.s32 $0x0;
	s16 =	sadd.s32 $0x5000, s12;
	[dreg:$0x8] =	wrdreg s14  }
0xf: {  	s6 =	sshrl.u32 s6, $0x3;
	s17 =	sadd.s32 $0x7800, s12;
	[dreg:$0x9] =	wrdreg s16  }
0x10: {  	s18 =	sadd.s32 $0xA000, s12;
	s19 =	sadd.s32 $0xC800, s12;
	[dreg:$0xa] =	wrdreg s17  }
0x11: {  	s20 =	sadd.s32 $0xF000, s12;
	s21 =	sadd.s32 $0x11800, s12;
	[dreg:$0xb] =	wrdreg s18  }
0x12: {  	s26 =	sadd.s32 $0xF0, s3;
	s12 =	simm.s32 $0x7;
	[dreg:$0xc] =	wrdreg s19  }
0x13: {  	s0 =	sadd.s32 s6, s0;
	s7 =	sshrl.u32 s22, $0x3;
	[dreg:$0xd] =	wrdreg s20  }
0x14: {  	s6 =	ssub.s32 s23, s24;
	[dreg:$0xe] =	wrdreg s21;
	s22 =	sadd.s32 $0x190, s3  }
0x15: {  	s23 =	sadd.s32 $0x140, s3;
	[dreg:$0x11] =	wrdreg s26;
	s26 =	simm.s32 $0x4  }
0x16: {  	s3 =	simm.s32 $0x6;
	s14 =	simm.s32 $0x480;
	s16 =	simm.s32 $0x3  }
0x17: {  	s17 =	simm.s32 $0x500;
	s25 =	sadd.s32 s5, s7;
	s0 =	sadd.s32 $0x17400, s0  }
0x18: {  	s24 =	sshrl.u32 s22, $0x3;
	s6 =	smax.u32 s6, $0x1;
	s22 =	simm.s32 $0x80  }
0x19: {  	s7 =	simm.s32 $0x300;
	s11 =	sadd.s32 $0xA, s25;
	[dreg:$0x4] =	wrdreg s25  }
.Ltmp0:
0x1a: {  	s13 =	sadd.s32 $0x14, s25;
	[dreg:$0xf] =	wrdreg s0;
	(pc) =	sbr.rel .LBB2_1-.Ltmp0, $4  }
0x1b: {  	s25 =	sshrl.u32 s23, $0x3;
	[dreg:$0x10] =	wrdreg s6;
	s19 =	sadd.s32 s24, s5  }
0x1c: {  	s23 =	simm.s32 $0x100;
	s24 =	simm.s32 $0x600;
	[dreg:$0x5] =	wrdreg s11  }
0x1d: {  	s0 =	simm.s32 $0x2E00;
	[dreg:$0x7] =	wrdreg s13;
	s20 =	sadd.s32 s25, s5  }
0x1e: {  	v0 =	vimm.f32 $0.0e+00;
	s25 =	simm.s32 $0xA;
	s11 =	simm.s32 $0x400;
	s13 =	simm.s32 $0x2  }
.LBB2_6:
0x1f: {  	_ =	swait.ge [sflag:s10], $0x2800  }
0x20: {  	[sflag:s10] =	ssyncset.done $0x0  }
0x21: {  	[sflag:s10] =	ssyncadd.s32 $0xFFFFD800  }
0x22: {  	[spmem:s2] =	stream.indirect.scatter.add.f32 [tilespmem:s24], [sflag:$0x7], $0x80, s11, s28, $0xb8;
	[tilespmem:$0x1B680] =	vst v63  }
0x23: {  	_ =	swait.ge [sflag:s13], $0x2800  }
0x24: {  	[sflag:s13] =	ssyncset.done $0x0  }
0x25: {  	[sflag:s13] =	ssyncadd.s32 $0xFFFFD800  }
0x26: {  	[spmem:s2] =	stream.indirect.scatter.add.f32 [tilespmem:s0], [sflag:$0x8], $0x80, s14, s28, $0xb8;
	[tilespmem:$0x1B680] =	vst v63  }
0x27: {  	_ =	swait.ge [sflag:s12], $0x2800  }
0x28: {  	[sflag:s12] =	ssyncset.done $0x0  }
0x29: {  	[sflag:s12] =	ssyncadd.s32 $0xFFFFD800  }
0x2a: {  	_ =	swait.ge [sflag:s15], $0x2800  }
0x2b: {  	[sflag:s15] =	ssyncset.done $0x0  }
0x2c: {  	s6 =	simm.s32 $0x9;
	[sflag:s15] =	ssyncadd.s32 $0xFFFFD800  }
0x2d: {  	_ =	swait.ge [sflag:s6], $0x2800  }
0x2e: {  	[sflag:s6] =	ssyncset.done $0x0  }
0x2f: {  	[sflag:s6] =	ssyncadd.s32 $0xFFFFD800  }
0x30: {  	s8 =	stileid.u32;
	[bflag:$0x0] =	sbarrier.arrive $0xFFFF  }
0x31: {  	s6 =	sshll.u32 s8, $0x6;
	s8 =	rddreg [dreg:$0x6]  }
0x32: {  	s6 =	sor.u32 $0x1C0A, s6;
	s18 =	rddreg [dreg:$0xf];
	s8 =	sshrl.u32 s8, $0x3  }
0x33: {  	[hbm:s18], [sflag:s6] =	dma.local [spmem:s8], $0x2710  }
0x34: {  	_ =	swait.ge [sflag:s25], $0x2710  }
0x35: {  	s18 =	rddreg [dreg:$0x12]  }
0x36: {  	s21 =	rddreg [dreg:$0x10];
	s8 =	sadd.s32 $0x1, s18  }
0x37: {  	p0 =	sne.s32 s8, s21  }
.Ltmp1:
0x38: {  	_ = 	snop;
	(pc) =	sbr.rel @!p0 .LBB2_7-.Ltmp1, $3  }
0x39: {  	_ =	sdelay $0x1  }
0x3a: {  	[sflag:s25] =	ssyncset.done $0x0  }
0x3b: {  	[sflag:s25] =	ssyncadd.s32 $0xFFFFD8F0  }
.LBB2_1:
0x3c: {  	[dreg:$0x12] =	wrdreg s8  }
0x3d: {  	s6 =	rddreg [dreg:$0x4]  }
0x3e: {  	[tilespmem:s4], [sflag:$0x4] =	stream.linear.gather [hbm4b:s6+s4], $0x50, $0x38;
	[tilespmem:$0x1B680] =	vst v63  }
0x3f: {  	s21 =	rddreg [dreg:$0x5]  }
0x40: {  	[tilespmem:s22], [sflag:$0x5] =	stream.linear.gather [hbm4b:s21+s4], $0x50, $0x38;
	[tilespmem:$0x1B680] =	vst v63  }
0x41: {  	s8 =	rddreg [dreg:$0x7];
	s18 =	sand.u32 $0xFE00, s4  }
0x42: {  	[tilespmem:s23], [sflag:$0x6] =	stream.linear.gather [hbm4b:s8+s4], $0x50, $0x38;
	[tilespmem:$0x1B680] =	vst v63  }
0x43: {  	s21 =	sand.u32 $0x70, s4;
	s8 =	sshrl.u32 s18, $0x2  }
0x44: {  	s18 =	simm.s32 $0x40;
	s8 =	sor.u32 s21, s8;
	s21 =	simm.s32 $0x0  }
.LBB2_2:
0x45: {  	p0 =	sne.s32 s18, $0x9FC0  }
0x46: {  	[tilespmem:s8+$0x600] =	vst v0;
	s21 =	sadd.s32 $0x10, s21;
	s8 =	smov.u32 s18;
	s18 =	sadd.s32 $0x40, s18  }
.Ltmp2:
0x47: {  	(pc) =	sbr.rel @p0 .LBB2_2-.Ltmp2, $4  }
0x48: {  	_ = 	snop  }
0x49: {  	s8 =	sand.u32 $0xFE00, s8  }
0x4a: {  	s6 =	sand.u32 $0x70, s21;
	s8 =	sshrl.u32 s8, $0x2  }
0x4b: {  	s8 =	sor.u32 s6, s8  }
0x4c: {  	[tilespmem:s8+$0x600] =	vst v0;
	s6 =	rddreg [dreg:$0x6]  }
0x4d: {  	[spmem:s6] =	stream.linear.scatter [tilespmem:s24], [sflag:$0xA], $0x2800, $0x38;
	[tilespmem:$0x1B680] =	vst v63  }
0x4e: {  	_ =	swait.ge [sflag:s25], $0x2800  }
0x4f: {  	[sflag:s25] =	ssyncset.done $0x0  }
0x50: {  	s21 =	rddreg [dreg:$0x8];
	[sflag:s25] =	ssyncadd.s32 $0xFFFFD800  }
0x51: {  	[spmem:s21] =	stream.linear.scatter [tilespmem:s24], [sflag:$0xA], $0x2800, $0x38;
	[tilespmem:$0x1B680] =	vst v63  }
0x52: {  	_ =	swait.ge [sflag:s25], $0x2800  }
0x53: {  	[sflag:s25] =	ssyncset.done $0x0  }
0x54: {  	s8 =	rddreg [dreg:$0x9];
	[sflag:s25] =	ssyncadd.s32 $0xFFFFD800  }
0x55: {  	[spmem:s8] =	stream.linear.scatter [tilespmem:s24], [sflag:$0xA], $0x2800, $0x38;
	[tilespmem:$0x1B680] =	vst v63  }
0x56: {  	_ =	swait.ge [sflag:s25], $0x2800  }
0x57: {  	[sflag:s25] =	ssyncset.done $0x0  }
0x58: {  	s18 =	rddreg [dreg:$0xa];
	[sflag:s25] =	ssyncadd.s32 $0xFFFFD800  }
0x59: {  	[spmem:s18] =	stream.linear.scatter [tilespmem:s24], [sflag:$0xA], $0x2800, $0x38;
	[tilespmem:$0x1B680] =	vst v63  }
0x5a: {  	_ =	swait.ge [sflag:s25], $0x2800  }
0x5b: {  	[sflag:s25] =	ssyncset.done $0x0  }
0x5c: {  	s21 =	rddreg [dreg:$0xb];
	[sflag:s25] =	ssyncadd.s32 $0xFFFFD800  }
0x5d: {  	[spmem:s21] =	stream.linear.scatter [tilespmem:s24], [sflag:$0xA], $0x2800, $0x38;
	[tilespmem:$0x1B680] =	vst v63  }
0x5e: {  	_ =	swait.ge [sflag:s25], $0x2800  }
0x5f: {  	[sflag:s25] =	ssyncset.done $0x0  }
0x60: {  	s8 =	rddreg [dreg:$0xc];
	[sflag:s25] =	ssyncadd.s32 $0xFFFFD800  }
0x61: {  	[spmem:s8] =	stream.linear.scatter [tilespmem:s24], [sflag:$0xA], $0x2800, $0x38;
	[tilespmem:$0x1B680] =	vst v63  }
0x62: {  	_ =	swait.ge [sflag:s25], $0x2800  }
0x63: {  	[sflag:s25] =	ssyncset.done $0x0  }
0x64: {  	s18 =	rddreg [dreg:$0xd];
	[sflag:s25] =	ssyncadd.s32 $0xFFFFD800  }
0x65: {  	[spmem:s18] =	stream.linear.scatter [tilespmem:s24], [sflag:$0xA], $0x2800, $0x38;
	[tilespmem:$0x1B680] =	vst v63  }
0x66: {  	_ =	swait.ge [sflag:s25], $0x2800  }
0x67: {  	[sflag:s25] =	ssyncset.done $0x0  }
0x68: {  	s21 =	rddreg [dreg:$0xe];
	[sflag:s25] =	ssyncadd.s32 $0xFFFFD800  }
0x69: {  	[spmem:s21] =	stream.linear.scatter [tilespmem:s24], [sflag:$0xA], $0x2080, $0x38;
	[tilespmem:$0x1B680] =	vst v63  }
0x6a: {  	_ =	swait.ge [sflag:s25], $0x2080  }
0x6b: {  	[sflag:s25] =	ssyncset.done $0x0  }
0x6c: {  	[sflag:s25] =	ssyncadd.s32 $0xFFFFDF80  }
0x6d: {  	[bflag:$0x0] =	sbarrier.arrive $0xFFFF  }
0x6e: {  	_ =	swait.ge [sflag:s26], $0x50  }
0x6f: {  	[sflag:s26] =	ssyncset.done $0x0  }
0x70: {  	[sflag:s26] =	ssyncadd.s32 $0xFFFFFFB0  }
0x71: {  	v1 =	vld [tilespmem:$0x0]  }
0x72: {  	v2 =	vld [tilespmem:$0x10]  }
0x73: {  	v3 =	vld [tilespmem:$0x20]  }
0x74: {  	v4 =	vld [tilespmem:$0x30]  }
0x75: {  	v5 =	vld [tilespmem:$0x40]  }
0x76: {  	v6 =	vld [tilespmem:$0x0];
	v1 =	vshrl.u32 v1, $0xE  }
0x77: {  	[tilespmem:$0x200] =	vst v1;
	v1 =	vshrl.u32 v2, $0xE;
	v2 =	vld [tilespmem:$0x10]  }
0x78: {  	[tilespmem:$0x210] =	vst v1;
	v1 =	vshrl.u32 v3, $0xE;
	v3 =	vld [tilespmem:$0x20]  }
0x79: {  	v57 =	vld [tilespmem:$0x30];
	[tilespmem:$0x220] =	vst v1;
	v1 =	vshrl.u32 v4, $0xE  }
0x7a: {  	v58 =	vld [tilespmem:$0x40];
	[tilespmem:$0x230] =	vst v1;
	v1 =	vshrl.u32 v5, $0xE  }
0x7b: {  	[tilespmem:$0x240] =	vst v1;
	v1 =	vand.u32 $0x3FFF, v6  }
0x7c: {  	[tilespmem:$0x400] =	vst v1;
	v1 =	vand.u32 $0x3FFF, v2  }
0x7d: {  	[tilespmem:$0x410] =	vst v1;
	v1 =	vand.u32 $0x3FFF, v3  }
0x7e: {  	[tilespmem:$0x420] =	vst v1;
	v1 =	vand.u32 $0x3FFF, v57  }
0x7f: {  	[tilespmem:$0x430] =	vst v1;
	v1 =	vand.u32 $0x3FFF, v58  }
0x80: {  	[tilespmem:$0x440] =	vst v1  }
0x81: {  	[tilespmem:s24], [sflag:$0x1] =	stream.indirect.gather [hbm4b:s1+s28], $0x80, s29, s28, $0xb8;
	[tilespmem:$0x1B680] =	vst v63  }
0x82: {  	_ =	swait.ge [sflag:s30], $0x50  }
0x83: {  	[sflag:s30] =	ssyncset.done $0x0  }
0x84: {  	[sflag:s30] =	ssyncadd.s32 $0xFFFFFFB0  }
0x85: {  	v1 =	vld [tilespmem:$0x80]  }
0x86: {  	v2 =	vld [tilespmem:$0x90]  }
0x87: {  	v3 =	vld [tilespmem:$0xA0]  }
0x88: {  	v59 =	vld [tilespmem:$0xB0]  }
0x89: {  	v60 =	vld [tilespmem:$0xC0]  }
0x8a: {  	v61 =	vld [tilespmem:$0x80];
	v1 =	vshrl.u32 v1, $0xE  }
0x8b: {  	[tilespmem:$0x280] =	vst v1;
	v1 =	vshrl.u32 v2, $0xE;
	v2 =	vld [tilespmem:$0x90]  }
0x8c: {  	[tilespmem:$0x290] =	vst v1;
	v1 =	vshrl.u32 v3, $0xE;
	v3 =	vld [tilespmem:$0xA0]  }
0x8d: {  	v62 =	vld [tilespmem:$0xB0];
	[tilespmem:$0x2A0] =	vst v1;
	v1 =	vshrl.u32 v59, $0xE  }
0x8e: {  	v63 =	vld [tilespmem:$0xC0];
	[tilespmem:$0x2B0] =	vst v1;
	v1 =	vshrl.u32 v60, $0xE  }
0x8f: {  	[tilespmem:$0x2C0] =	vst v1;
	v1 =	vand.u32 $0x3FFF, v61  }
0x90: {  	[tilespmem:$0x480] =	vst v1;
	v1 =	vand.u32 $0x3FFF, v2  }
0x91: {  	[tilespmem:$0x490] =	vst v1;
	v1 =	vand.u32 $0x3FFF, v3  }
0x92: {  	[tilespmem:$0x4A0] =	vst v1;
	v1 =	vand.u32 $0x3FFF, v62  }
0x93: {  	[tilespmem:$0x4B0] =	vst v1;
	v1 =	vand.u32 $0x3FFF, v63  }
0x94: {  	s21 =	simm.s32 $0x0;
	s18 =	rddreg [dreg:$0x11];
	[tilespmem:$0x4C0] =	vst v1  }
0x95: {  	[tilespmem:s0], [sflag:$0x2] =	stream.indirect.gather [hbm4b:s1+s28], $0x80, s31, s28, $0xb8;
	[tilespmem:$0x1B680] =	vst v63  }
.LBB2_4:
0x96: {  	_ =	swait.ge [sflag:s3], $0x50  }
0x97: {  	[sflag:s3] =	ssyncset.done $0x0  }
0x98: {  	[sflag:s3] =	ssyncadd.s32 $0xFFFFFFB0  }
0x99: {  	v1 =	vld [tilespmem:$0x100]  }
0x9a: {  	v2 =	vld [tilespmem:$0x110]  }
0x9b: {  	v3 =	vld [tilespmem:$0x120]  }
0x9c: {  	v4 =	vld [tilespmem:$0x130]  }
0x9d: {  	v5 =	vld [tilespmem:$0x140]  }
0x9e: {  	v1 =	vshrl.u32 v1, $0xE  }
0x9f: {  	[tilespmem:$0x300] =	vst v1;
	v1 =	vshrl.u32 v2, $0xE  }
0xa0: {  	[tilespmem:$0x310] =	vst v1;
	v1 =	vshrl.u32 v3, $0xE  }
0xa1: {  	[tilespmem:$0x320] =	vst v1;
	v1 =	vshrl.u32 v4, $0xE  }
0xa2: {  	p0 =	seq.s32 s21, $0x0;
	[tilespmem:$0x330] =	vst v1;
	v1 =	vshrl.u32 v5, $0xE  }
0xa3: {  	s6 =	simm.s32 @!p0 $0x9;
	[tilespmem:$0x340] =	vst v1  }
0xa4: {  	_ =	swait.ge @!p0 [sflag:s6], $0x2800  }
0xa5: {  	[sflag:s6] =	ssyncset.done @!p0 $0x0  }
0xa6: {  	[sflag:s6] =	ssyncadd.s32 @!p0 $0xFFFFD800  }
0xa7: {  	v1 =	vld [tilespmem:$0x100]  }
0xa8: {  	v2 =	vld [tilespmem:$0x110]  }
0xa9: {  	v3 =	vld [tilespmem:$0x120]  }
0xaa: {  	v54 =	vld [tilespmem:$0x130]  }
0xab: {  	v55 =	vld [tilespmem:$0x140]  }
0xac: {  	v1 =	vand.u32 $0x3FFF, v1  }
0xad: {  	[tilespmem:$0x500] =	vst v1;
	v1 =	vand.u32 $0x3FFF, v2  }
0xae: {  	[tilespmem:$0x510] =	vst v1;
	v1 =	vand.u32 $0x3FFF, v3  }
0xaf: {  	[tilespmem:$0x520] =	vst v1;
	v1 =	vand.u32 $0x3FFF, v54  }
0xb0: {  	[tilespmem:$0x530] =	vst v1;
	v1 =	vand.u32 $0x3FFF, v55  }
0xb1: {  	[tilespmem:$0x540] =	vst v1  }
0xb2: {  	[tilespmem:s9], [sflag:$0x3] =	stream.indirect.gather [hbm4b:s1+s28], $0x80, s7, s28, $0xb8;
	[tilespmem:$0x1B680] =	vst v63  }
0xb3: {  	_ =	swait.ge [sflag:s10], $0x2800  }
0xb4: {  	[sflag:s10] =	ssyncset.done $0x0  }
0xb5: {  	s8 =	sshrl.u32 s18, $0x3;
	[sflag:s10] =	ssyncadd.s32 $0xFFFFD800  }
0xb6: {  	[spmem:s2] =	stream.indirect.scatter.add.f32 [tilespmem:s24], [sflag:$0x7], $0x80, s11, s28, $0xb8;
	[tilespmem:$0x1B680] =	vst v63  }
0xb7: {  	s6 =	sadd.s32 s5, s8  }
0xb8: {  	[tilespmem:s4], [sflag:$0x4] =	stream.linear.gather [hbm4b:s6+s4], $0x50, $0x38;
	[tilespmem:$0x1B680] =	vst v63  }
0xb9: {  	_ =	swait.ge [sflag:s26], $0x50  }
0xba: {  	[sflag:s26] =	ssyncset.done $0x0  }
0xbb: {  	[sflag:s26] =	ssyncadd.s32 $0xFFFFFFB0  }
0xbc: {  	v1 =	vld [tilespmem:$0x0]  }
0xbd: {  	v2 =	vld [tilespmem:$0x10]  }
0xbe: {  	v3 =	vld [tilespmem:$0x20]  }
0xbf: {  	v56 =	vld [tilespmem:$0x30]  }
0xc0: {  	v57 =	vld [tilespmem:$0x40]  }
0xc1: {  	v1 =	vshrl.u32 v1, $0xE  }
0xc2: {  	[tilespmem:$0x200] =	vst v1;
	v1 =	vshrl.u32 v2, $0xE  }
0xc3: {  	[tilespmem:$0x210] =	vst v1;
	v1 =	vshrl.u32 v3, $0xE  }
0xc4: {  	[tilespmem:$0x220] =	vst v1;
	v1 =	vshrl.u32 v56, $0xE  }
0xc5: {  	[tilespmem:$0x230] =	vst v1;
	v1 =	vshrl.u32 v57, $0xE  }
0xc6: {  	[tilespmem:$0x240] =	vst v1  }
0xc7: {  	_ =	swait.ge [sflag:s12], $0x2800  }
0xc8: {  	[sflag:s12] =	ssyncset.done $0x0  }
0xc9: {  	[sflag:s12] =	ssyncadd.s32 $0xFFFFD800  }
0xca: {  	v1 =	vld [tilespmem:$0x0]  }
0xcb: {  	v2 =	vld [tilespmem:$0x10]  }
0xcc: {  	v3 =	vld [tilespmem:$0x20]  }
0xcd: {  	v58 =	vld [tilespmem:$0x30]  }
0xce: {  	v59 =	vld [tilespmem:$0x40]  }
0xcf: {  	v1 =	vand.u32 $0x3FFF, v1  }
0xd0: {  	[tilespmem:$0x400] =	vst v1;
	v1 =	vand.u32 $0x3FFF, v2  }
0xd1: {  	[tilespmem:$0x410] =	vst v1;
	v1 =	vand.u32 $0x3FFF, v3  }
0xd2: {  	[tilespmem:$0x420] =	vst v1;
	v1 =	vand.u32 $0x3FFF, v58  }
0xd3: {  	[tilespmem:$0x430] =	vst v1;
	v1 =	vand.u32 $0x3FFF, v59  }
0xd4: {  	[tilespmem:$0x440] =	vst v1  }
0xd5: {  	[tilespmem:s24], [sflag:$0x1] =	stream.indirect.gather [hbm4b:s1+s28], $0x80, s29, s28, $0xb8;
	[tilespmem:$0x1B680] =	vst v63  }
0xd6: {  	_ =	swait.ge [sflag:s13], $0x2800  }
0xd7: {  	[sflag:s13] =	ssyncset.done $0x0  }
0xd8: {  	[sflag:s13] =	ssyncadd.s32 $0xFFFFD800  }
0xd9: {  	[spmem:s2] =	stream.indirect.scatter.add.f32 [tilespmem:s0], [sflag:$0x8], $0x80, s14, s28, $0xb8;
	[tilespmem:$0x1B680] =	vst v63  }
0xda: {  	s8 =	sadd.s32 s21, s20  }
0xdb: {  	[tilespmem:s22], [sflag:$0x5] =	stream.linear.gather [hbm4b:s8+s4], $0x50, $0x38;
	[tilespmem:$0x1B680] =	vst v63  }
0xdc: {  	_ =	swait.ge [sflag:s30], $0x50  }
0xdd: {  	[sflag:s30] =	ssyncset.done $0x0  }
0xde: {  	[sflag:s30] =	ssyncadd.s32 $0xFFFFFFB0  }
0xdf: {  	v1 =	vld [tilespmem:$0x80]  }
0xe0: {  	v2 =	vld [tilespmem:$0x90]  }
0xe1: {  	v3 =	vld [tilespmem:$0xA0]  }
0xe2: {  	v60 =	vld [tilespmem:$0xB0]  }
0xe3: {  	v61 =	vld [tilespmem:$0xC0]  }
0xe4: {  	v1 =	vshrl.u32 v1, $0xE  }
0xe5: {  	[tilespmem:$0x280] =	vst v1;
	v1 =	vshrl.u32 v2, $0xE  }
0xe6: {  	[tilespmem:$0x290] =	vst v1;
	v1 =	vshrl.u32 v3, $0xE  }
0xe7: {  	[tilespmem:$0x2A0] =	vst v1;
	v1 =	vshrl.u32 v60, $0xE  }
0xe8: {  	[tilespmem:$0x2B0] =	vst v1;
	v1 =	vshrl.u32 v61, $0xE  }
0xe9: {  	[tilespmem:$0x2C0] =	vst v1  }
0xea: {  	_ =	swait.ge [sflag:s15], $0x2800  }
0xeb: {  	[sflag:s15] =	ssyncset.done $0x0  }
0xec: {  	[sflag:s15] =	ssyncadd.s32 $0xFFFFD800  }
0xed: {  	v1 =	vld [tilespmem:$0x80]  }
0xee: {  	v2 =	vld [tilespmem:$0x90]  }
0xef: {  	v3 =	vld [tilespmem:$0xA0]  }
0xf0: {  	v62 =	vld [tilespmem:$0xB0]  }
0xf1: {  	v63 =	vld [tilespmem:$0xC0]  }
0xf2: {  	v1 =	vand.u32 $0x3FFF, v1  }
0xf3: {  	[tilespmem:$0x480] =	vst v1;
	v1 =	vand.u32 $0x3FFF, v2  }
0xf4: {  	[tilespmem:$0x490] =	vst v1;
	v1 =	vand.u32 $0x3FFF, v3  }
0xf5: {  	[tilespmem:$0x4A0] =	vst v1;
	v1 =	vand.u32 $0x3FFF, v62  }
0xf6: {  	[tilespmem:$0x4B0] =	vst v1;
	v1 =	vand.u32 $0x3FFF, v63  }
0xf7: {  	p0 =	seq.s32 s21, $0x4B0;
	[tilespmem:$0x4C0] =	vst v1  }
0xf8: {  	[tilespmem:s0], [sflag:$0x2] =	stream.indirect.gather [hbm4b:s1+s28], $0x80, s31, s28, $0xb8;
	[tilespmem:$0x1B680] =	vst v63  }
.Ltmp3:
0xf9: {  	_ = 	snop;
	(pc) =	sbr.rel @p0 .LBB2_6-.Ltmp3, $4  }
0xfa: {  	_ =	swait.ge [sflag:s16], $0x2800  }
0xfb: {  	[sflag:s16] =	ssyncset.done $0x0  }
0xfc: {  	[sflag:s16] =	ssyncadd.s32 $0xFFFFD800  }
0xfd: {  	[spmem:s2] =	stream.indirect.scatter.add.f32 [tilespmem:s9], [sflag:$0x9], $0x80, s17, s28, $0xb8;
	[tilespmem:$0x1B680] =	vst v63  }
.Ltmp4:
0xfe: {  	(pc) =	sbr.rel .LBB2_4-.Ltmp4, $3  }
0xff: {  	_ =	sdelay $0x1  }
0x100: {  	s6 =	sadd.s32 s21, s19;
	s21 =	sadd.s32 $0x1E, s21;
	s18 =	sadd.s32 $0xF0, s18  }
0x101: {  	[tilespmem:s23], [sflag:$0x6] =	stream.linear.gather [hbm4b:s6+s4], $0x50, $0x38;
	[tilespmem:$0x1B680] =	vst v63  }
.LBB2_7:
0x102: {  	_ =	sfence.sel $0x180000  }
0x103: {  	[bflag:$0x0] =	sbarrier.arrive $0xFFFF  }
0x104: {  	_ =	strace $0x90000050  }
0x105: {  	s0 =	stileid.u32;
	[bflag:$0x2] =	sbarrier.arrive $0xFFFF  }
0x106: {  	p0 =	sne.s32 s0, $0x0;
	s0 =	rddreg [dreg:$0x3]  }
0x107: {  	s0 =	sadd.s32 @!p0 $0x100000, s0  }
0x108: {  	[sflag:s0] =	ssyncadd.tile.s32 @!p0 $0x1;
	_ =	shalt  }
.Lfunc_end2:
_tile_overlayer_lowered:
.L_overlay_start_2:
0x109: {  	(tag) =	ssettag $0x2  }
0x10a: {  	s0 =	rddreg [dreg:$0x0];
	s2 =	stileid.u32  }
0x10b: {  	s1 =	rddreg [dreg:$0x1];
	p0 =	sne.s32 s2, $0x0  }
0x10c: {  	s3 =	rddreg [dreg:$0x2];
	[bflag:$0x3] =	sbarrier.arrive $0xFFFF;
	s2 =	simm.s32 @!p0 $0x1C0A  }
0x10d: {  	[timem:s3], [sflag:s2] =	dma.local @!p0 [hbm:s0], s1  }
0x10e: {  	s0 =	simm.s32 @!p0 $0xA  }
0x10f: {  	_ =	swait.ge @!p0 [sflag:s0], s1  }
0x110: {  	s1 =	ssub.s32 @!p0 $0x0, s1;
	[sflag:s0] =	ssyncset.done @!p0 $0x0  }
0x111: {  	[sflag:s0] =	ssyncadd.s32 @!p0 s1  }
0x112: {  	[bflag:$0x3] =	sbarrier.arrive $0xFFFF  }
0x113: {  	_ =	shalt  }

</sc_bundles>
